<compile_context>
chip_gen: v7x
topology: tpu7x:2x2x1
jax: 0.10.2.dev20260603
libtpu: 0.0.44.dev20260713+nightly
codegen_flags: <defaults>
</compile_context>

<pallas_src>
import functools

import jax
import jax.numpy as jnp
from jax import lax
from jax.experimental import pallas as pl
from jax.experimental.pallas import tpu as pltpu
from jax.experimental.pallas import tpu_sc as plsc

_BN = 512
_NREL = 14
_R = 12544
_BB = 192


def _gn(x, g, b, eps=1e-5):
    mu = jnp.mean(x, axis=1, keepdims=True)
    var = jnp.mean((x - mu) ** 2, axis=1, keepdims=True)
    return (x - mu) * jax.lax.rsqrt(var + eps) * g + b


def _enc_body(nd, w0a, b0a, w1a, g1a, t1a, w0b, b0b, w1b, g1b, t1b,
              mw, mg, mt, out):
    nd_ = nd[...]

    def br(x0, x1, W0, b0, W1, g1, bt1):
        h = jnp.maximum(x0 * W0[0:1, :] + x1 * W0[1:2, :] + b0, 0.0)
        return _gn(jnp.dot(h, W1, preferred_element_type=jnp.float32), g1, bt1)

    fa = br(nd_[:, 0:1], nd_[:, 1:2], w0a[...], b0a[...], w1a[...], g1a[...], t1a[...])
    fb = br(nd_[:, 2:3], nd_[:, 3:4], w0b[...], b0b[...], w1b[...], g1b[...], t1b[...])
    f = jnp.maximum(fa + fb, 0.0)
    mw_ = mw[...]
    y = jnp.dot(f, mw_[0:128, :], preferred_element_type=jnp.float32)
    y = y + nd_[:, 4:5] * mw_[128:129, :] + nd_[:, 5:6] * mw_[129:130, :]
    y = y + nd_[:, 6:7] * mw_[130:131, :] + nd_[:, 7:8] * mw_[131:132, :]
    out[...] = jnp.maximum(_gn(y, mg[...], mt[...]), 0.0)


def _layA_body(f, wc, wr, t_out, y_out):
    f_ = f[...]
    t_out[...] = jnp.dot(f_, wc[...], preferred_element_type=jnp.float32)
    y_out[...] = jnp.dot(f_, wr[...], preferred_element_type=jnp.float32)


def _layB_body(t, r, w2, ng, nt, g2, t2, out):
    h = jnp.maximum(_gn(t[...], ng[...], nt[...]), 0.0)
    u = _gn(jnp.dot(h, w2[...], preferred_element_type=jnp.float32), g2[...], t2[...])
    out[...] = jnp.maximum(u + r[...], 0.0)


def _full(shape):
    return pl.BlockSpec(shape, lambda i: (0,) * len(shape))


def _rows(c):
    return pl.BlockSpec((_BN, c), lambda i: (i, 0))


def _encoder(nodes_p, p, npad, c):
    grid = (npad // _BN,)
    w = lambda s: _full(s)
    return pl.pallas_call(
        _enc_body,
        grid=grid,
        in_specs=[_rows(8)] + [w((2, c)), w((1, c)), w((c, c)), w((1, c)), w((1, c))] * 2
        + [w((c + 4, c)), w((1, c)), w((1, c))],
        out_specs=_rows(c),
        out_shape=jax.ShapeDtypeStruct((npad, c), jnp.float32),
    )(nodes_p,
      p['in_W0'], p['in_b0'].reshape(1, c), p['in_W1'],
      p['in_g1'].reshape(1, c), p['in_bt1'].reshape(1, c),
      p['seg_W0'], p['seg_b0'].reshape(1, c), p['seg_W1'],
      p['seg_g1'].reshape(1, c), p['seg_bt1'].reshape(1, c),
      p['meta_W'], p['meta_g'].reshape(1, c), p['meta_bt'].reshape(1, c))


def _layA(feat, wc, wr, npad, c):
    grid = (npad // _BN,)
    return pl.pallas_call(
        _layA_body,
        grid=grid,
        in_specs=[_rows(c), _full((c, c)), _full((c, _NREL * c))],
        out_specs=[_rows(c), _rows(_NREL * c)],
        out_shape=[jax.ShapeDtypeStruct((npad, c), jnp.float32),
                   jax.ShapeDtypeStruct((npad, _NREL * c), jnp.float32)],
    )(feat, wc, wr)


def _layB(temp, res, w2, ng, nt, g2, t2, npad, c):
    grid = (npad // _BN,)
    return pl.pallas_call(
        _layB_body,
        grid=grid,
        in_specs=[_rows(c), _rows(c), _full((c, c))] + [_full((1, c))] * 4,
        out_specs=_rows(c),
        out_shape=jax.ShapeDtypeStruct((npad, c), jnp.float32),
    )(temp, res, w2, ng.reshape(1, c), nt.reshape(1, c),
      g2.reshape(1, c), t2.reshape(1, c))


def _sc_scatter(y2, tinit, idxt, maskb, npad, c, p_passes):
    ep = idxt.shape[0] // (2 * _NREL)
    s_tile = ep // 16
    seg = _R // 16
    mesh = plsc.VectorSubcoreMesh(core_axis_name="c", subcore_axis_name="s")

    @functools.partial(
        pl.kernel,
        out_type=jax.ShapeDtypeStruct((npad, c), jnp.float32),
        mesh=mesh,
        scratch_types=[
            pltpu.VMEM_SHARED((_R + 8, c), jnp.float32),
            pltpu.VMEM((_BB,), jnp.int32),
            pltpu.VMEM((_BB,), jnp.int32),
            pltpu.VMEM((_BB,), jnp.int32),
            pltpu.VMEM((_BB,), jnp.int32),
            pltpu.VMEM((_BB, c), jnp.float32),
            pltpu.VMEM((32,), jnp.int32),
            pltpu.SemaphoreType.DMA,
        ],
    )
    def body(y2_h, tinit_h, idxt_h, maskb_h, tout_h,
             acc, dstb, srcb, gidxb, lidxb, rowsb, maskv, sem):
        cid = lax.axis_index("c")
        sid = lax.axis_index("s")
        pltpu.async_copy(maskb_h, maskv, sem).wait()

        def pass_body(p, carry):
            lo = (2 * p + cid) * _R
            pltpu.async_copy(tinit_h.at[pl.ds(lo + sid * seg, seg)],
                             acc.at[pl.ds(sid * seg, seg)], sem).wait()
            plsc.subcore_barrier()

            def rel_body(j, carry2):
                base0 = sid * s_tile
                mjv = maskv[pl.ds(j, 16)]
                mj = mjv[0]

                def batch_body(b, carry3):
                    st = base0 + b * _BB

                    @pl.when(st < mj)
                    def _do():
                        pltpu.async_copy(idxt_h.at[pl.ds(2 * j * ep + st, _BB)], dstb, sem).wait()
                        pltpu.async_copy(idxt_h.at[pl.ds((2 * j + 1) * ep + st, _BB)], srcb, sem).wait()
                        for u in range(_BB // 16):
                            dv = dstb[pl.ds(u * 16, 16)]
                            sv = srcb[pl.ds(u * 16, 16)]
                            eid = lax.iota(jnp.int32, 16) + (st + u * 16)
                            ok = (eid < mj) & (dv >= lo) & (dv < (lo + _R))
                            gidxb[pl.ds(u * 16, 16)] = sv * _NREL + j
                            lidxb[pl.ds(u * 16, 16)] = jnp.where(ok, dv - lo, _R)
                        pltpu.async_copy(y2_h.at[gidxb], rowsb, sem).wait()
                        pltpu.async_copy(rowsb, acc.at[lidxb], sem, add=True).wait()

                    return carry3

                lax.fori_loop(0, s_tile // _BB, batch_body, 0)
                return carry2

            lax.fori_loop(0, _NREL, rel_body, 0)
            plsc.subcore_barrier()
            pltpu.async_copy(acc.at[pl.ds(sid * seg, seg)],
                             tout_h.at[pl.ds(lo + sid * seg, seg)], sem).wait()
            plsc.subcore_barrier()
            return carry

        lax.fori_loop(0, p_passes, pass_body, 0)

    return body(y2, tinit, idxt, maskb)


def kernel(nodes, indexes, mask, params):
    n = nodes.shape[0]
    e = indexes.shape[0]
    c = params['in_W1'].shape[0]
    p_passes = -(-n // (2 * _R))
    npad = p_passes * 2 * _R

    nodes_p = jnp.pad(nodes, ((0, npad - n), (0, 0)))
    ep = -(-e // (16 * _BB)) * (16 * _BB)
    idxt = jnp.pad(indexes, ((0, ep - e), (0, 0))).T.reshape(2 * _NREL * ep)
    maskb = jnp.pad(mask.astype(jnp.int32), (0, 32 - _NREL))

    feat = _encoder(nodes_p, params, npad, c)

    res = feat
    for i in range(4):
        wr = jnp.transpose(params['rel_W'][i], (1, 0, 2)).reshape(c, _NREL * c)
        temp, y = _layA(feat, params['ctr_W'][i], wr, npad, c)
        y2 = y.reshape(npad * _NREL, c)
        temp = _sc_scatter(y2, temp, idxt, maskb, npad, c, p_passes)
        feat = _layB(temp, res, params['ctr2_W'][i],
                     params['norm_g'][i], params['norm_bt'][i],
                     params['ctr2_g'][i], params['ctr2_bt'][i], npad, c)
        res = feat
    return (feat[:n], nodes[:, :2])

# --- scband reference (transcript-rebuilt; emitter-appended) ---
"""Pipeline reference for scband-map-encoder-76441827934897 (READ-ONLY COPY).

The authoritative reference and input builder live on the scoring server;
editing this copy changes nothing except your own understanding.
"""

import jax, jax.numpy as jnp
import numpy as np

N_NODES = 100000
E_MAX = 200000
N_MAP = 128


def _gn(x, g, b, eps=1e-5):
    # GroupNorm with num_groups=1 over channel dim for [N, C] input
    mu = jnp.mean(x, axis=1, keepdims=True)
    var = jnp.var(x, axis=1, keepdims=True)
    return (x - mu) / jnp.sqrt(var + eps) * g + b


def _make_params(key):
    ks = jax.random.split(key, 32)
    ctr = [0]
    def nk():
        k = ks[ctr[0]]
        ctr[0] += 1
        return k
    s = 0.05
    p = {
        'in_W0': jax.random.normal(nk(), (2, N_MAP), dtype=jnp.float32) * s,
        'in_b0': jnp.zeros((N_MAP,), dtype=jnp.float32),
        'in_W1': jax.random.normal(nk(), (N_MAP, N_MAP), dtype=jnp.float32) * s,
        'in_g1': jnp.ones((N_MAP,), dtype=jnp.float32),
        'in_bt1': jnp.zeros((N_MAP,), dtype=jnp.float32),
        'seg_W0': jax.random.normal(nk(), (2, N_MAP), dtype=jnp.float32) * s,
        'seg_b0': jnp.zeros((N_MAP,), dtype=jnp.float32),
        'seg_W1': jax.random.normal(nk(), (N_MAP, N_MAP), dtype=jnp.float32) * s,
        'seg_g1': jnp.ones((N_MAP,), dtype=jnp.float32),
        'seg_bt1': jnp.zeros((N_MAP,), dtype=jnp.float32),
        'meta_W': jax.random.normal(nk(), (N_MAP + 4, N_MAP), dtype=jnp.float32) * s,
        'meta_g': jnp.ones((N_MAP,), dtype=jnp.float32),
        'meta_bt': jnp.zeros((N_MAP,), dtype=jnp.float32),
        'ctr_W': jax.random.normal(nk(), (4, N_MAP, N_MAP), dtype=jnp.float32) * s,
        'norm_g': jnp.ones((4, N_MAP), dtype=jnp.float32),
        'norm_bt': jnp.zeros((4, N_MAP), dtype=jnp.float32),
        'ctr2_W': jax.random.normal(nk(), (4, N_MAP, N_MAP), dtype=jnp.float32) * s,
        'ctr2_g': jnp.ones((4, N_MAP), dtype=jnp.float32),
        'ctr2_bt': jnp.zeros((4, N_MAP), dtype=jnp.float32),
        # relation order: pre0..pre5, right, suc0..suc5, left (matches forward loop)
        'rel_W': jax.random.normal(nk(), (4, 14, N_MAP, N_MAP), dtype=jnp.float32) * s,
    }
    return p


def setup_inputs(seed: int = 0):
    key = jax.random.key(seed)
    k = jax.random.split(key, 4)
    nodes = jax.random.normal(k[0], (N_NODES, 8), dtype=jnp.float32)
    indexes = jax.random.randint(k[1], (E_MAX, 28), 0, N_NODES, dtype=jnp.int32)
    mask = jax.random.randint(k[2], (14,), 0, E_MAX, dtype=jnp.int32)
    params = _make_params(k[3])
    return {'nodes': nodes, 'indexes': indexes, 'mask': mask, 'params': params}


def reference(nodes, indexes, mask, params):
    row = jnp.arange(indexes.shape[0], dtype=jnp.int32)

    def branch(x, W0, b0, W1, g1, bt1):
        h = jax.nn.relu(x @ W0 + b0)
        return _gn(h @ W1, g1, bt1)

    feat = branch(nodes[:, :2], params['in_W0'], params['in_b0'], params['in_W1'], params['in_g1'], params['in_bt1'])
    feat = feat + branch(nodes[:, 2:4], params['seg_W0'], params['seg_b0'], params['seg_W1'], params['seg_g1'], params['seg_bt1'])
    feat = jax.nn.relu(feat)
    feat = jax.nn.relu(_gn(jnp.concatenate([feat, nodes[:, 4:]], axis=1) @ params['meta_W'], params['meta_g'], params['meta_bt']))

    res = feat
    for i in range(4):
        temp = feat @ params['ctr_W'][i]
        for j in range(14):
            valid = row < mask[j]
            dst = indexes[:, 2 * j]
            src = indexes[:, 2 * j + 1]
            upd = jnp.where(valid[:, None], feat[src] @ params['rel_W'][i][j], jnp.float32(0))
            temp = temp.at[dst].add(upd)
        feat = jax.nn.relu(_gn(temp, params['norm_g'][i], params['norm_bt'][i]))
        feat = _gn(feat @ params['ctr2_W'][i], params['ctr2_g'][i], params['ctr2_bt'][i])
        feat = jax.nn.relu(feat + res)
        res = feat
    return (feat, nodes[:, :2])

if __name__ == "__main__":
    import jax
    _d = setup_inputs()
    print(jax.jit(kernel)(*tuple(_d.values())))

</pallas_src>

<mosaic_0001>
#map = affine_map<(d0, d1) -> (0, 0)>
#map1 = affine_map<(d0, d1) -> (0)>
module attributes {stable_mosaic.version = 14 : i64} {
  func.func @body(%arg0: i32, %arg1: i32, %arg2: memref<1404928x128xf32, #tpu.memory_space<hbm>>, %arg3: memref<100352x128xf32, #tpu.memory_space<hbm>>, %arg4: memref<5677056xi32, #tpu.memory_space<hbm>>, %arg5: memref<32xi32, #tpu.memory_space<hbm>>, %arg6: memref<100352x128xf32, #tpu.memory_space<hbm>>, %arg7: memref<12552x128xf32, #tpu.memory_space<vmem_shared>>, %arg8: memref<192xi32, #tpu.memory_space<vmem>>, %arg9: memref<192xi32, #tpu.memory_space<vmem>>, %arg10: memref<192xi32, #tpu.memory_space<vmem>>, %arg11: memref<192xi32, #tpu.memory_space<vmem>>, %arg12: memref<192x128xf32, #tpu.memory_space<vmem>>, %arg13: memref<32xi32, #tpu.memory_space<vmem>>, %arg14: memref<!tpu.dma_semaphore, #tpu.memory_space<semaphore_mem>>) attributes {dimension_semantics = [#tpu.dimension_semantics<core_parallel>, #tpu.dimension_semantics<subcore_parallel>], iteration_bounds = array<i64: 2, 16>, scalar_prefetch = 0 : i64, scratch_operands = 8 : i64, tpu.core_type = #tpu.core_type<sc_vector_subcore>, window_params = [{transform_indices = #map}, {transform_indices = #map}, {transform_indices = #map1}, {transform_indices = #map1}, {transform_indices = #map}]} {
    tpu.enqueue_dma source(%arg5 : memref<32xi32, #tpu.memory_space<hbm>>) target(%arg13 : memref<32xi32, #tpu.memory_space<vmem>>) target_semaphore(%arg14 : memref<!tpu.dma_semaphore, #tpu.memory_space<semaphore_mem>>)
    tpu.wait_dma2 semaphore(%arg14 : memref<!tpu.dma_semaphore, #tpu.memory_space<semaphore_mem>>) src(%arg5 : memref<32xi32, #tpu.memory_space<hbm>>) dst(%arg13 : memref<32xi32, #tpu.memory_space<vmem>>)
    %scan3A = arith.constant 0 : i32
    %scan3A_0 = arith.constant 0 : i32
    %scan3A_1 = arith.constant 4 : i32
    %scan3A_2 = arith.addi %scan3A_0, %scan3A_1 : i32
    %scan3A_3 = arith.constant 1 : i32
    scf.for %scan3A_5 = %scan3A_0 to %scan3A_2 step %scan3A_3  : i32 {
      %mul3A = arith.constant 2 : i32
      %mul3A_6 = arith.muli %mul3A, %scan3A_5 : i32
      %add3A = arith.addi %mul3A_6, %arg0 : i32
      %mul3A_7 = arith.constant 12544 : i32
      %mul3A_8 = arith.muli %add3A, %mul3A_7 : i32
      %mul3A_9 = arith.constant 784 : i32
      %mul3A_10 = arith.muli %arg1, %mul3A_9 : i32
      %add3A_11 = arith.addi %mul3A_8, %mul3A_10 : i32
      %mul3A_12 = arith.constant 784 : i32
      %mul3A_13 = arith.muli %arg1, %mul3A_12 : i32
      %dma_start3A = arith.constant 0 : i32
      %dma_start3A_14 = tpu.memref_slice %arg7[%mul3A_13, %dma_start3A] : memref<12552x128xf32, #tpu.memory_space<vmem_shared>> -> memref<784x128xf32, #tpu.memory_space<vmem_shared>>
      %dma_start3A_15 = arith.constant 0 : i32
      %dma_start3A_16 = tpu.memref_slice %arg3[%add3A_11, %dma_start3A_15] : memref<100352x128xf32, #tpu.memory_space<hbm>> -> memref<784x128xf32, #tpu.memory_space<hbm>>
      tpu.enqueue_dma source(%dma_start3A_16 : memref<784x128xf32, #tpu.memory_space<hbm>>) target(%dma_start3A_14 : memref<784x128xf32, #tpu.memory_space<vmem_shared>>) target_semaphore(%arg14 : memref<!tpu.dma_semaphore, #tpu.memory_space<semaphore_mem>>)
      %dma_wait3A = arith.constant 0 : i32
      %dma_wait3A_17 = tpu.memref_slice %arg7[%mul3A_13, %dma_wait3A] : memref<12552x128xf32, #tpu.memory_space<vmem_shared>> -> memref<784x128xf32, #tpu.memory_space<vmem_shared>>
      %dma_wait3A_18 = arith.constant 0 : i32
      %dma_wait3A_19 = tpu.memref_slice %arg3[%add3A_11, %dma_wait3A_18] : memref<100352x128xf32, #tpu.memory_space<hbm>> -> memref<784x128xf32, #tpu.memory_space<hbm>>
      tpu.wait_dma2 semaphore(%arg14 : memref<!tpu.dma_semaphore, #tpu.memory_space<semaphore_mem>>) src(%dma_wait3A_19 : memref<784x128xf32, #tpu.memory_space<hbm>>) dst(%dma_wait3A_17 : memref<784x128xf32, #tpu.memory_space<vmem_shared>>)
      %barrier3A = arith.constant 0 : index
      tpu.barrier barrier_id(%barrier3A)
      %scan3A_20 = arith.constant 0 : i32
      %scan3A_21 = arith.constant 0 : i32
      %scan3A_22 = arith.constant 14 : i32
      %scan3A_23 = arith.addi %scan3A_21, %scan3A_22 : i32
      %scan3A_24 = arith.constant 1 : i32
      scf.for %scan3A_41 = %scan3A_21 to %scan3A_23 step %scan3A_24  : i32 {
        %mul3A_42 = arith.constant 12672 : i32
        %mul3A_43 = arith.muli %arg1, %mul3A_42 : i32
        %get3A = arith.index_cast %scan3A_41 : i32 to index
        %get3A_44 = tpu.vector_load %arg13[%get3A] {strides = array<i32>} : memref<32xi32, #tpu.memory_space<vmem>>, vector<16xi32>,
        %get3A_45 = vector.shape_cast %get3A_44 : vector<16xi32> to vector<16xi32>
        %slice3A = vector.extract_strided_slice %get3A_45 {offsets = [0], sizes = [1], strides = [1]} : vector<16xi32> to vector<1xi32>
        %squeeze3A = vector.extract %slice3A[0] : i32 from vector<1xi32>
        %scan3A_46 = arith.constant 0 : i32
        %scan3A_47 = arith.constant 0 : i32
        %scan3A_48 = arith.constant 66 : i32
        %scan3A_49 = arith.addi %scan3A_47, %scan3A_48 : i32
        %scan3A_50 = arith.constant 1 : i32
        scf.for %scan3A_52 = %scan3A_47 to %scan3A_49 step %scan3A_50  : i32 {
          %mul3A_53 = arith.constant 192 : i32
          %mul3A_54 = arith.muli %scan3A_52, %mul3A_53 : i32
          %add3A_55 = arith.addi %mul3A_43, %mul3A_54 : i32
          %lt3A = arith.cmpi slt, %add3A_55, %squeeze3A : i32
          %convert_element_type3A = arith.extui %lt3A : i1 to i32
          %cond3A = arith.constant 0 : i32
          %cond3A_56 = arith.cmpi ne, %convert_element_type3A, %cond3A : i32
          scf.if %cond3A_56 {
            %mul3A_57 = arith.constant 2 : i32
            %mul3A_58 = arith.muli %mul3A_57, %scan3A_41 : i32
            %mul3A_59 = arith.constant 202752 : i32
            %mul3A_60 = arith.muli %mul3A_58, %mul3A_59 : i32
            %add3A_61 = arith.addi %mul3A_60, %add3A_55 : i32
            %dma_start3A_62 = tpu.memref_slice %arg4[%add3A_61] : memref<5677056xi32, #tpu.memory_space<hbm>> -> memref<192xi32, #tpu.memory_space<hbm>>
            %dma_start3A_63 = tpu.memref_slice %arg4[%add3A_61] : memref<5677056xi32, #tpu.memory_space<hbm>> -> memref<192xi32, #tpu.memory_space<hbm>>
            tpu.enqueue_dma source(%dma_start3A_63 : memref<192xi32, #tpu.memory_space<hbm>>) target(%arg8 : memref<192xi32, #tpu.memory_space<vmem>>) target_semaphore(%arg14 : memref<!tpu.dma_semaphore, #tpu.memory_space<semaphore_mem>>)
            %dma_wait3A_64 = tpu.memref_slice %arg4[%add3A_61] : memref<5677056xi32, #tpu.memory_space<hbm>> -> memref<192xi32, #tpu.memory_space<hbm>>
            %dma_wait3A_65 = tpu.memref_slice %arg4[%add3A_61] : memref<5677056xi32, #tpu.memory_space<hbm>> -> memref<192xi32, #tpu.memory_space<hbm>>
            tpu.wait_dma2 semaphore(%arg14 : memref<!tpu.dma_semaphore, #tpu.memory_space<semaphore_mem>>) src(%dma_wait3A_65 : memref<192xi32, #tpu.memory_space<hbm>>) dst(%arg8 : memref<192xi32, #tpu.memory_space<vmem>>)
            %mul3A_66 = arith.constant 2 : i32
            %mul3A_67 = arith.muli %mul3A_66, %scan3A_41 : i32
            %add3A_68 = arith.constant 1 : i32
            %add3A_69 = arith.addi %mul3A_67, %add3A_68 : i32
            %mul3A_70 = arith.constant 202752 : i32
            %mul3A_71 = arith.muli %add3A_69, %mul3A_70 : i32
            %add3A_72 = arith.addi %mul3A_71, %add3A_55 : i32
            %dma_start3A_73 = tpu.memref_slice %arg4[%add3A_72] : memref<5677056xi32, #tpu.memory_space<hbm>> -> memref<192xi32, #tpu.memory_space<hbm>>
            %dma_start3A_74 = tpu.memref_slice %arg4[%add3A_72] : memref<5677056xi32, #tpu.memory_space<hbm>> -> memref<192xi32, #tpu.memory_space<hbm>>
            tpu.enqueue_dma source(%dma_start3A_74 : memref<192xi32, #tpu.memory_space<hbm>>) target(%arg9 : memref<192xi32, #tpu.memory_space<vmem>>) target_semaphore(%arg14 : memref<!tpu.dma_semaphore, #tpu.memory_space<semaphore_mem>>)
            %dma_wait3A_75 = tpu.memref_slice %arg4[%add3A_72] : memref<5677056xi32, #tpu.memory_space<hbm>> -> memref<192xi32, #tpu.memory_space<hbm>>
            %dma_wait3A_76 = tpu.memref_slice %arg4[%add3A_72] : memref<5677056xi32, #tpu.memory_space<hbm>> -> memref<192xi32, #tpu.memory_space<hbm>>
            tpu.wait_dma2 semaphore(%arg14 : memref<!tpu.dma_semaphore, #tpu.memory_space<semaphore_mem>>) src(%dma_wait3A_76 : memref<192xi32, #tpu.memory_space<hbm>>) dst(%arg9 : memref<192xi32, #tpu.memory_space<vmem>>)
            %get3A_77 = arith.constant 0 : index
            %get3A_78 = tpu.vector_load %arg8[%get3A_77] {strides = array<i32>} : memref<192xi32, #tpu.memory_space<vmem>>, vector<16xi32>,
            %get3A_79 = vector.shape_cast %get3A_78 : vector<16xi32> to vector<16xi32>
            %get3A_80 = arith.constant 0 : index
            %get3A_81 = tpu.vector_load %arg9[%get3A_80] {strides = array<i32>} : memref<192xi32, #tpu.memory_space<vmem>>, vector<16xi32>,
            %get3A_82 = vector.shape_cast %get3A_81 : vector<16xi32> to vector<16xi32>
            %iota3A = tpu.iota {dimensions = array<i32: 0>} : vector<16xi32>
            %add3A_83 = arith.constant 0 : i32
            %add3A_84 = arith.addi %add3A_55, %add3A_83 : i32
            %add3A_85 = vector.broadcast %add3A_84 : i32 to vector<16xi32>
            %add3A_86 = arith.addi %iota3A, %add3A_85 : vector<16xi32>
            %lt3A_87 = vector.broadcast %squeeze3A : i32 to vector<16xi32>
            %lt3A_88 = arith.cmpi slt, %add3A_86, %lt3A_87 : vector<16xi32>
            %ge3A = vector.broadcast %mul3A_8 : i32 to vector<16xi32>
            %ge3A_89 = arith.cmpi sge, %get3A_79, %ge3A : vector<16xi32>
            %and3A = arith.andi %lt3A_88, %ge3A_89 : vector<16xi1>
            %add3A_90 = arith.constant 12544 : i32
            %add3A_91 = arith.addi %mul3A_8, %add3A_90 : i32
            %lt3A_92 = vector.broadcast %add3A_91 : i32 to vector<16xi32>
            %lt3A_93 = arith.cmpi slt, %get3A_79, %lt3A_92 : vector<16xi32>
            %and3A_94 = arith.andi %and3A, %lt3A_93 : vector<16xi1>
            %mul3A_95 = arith.constant 14 : i32
            %mul3A_96 = vector.broadcast %mul3A_95 : i32 to vector<16xi32>
            %mul3A_97 = arith.muli %get3A_82, %mul3A_96 : vector<16xi32>
            %add3A_98 = vector.broadcast %scan3A_41 : i32 to vector<16xi32>
            %add3A_99 = arith.addi %mul3A_97, %add3A_98 : vector<16xi32>
            %swap3A = arith.constant 0 : index
            %swap3A_100 = tpu.vector_load %arg10[%swap3A] {strides = array<i32>} : memref<192xi32, #tpu.memory_space<vmem>>, vector<16xi32>,
            %swap3A_101 = vector.shape_cast %swap3A_100 : vector<16xi32> to vector<16xi32>
            %swap3A_102 = vector.shape_cast %add3A_99 : vector<16xi32> to vector<16xi32>
            tpu.vector_store %arg10[%swap3A], %swap3A_102 {strides = array<i32>} : memref<192xi32, #tpu.memory_space<vmem>>, vector<16xi32>,
            %sub3A = vector.broadcast %mul3A_8 : i32 to vector<16xi32>
            %sub3A_103 = arith.subi %get3A_79, %sub3A : vector<16xi32>
            %jit3A = arith.constant 12544 : i32
            %broadcast_in_dim3A = vector.broadcast %jit3A : i32 to vector<16xi32>
            %select_n3A = arith.select %and3A_94, %sub3A_103, %broadcast_in_dim3A : vector<16xi1>, vector<16xi32>
            %swap3A_104 = arith.constant 0 : index
            %swap3A_105 = tpu.vector_load %arg11[%swap3A_104] {strides = array<i32>} : memref<192xi32, #tpu.memory_space<vmem>>, vector<16xi32>,
            %swap3A_106 = vector.shape_cast %swap3A_105 : vector<16xi32> to vector<16xi32>
            %swap3A_107 = vector.shape_cast %select_n3A : vector<16xi32> to vector<16xi32>
            tpu.vector_store %arg11[%swap3A_104], %swap3A_107 {strides = array<i32>} : memref<192xi32, #tpu.memory_space<vmem>>, vector<16xi32>,
            %get3A_108 = arith.constant 16 : index
            %get3A_109 = tpu.vector_load %arg8[%get3A_108] {strides = array<i32>} : memref<192xi32, #tpu.memory_space<vmem>>, vector<16xi32>,
            %get3A_110 = vector.shape_cast %get3A_109 : vector<16xi32> to vector<16xi32>
            %get3A_111 = arith.constant 16 : index
            %get3A_112 = tpu.vector_load %arg9[%get3A_111] {strides = array<i32>} : memref<192xi32, #tpu.memory_space<vmem>>, vector<16xi32>,
            %get3A_113 = vector.shape_cast %get3A_112 : vector<16xi32> to vector<16xi32>
            %iota3A_114 = tpu.iota {dimensions = array<i32: 0>} : vector<16xi32>
            %add3A_115 = arith.constant 16 : i32
            %add3A_116 = arith.addi %add3A_55, %add3A_115 : i32
            %add3A_117 = vector.broadcast %add3A_116 : i32 to vector<16xi32>
            %add3A_118 = arith.addi %iota3A_114, %add3A_117 : vector<16xi32>
            %lt3A_119 = vector.broadcast %squeeze3A : i32 to vector<16xi32>
            %lt3A_120 = arith.cmpi slt, %add3A_118, %lt3A_119 : vector<16xi32>
            %ge3A_121 = vector.broadcast %mul3A_8 : i32 to vector<16xi32>
            %ge3A_122 = arith.cmpi sge, %get3A_110, %ge3A_121 : vector<16xi32>
            %and3A_123 = arith.andi %lt3A_120, %ge3A_122 : vector<16xi1>
            %add3A_124 = arith.constant 12544 : i32
            %add3A_125 = arith.addi %mul3A_8, %add3A_124 : i32
            %lt3A_126 = vector.broadcast %add3A_125 : i32 to vector<16xi32>
            %lt3A_127 = arith.cmpi slt, %get3A_110, %lt3A_126 : vector<16xi32>
            %and3A_128 = arith.andi %and3A_123, %lt3A_127 : vector<16xi1>
            %mul3A_129 = arith.constant 14 : i32
            %mul3A_130 = vector.broadcast %mul3A_129 : i32 to vector<16xi32>
            %mul3A_131 = arith.muli %get3A_113, %mul3A_130 : vector<16xi32>
            %add3A_132 = vector.broadcast %scan3A_41 : i32 to vector<16xi32>
            %add3A_133 = arith.addi %mul3A_131, %add3A_132 : vector<16xi32>
            %swap3A_134 = arith.constant 16 : index
            %swap3A_135 = tpu.vector_load %arg10[%swap3A_134] {strides = array<i32>} : memref<192xi32, #tpu.memory_space<vmem>>, vector<16xi32>,
            %swap3A_136 = vector.shape_cast %swap3A_135 : vector<16xi32> to vector<16xi32>
            %swap3A_137 = vector.shape_cast %add3A_133 : vector<16xi32> to vector<16xi32>
            tpu.vector_store %arg10[%swap3A_134], %swap3A_137 {strides = array<i32>} : memref<192xi32, #tpu.memory_space<vmem>>, vector<16xi32>,
            %sub3A_138 = vector.broadcast %mul3A_8 : i32 to vector<16xi32>
            %sub3A_139 = arith.subi %get3A_110, %sub3A_138 : vector<16xi32>
            %jit3A_140 = arith.constant 12544 : i32
            %broadcast_in_dim3A_141 = vector.broadcast %jit3A_140 : i32 to vector<16xi32>
            %select_n3A_142 = arith.select %and3A_128, %sub3A_139, %broadcast_in_dim3A_141 : vector<16xi1>, vector<16xi32>
            %swap3A_143 = arith.constant 16 : index
            %swap3A_144 = tpu.vector_load %arg11[%swap3A_143] {strides = array<i32>} : memref<192xi32, #tpu.memory_space<vmem>>, vector<16xi32>,
            %swap3A_145 = vector.shape_cast %swap3A_144 : vector<16xi32> to vector<16xi32>
            %swap3A_146 = vector.shape_cast %select_n3A_142 : vector<16xi32> to vector<16xi32>
            tpu.vector_store %arg11[%swap3A_143], %swap3A_146 {strides = array<i32>} : memref<192xi32, #tpu.memory_space<vmem>>, vector<16xi32>,
            %get3A_147 = arith.constant 32 : index
            %get3A_148 = tpu.vector_load %arg8[%get3A_147] {strides = array<i32>} : memref<192xi32, #tpu.memory_space<vmem>>, vector<16xi32>,
            %get3A_149 = vector.shape_cast %get3A_148 : vector<16xi32> to vector<16xi32>
            %get3A_150 = arith.constant 32 : index
            %get3A_151 = tpu.vector_load %arg9[%get3A_150] {strides = array<i32>} : memref<192xi32, #tpu.memory_space<vmem>>, vector<16xi32>,
            %get3A_152 = vector.shape_cast %get3A_151 : vector<16xi32> to vector<16xi32>
            %iota3A_153 = tpu.iota {dimensions = array<i32: 0>} : vector<16xi32>
            %add3A_154 = arith.constant 32 : i32
            %add3A_155 = arith.addi %add3A_55, %add3A_154 : i32
            %add3A_156 = vector.broadcast %add3A_155 : i32 to vector<16xi32>
            %add3A_157 = arith.addi %iota3A_153, %add3A_156 : vector<16xi32>
            %lt3A_158 = vector.broadcast %squeeze3A : i32 to vector<16xi32>
            %lt3A_159 = arith.cmpi slt, %add3A_157, %lt3A_158 : vector<16xi32>
            %ge3A_160 = vector.broadcast %mul3A_8 : i32 to vector<16xi32>
            %ge3A_161 = arith.cmpi sge, %get3A_149, %ge3A_160 : vector<16xi32>
            %and3A_162 = arith.andi %lt3A_159, %ge3A_161 : vector<16xi1>
            %add3A_163 = arith.constant 12544 : i32
            %add3A_164 = arith.addi %mul3A_8, %add3A_163 : i32
            %lt3A_165 = vector.broadcast %add3A_164 : i32 to vector<16xi32>
            %lt3A_166 = arith.cmpi slt, %get3A_149, %lt3A_165 : vector<16xi32>
            %and3A_167 = arith.andi %and3A_162, %lt3A_166 : vector<16xi1>
            %mul3A_168 = arith.constant 14 : i32
            %mul3A_169 = vector.broadcast %mul3A_168 : i32 to vector<16xi32>
            %mul3A_170 = arith.muli %get3A_152, %mul3A_169 : vector<16xi32>
            %add3A_171 = vector.broadcast %scan3A_41 : i32 to vector<16xi32>
            %add3A_172 = arith.addi %mul3A_170, %add3A_171 : vector<16xi32>
            %swap3A_173 = arith.constant 32 : index
            %swap3A_174 = tpu.vector_load %arg10[%swap3A_173] {strides = array<i32>} : memref<192xi32, #tpu.memory_space<vmem>>, vector<16xi32>,
            %swap3A_175 = vector.shape_cast %swap3A_174 : vector<16xi32> to vector<16xi32>
            %swap3A_176 = vector.shape_cast %add3A_172 : vector<16xi32> to vector<16xi32>
            tpu.vector_store %arg10[%swap3A_173], %swap3A_176 {strides = array<i32>} : memref<192xi32, #tpu.memory_space<vmem>>, vector<16xi32>,
            %sub3A_177 = vector.broadcast %mul3A_8 : i32 to vector<16xi32>
            %sub3A_178 = arith.subi %get3A_149, %sub3A_177 : vector<16xi32>
            %jit3A_179 = arith.constant 12544 : i32
            %broadcast_in_dim3A_180 = vector.broadcast %jit3A_179 : i32 to vector<16xi32>
            %select_n3A_181 = arith.select %and3A_167, %sub3A_178, %broadcast_in_dim3A_180 : vector<16xi1>, vector<16xi32>
            %swap3A_182 = arith.constant 32 : index
            %swap3A_183 = tpu.vector_load %arg11[%swap3A_182] {strides = array<i32>} : memref<192xi32, #tpu.memory_space<vmem>>, vector<16xi32>,
            %swap3A_184 = vector.shape_cast %swap3A_183 : vector<16xi32> to vector<16xi32>
            %swap3A_185 = vector.shape_cast %select_n3A_181 : vector<16xi32> to vector<16xi32>
            tpu.vector_store %arg11[%swap3A_182], %swap3A_185 {strides = array<i32>} : memref<192xi32, #tpu.memory_space<vmem>>, vector<16xi32>,
            %get3A_186 = arith.constant 48 : index
            %get3A_187 = tpu.vector_load %arg8[%get3A_186] {strides = array<i32>} : memref<192xi32, #tpu.memory_space<vmem>>, vector<16xi32>,
            %get3A_188 = vector.shape_cast %get3A_187 : vector<16xi32> to vector<16xi32>
            %get3A_189 = arith.constant 48 : index
            %get3A_190 = tpu.vector_load %arg9[%get3A_189] {strides = array<i32>} : memref<192xi32, #tpu.memory_space<vmem>>, vector<16xi32>,
            %get3A_191 = vector.shape_cast %get3A_190 : vector<16xi32> to vector<16xi32>
            %iota3A_192 = tpu.iota {dimensions = array<i32: 0>} : vector<16xi32>
            %add3A_193 = arith.constant 48 : i32
            %add3A_194 = arith.addi %add3A_55, %add3A_193 : i32
            %add3A_195 = vector.broadcast %add3A_194 : i32 to vector<16xi32>
            %add3A_196 = arith.addi %iota3A_192, %add3A_195 : vector<16xi32>
            %lt3A_197 = vector.broadcast %squeeze3A : i32 to vector<16xi32>
            %lt3A_198 = arith.cmpi slt, %add3A_196, %lt3A_197 : vector<16xi32>
            %ge3A_199 = vector.broadcast %mul3A_8 : i32 to vector<16xi32>
            %ge3A_200 = arith.cmpi sge, %get3A_188, %ge3A_199 : vector<16xi32>
            %and3A_201 = arith.andi %lt3A_198, %ge3A_200 : vector<16xi1>
            %add3A_202 = arith.constant 12544 : i32
            %add3A_203 = arith.addi %mul3A_8, %add3A_202 : i32
            %lt3A_204 = vector.broadcast %add3A_203 : i32 to vector<16xi32>
            %lt3A_205 = arith.cmpi slt, %get3A_188, %lt3A_204 : vector<16xi32>
            %and3A_206 = arith.andi %and3A_201, %lt3A_205 : vector<16xi1>
            %mul3A_207 = arith.constant 14 : i32
            %mul3A_208 = vector.broadcast %mul3A_207 : i32 to vector<16xi32>
            %mul3A_209 = arith.muli %get3A_191, %mul3A_208 : vector<16xi32>
            %add3A_210 = vector.broadcast %scan3A_41 : i32 to vector<16xi32>
            %add3A_211 = arith.addi %mul3A_209, %add3A_210 : vector<16xi32>
            %swap3A_212 = arith.constant 48 : index
            %swap3A_213 = tpu.vector_load %arg10[%swap3A_212] {strides = array<i32>} : memref<192xi32, #tpu.memory_space<vmem>>, vector<16xi32>,
            %swap3A_214 = vector.shape_cast %swap3A_213 : vector<16xi32> to vector<16xi32>
            %swap3A_215 = vector.shape_cast %add3A_211 : vector<16xi32> to vector<16xi32>
            tpu.vector_store %arg10[%swap3A_212], %swap3A_215 {strides = array<i32>} : memref<192xi32, #tpu.memory_space<vmem>>, vector<16xi32>,
            %sub3A_216 = vector.broadcast %mul3A_8 : i32 to vector<16xi32>
            %sub3A_217 = arith.subi %get3A_188, %sub3A_216 : vector<16xi32>
            %jit3A_218 = arith.constant 12544 : i32
            %broadcast_in_dim3A_219 = vector.broadcast %jit3A_218 : i32 to vector<16xi32>
            %select_n3A_220 = arith.select %and3A_206, %sub3A_217, %broadcast_in_dim3A_219 : vector<16xi1>, vector<16xi32>
            %swap3A_221 = arith.constant 48 : index
            %swap3A_222 = tpu.vector_load %arg11[%swap3A_221] {strides = array<i32>} : memref<192xi32, #tpu.memory_space<vmem>>, vector<16xi32>,
            %swap3A_223 = vector.shape_cast %swap3A_222 : vector<16xi32> to vector<16xi32>
            %swap3A_224 = vector.shape_cast %select_n3A_220 : vector<16xi32> to vector<16xi32>
            tpu.vector_store %arg11[%swap3A_221], %swap3A_224 {strides = array<i32>} : memref<192xi32, #tpu.memory_space<vmem>>, vector<16xi32>,
            %get3A_225 = arith.constant 64 : index
            %get3A_226 = tpu.vector_load %arg8[%get3A_225] {strides = array<i32>} : memref<192xi32, #tpu.memory_space<vmem>>, vector<16xi32>,
            %get3A_227 = vector.shape_cast %get3A_226 : vector<16xi32> to vector<16xi32>
            %get3A_228 = arith.constant 64 : index
            %get3A_229 = tpu.vector_load %arg9[%get3A_228] {strides = array<i32>} : memref<192xi32, #tpu.memory_space<vmem>>, vector<16xi32>,
            %get3A_230 = vector.shape_cast %get3A_229 : vector<16xi32> to vector<16xi32>
            %iota3A_231 = tpu.iota {dimensions = array<i32: 0>} : vector<16xi32>
            %add3A_232 = arith.constant 64 : i32
            %add3A_233 = arith.addi %add3A_55, %add3A_232 : i32
            %add3A_234 = vector.broadcast %add3A_233 : i32 to vector<16xi32>
            %add3A_235 = arith.addi %iota3A_231, %add3A_234 : vector<16xi32>
            %lt3A_236 = vector.broadcast %squeeze3A : i32 to vector<16xi32>
            %lt3A_237 = arith.cmpi slt, %add3A_235, %lt3A_236 : vector<16xi32>
            %ge3A_238 = vector.broadcast %mul3A_8 : i32 to vector<16xi32>
            %ge3A_239 = arith.cmpi sge, %get3A_227, %ge3A_238 : vector<16xi32>
            %and3A_240 = arith.andi %lt3A_237, %ge3A_239 : vector<16xi1>
            %add3A_241 = arith.constant 12544 : i32
            %add3A_242 = arith.addi %mul3A_8, %add3A_241 : i32
            %lt3A_243 = vector.broadcast %add3A_242 : i32 to vector<16xi32>
            %lt3A_244 = arith.cmpi slt, %get3A_227, %lt3A_243 : vector<16xi32>
            %and3A_245 = arith.andi %and3A_240, %lt3A_244 : vector<16xi1>
            %mul3A_246 = arith.constant 14 : i32
            %mul3A_247 = vector.broadcast %mul3A_246 : i32 to vector<16xi32>
            %mul3A_248 = arith.muli %get3A_230, %mul3A_247 : vector<16xi32>
            %add3A_249 = vector.broadcast %scan3A_41 : i32 to vector<16xi32>
            %add3A_250 = arith.addi %mul3A_248, %add3A_249 : vector<16xi32>
            %swap3A_251 = arith.constant 64 : index
            %swap3A_252 = tpu.vector_load %arg10[%swap3A_251] {strides = array<i32>} : memref<192xi32, #tpu.memory_space<vmem>>, vector<16xi32>,
            %swap3A_253 = vector.shape_cast %swap3A_252 : vector<16xi32> to vector<16xi32>
            %swap3A_254 = vector.shape_cast %add3A_250 : vector<16xi32> to vector<16xi32>
            tpu.vector_store %arg10[%swap3A_251], %swap3A_254 {strides = array<i32>} : memref<192xi32, #tpu.memory_space<vmem>>, vector<16xi32>,
            %sub3A_255 = vector.broadcast %mul3A_8 : i32 to vector<16xi32>
            %sub3A_256 = arith.subi %get3A_227, %sub3A_255 : vector<16xi32>
            %jit3A_257 = arith.constant 12544 : i32
            %broadcast_in_dim3A_258 = vector.broadcast %jit3A_257 : i32 to vector<16xi32>
            %select_n3A_259 = arith.select %and3A_245, %sub3A_256, %broadcast_in_dim3A_258 : vector<16xi1>, vector<16xi32>
            %swap3A_260 = arith.constant 64 : index
            %swap3A_261 = tpu.vector_load %arg11[%swap3A_260] {strides = array<i32>} : memref<192xi32, #tpu.memory_space<vmem>>, vector<16xi32>,
            %swap3A_262 = vector.shape_cast %swap3A_261 : vector<16xi32> to vector<16xi32>
            %swap3A_263 = vector.shape_cast %select_n3A_259 : vector<16xi32> to vector<16xi32>
            tpu.vector_store %arg11[%swap3A_260], %swap3A_263 {strides = array<i32>} : memref<192xi32, #tpu.memory_space<vmem>>, vector<16xi32>,
            %get3A_264 = arith.constant 80 : index
            %get3A_265 = tpu.vector_load %arg8[%get3A_264] {strides = array<i32>} : memref<192xi32, #tpu.memory_space<vmem>>, vector<16xi32>,
            %get3A_266 = vector.shape_cast %get3A_265 : vector<16xi32> to vector<16xi32>
            %get3A_267 = arith.constant 80 : index
            %get3A_268 = tpu.vector_load %arg9[%get3A_267] {strides = array<i32>} : memref<192xi32, #tpu.memory_space<vmem>>, vector<16xi32>,
            %get3A_269 = vector.shape_cast %get3A_268 : vector<16xi32> to vector<16xi32>
            %iota3A_270 = tpu.iota {dimensions = array<i32: 0>} : vector<16xi32>
            %add3A_271 = arith.constant 80 : i32
            %add3A_272 = arith.addi %add3A_55, %add3A_271 : i32
            %add3A_273 = vector.broadcast %add3A_272 : i32 to vector<16xi32>
            %add3A_274 = arith.addi %iota3A_270, %add3A_273 : vector<16xi32>
            %lt3A_275 = vector.broadcast %squeeze3A : i32 to vector<16xi32>
            %lt3A_276 = arith.cmpi slt, %add3A_274, %lt3A_275 : vector<16xi32>
            %ge3A_277 = vector.broadcast %mul3A_8 : i32 to vector<16xi32>
            %ge3A_278 = arith.cmpi sge, %get3A_266, %ge3A_277 : vector<16xi32>
            %and3A_279 = arith.andi %lt3A_276, %ge3A_278 : vector<16xi1>
            %add3A_280 = arith.constant 12544 : i32
            %add3A_281 = arith.addi %mul3A_8, %add3A_280 : i32
            %lt3A_282 = vector.broadcast %add3A_281 : i32 to vector<16xi32>
            %lt3A_283 = arith.cmpi slt, %get3A_266, %lt3A_282 : vector<16xi32>
            %and3A_284 = arith.andi %and3A_279, %lt3A_283 : vector<16xi1>
            %mul3A_285 = arith.constant 14 : i32
            %mul3A_286 = vector.broadcast %mul3A_285 : i32 to vector<16xi32>
            %mul3A_287 = arith.muli %get3A_269, %mul3A_286 : vector<16xi32>
            %add3A_288 = vector.broadcast %scan3A_41 : i32 to vector<16xi32>
            %add3A_289 = arith.addi %mul3A_287, %add3A_288 : vector<16xi32>
            %swap3A_290 = arith.constant 80 : index
            %swap3A_291 = tpu.vector_load %arg10[%swap3A_290] {strides = array<i32>} : memref<192xi32, #tpu.memory_space<vmem>>, vector<16xi32>,
            %swap3A_292 = vector.shape_cast %swap3A_291 : vector<16xi32> to vector<16xi32>
            %swap3A_293 = vector.shape_cast %add3A_289 : vector<16xi32> to vector<16xi32>
            tpu.vector_store %arg10[%swap3A_290], %swap3A_293 {strides = array<i32>} : memref<192xi32, #tpu.memory_space<vmem>>, vector<16xi32>,
            %sub3A_294 = vector.broadcast %mul3A_8 : i32 to vector<16xi32>
            %sub3A_295 = arith.subi %get3A_266, %sub3A_294 : vector<16xi32>
            %jit3A_296 = arith.constant 12544 : i32
            %broadcast_in_dim3A_297 = vector.broadcast %jit3A_296 : i32 to vector<16xi32>
            %select_n3A_298 = arith.select %and3A_284, %sub3A_295, %broadcast_in_dim3A_297 : vector<16xi1>, vector<16xi32>
            %swap3A_299 = arith.constant 80 : index
            %swap3A_300 = tpu.vector_load %arg11[%swap3A_299] {strides = array<i32>} : memref<192xi32, #tpu.memory_space<vmem>>, vector<16xi32>,
            %swap3A_301 = vector.shape_cast %swap3A_300 : vector<16xi32> to vector<16xi32>
            %swap3A_302 = vector.shape_cast %select_n3A_298 : vector<16xi32> to vector<16xi32>
            tpu.vector_store %arg11[%swap3A_299], %swap3A_302 {strides = array<i32>} : memref<192xi32, #tpu.memory_space<vmem>>, vector<16xi32>,
            %get3A_303 = arith.constant 96 : index
            %get3A_304 = tpu.vector_load %arg8[%get3A_303] {strides = array<i32>} : memref<192xi32, #tpu.memory_space<vmem>>, vector<16xi32>,
            %get3A_305 = vector.shape_cast %get3A_304 : vector<16xi32> to vector<16xi32>
            %get3A_306 = arith.constant 96 : index
            %get3A_307 = tpu.vector_load %arg9[%get3A_306] {strides = array<i32>} : memref<192xi32, #tpu.memory_space<vmem>>, vector<16xi32>,
            %get3A_308 = vector.shape_cast %get3A_307 : vector<16xi32> to vector<16xi32>
            %iota3A_309 = tpu.iota {dimensions = array<i32: 0>} : vector<16xi32>
            %add3A_310 = arith.constant 96 : i32
            %add3A_311 = arith.addi %add3A_55, %add3A_310 : i32
            %add3A_312 = vector.broadcast %add3A_311 : i32 to vector<16xi32>
            %add3A_313 = arith.addi %iota3A_309, %add3A_312 : vector<16xi32>
            %lt3A_314 = vector.broadcast %squeeze3A : i32 to vector<16xi32>
            %lt3A_315 = arith.cmpi slt, %add3A_313, %lt3A_314 : vector<16xi32>
            %ge3A_316 = vector.broadcast %mul3A_8 : i32 to vector<16xi32>
            %ge3A_317 = arith.cmpi sge, %get3A_305, %ge3A_316 : vector<16xi32>
            %and3A_318 = arith.andi %lt3A_315, %ge3A_317 : vector<16xi1>
            %add3A_319 = arith.constant 12544 : i32
            %add3A_320 = arith.addi %mul3A_8, %add3A_319 : i32
            %lt3A_321 = vector.broadcast %add3A_320 : i32 to vector<16xi32>
            %lt3A_322 = arith.cmpi slt, %get3A_305, %lt3A_321 : vector<16xi32>
            %and3A_323 = arith.andi %and3A_318, %lt3A_322 : vector<16xi1>
            %mul3A_324 = arith.constant 14 : i32
            %mul3A_325 = vector.broadcast %mul3A_324 : i32 to vector<16xi32>
            %mul3A_326 = arith.muli %get3A_308, %mul3A_325 : vector<16xi32>
            %add3A_327 = vector.broadcast %scan3A_41 : i32 to vector<16xi32>
            %add3A_328 = arith.addi %mul3A_326, %add3A_327 : vector<16xi32>
            %swap3A_329 = arith.constant 96 : index
            %swap3A_330 = tpu.vector_load %arg10[%swap3A_329] {strides = array<i32>} : memref<192xi32, #tpu.memory_space<vmem>>, vector<16xi32>,
            %swap3A_331 = vector.shape_cast %swap3A_330 : vector<16xi32> to vector<16xi32>
            %swap3A_332 = vector.shape_cast %add3A_328 : vector<16xi32> to vector<16xi32>
            tpu.vector_store %arg10[%swap3A_329], %swap3A_332 {strides = array<i32>} : memref<192xi32, #tpu.memory_space<vmem>>, vector<16xi32>,
            %sub3A_333 = vector.broadcast %mul3A_8 : i32 to vector<16xi32>
            %sub3A_334 = arith.subi %get3A_305, %sub3A_333 : vector<16xi32>
            %jit3A_335 = arith.constant 12544 : i32
            %broadcast_in_dim3A_336 = vector.broadcast %jit3A_335 : i32 to vector<16xi32>
            %select_n3A_337 = arith.select %and3A_323, %sub3A_334, %broadcast_in_dim3A_336 : vector<16xi1>, vector<16xi32>
            %swap3A_338 = arith.constant 96 : index
            %swap3A_339 = tpu.vector_load %arg11[%swap3A_338] {strides = array<i32>} : memref<192xi32, #tpu.memory_space<vmem>>, vector<16xi32>,
            %swap3A_340 = vector.shape_cast %swap3A_339 : vector<16xi32> to vector<16xi32>
            %swap3A_341 = vector.shape_cast %select_n3A_337 : vector<16xi32> to vector<16xi32>
            tpu.vector_store %arg11[%swap3A_338], %swap3A_341 {strides = array<i32>} : memref<192xi32, #tpu.memory_space<vmem>>, vector<16xi32>,
            %get3A_342 = arith.constant 112 : index
            %get3A_343 = tpu.vector_load %arg8[%get3A_342] {strides = array<i32>} : memref<192xi32, #tpu.memory_space<vmem>>, vector<16xi32>,
            %get3A_344 = vector.shape_cast %get3A_343 : vector<16xi32> to vector<16xi32>
            %get3A_345 = arith.constant 112 : index
            %get3A_346 = tpu.vector_load %arg9[%get3A_345] {strides = array<i32>} : memref<192xi32, #tpu.memory_space<vmem>>, vector<16xi32>,
            %get3A_347 = vector.shape_cast %get3A_346 : vector<16xi32> to vector<16xi32>
            %iota3A_348 = tpu.iota {dimensions = array<i32: 0>} : vector<16xi32>
            %add3A_349 = arith.constant 112 : i32
            %add3A_350 = arith.addi %add3A_55, %add3A_349 : i32
            %add3A_351 = vector.broadcast %add3A_350 : i32 to vector<16xi32>
            %add3A_352 = arith.addi %iota3A_348, %add3A_351 : vector<16xi32>
            %lt3A_353 = vector.broadcast %squeeze3A : i32 to vector<16xi32>
            %lt3A_354 = arith.cmpi slt, %add3A_352, %lt3A_353 : vector<16xi32>
            %ge3A_355 = vector.broadcast %mul3A_8 : i32 to vector<16xi32>
            %ge3A_356 = arith.cmpi sge, %get3A_344, %ge3A_355 : vector<16xi32>
            %and3A_357 = arith.andi %lt3A_354, %ge3A_356 : vector<16xi1>
            %add3A_358 = arith.constant 12544 : i32
            %add3A_359 = arith.addi %mul3A_8, %add3A_358 : i32
            %lt3A_360 = vector.broadcast %add3A_359 : i32 to vector<16xi32>
            %lt3A_361 = arith.cmpi slt, %get3A_344, %lt3A_360 : vector<16xi32>
            %and3A_362 = arith.andi %and3A_357, %lt3A_361 : vector<16xi1>
            %mul3A_363 = arith.constant 14 : i32
            %mul3A_364 = vector.broadcast %mul3A_363 : i32 to vector<16xi32>
            %mul3A_365 = arith.muli %get3A_347, %mul3A_364 : vector<16xi32>
            %add3A_366 = vector.broadcast %scan3A_41 : i32 to vector<16xi32>
            %add3A_367 = arith.addi %mul3A_365, %add3A_366 : vector<16xi32>
            %swap3A_368 = arith.constant 112 : index
            %swap3A_369 = tpu.vector_load %arg10[%swap3A_368] {strides = array<i32>} : memref<192xi32, #tpu.memory_space<vmem>>, vector<16xi32>,
            %swap3A_370 = vector.shape_cast %swap3A_369 : vector<16xi32> to vector<16xi32>
            %swap3A_371 = vector.shape_cast %add3A_367 : vector<16xi32> to vector<16xi32>
            tpu.vector_store %arg10[%swap3A_368], %swap3A_371 {strides = array<i32>} : memref<192xi32, #tpu.memory_space<vmem>>, vector<16xi32>,
            %sub3A_372 = vector.broadcast %mul3A_8 : i32 to vector<16xi32>
            %sub3A_373 = arith.subi %get3A_344, %sub3A_372 : vector<16xi32>
            %jit3A_374 = arith.constant 12544 : i32
            %broadcast_in_dim3A_375 = vector.broadcast %jit3A_374 : i32 to vector<16xi32>
            %select_n3A_376 = arith.select %and3A_362, %sub3A_373, %broadcast_in_dim3A_375 : vector<16xi1>, vector<16xi32>
            %swap3A_377 = arith.constant 112 : index
            %swap3A_378 = tpu.vector_load %arg11[%swap3A_377] {strides = array<i32>} : memref<192xi32, #tpu.memory_space<vmem>>, vector<16xi32>,
            %swap3A_379 = vector.shape_cast %swap3A_378 : vector<16xi32> to vector<16xi32>
            %swap3A_380 = vector.shape_cast %select_n3A_376 : vector<16xi32> to vector<16xi32>
            tpu.vector_store %arg11[%swap3A_377], %swap3A_380 {strides = array<i32>} : memref<192xi32, #tpu.memory_space<vmem>>, vector<16xi32>,
            %get3A_381 = arith.constant 128 : index
            %get3A_382 = tpu.vector_load %arg8[%get3A_381] {strides = array<i32>} : memref<192xi32, #tpu.memory_space<vmem>>, vector<16xi32>,
            %get3A_383 = vector.shape_cast %get3A_382 : vector<16xi32> to vector<16xi32>
            %get3A_384 = arith.constant 128 : index
            %get3A_385 = tpu.vector_load %arg9[%get3A_384] {strides = array<i32>} : memref<192xi32, #tpu.memory_space<vmem>>, vector<16xi32>,
            %get3A_386 = vector.shape_cast %get3A_385 : vector<16xi32> to vector<16xi32>
            %iota3A_387 = tpu.iota {dimensions = array<i32: 0>} : vector<16xi32>
            %add3A_388 = arith.constant 128 : i32
            %add3A_389 = arith.addi %add3A_55, %add3A_388 : i32
            %add3A_390 = vector.broadcast %add3A_389 : i32 to vector<16xi32>
            %add3A_391 = arith.addi %iota3A_387, %add3A_390 : vector<16xi32>
            %lt3A_392 = vector.broadcast %squeeze3A : i32 to vector<16xi32>
            %lt3A_393 = arith.cmpi slt, %add3A_391, %lt3A_392 : vector<16xi32>
            %ge3A_394 = vector.broadcast %mul3A_8 : i32 to vector<16xi32>
            %ge3A_395 = arith.cmpi sge, %get3A_383, %ge3A_394 : vector<16xi32>
            %and3A_396 = arith.andi %lt3A_393, %ge3A_395 : vector<16xi1>
            %add3A_397 = arith.constant 12544 : i32
            %add3A_398 = arith.addi %mul3A_8, %add3A_397 : i32
            %lt3A_399 = vector.broadcast %add3A_398 : i32 to vector<16xi32>
            %lt3A_400 = arith.cmpi slt, %get3A_383, %lt3A_399 : vector<16xi32>
            %and3A_401 = arith.andi %and3A_396, %lt3A_400 : vector<16xi1>
            %mul3A_402 = arith.constant 14 : i32
            %mul3A_403 = vector.broadcast %mul3A_402 : i32 to vector<16xi32>
            %mul3A_404 = arith.muli %get3A_386, %mul3A_403 : vector<16xi32>
            %add3A_405 = vector.broadcast %scan3A_41 : i32 to vector<16xi32>
            %add3A_406 = arith.addi %mul3A_404, %add3A_405 : vector<16xi32>
            %swap3A_407 = arith.constant 128 : index
            %swap3A_408 = tpu.vector_load %arg10[%swap3A_407] {strides = array<i32>} : memref<192xi32, #tpu.memory_space<vmem>>, vector<16xi32>,
            %swap3A_409 = vector.shape_cast %swap3A_408 : vector<16xi32> to vector<16xi32>
            %swap3A_410 = vector.shape_cast %add3A_406 : vector<16xi32> to vector<16xi32>
            tpu.vector_store %arg10[%swap3A_407], %swap3A_410 {strides = array<i32>} : memref<192xi32, #tpu.memory_space<vmem>>, vector<16xi32>,
            %sub3A_411 = vector.broadcast %mul3A_8 : i32 to vector<16xi32>
            %sub3A_412 = arith.subi %get3A_383, %sub3A_411 : vector<16xi32>
            %jit3A_413 = arith.constant 12544 : i32
            %broadcast_in_dim3A_414 = vector.broadcast %jit3A_413 : i32 to vector<16xi32>
            %select_n3A_415 = arith.select %and3A_401, %sub3A_412, %broadcast_in_dim3A_414 : vector<16xi1>, vector<16xi32>
            %swap3A_416 = arith.constant 128 : index
            %swap3A_417 = tpu.vector_load %arg11[%swap3A_416] {strides = array<i32>} : memref<192xi32, #tpu.memory_space<vmem>>, vector<16xi32>,
            %swap3A_418 = vector.shape_cast %swap3A_417 : vector<16xi32> to vector<16xi32>
            %swap3A_419 = vector.shape_cast %select_n3A_415 : vector<16xi32> to vector<16xi32>
            tpu.vector_store %arg11[%swap3A_416], %swap3A_419 {strides = array<i32>} : memref<192xi32, #tpu.memory_space<vmem>>, vector<16xi32>,
            %get3A_420 = arith.constant 144 : index
            %get3A_421 = tpu.vector_load %arg8[%get3A_420] {strides = array<i32>} : memref<192xi32, #tpu.memory_space<vmem>>, vector<16xi32>,
            %get3A_422 = vector.shape_cast %get3A_421 : vector<16xi32> to vector<16xi32>
            %get3A_423 = arith.constant 144 : index
            %get3A_424 = tpu.vector_load %arg9[%get3A_423] {strides = array<i32>} : memref<192xi32, #tpu.memory_space<vmem>>, vector<16xi32>,
            %get3A_425 = vector.shape_cast %get3A_424 : vector<16xi32> to vector<16xi32>
            %iota3A_426 = tpu.iota {dimensions = array<i32: 0>} : vector<16xi32>
            %add3A_427 = arith.constant 144 : i32
            %add3A_428 = arith.addi %add3A_55, %add3A_427 : i32
            %add3A_429 = vector.broadcast %add3A_428 : i32 to vector<16xi32>
            %add3A_430 = arith.addi %iota3A_426, %add3A_429 : vector<16xi32>
            %lt3A_431 = vector.broadcast %squeeze3A : i32 to vector<16xi32>
            %lt3A_432 = arith.cmpi slt, %add3A_430, %lt3A_431 : vector<16xi32>
            %ge3A_433 = vector.broadcast %mul3A_8 : i32 to vector<16xi32>
            %ge3A_434 = arith.cmpi sge, %get3A_422, %ge3A_433 : vector<16xi32>
            %and3A_435 = arith.andi %lt3A_432, %ge3A_434 : vector<16xi1>
            %add3A_436 = arith.constant 12544 : i32
            %add3A_437 = arith.addi %mul3A_8, %add3A_436 : i32
            %lt3A_438 = vector.broadcast %add3A_437 : i32 to vector<16xi32>
            %lt3A_439 = arith.cmpi slt, %get3A_422, %lt3A_438 : vector<16xi32>
            %and3A_440 = arith.andi %and3A_435, %lt3A_439 : vector<16xi1>
            %mul3A_441 = arith.constant 14 : i32
            %mul3A_442 = vector.broadcast %mul3A_441 : i32 to vector<16xi32>
            %mul3A_443 = arith.muli %get3A_425, %mul3A_442 : vector<16xi32>
            %add3A_444 = vector.broadcast %scan3A_41 : i32 to vector<16xi32>
            %add3A_445 = arith.addi %mul3A_443, %add3A_444 : vector<16xi32>
            %swap3A_446 = arith.constant 144 : index
            %swap3A_447 = tpu.vector_load %arg10[%swap3A_446] {strides = array<i32>} : memref<192xi32, #tpu.memory_space<vmem>>, vector<16xi32>,
            %swap3A_448 = vector.shape_cast %swap3A_447 : vector<16xi32> to vector<16xi32>
            %swap3A_449 = vector.shape_cast %add3A_445 : vector<16xi32> to vector<16xi32>
            tpu.vector_store %arg10[%swap3A_446], %swap3A_449 {strides = array<i32>} : memref<192xi32, #tpu.memory_space<vmem>>, vector<16xi32>,
            %sub3A_450 = vector.broadcast %mul3A_8 : i32 to vector<16xi32>
            %sub3A_451 = arith.subi %get3A_422, %sub3A_450 : vector<16xi32>
            %jit3A_452 = arith.constant 12544 : i32
            %broadcast_in_dim3A_453 = vector.broadcast %jit3A_452 : i32 to vector<16xi32>
            %select_n3A_454 = arith.select %and3A_440, %sub3A_451, %broadcast_in_dim3A_453 : vector<16xi1>, vector<16xi32>
            %swap3A_455 = arith.constant 144 : index
            %swap3A_456 = tpu.vector_load %arg11[%swap3A_455] {strides = array<i32>} : memref<192xi32, #tpu.memory_space<vmem>>, vector<16xi32>,
            %swap3A_457 = vector.shape_cast %swap3A_456 : vector<16xi32> to vector<16xi32>
            %swap3A_458 = vector.shape_cast %select_n3A_454 : vector<16xi32> to vector<16xi32>
            tpu.vector_store %arg11[%swap3A_455], %swap3A_458 {strides = array<i32>} : memref<192xi32, #tpu.memory_space<vmem>>, vector<16xi32>,
            %get3A_459 = arith.constant 160 : index
            %get3A_460 = tpu.vector_load %arg8[%get3A_459] {strides = array<i32>} : memref<192xi32, #tpu.memory_space<vmem>>, vector<16xi32>,
            %get3A_461 = vector.shape_cast %get3A_460 : vector<16xi32> to vector<16xi32>
            %get3A_462 = arith.constant 160 : index
            %get3A_463 = tpu.vector_load %arg9[%get3A_462] {strides = array<i32>} : memref<192xi32, #tpu.memory_space<vmem>>, vector<16xi32>,
            %get3A_464 = vector.shape_cast %get3A_463 : vector<16xi32> to vector<16xi32>
            %iota3A_465 = tpu.iota {dimensions = array<i32: 0>} : vector<16xi32>
            %add3A_466 = arith.constant 160 : i32
            %add3A_467 = arith.addi %add3A_55, %add3A_466 : i32
            %add3A_468 = vector.broadcast %add3A_467 : i32 to vector<16xi32>
            %add3A_469 = arith.addi %iota3A_465, %add3A_468 : vector<16xi32>
            %lt3A_470 = vector.broadcast %squeeze3A : i32 to vector<16xi32>
            %lt3A_471 = arith.cmpi slt, %add3A_469, %lt3A_470 : vector<16xi32>
            %ge3A_472 = vector.broadcast %mul3A_8 : i32 to vector<16xi32>
            %ge3A_473 = arith.cmpi sge, %get3A_461, %ge3A_472 : vector<16xi32>
            %and3A_474 = arith.andi %lt3A_471, %ge3A_473 : vector<16xi1>
            %add3A_475 = arith.constant 12544 : i32
            %add3A_476 = arith.addi %mul3A_8, %add3A_475 : i32
            %lt3A_477 = vector.broadcast %add3A_476 : i32 to vector<16xi32>
            %lt3A_478 = arith.cmpi slt, %get3A_461, %lt3A_477 : vector<16xi32>
            %and3A_479 = arith.andi %and3A_474, %lt3A_478 : vector<16xi1>
            %mul3A_480 = arith.constant 14 : i32
            %mul3A_481 = vector.broadcast %mul3A_480 : i32 to vector<16xi32>
            %mul3A_482 = arith.muli %get3A_464, %mul3A_481 : vector<16xi32>
            %add3A_483 = vector.broadcast %scan3A_41 : i32 to vector<16xi32>
            %add3A_484 = arith.addi %mul3A_482, %add3A_483 : vector<16xi32>
            %swap3A_485 = arith.constant 160 : index
            %swap3A_486 = tpu.vector_load %arg10[%swap3A_485] {strides = array<i32>} : memref<192xi32, #tpu.memory_space<vmem>>, vector<16xi32>,
            %swap3A_487 = vector.shape_cast %swap3A_486 : vector<16xi32> to vector<16xi32>
            %swap3A_488 = vector.shape_cast %add3A_484 : vector<16xi32> to vector<16xi32>
            tpu.vector_store %arg10[%swap3A_485], %swap3A_488 {strides = array<i32>} : memref<192xi32, #tpu.memory_space<vmem>>, vector<16xi32>,
            %sub3A_489 = vector.broadcast %mul3A_8 : i32 to vector<16xi32>
            %sub3A_490 = arith.subi %get3A_461, %sub3A_489 : vector<16xi32>
            %jit3A_491 = arith.constant 12544 : i32
            %broadcast_in_dim3A_492 = vector.broadcast %jit3A_491 : i32 to vector<16xi32>
            %select_n3A_493 = arith.select %and3A_479, %sub3A_490, %broadcast_in_dim3A_492 : vector<16xi1>, vector<16xi32>
            %swap3A_494 = arith.constant 160 : index
            %swap3A_495 = tpu.vector_load %arg11[%swap3A_494] {strides = array<i32>} : memref<192xi32, #tpu.memory_space<vmem>>, vector<16xi32>,
            %swap3A_496 = vector.shape_cast %swap3A_495 : vector<16xi32> to vector<16xi32>
            %swap3A_497 = vector.shape_cast %select_n3A_493 : vector<16xi32> to vector<16xi32>
            tpu.vector_store %arg11[%swap3A_494], %swap3A_497 {strides = array<i32>} : memref<192xi32, #tpu.memory_space<vmem>>, vector<16xi32>,
            %get3A_498 = arith.constant 176 : index
            %get3A_499 = tpu.vector_load %arg8[%get3A_498] {strides = array<i32>} : memref<192xi32, #tpu.memory_space<vmem>>, vector<16xi32>,
            %get3A_500 = vector.shape_cast %get3A_499 : vector<16xi32> to vector<16xi32>
            %get3A_501 = arith.constant 176 : index
            %get3A_502 = tpu.vector_load %arg9[%get3A_501] {strides = array<i32>} : memref<192xi32, #tpu.memory_space<vmem>>, vector<16xi32>,
            %get3A_503 = vector.shape_cast %get3A_502 : vector<16xi32> to vector<16xi32>
            %iota3A_504 = tpu.iota {dimensions = array<i32: 0>} : vector<16xi32>
            %add3A_505 = arith.constant 176 : i32
            %add3A_506 = arith.addi %add3A_55, %add3A_505 : i32
            %add3A_507 = vector.broadcast %add3A_506 : i32 to vector<16xi32>
            %add3A_508 = arith.addi %iota3A_504, %add3A_507 : vector<16xi32>
            %lt3A_509 = vector.broadcast %squeeze3A : i32 to vector<16xi32>
            %lt3A_510 = arith.cmpi slt, %add3A_508, %lt3A_509 : vector<16xi32>
            %ge3A_511 = vector.broadcast %mul3A_8 : i32 to vector<16xi32>
            %ge3A_512 = arith.cmpi sge, %get3A_500, %ge3A_511 : vector<16xi32>
            %and3A_513 = arith.andi %lt3A_510, %ge3A_512 : vector<16xi1>
            %add3A_514 = arith.constant 12544 : i32
            %add3A_515 = arith.addi %mul3A_8, %add3A_514 : i32
            %lt3A_516 = vector.broadcast %add3A_515 : i32 to vector<16xi32>
            %lt3A_517 = arith.cmpi slt, %get3A_500, %lt3A_516 : vector<16xi32>
            %and3A_518 = arith.andi %and3A_513, %lt3A_517 : vector<16xi1>
            %mul3A_519 = arith.constant 14 : i32
            %mul3A_520 = vector.broadcast %mul3A_519 : i32 to vector<16xi32>
            %mul3A_521 = arith.muli %get3A_503, %mul3A_520 : vector<16xi32>
            %add3A_522 = vector.broadcast %scan3A_41 : i32 to vector<16xi32>
            %add3A_523 = arith.addi %mul3A_521, %add3A_522 : vector<16xi32>
            %swap3A_524 = arith.constant 176 : index
            %swap3A_525 = tpu.vector_load %arg10[%swap3A_524] {strides = array<i32>} : memref<192xi32, #tpu.memory_space<vmem>>, vector<16xi32>,
            %swap3A_526 = vector.shape_cast %swap3A_525 : vector<16xi32> to vector<16xi32>
            %swap3A_527 = vector.shape_cast %add3A_523 : vector<16xi32> to vector<16xi32>
            tpu.vector_store %arg10[%swap3A_524], %swap3A_527 {strides = array<i32>} : memref<192xi32, #tpu.memory_space<vmem>>, vector<16xi32>,
            %sub3A_528 = vector.broadcast %mul3A_8 : i32 to vector<16xi32>
            %sub3A_529 = arith.subi %get3A_500, %sub3A_528 : vector<16xi32>
            %jit3A_530 = arith.constant 12544 : i32
            %broadcast_in_dim3A_531 = vector.broadcast %jit3A_530 : i32 to vector<16xi32>
            %select_n3A_532 = arith.select %and3A_518, %sub3A_529, %broadcast_in_dim3A_531 : vector<16xi1>, vector<16xi32>
            %swap3A_533 = arith.constant 176 : index
            %swap3A_534 = tpu.vector_load %arg11[%swap3A_533] {strides = array<i32>} : memref<192xi32, #tpu.memory_space<vmem>>, vector<16xi32>,
            %swap3A_535 = vector.shape_cast %swap3A_534 : vector<16xi32> to vector<16xi32>
            %swap3A_536 = vector.shape_cast %select_n3A_532 : vector<16xi32> to vector<16xi32>
            tpu.vector_store %arg11[%swap3A_533], %swap3A_536 {strides = array<i32>} : memref<192xi32, #tpu.memory_space<vmem>>, vector<16xi32>,
            %dma_start3A_537 = arith.constant 0 : i32
            %dma_start3A_538 = arith.constant 0 : i32
            %dma_start3A_539 = tpu.memref_slice %arg2[%dma_start3A_537, %dma_start3A_538] : memref<1404928x128xf32, #tpu.memory_space<hbm>> -> memref<1404928x128xf32, #tpu.memory_space<hbm>>
            tpu.enqueue_indirect_dma source(%dma_start3A_539 : memref<1404928x128xf32, #tpu.memory_space<hbm>>) target(%arg12 : memref<192x128xf32, #tpu.memory_space<vmem>>) offsets(%arg10 : memref<192xi32, #tpu.memory_space<vmem>>) semaphore(%arg14 : memref<!tpu.dma_semaphore, #tpu.memory_space<semaphore_mem>>)
            %dma_wait3A_540 = arith.constant 0 : i32
            %dma_wait3A_541 = arith.constant 0 : i32
            %dma_wait3A_542 = tpu.memref_slice %arg2[%dma_wait3A_540, %dma_wait3A_541] : memref<1404928x128xf32, #tpu.memory_space<hbm>> -> memref<1404928x128xf32, #tpu.memory_space<hbm>>
            tpu.wait_indirect_dma semaphore(%arg14 : memref<!tpu.dma_semaphore, #tpu.memory_space<semaphore_mem>>) src(%dma_wait3A_542 : memref<1404928x128xf32, #tpu.memory_space<hbm>>) dst(%arg12 : memref<192x128xf32, #tpu.memory_space<vmem>>)
            %dma_start3A_543 = arith.constant 0 : i32
            %dma_start3A_544 = arith.constant 0 : i32
            %dma_start3A_545 = tpu.memref_slice %arg7[%dma_start3A_543, %dma_start3A_544] : memref<12552x128xf32, #tpu.memory_space<vmem_shared>> -> memref<12552x128xf32, #tpu.memory_space<vmem_shared>>
            tpu.enqueue_indirect_dma source(%arg12 : memref<192x128xf32, #tpu.memory_space<vmem>>) target(%dma_start3A_545 : memref<12552x128xf32, #tpu.memory_space<vmem_shared>>) offsets(%arg11 : memref<192xi32, #tpu.memory_space<vmem>>) semaphore(%arg14 : memref<!tpu.dma_semaphore, #tpu.memory_space<semaphore_mem>>) {add = true}
            %dma_wait3A_546 = arith.constant 0 : i32
            %dma_wait3A_547 = arith.constant 0 : i32
            %dma_wait3A_548 = tpu.memref_slice %arg7[%dma_wait3A_546, %dma_wait3A_547] : memref<12552x128xf32, #tpu.memory_space<vmem_shared>> -> memref<12552x128xf32, #tpu.memory_space<vmem_shared>>
            tpu.wait_indirect_dma semaphore(%arg14 : memref<!tpu.dma_semaphore, #tpu.memory_space<semaphore_mem>>) src(%arg12 : memref<192x128xf32, #tpu.memory_space<vmem>>) dst(%dma_wait3A_548 : memref<12552x128xf32, #tpu.memory_space<vmem_shared>>)
          } else {
          }
        }
        %scan3A_51 = arith.constant 66 : i32
      }
      %scan3A_25 = arith.constant 14 : i32
      %barrier3A_26 = arith.constant 0 : index
      tpu.barrier barrier_id(%barrier3A_26)
      %mul3A_27 = arith.constant 784 : i32
      %mul3A_28 = arith.muli %arg1, %mul3A_27 : i32
      %mul3A_29 = arith.constant 784 : i32
      %mul3A_30 = arith.muli %arg1, %mul3A_29 : i32
      %add3A_31 = arith.addi %mul3A_8, %mul3A_30 : i32
      %dma_start3A_32 = arith.constant 0 : i32
      %dma_start3A_33 = tpu.memref_slice %arg6[%add3A_31, %dma_start3A_32] : memref<100352x128xf32, #tpu.memory_space<hbm>> -> memref<784x128xf32, #tpu.memory_space<hbm>>
      %dma_start3A_34 = arith.constant 0 : i32
      %dma_start3A_35 = tpu.memref_slice %arg7[%mul3A_28, %dma_start3A_34] : memref<12552x128xf32, #tpu.memory_space<vmem_shared>> -> memref<784x128xf32, #tpu.memory_space<vmem_shared>>
      tpu.enqueue_dma source(%dma_start3A_35 : memref<784x128xf32, #tpu.memory_space<vmem_shared>>) target(%dma_start3A_33 : memref<784x128xf32, #tpu.memory_space<hbm>>) target_semaphore(%arg14 : memref<!tpu.dma_semaphore, #tpu.memory_space<semaphore_mem>>)
      %dma_wait3A_36 = arith.constant 0 : i32
      %dma_wait3A_37 = tpu.memref_slice %arg6[%add3A_31, %dma_wait3A_36] : memref<100352x128xf32, #tpu.memory_space<hbm>> -> memref<784x128xf32, #tpu.memory_space<hbm>>
      %dma_wait3A_38 = arith.constant 0 : i32
      %dma_wait3A_39 = tpu.memref_slice %arg7[%mul3A_28, %dma_wait3A_38] : memref<12552x128xf32, #tpu.memory_space<vmem_shared>> -> memref<784x128xf32, #tpu.memory_space<vmem_shared>>
      tpu.wait_dma2 semaphore(%arg14 : memref<!tpu.dma_semaphore, #tpu.memory_space<semaphore_mem>>) src(%dma_wait3A_39 : memref<784x128xf32, #tpu.memory_space<vmem_shared>>) dst(%dma_wait3A_37 : memref<784x128xf32, #tpu.memory_space<hbm>>)
      %barrier3A_40 = arith.constant 0 : index
      tpu.barrier barrier_id(%barrier3A_40)
    }
    %scan3A_4 = arith.constant 4 : i32
    return
  }
}

#map = affine_map<(d0, d1) -> (0, 0)>
#map1 = affine_map<(d0, d1) -> (0)>
module attributes {stable_mosaic.version = 14 : i64} {
  func.func @body(%arg0: i32, %arg1: i32, %arg2: memref<1404928x128xf32, #tpu.memory_space<hbm>>, %arg3: memref<100352x128xf32, #tpu.memory_space<hbm>>, %arg4: memref<5677056xi32, #tpu.memory_space<hbm>>, %arg5: memref<32xi32, #tpu.memory_space<hbm>>, %arg6: memref<100352x128xf32, #tpu.memory_space<hbm>>, %arg7: memref<12552x128xf32, #tpu.memory_space<vmem_shared>>, %arg8: memref<192xi32, #tpu.memory_space<vmem>>, %arg9: memref<192xi32, #tpu.memory_space<vmem>>, %arg10: memref<192xi32, #tpu.memory_space<vmem>>, %arg11: memref<192xi32, #tpu.memory_space<vmem>>, %arg12: memref<192x128xf32, #tpu.memory_space<vmem>>, %arg13: memref<32xi32, #tpu.memory_space<vmem>>, %arg14: memref<!tpu.dma_semaphore, #tpu.memory_space<semaphore_mem>>) attributes {dimension_semantics = [#tpu.dimension_semantics<core_parallel>, #tpu.dimension_semantics<subcore_parallel>], iteration_bounds = array<i64: 2, 16>, scalar_prefetch = 0 : i64, scratch_operands = 8 : i64, tpu.core_type = #tpu.core_type<sc_vector_subcore>, window_params = [{transform_indices = #map}, {transform_indices = #map}, {transform_indices = #map1}, {transform_indices = #map1}, {transform_indices = #map}]} {
    tpu.enqueue_dma source(%arg5 : memref<32xi32, #tpu.memory_space<hbm>>) target(%arg13 : memref<32xi32, #tpu.memory_space<vmem>>) target_semaphore(%arg14 : memref<!tpu.dma_semaphore, #tpu.memory_space<semaphore_mem>>)
    tpu.wait_dma2 semaphore(%arg14 : memref<!tpu.dma_semaphore, #tpu.memory_space<semaphore_mem>>) src(%arg5 : memref<32xi32, #tpu.memory_space<hbm>>) dst(%arg13 : memref<32xi32, #tpu.memory_space<vmem>>)
    %scan3A = arith.constant 0 : i32
    %scan3A_0 = arith.constant 0 : i32
    %scan3A_1 = arith.constant 4 : i32
    %scan3A_2 = arith.addi %scan3A_0, %scan3A_1 : i32
    %scan3A_3 = arith.constant 1 : i32
    scf.for %scan3A_5 = %scan3A_0 to %scan3A_2 step %scan3A_3  : i32 {
      %mul3A = arith.constant 2 : i32
      %mul3A_6 = arith.muli %mul3A, %scan3A_5 : i32
      %add3A = arith.addi %mul3A_6, %arg0 : i32
      %mul3A_7 = arith.constant 12544 : i32
      %mul3A_8 = arith.muli %add3A, %mul3A_7 : i32
      %mul3A_9 = arith.constant 784 : i32
      %mul3A_10 = arith.muli %arg1, %mul3A_9 : i32
      %add3A_11 = arith.addi %mul3A_8, %mul3A_10 : i32
      %mul3A_12 = arith.constant 784 : i32
      %mul3A_13 = arith.muli %arg1, %mul3A_12 : i32
      %dma_start3A = arith.constant 0 : i32
      %dma_start3A_14 = tpu.memref_slice %arg7[%mul3A_13, %dma_start3A] : memref<12552x128xf32, #tpu.memory_space<vmem_shared>> -> memref<784x128xf32, #tpu.memory_space<vmem_shared>>
      %dma_start3A_15 = arith.constant 0 : i32
      %dma_start3A_16 = tpu.memref_slice %arg3[%add3A_11, %dma_start3A_15] : memref<100352x128xf32, #tpu.memory_space<hbm>> -> memref<784x128xf32, #tpu.memory_space<hbm>>
      tpu.enqueue_dma source(%dma_start3A_16 : memref<784x128xf32, #tpu.memory_space<hbm>>) target(%dma_start3A_14 : memref<784x128xf32, #tpu.memory_space<vmem_shared>>) target_semaphore(%arg14 : memref<!tpu.dma_semaphore, #tpu.memory_space<semaphore_mem>>)
      %dma_wait3A = arith.constant 0 : i32
      %dma_wait3A_17 = tpu.memref_slice %arg7[%mul3A_13, %dma_wait3A] : memref<12552x128xf32, #tpu.memory_space<vmem_shared>> -> memref<784x128xf32, #tpu.memory_space<vmem_shared>>
      %dma_wait3A_18 = arith.constant 0 : i32
      %dma_wait3A_19 = tpu.memref_slice %arg3[%add3A_11, %dma_wait3A_18] : memref<100352x128xf32, #tpu.memory_space<hbm>> -> memref<784x128xf32, #tpu.memory_space<hbm>>
      tpu.wait_dma2 semaphore(%arg14 : memref<!tpu.dma_semaphore, #tpu.memory_space<semaphore_mem>>) src(%dma_wait3A_19 : memref<784x128xf32, #tpu.memory_space<hbm>>) dst(%dma_wait3A_17 : memref<784x128xf32, #tpu.memory_space<vmem_shared>>)
      %barrier3A = arith.constant 0 : index
      tpu.barrier barrier_id(%barrier3A)
      %scan3A_20 = arith.constant 0 : i32
      %scan3A_21 = arith.constant 0 : i32
      %scan3A_22 = arith.constant 14 : i32
      %scan3A_23 = arith.addi %scan3A_21, %scan3A_22 : i32
      %scan3A_24 = arith.constant 1 : i32
      scf.for %scan3A_41 = %scan3A_21 to %scan3A_23 step %scan3A_24  : i32 {
        %mul3A_42 = arith.constant 12672 : i32
        %mul3A_43 = arith.muli %arg1, %mul3A_42 : i32
        %get3A = arith.index_cast %scan3A_41 : i32 to index
        %get3A_44 = tpu.vector_load %arg13[%get3A] {strides = array<i32>} : memref<32xi32, #tpu.memory_space<vmem>>, vector<16xi32>,
        %get3A_45 = vector.shape_cast %get3A_44 : vector<16xi32> to vector<16xi32>
        %slice3A = vector.extract_strided_slice %get3A_45 {offsets = [0], sizes = [1], strides = [1]} : vector<16xi32> to vector<1xi32>
        %squeeze3A = vector.extract %slice3A[0] : i32 from vector<1xi32>
        %scan3A_46 = arith.constant 0 : i32
        %scan3A_47 = arith.constant 0 : i32
        %scan3A_48 = arith.constant 66 : i32
        %scan3A_49 = arith.addi %scan3A_47, %scan3A_48 : i32
        %scan3A_50 = arith.constant 1 : i32
        scf.for %scan3A_52 = %scan3A_47 to %scan3A_49 step %scan3A_50  : i32 {
          %mul3A_53 = arith.constant 192 : i32
          %mul3A_54 = arith.muli %scan3A_52, %mul3A_53 : i32
          %add3A_55 = arith.addi %mul3A_43, %mul3A_54 : i32
          %lt3A = arith.cmpi slt, %add3A_55, %squeeze3A : i32
          %convert_element_type3A = arith.extui %lt3A : i1 to i32
          %cond3A = arith.constant 0 : i32
          %cond3A_56 = arith.cmpi ne, %convert_element_type3A, %cond3A : i32
          scf.if %cond3A_56 {
            %mul3A_57 = arith.constant 2 : i32
            %mul3A_58 = arith.muli %mul3A_57, %scan3A_41 : i32
            %mul3A_59 = arith.constant 202752 : i32
            %mul3A_60 = arith.muli %mul3A_58, %mul3A_59 : i32
            %add3A_61 = arith.addi %mul3A_60, %add3A_55 : i32
            %dma_start3A_62 = tpu.memref_slice %arg4[%add3A_61] : memref<5677056xi32, #tpu.memory_space<hbm>> -> memref<192xi32, #tpu.memory_space<hbm>>
            %dma_start3A_63 = tpu.memref_slice %arg4[%add3A_61] : memref<5677056xi32, #tpu.memory_space<hbm>> -> memref<192xi32, #tpu.memory_space<hbm>>
            tpu.enqueue_dma source(%dma_start3A_63 : memref<192xi32, #tpu.memory_space<hbm>>) target(%arg8 : memref<192xi32, #tpu.memory_space<vmem>>) target_semaphore(%arg14 : memref<!tpu.dma_semaphore, #tpu.memory_space<semaphore_mem>>)
            %dma_wait3A_64 = tpu.memref_slice %arg4[%add3A_61] : memref<5677056xi32, #tpu.memory_space<hbm>> -> memref<192xi32, #tpu.memory_space<hbm>>
            %dma_wait3A_65 = tpu.memref_slice %arg4[%add3A_61] : memref<5677056xi32, #tpu.memory_space<hbm>> -> memref<192xi32, #tpu.memory_space<hbm>>
            tpu.wait_dma2 semaphore(%arg14 : memref<!tpu.dma_semaphore, #tpu.memory_space<semaphore_mem>>) src(%dma_wait3A_65 : memref<192xi32, #tpu.memory_space<hbm>>) dst(%arg8 : memref<192xi32, #tpu.memory_space<vmem>>)
            %mul3A_66 = arith.constant 2 : i32
            %mul3A_67 = arith.muli %mul3A_66, %scan3A_41 : i32
            %add3A_68 = arith.constant 1 : i32
            %add3A_69 = arith.addi %mul3A_67, %add3A_68 : i32
            %mul3A_70 = arith.constant 202752 : i32
            %mul3A_71 = arith.muli %add3A_69, %mul3A_70 : i32
            %add3A_72 = arith.addi %mul3A_71, %add3A_55 : i32
            %dma_start3A_73 = tpu.memref_slice %arg4[%add3A_72] : memref<5677056xi32, #tpu.memory_space<hbm>> -> memref<192xi32, #tpu.memory_space<hbm>>
            %dma_start3A_74 = tpu.memref_slice %arg4[%add3A_72] : memref<5677056xi32, #tpu.memory_space<hbm>> -> memref<192xi32, #tpu.memory_space<hbm>>
            tpu.enqueue_dma source(%dma_start3A_74 : memref<192xi32, #tpu.memory_space<hbm>>) target(%arg9 : memref<192xi32, #tpu.memory_space<vmem>>) target_semaphore(%arg14 : memref<!tpu.dma_semaphore, #tpu.memory_space<semaphore_mem>>)
            %dma_wait3A_75 = tpu.memref_slice %arg4[%add3A_72] : memref<5677056xi32, #tpu.memory_space<hbm>> -> memref<192xi32, #tpu.memory_space<hbm>>
            %dma_wait3A_76 = tpu.memref_slice %arg4[%add3A_72] : memref<5677056xi32, #tpu.memory_space<hbm>> -> memref<192xi32, #tpu.memory_space<hbm>>
            tpu.wait_dma2 semaphore(%arg14 : memref<!tpu.dma_semaphore, #tpu.memory_space<semaphore_mem>>) src(%dma_wait3A_76 : memref<192xi32, #tpu.memory_space<hbm>>) dst(%arg9 : memref<192xi32, #tpu.memory_space<vmem>>)
            %get3A_77 = arith.constant 0 : index
            %get3A_78 = tpu.vector_load %arg8[%get3A_77] {strides = array<i32>} : memref<192xi32, #tpu.memory_space<vmem>>, vector<16xi32>,
            %get3A_79 = vector.shape_cast %get3A_78 : vector<16xi32> to vector<16xi32>
            %get3A_80 = arith.constant 0 : index
            %get3A_81 = tpu.vector_load %arg9[%get3A_80] {strides = array<i32>} : memref<192xi32, #tpu.memory_space<vmem>>, vector<16xi32>,
            %get3A_82 = vector.shape_cast %get3A_81 : vector<16xi32> to vector<16xi32>
            %iota3A = tpu.iota {dimensions = array<i32: 0>} : vector<16xi32>
            %add3A_83 = arith.constant 0 : i32
            %add3A_84 = arith.addi %add3A_55, %add3A_83 : i32
            %add3A_85 = vector.broadcast %add3A_84 : i32 to vector<16xi32>
            %add3A_86 = arith.addi %iota3A, %add3A_85 : vector<16xi32>
            %lt3A_87 = vector.broadcast %squeeze3A : i32 to vector<16xi32>
            %lt3A_88 = arith.cmpi slt, %add3A_86, %lt3A_87 : vector<16xi32>
            %ge3A = vector.broadcast %mul3A_8 : i32 to vector<16xi32>
            %ge3A_89 = arith.cmpi sge, %get3A_79, %ge3A : vector<16xi32>
            %and3A = arith.andi %lt3A_88, %ge3A_89 : vector<16xi1>
            %add3A_90 = arith.constant 12544 : i32
            %add3A_91 = arith.addi %mul3A_8, %add3A_90 : i32
            %lt3A_92 = vector.broadcast %add3A_91 : i32 to vector<16xi32>
            %lt3A_93 = arith.cmpi slt, %get3A_79, %lt3A_92 : vector<16xi32>
            %and3A_94 = arith.andi %and3A, %lt3A_93 : vector<16xi1>
            %mul3A_95 = arith.constant 14 : i32
            %mul3A_96 = vector.broadcast %mul3A_95 : i32 to vector<16xi32>
            %mul3A_97 = arith.muli %get3A_82, %mul3A_96 : vector<16xi32>
            %add3A_98 = vector.broadcast %scan3A_41 : i32 to vector<16xi32>
            %add3A_99 = arith.addi %mul3A_97, %add3A_98 : vector<16xi32>
            %swap3A = arith.constant 0 : index
            %swap3A_100 = tpu.vector_load %arg10[%swap3A] {strides = array<i32>} : memref<192xi32, #tpu.memory_space<vmem>>, vector<16xi32>,
            %swap3A_101 = vector.shape_cast %swap3A_100 : vector<16xi32> to vector<16xi32>
            %swap3A_102 = vector.shape_cast %add3A_99 : vector<16xi32> to vector<16xi32>
            tpu.vector_store %arg10[%swap3A], %swap3A_102 {strides = array<i32>} : memref<192xi32, #tpu.memory_space<vmem>>, vector<16xi32>,
            %sub3A = vector.broadcast %mul3A_8 : i32 to vector<16xi32>
            %sub3A_103 = arith.subi %get3A_79, %sub3A : vector<16xi32>
            %jit3A = arith.constant 12544 : i32
            %broadcast_in_dim3A = vector.broadcast %jit3A : i32 to vector<16xi32>
            %select_n3A = arith.select %and3A_94, %sub3A_103, %broadcast_in_dim3A : vector<16xi1>, vector<16xi32>
            %swap3A_104 = arith.constant 0 : index
            %swap3A_105 = tpu.vector_load %arg11[%swap3A_104] {strides = array<i32>} : memref<192xi32, #tpu.memory_space<vmem>>, vector<16xi32>,
            %swap3A_106 = vector.shape_cast %swap3A_105 : vector<16xi32> to vector<16xi32>
            %swap3A_107 = vector.shape_cast %select_n3A : vector<16xi32> to vector<16xi32>
            tpu.vector_store %arg11[%swap3A_104], %swap3A_107 {strides = array<i32>} : memref<192xi32, #tpu.memory_space<vmem>>, vector<16xi32>,
            %get3A_108 = arith.constant 16 : index
            %get3A_109 = tpu.vector_load %arg8[%get3A_108] {strides = array<i32>} : memref<192xi32, #tpu.memory_space<vmem>>, vector<16xi32>,
            %get3A_110 = vector.shape_cast %get3A_109 : vector<16xi32> to vector<16xi32>
            %get3A_111 = arith.constant 16 : index
            %get3A_112 = tpu.vector_load %arg9[%get3A_111] {strides = array<i32>} : memref<192xi32, #tpu.memory_space<vmem>>, vector<16xi32>,
            %get3A_113 = vector.shape_cast %get3A_112 : vector<16xi32> to vector<16xi32>
            %iota3A_114 = tpu.iota {dimensions = array<i32: 0>} : vector<16xi32>
            %add3A_115 = arith.constant 16 : i32
            %add3A_116 = arith.addi %add3A_55, %add3A_115 : i32
            %add3A_117 = vector.broadcast %add3A_116 : i32 to vector<16xi32>
            %add3A_118 = arith.addi %iota3A_114, %add3A_117 : vector<16xi32>
            %lt3A_119 = vector.broadcast %squeeze3A : i32 to vector<16xi32>
            %lt3A_120 = arith.cmpi slt, %add3A_118, %lt3A_119 : vector<16xi32>
            %ge3A_121 = vector.broadcast %mul3A_8 : i32 to vector<16xi32>
            %ge3A_122 = arith.cmpi sge, %get3A_110, %ge3A_121 : vector<16xi32>
            %and3A_123 = arith.andi %lt3A_120, %ge3A_122 : vector<16xi1>
            %add3A_124 = arith.constant 12544 : i32
            %add3A_125 = arith.addi %mul3A_8, %add3A_124 : i32
            %lt3A_126 = vector.broadcast %add3A_125 : i32 to vector<16xi32>
            %lt3A_127 = arith.cmpi slt, %get3A_110, %lt3A_126 : vector<16xi32>
            %and3A_128 = arith.andi %and3A_123, %lt3A_127 : vector<16xi1>
            %mul3A_129 = arith.constant 14 : i32
            %mul3A_130 = vector.broadcast %mul3A_129 : i32 to vector<16xi32>
            %mul3A_131 = arith.muli %get3A_113, %mul3A_130 : vector<16xi32>
            %add3A_132 = vector.broadcast %scan3A_41 : i32 to vector<16xi32>
            %add3A_133 = arith.addi %mul3A_131, %add3A_132 : vector<16xi32>
            %swap3A_134 = arith.constant 16 : index
            %swap3A_135 = tpu.vector_load %arg10[%swap3A_134] {strides = array<i32>} : memref<192xi32, #tpu.memory_space<vmem>>, vector<16xi32>,
            %swap3A_136 = vector.shape_cast %swap3A_135 : vector<16xi32> to vector<16xi32>
            %swap3A_137 = vector.shape_cast %add3A_133 : vector<16xi32> to vector<16xi32>
            tpu.vector_store %arg10[%swap3A_134], %swap3A_137 {strides = array<i32>} : memref<192xi32, #tpu.memory_space<vmem>>, vector<16xi32>,
            %sub3A_138 = vector.broadcast %mul3A_8 : i32 to vector<16xi32>
            %sub3A_139 = arith.subi %get3A_110, %sub3A_138 : vector<16xi32>
            %jit3A_140 = arith.constant 12544 : i32
            %broadcast_in_dim3A_141 = vector.broadcast %jit3A_140 : i32 to vector<16xi32>
            %select_n3A_142 = arith.select %and3A_128, %sub3A_139, %broadcast_in_dim3A_141 : vector<16xi1>, vector<16xi32>
            %swap3A_143 = arith.constant 16 : index
            %swap3A_144 = tpu.vector_load %arg11[%swap3A_143] {strides = array<i32>} : memref<192xi32, #tpu.memory_space<vmem>>, vector<16xi32>,
            %swap3A_145 = vector.shape_cast %swap3A_144 : vector<16xi32> to vector<16xi32>
            %swap3A_146 = vector.shape_cast %select_n3A_142 : vector<16xi32> to vector<16xi32>
            tpu.vector_store %arg11[%swap3A_143], %swap3A_146 {strides = array<i32>} : memref<192xi32, #tpu.memory_space<vmem>>, vector<16xi32>,
            %get3A_147 = arith.constant 32 : index
            %get3A_148 = tpu.vector_load %arg8[%get3A_147] {strides = array<i32>} : memref<192xi32, #tpu.memory_space<vmem>>, vector<16xi32>,
            %get3A_149 = vector.shape_cast %get3A_148 : vector<16xi32> to vector<16xi32>
            %get3A_150 = arith.constant 32 : index
            %get3A_151 = tpu.vector_load %arg9[%get3A_150] {strides = array<i32>} : memref<192xi32, #tpu.memory_space<vmem>>, vector<16xi32>,
            %get3A_152 = vector.shape_cast %get3A_151 : vector<16xi32> to vector<16xi32>
            %iota3A_153 = tpu.iota {dimensions = array<i32: 0>} : vector<16xi32>
            %add3A_154 = arith.constant 32 : i32
            %add3A_155 = arith.addi %add3A_55, %add3A_154 : i32
            %add3A_156 = vector.broadcast %add3A_155 : i32 to vector<16xi32>
            %add3A_157 = arith.addi %iota3A_153, %add3A_156 : vector<16xi32>
            %lt3A_158 = vector.broadcast %squeeze3A : i32 to vector<16xi32>
            %lt3A_159 = arith.cmpi slt, %add3A_157, %lt3A_158 : vector<16xi32>
            %ge3A_160 = vector.broadcast %mul3A_8 : i32 to vector<16xi32>
            %ge3A_161 = arith.cmpi sge, %get3A_149, %ge3A_160 : vector<16xi32>
            %and3A_162 = arith.andi %lt3A_159, %ge3A_161 : vector<16xi1>
            %add3A_163 = arith.constant 12544 : i32
            %add3A_164 = arith.addi %mul3A_8, %add3A_163 : i32
            %lt3A_165 = vector.broadcast %add3A_164 : i32 to vector<16xi32>
            %lt3A_166 = arith.cmpi slt, %get3A_149, %lt3A_165 : vector<16xi32>
            %and3A_167 = arith.andi %and3A_162, %lt3A_166 : vector<16xi1>
            %mul3A_168 = arith.constant 14 : i32
            %mul3A_169 = vector.broadcast %mul3A_168 : i32 to vector<16xi32>
            %mul3A_170 = arith.muli %get3A_152, %mul3A_169 : vector<16xi32>
            %add3A_171 = vector.broadcast %scan3A_41 : i32 to vector<16xi32>
            %add3A_172 = arith.addi %mul3A_170, %add3A_171 : vector<16xi32>
            %swap3A_173 = arith.constant 32 : index
            %swap3A_174 = tpu.vector_load %arg10[%swap3A_173] {strides = array<i32>} : memref<192xi32, #tpu.memory_space<vmem>>, vector<16xi32>,
            %swap3A_175 = vector.shape_cast %swap3A_174 : vector<16xi32> to vector<16xi32>
            %swap3A_176 = vector.shape_cast %add3A_172 : vector<16xi32> to vector<16xi32>
            tpu.vector_store %arg10[%swap3A_173], %swap3A_176 {strides = array<i32>} : memref<192xi32, #tpu.memory_space<vmem>>, vector<16xi32>,
            %sub3A_177 = vector.broadcast %mul3A_8 : i32 to vector<16xi32>
            %sub3A_178 = arith.subi %get3A_149, %sub3A_177 : vector<16xi32>
            %jit3A_179 = arith.constant 12544 : i32
            %broadcast_in_dim3A_180 = vector.broadcast %jit3A_179 : i32 to vector<16xi32>
            %select_n3A_181 = arith.select %and3A_167, %sub3A_178, %broadcast_in_dim3A_180 : vector<16xi1>, vector<16xi32>
            %swap3A_182 = arith.constant 32 : index
            %swap3A_183 = tpu.vector_load %arg11[%swap3A_182] {strides = array<i32>} : memref<192xi32, #tpu.memory_space<vmem>>, vector<16xi32>,
            %swap3A_184 = vector.shape_cast %swap3A_183 : vector<16xi32> to vector<16xi32>
            %swap3A_185 = vector.shape_cast %select_n3A_181 : vector<16xi32> to vector<16xi32>
            tpu.vector_store %arg11[%swap3A_182], %swap3A_185 {strides = array<i32>} : memref<192xi32, #tpu.memory_space<vmem>>, vector<16xi32>,
            %get3A_186 = arith.constant 48 : index
            %get3A_187 = tpu.vector_load %arg8[%get3A_186] {strides = array<i32>} : memref<192xi32, #tpu.memory_space<vmem>>, vector<16xi32>,
            %get3A_188 = vector.shape_cast %get3A_187 : vector<16xi32> to vector<16xi32>
            %get3A_189 = arith.constant 48 : index
            %get3A_190 = tpu.vector_load %arg9[%get3A_189] {strides = array<i32>} : memref<192xi32, #tpu.memory_space<vmem>>, vector<16xi32>,
            %get3A_191 = vector.shape_cast %get3A_190 : vector<16xi32> to vector<16xi32>
            %iota3A_192 = tpu.iota {dimensions = array<i32: 0>} : vector<16xi32>
            %add3A_193 = arith.constant 48 : i32
            %add3A_194 = arith.addi %add3A_55, %add3A_193 : i32
            %add3A_195 = vector.broadcast %add3A_194 : i32 to vector<16xi32>
            %add3A_196 = arith.addi %iota3A_192, %add3A_195 : vector<16xi32>
            %lt3A_197 = vector.broadcast %squeeze3A : i32 to vector<16xi32>
            %lt3A_198 = arith.cmpi slt, %add3A_196, %lt3A_197 : vector<16xi32>
            %ge3A_199 = vector.broadcast %mul3A_8 : i32 to vector<16xi32>
            %ge3A_200 = arith.cmpi sge, %get3A_188, %ge3A_199 : vector<16xi32>
            %and3A_201 = arith.andi %lt3A_198, %ge3A_200 : vector<16xi1>
            %add3A_202 = arith.constant 12544 : i32
            %add3A_203 = arith.addi %mul3A_8, %add3A_202 : i32
            %lt3A_204 = vector.broadcast %add3A_203 : i32 to vector<16xi32>
            %lt3A_205 = arith.cmpi slt, %get3A_188, %lt3A_204 : vector<16xi32>
            %and3A_206 = arith.andi %and3A_201, %lt3A_205 : vector<16xi1>
            %mul3A_207 = arith.constant 14 : i32
            %mul3A_208 = vector.broadcast %mul3A_207 : i32 to vector<16xi32>
            %mul3A_209 = arith.muli %get3A_191, %mul3A_208 : vector<16xi32>
            %add3A_210 = vector.broadcast %scan3A_41 : i32 to vector<16xi32>
            %add3A_211 = arith.addi %mul3A_209, %add3A_210 : vector<16xi32>
            %swap3A_212 = arith.constant 48 : index
            %swap3A_213 = tpu.vector_load %arg10[%swap3A_212] {strides = array<i32>} : memref<192xi32, #tpu.memory_space<vmem>>, vector<16xi32>,
            %swap3A_214 = vector.shape_cast %swap3A_213 : vector<16xi32> to vector<16xi32>
            %swap3A_215 = vector.shape_cast %add3A_211 : vector<16xi32> to vector<16xi32>
            tpu.vector_store %arg10[%swap3A_212], %swap3A_215 {strides = array<i32>} : memref<192xi32, #tpu.memory_space<vmem>>, vector<16xi32>,
            %sub3A_216 = vector.broadcast %mul3A_8 : i32 to vector<16xi32>
            %sub3A_217 = arith.subi %get3A_188, %sub3A_216 : vector<16xi32>
            %jit3A_218 = arith.constant 12544 : i32
            %broadcast_in_dim3A_219 = vector.broadcast %jit3A_218 : i32 to vector<16xi32>
            %select_n3A_220 = arith.select %and3A_206, %sub3A_217, %broadcast_in_dim3A_219 : vector<16xi1>, vector<16xi32>
            %swap3A_221 = arith.constant 48 : index
            %swap3A_222 = tpu.vector_load %arg11[%swap3A_221] {strides = array<i32>} : memref<192xi32, #tpu.memory_space<vmem>>, vector<16xi32>,
            %swap3A_223 = vector.shape_cast %swap3A_222 : vector<16xi32> to vector<16xi32>
            %swap3A_224 = vector.shape_cast %select_n3A_220 : vector<16xi32> to vector<16xi32>
            tpu.vector_store %arg11[%swap3A_221], %swap3A_224 {strides = array<i32>} : memref<192xi32, #tpu.memory_space<vmem>>, vector<16xi32>,
            %get3A_225 = arith.constant 64 : index
            %get3A_226 = tpu.vector_load %arg8[%get3A_225] {strides = array<i32>} : memref<192xi32, #tpu.memory_space<vmem>>, vector<16xi32>,
            %get3A_227 = vector.shape_cast %get3A_226 : vector<16xi32> to vector<16xi32>
            %get3A_228 = arith.constant 64 : index
            %get3A_229 = tpu.vector_load %arg9[%get3A_228] {strides = array<i32>} : memref<192xi32, #tpu.memory_space<vmem>>, vector<16xi32>,
            %get3A_230 = vector.shape_cast %get3A_229 : vector<16xi32> to vector<16xi32>
            %iota3A_231 = tpu.iota {dimensions = array<i32: 0>} : vector<16xi32>
            %add3A_232 = arith.constant 64 : i32
            %add3A_233 = arith.addi %add3A_55, %add3A_232 : i32
            %add3A_234 = vector.broadcast %add3A_233 : i32 to vector<16xi32>
            %add3A_235 = arith.addi %iota3A_231, %add3A_234 : vector<16xi32>
            %lt3A_236 = vector.broadcast %squeeze3A : i32 to vector<16xi32>
            %lt3A_237 = arith.cmpi slt, %add3A_235, %lt3A_236 : vector<16xi32>
            %ge3A_238 = vector.broadcast %mul3A_8 : i32 to vector<16xi32>
            %ge3A_239 = arith.cmpi sge, %get3A_227, %ge3A_238 : vector<16xi32>
            %and3A_240 = arith.andi %lt3A_237, %ge3A_239 : vector<16xi1>
            %add3A_241 = arith.constant 12544 : i32
            %add3A_242 = arith.addi %mul3A_8, %add3A_241 : i32
            %lt3A_243 = vector.broadcast %add3A_242 : i32 to vector<16xi32>
            %lt3A_244 = arith.cmpi slt, %get3A_227, %lt3A_243 : vector<16xi32>
            %and3A_245 = arith.andi %and3A_240, %lt3A_244 : vector<16xi1>
            %mul3A_246 = arith.constant 14 : i32
            %mul3A_247 = vector.broadcast %mul3A_246 : i32 to vector<16xi32>
            %mul3A_248 = arith.muli %get3A_230, %mul3A_247 : vector<16xi32>
            %add3A_249 = vector.broadcast %scan3A_41 : i32 to vector<16xi32>
            %add3A_250 = arith.addi %mul3A_248, %add3A_249 : vector<16xi32>
            %swap3A_251 = arith.constant 64 : index
            %swap3A_252 = tpu.vector_load %arg10[%swap3A_251] {strides = array<i32>} : memref<192xi32, #tpu.memory_space<vmem>>, vector<16xi32>,
            %swap3A_253 = vector.shape_cast %swap3A_252 : vector<16xi32> to vector<16xi32>
            %swap3A_254 = vector.shape_cast %add3A_250 : vector<16xi32> to vector<16xi32>
            tpu.vector_store %arg10[%swap3A_251], %swap3A_254 {strides = array<i32>} : memref<192xi32, #tpu.memory_space<vmem>>, vector<16xi32>,
            %sub3A_255 = vector.broadcast %mul3A_8 : i32 to vector<16xi32>
            %sub3A_256 = arith.subi %get3A_227, %sub3A_255 : vector<16xi32>
            %jit3A_257 = arith.constant 12544 : i32
            %broadcast_in_dim3A_258 = vector.broadcast %jit3A_257 : i32 to vector<16xi32>
            %select_n3A_259 = arith.select %and3A_245, %sub3A_256, %broadcast_in_dim3A_258 : vector<16xi1>, vector<16xi32>
            %swap3A_260 = arith.constant 64 : index
            %swap3A_261 = tpu.vector_load %arg11[%swap3A_260] {strides = array<i32>} : memref<192xi32, #tpu.memory_space<vmem>>, vector<16xi32>,
            %swap3A_262 = vector.shape_cast %swap3A_261 : vector<16xi32> to vector<16xi32>
            %swap3A_263 = vector.shape_cast %select_n3A_259 : vector<16xi32> to vector<16xi32>
            tpu.vector_store %arg11[%swap3A_260], %swap3A_263 {strides = array<i32>} : memref<192xi32, #tpu.memory_space<vmem>>, vector<16xi32>,
            %get3A_264 = arith.constant 80 : index
            %get3A_265 = tpu.vector_load %arg8[%get3A_264] {strides = array<i32>} : memref<192xi32, #tpu.memory_space<vmem>>, vector<16xi32>,
            %get3A_266 = vector.shape_cast %get3A_265 : vector<16xi32> to vector<16xi32>
            %get3A_267 = arith.constant 80 : index
            %get3A_268 = tpu.vector_load %arg9[%get3A_267] {strides = array<i32>} : memref<192xi32, #tpu.memory_space<vmem>>, vector<16xi32>,
            %get3A_269 = vector.shape_cast %get3A_268 : vector<16xi32> to vector<16xi32>
            %iota3A_270 = tpu.iota {dimensions = array<i32: 0>} : vector<16xi32>
            %add3A_271 = arith.constant 80 : i32
            %add3A_272 = arith.addi %add3A_55, %add3A_271 : i32
            %add3A_273 = vector.broadcast %add3A_272 : i32 to vector<16xi32>
            %add3A_274 = arith.addi %iota3A_270, %add3A_273 : vector<16xi32>
            %lt3A_275 = vector.broadcast %squeeze3A : i32 to vector<16xi32>
            %lt3A_276 = arith.cmpi slt, %add3A_274, %lt3A_275 : vector<16xi32>
            %ge3A_277 = vector.broadcast %mul3A_8 : i32 to vector<16xi32>
            %ge3A_278 = arith.cmpi sge, %get3A_266, %ge3A_277 : vector<16xi32>
            %and3A_279 = arith.andi %lt3A_276, %ge3A_278 : vector<16xi1>
            %add3A_280 = arith.constant 12544 : i32
            %add3A_281 = arith.addi %mul3A_8, %add3A_280 : i32
            %lt3A_282 = vector.broadcast %add3A_281 : i32 to vector<16xi32>
            %lt3A_283 = arith.cmpi slt, %get3A_266, %lt3A_282 : vector<16xi32>
            %and3A_284 = arith.andi %and3A_279, %lt3A_283 : vector<16xi1>
            %mul3A_285 = arith.constant 14 : i32
            %mul3A_286 = vector.broadcast %mul3A_285 : i32 to vector<16xi32>
            %mul3A_287 = arith.muli %get3A_269, %mul3A_286 : vector<16xi32>
            %add3A_288 = vector.broadcast %scan3A_41 : i32 to vector<16xi32>
            %add3A_289 = arith.addi %mul3A_287, %add3A_288 : vector<16xi32>
            %swap3A_290 = arith.constant 80 : index
            %swap3A_291 = tpu.vector_load %arg10[%swap3A_290] {strides = array<i32>} : memref<192xi32, #tpu.memory_space<vmem>>, vector<16xi32>,
            %swap3A_292 = vector.shape_cast %swap3A_291 : vector<16xi32> to vector<16xi32>
            %swap3A_293 = vector.shape_cast %add3A_289 : vector<16xi32> to vector<16xi32>
            tpu.vector_store %arg10[%swap3A_290], %swap3A_293 {strides = array<i32>} : memref<192xi32, #tpu.memory_space<vmem>>, vector<16xi32>,
            %sub3A_294 = vector.broadcast %mul3A_8 : i32 to vector<16xi32>
            %sub3A_295 = arith.subi %get3A_266, %sub3A_294 : vector<16xi32>
            %jit3A_296 = arith.constant 12544 : i32
            %broadcast_in_dim3A_297 = vector.broadcast %jit3A_296 : i32 to vector<16xi32>
            %select_n3A_298 = arith.select %and3A_284, %sub3A_295, %broadcast_in_dim3A_297 : vector<16xi1>, vector<16xi32>
            %swap3A_299 = arith.constant 80 : index
            %swap3A_300 = tpu.vector_load %arg11[%swap3A_299] {strides = array<i32>} : memref<192xi32, #tpu.memory_space<vmem>>, vector<16xi32>,
            %swap3A_301 = vector.shape_cast %swap3A_300 : vector<16xi32> to vector<16xi32>
            %swap3A_302 = vector.shape_cast %select_n3A_298 : vector<16xi32> to vector<16xi32>
            tpu.vector_store %arg11[%swap3A_299], %swap3A_302 {strides = array<i32>} : memref<192xi32, #tpu.memory_space<vmem>>, vector<16xi32>,
            %get3A_303 = arith.constant 96 : index
            %get3A_304 = tpu.vector_load %arg8[%get3A_303] {strides = array<i32>} : memref<192xi32, #tpu.memory_space<vmem>>, vector<16xi32>,
            %get3A_305 = vector.shape_cast %get3A_304 : vector<16xi32> to vector<16xi32>
            %get3A_306 = arith.constant 96 : index
            %get3A_307 = tpu.vector_load %arg9[%get3A_306] {strides = array<i32>} : memref<192xi32, #tpu.memory_space<vmem>>, vector<16xi32>,
            %get3A_308 = vector.shape_cast %get3A_307 : vector<16xi32> to vector<16xi32>
            %iota3A_309 = tpu.iota {dimensions = array<i32: 0>} : vector<16xi32>
            %add3A_310 = arith.constant 96 : i32
            %add3A_311 = arith.addi %add3A_55, %add3A_310 : i32
            %add3A_312 = vector.broadcast %add3A_311 : i32 to vector<16xi32>
            %add3A_313 = arith.addi %iota3A_309, %add3A_312 : vector<16xi32>
            %lt3A_314 = vector.broadcast %squeeze3A : i32 to vector<16xi32>
            %lt3A_315 = arith.cmpi slt, %add3A_313, %lt3A_314 : vector<16xi32>
            %ge3A_316 = vector.broadcast %mul3A_8 : i32 to vector<16xi32>
            %ge3A_317 = arith.cmpi sge, %get3A_305, %ge3A_316 : vector<16xi32>
            %and3A_318 = arith.andi %lt3A_315, %ge3A_317 : vector<16xi1>
            %add3A_319 = arith.constant 12544 : i32
            %add3A_320 = arith.addi %mul3A_8, %add3A_319 : i32
            %lt3A_321 = vector.broadcast %add3A_320 : i32 to vector<16xi32>
            %lt3A_322 = arith.cmpi slt, %get3A_305, %lt3A_321 : vector<16xi32>
            %and3A_323 = arith.andi %and3A_318, %lt3A_322 : vector<16xi1>
            %mul3A_324 = arith.constant 14 : i32
            %mul3A_325 = vector.broadcast %mul3A_324 : i32 to vector<16xi32>
            %mul3A_326 = arith.muli %get3A_308, %mul3A_325 : vector<16xi32>
            %add3A_327 = vector.broadcast %scan3A_41 : i32 to vector<16xi32>
            %add3A_328 = arith.addi %mul3A_326, %add3A_327 : vector<16xi32>
            %swap3A_329 = arith.constant 96 : index
            %swap3A_330 = tpu.vector_load %arg10[%swap3A_329] {strides = array<i32>} : memref<192xi32, #tpu.memory_space<vmem>>, vector<16xi32>,
            %swap3A_331 = vector.shape_cast %swap3A_330 : vector<16xi32> to vector<16xi32>
            %swap3A_332 = vector.shape_cast %add3A_328 : vector<16xi32> to vector<16xi32>
            tpu.vector_store %arg10[%swap3A_329], %swap3A_332 {strides = array<i32>} : memref<192xi32, #tpu.memory_space<vmem>>, vector<16xi32>,
            %sub3A_333 = vector.broadcast %mul3A_8 : i32 to vector<16xi32>
            %sub3A_334 = arith.subi %get3A_305, %sub3A_333 : vector<16xi32>
            %jit3A_335 = arith.constant 12544 : i32
            %broadcast_in_dim3A_336 = vector.broadcast %jit3A_335 : i32 to vector<16xi32>
            %select_n3A_337 = arith.select %and3A_323, %sub3A_334, %broadcast_in_dim3A_336 : vector<16xi1>, vector<16xi32>
            %swap3A_338 = arith.constant 96 : index
            %swap3A_339 = tpu.vector_load %arg11[%swap3A_338] {strides = array<i32>} : memref<192xi32, #tpu.memory_space<vmem>>, vector<16xi32>,
            %swap3A_340 = vector.shape_cast %swap3A_339 : vector<16xi32> to vector<16xi32>
            %swap3A_341 = vector.shape_cast %select_n3A_337 : vector<16xi32> to vector<16xi32>
            tpu.vector_store %arg11[%swap3A_338], %swap3A_341 {strides = array<i32>} : memref<192xi32, #tpu.memory_space<vmem>>, vector<16xi32>,
            %get3A_342 = arith.constant 112 : index
            %get3A_343 = tpu.vector_load %arg8[%get3A_342] {strides = array<i32>} : memref<192xi32, #tpu.memory_space<vmem>>, vector<16xi32>,
            %get3A_344 = vector.shape_cast %get3A_343 : vector<16xi32> to vector<16xi32>
            %get3A_345 = arith.constant 112 : index
            %get3A_346 = tpu.vector_load %arg9[%get3A_345] {strides = array<i32>} : memref<192xi32, #tpu.memory_space<vmem>>, vector<16xi32>,
            %get3A_347 = vector.shape_cast %get3A_346 : vector<16xi32> to vector<16xi32>
            %iota3A_348 = tpu.iota {dimensions = array<i32: 0>} : vector<16xi32>
            %add3A_349 = arith.constant 112 : i32
            %add3A_350 = arith.addi %add3A_55, %add3A_349 : i32
            %add3A_351 = vector.broadcast %add3A_350 : i32 to vector<16xi32>
            %add3A_352 = arith.addi %iota3A_348, %add3A_351 : vector<16xi32>
            %lt3A_353 = vector.broadcast %squeeze3A : i32 to vector<16xi32>
            %lt3A_354 = arith.cmpi slt, %add3A_352, %lt3A_353 : vector<16xi32>
            %ge3A_355 = vector.broadcast %mul3A_8 : i32 to vector<16xi32>
            %ge3A_356 = arith.cmpi sge, %get3A_344, %ge3A_355 : vector<16xi32>
            %and3A_357 = arith.andi %lt3A_354, %ge3A_356 : vector<16xi1>
            %add3A_358 = arith.constant 12544 : i32
            %add3A_359 = arith.addi %mul3A_8, %add3A_358 : i32
            %lt3A_360 = vector.broadcast %add3A_359 : i32 to vector<16xi32>
            %lt3A_361 = arith.cmpi slt, %get3A_344, %lt3A_360 : vector<16xi32>
            %and3A_362 = arith.andi %and3A_357, %lt3A_361 : vector<16xi1>
            %mul3A_363 = arith.constant 14 : i32
            %mul3A_364 = vector.broadcast %mul3A_363 : i32 to vector<16xi32>
            %mul3A_365 = arith.muli %get3A_347, %mul3A_364 : vector<16xi32>
            %add3A_366 = vector.broadcast %scan3A_41 : i32 to vector<16xi32>
            %add3A_367 = arith.addi %mul3A_365, %add3A_366 : vector<16xi32>
            %swap3A_368 = arith.constant 112 : index
            %swap3A_369 = tpu.vector_load %arg10[%swap3A_368] {strides = array<i32>} : memref<192xi32, #tpu.memory_space<vmem>>, vector<16xi32>,
            %swap3A_370 = vector.shape_cast %swap3A_369 : vector<16xi32> to vector<16xi32>
            %swap3A_371 = vector.shape_cast %add3A_367 : vector<16xi32> to vector<16xi32>
            tpu.vector_store %arg10[%swap3A_368], %swap3A_371 {strides = array<i32>} : memref<192xi32, #tpu.memory_space<vmem>>, vector<16xi32>,
            %sub3A_372 = vector.broadcast %mul3A_8 : i32 to vector<16xi32>
            %sub3A_373 = arith.subi %get3A_344, %sub3A_372 : vector<16xi32>
            %jit3A_374 = arith.constant 12544 : i32
            %broadcast_in_dim3A_375 = vector.broadcast %jit3A_374 : i32 to vector<16xi32>
            %select_n3A_376 = arith.select %and3A_362, %sub3A_373, %broadcast_in_dim3A_375 : vector<16xi1>, vector<16xi32>
            %swap3A_377 = arith.constant 112 : index
            %swap3A_378 = tpu.vector_load %arg11[%swap3A_377] {strides = array<i32>} : memref<192xi32, #tpu.memory_space<vmem>>, vector<16xi32>,
            %swap3A_379 = vector.shape_cast %swap3A_378 : vector<16xi32> to vector<16xi32>
            %swap3A_380 = vector.shape_cast %select_n3A_376 : vector<16xi32> to vector<16xi32>
            tpu.vector_store %arg11[%swap3A_377], %swap3A_380 {strides = array<i32>} : memref<192xi32, #tpu.memory_space<vmem>>, vector<16xi32>,
            %get3A_381 = arith.constant 128 : index
            %get3A_382 = tpu.vector_load %arg8[%get3A_381] {strides = array<i32>} : memref<192xi32, #tpu.memory_space<vmem>>, vector<16xi32>,
            %get3A_383 = vector.shape_cast %get3A_382 : vector<16xi32> to vector<16xi32>
            %get3A_384 = arith.constant 128 : index
            %get3A_385 = tpu.vector_load %arg9[%get3A_384] {strides = array<i32>} : memref<192xi32, #tpu.memory_space<vmem>>, vector<16xi32>,
            %get3A_386 = vector.shape_cast %get3A_385 : vector<16xi32> to vector<16xi32>
            %iota3A_387 = tpu.iota {dimensions = array<i32: 0>} : vector<16xi32>
            %add3A_388 = arith.constant 128 : i32
            %add3A_389 = arith.addi %add3A_55, %add3A_388 : i32
            %add3A_390 = vector.broadcast %add3A_389 : i32 to vector<16xi32>
            %add3A_391 = arith.addi %iota3A_387, %add3A_390 : vector<16xi32>
            %lt3A_392 = vector.broadcast %squeeze3A : i32 to vector<16xi32>
            %lt3A_393 = arith.cmpi slt, %add3A_391, %lt3A_392 : vector<16xi32>
            %ge3A_394 = vector.broadcast %mul3A_8 : i32 to vector<16xi32>
            %ge3A_395 = arith.cmpi sge, %get3A_383, %ge3A_394 : vector<16xi32>
            %and3A_396 = arith.andi %lt3A_393, %ge3A_395 : vector<16xi1>
            %add3A_397 = arith.constant 12544 : i32
            %add3A_398 = arith.addi %mul3A_8, %add3A_397 : i32
            %lt3A_399 = vector.broadcast %add3A_398 : i32 to vector<16xi32>
            %lt3A_400 = arith.cmpi slt, %get3A_383, %lt3A_399 : vector<16xi32>
            %and3A_401 = arith.andi %and3A_396, %lt3A_400 : vector<16xi1>
            %mul3A_402 = arith.constant 14 : i32
            %mul3A_403 = vector.broadcast %mul3A_402 : i32 to vector<16xi32>
            %mul3A_404 = arith.muli %get3A_386, %mul3A_403 : vector<16xi32>
            %add3A_405 = vector.broadcast %scan3A_41 : i32 to vector<16xi32>
            %add3A_406 = arith.addi %mul3A_404, %add3A_405 : vector<16xi32>
            %swap3A_407 = arith.constant 128 : index
            %swap3A_408 = tpu.vector_load %arg10[%swap3A_407] {strides = array<i32>} : memref<192xi32, #tpu.memory_space<vmem>>, vector<16xi32>,
            %swap3A_409 = vector.shape_cast %swap3A_408 : vector<16xi32> to vector<16xi32>
            %swap3A_410 = vector.shape_cast %add3A_406 : vector<16xi32> to vector<16xi32>
            tpu.vector_store %arg10[%swap3A_407], %swap3A_410 {strides = array<i32>} : memref<192xi32, #tpu.memory_space<vmem>>, vector<16xi32>,
            %sub3A_411 = vector.broadcast %mul3A_8 : i32 to vector<16xi32>
            %sub3A_412 = arith.subi %get3A_383, %sub3A_411 : vector<16xi32>
            %jit3A_413 = arith.constant 12544 : i32
            %broadcast_in_dim3A_414 = vector.broadcast %jit3A_413 : i32 to vector<16xi32>
            %select_n3A_415 = arith.select %and3A_401, %sub3A_412, %broadcast_in_dim3A_414 : vector<16xi1>, vector<16xi32>
            %swap3A_416 = arith.constant 128 : index
            %swap3A_417 = tpu.vector_load %arg11[%swap3A_416] {strides = array<i32>} : memref<192xi32, #tpu.memory_space<vmem>>, vector<16xi32>,
            %swap3A_418 = vector.shape_cast %swap3A_417 : vector<16xi32> to vector<16xi32>
            %swap3A_419 = vector.shape_cast %select_n3A_415 : vector<16xi32> to vector<16xi32>
            tpu.vector_store %arg11[%swap3A_416], %swap3A_419 {strides = array<i32>} : memref<192xi32, #tpu.memory_space<vmem>>, vector<16xi32>,
            %get3A_420 = arith.constant 144 : index
            %get3A_421 = tpu.vector_load %arg8[%get3A_420] {strides = array<i32>} : memref<192xi32, #tpu.memory_space<vmem>>, vector<16xi32>,
            %get3A_422 = vector.shape_cast %get3A_421 : vector<16xi32> to vector<16xi32>
            %get3A_423 = arith.constant 144 : index
            %get3A_424 = tpu.vector_load %arg9[%get3A_423] {strides = array<i32>} : memref<192xi32, #tpu.memory_space<vmem>>, vector<16xi32>,
            %get3A_425 = vector.shape_cast %get3A_424 : vector<16xi32> to vector<16xi32>
            %iota3A_426 = tpu.iota {dimensions = array<i32: 0>} : vector<16xi32>
            %add3A_427 = arith.constant 144 : i32
            %add3A_428 = arith.addi %add3A_55, %add3A_427 : i32
            %add3A_429 = vector.broadcast %add3A_428 : i32 to vector<16xi32>
            %add3A_430 = arith.addi %iota3A_426, %add3A_429 : vector<16xi32>
            %lt3A_431 = vector.broadcast %squeeze3A : i32 to vector<16xi32>
            %lt3A_432 = arith.cmpi slt, %add3A_430, %lt3A_431 : vector<16xi32>
            %ge3A_433 = vector.broadcast %mul3A_8 : i32 to vector<16xi32>
            %ge3A_434 = arith.cmpi sge, %get3A_422, %ge3A_433 : vector<16xi32>
            %and3A_435 = arith.andi %lt3A_432, %ge3A_434 : vector<16xi1>
            %add3A_436 = arith.constant 12544 : i32
            %add3A_437 = arith.addi %mul3A_8, %add3A_436 : i32
            %lt3A_438 = vector.broadcast %add3A_437 : i32 to vector<16xi32>
            %lt3A_439 = arith.cmpi slt, %get3A_422, %lt3A_438 : vector<16xi32>
            %and3A_440 = arith.andi %and3A_435, %lt3A_439 : vector<16xi1>
            %mul3A_441 = arith.constant 14 : i32
            %mul3A_442 = vector.broadcast %mul3A_441 : i32 to vector<16xi32>
            %mul3A_443 = arith.muli %get3A_425, %mul3A_442 : vector<16xi32>
            %add3A_444 = vector.broadcast %scan3A_41 : i32 to vector<16xi32>
            %add3A_445 = arith.addi %mul3A_443, %add3A_444 : vector<16xi32>
            %swap3A_446 = arith.constant 144 : index
            %swap3A_447 = tpu.vector_load %arg10[%swap3A_446] {strides = array<i32>} : memref<192xi32, #tpu.memory_space<vmem>>, vector<16xi32>,
            %swap3A_448 = vector.shape_cast %swap3A_447 : vector<16xi32> to vector<16xi32>
            %swap3A_449 = vector.shape_cast %add3A_445 : vector<16xi32> to vector<16xi32>
            tpu.vector_store %arg10[%swap3A_446], %swap3A_449 {strides = array<i32>} : memref<192xi32, #tpu.memory_space<vmem>>, vector<16xi32>,
            %sub3A_450 = vector.broadcast %mul3A_8 : i32 to vector<16xi32>
            %sub3A_451 = arith.subi %get3A_422, %sub3A_450 : vector<16xi32>
            %jit3A_452 = arith.constant 12544 : i32
            %broadcast_in_dim3A_453 = vector.broadcast %jit3A_452 : i32 to vector<16xi32>
            %select_n3A_454 = arith.select %and3A_440, %sub3A_451, %broadcast_in_dim3A_453 : vector<16xi1>, vector<16xi32>
            %swap3A_455 = arith.constant 144 : index
            %swap3A_456 = tpu.vector_load %arg11[%swap3A_455] {strides = array<i32>} : memref<192xi32, #tpu.memory_space<vmem>>, vector<16xi32>,
            %swap3A_457 = vector.shape_cast %swap3A_456 : vector<16xi32> to vector<16xi32>
            %swap3A_458 = vector.shape_cast %select_n3A_454 : vector<16xi32> to vector<16xi32>
            tpu.vector_store %arg11[%swap3A_455], %swap3A_458 {strides = array<i32>} : memref<192xi32, #tpu.memory_space<vmem>>, vector<16xi32>,
            %get3A_459 = arith.constant 160 : index
            %get3A_460 = tpu.vector_load %arg8[%get3A_459] {strides = array<i32>} : memref<192xi32, #tpu.memory_space<vmem>>, vector<16xi32>,
            %get3A_461 = vector.shape_cast %get3A_460 : vector<16xi32> to vector<16xi32>
            %get3A_462 = arith.constant 160 : index
            %get3A_463 = tpu.vector_load %arg9[%get3A_462] {strides = array<i32>} : memref<192xi32, #tpu.memory_space<vmem>>, vector<16xi32>,
            %get3A_464 = vector.shape_cast %get3A_463 : vector<16xi32> to vector<16xi32>
            %iota3A_465 = tpu.iota {dimensions = array<i32: 0>} : vector<16xi32>
            %add3A_466 = arith.constant 160 : i32
            %add3A_467 = arith.addi %add3A_55, %add3A_466 : i32
            %add3A_468 = vector.broadcast %add3A_467 : i32 to vector<16xi32>
            %add3A_469 = arith.addi %iota3A_465, %add3A_468 : vector<16xi32>
            %lt3A_470 = vector.broadcast %squeeze3A : i32 to vector<16xi32>
            %lt3A_471 = arith.cmpi slt, %add3A_469, %lt3A_470 : vector<16xi32>
            %ge3A_472 = vector.broadcast %mul3A_8 : i32 to vector<16xi32>
            %ge3A_473 = arith.cmpi sge, %get3A_461, %ge3A_472 : vector<16xi32>
            %and3A_474 = arith.andi %lt3A_471, %ge3A_473 : vector<16xi1>
            %add3A_475 = arith.constant 12544 : i32
            %add3A_476 = arith.addi %mul3A_8, %add3A_475 : i32
            %lt3A_477 = vector.broadcast %add3A_476 : i32 to vector<16xi32>
            %lt3A_478 = arith.cmpi slt, %get3A_461, %lt3A_477 : vector<16xi32>
            %and3A_479 = arith.andi %and3A_474, %lt3A_478 : vector<16xi1>
            %mul3A_480 = arith.constant 14 : i32
            %mul3A_481 = vector.broadcast %mul3A_480 : i32 to vector<16xi32>
            %mul3A_482 = arith.muli %get3A_464, %mul3A_481 : vector<16xi32>
            %add3A_483 = vector.broadcast %scan3A_41 : i32 to vector<16xi32>
            %add3A_484 = arith.addi %mul3A_482, %add3A_483 : vector<16xi32>
            %swap3A_485 = arith.constant 160 : index
            %swap3A_486 = tpu.vector_load %arg10[%swap3A_485] {strides = array<i32>} : memref<192xi32, #tpu.memory_space<vmem>>, vector<16xi32>,
            %swap3A_487 = vector.shape_cast %swap3A_486 : vector<16xi32> to vector<16xi32>
            %swap3A_488 = vector.shape_cast %add3A_484 : vector<16xi32> to vector<16xi32>
            tpu.vector_store %arg10[%swap3A_485], %swap3A_488 {strides = array<i32>} : memref<192xi32, #tpu.memory_space<vmem>>, vector<16xi32>,
            %sub3A_489 = vector.broadcast %mul3A_8 : i32 to vector<16xi32>
            %sub3A_490 = arith.subi %get3A_461, %sub3A_489 : vector<16xi32>
            %jit3A_491 = arith.constant 12544 : i32
            %broadcast_in_dim3A_492 = vector.broadcast %jit3A_491 : i32 to vector<16xi32>
            %select_n3A_493 = arith.select %and3A_479, %sub3A_490, %broadcast_in_dim3A_492 : vector<16xi1>, vector<16xi32>
            %swap3A_494 = arith.constant 160 : index
            %swap3A_495 = tpu.vector_load %arg11[%swap3A_494] {strides = array<i32>} : memref<192xi32, #tpu.memory_space<vmem>>, vector<16xi32>,
            %swap3A_496 = vector.shape_cast %swap3A_495 : vector<16xi32> to vector<16xi32>
            %swap3A_497 = vector.shape_cast %select_n3A_493 : vector<16xi32> to vector<16xi32>
            tpu.vector_store %arg11[%swap3A_494], %swap3A_497 {strides = array<i32>} : memref<192xi32, #tpu.memory_space<vmem>>, vector<16xi32>,
            %get3A_498 = arith.constant 176 : index
            %get3A_499 = tpu.vector_load %arg8[%get3A_498] {strides = array<i32>} : memref<192xi32, #tpu.memory_space<vmem>>, vector<16xi32>,
            %get3A_500 = vector.shape_cast %get3A_499 : vector<16xi32> to vector<16xi32>
            %get3A_501 = arith.constant 176 : index
            %get3A_502 = tpu.vector_load %arg9[%get3A_501] {strides = array<i32>} : memref<192xi32, #tpu.memory_space<vmem>>, vector<16xi32>,
            %get3A_503 = vector.shape_cast %get3A_502 : vector<16xi32> to vector<16xi32>
            %iota3A_504 = tpu.iota {dimensions = array<i32: 0>} : vector<16xi32>
            %add3A_505 = arith.constant 176 : i32
            %add3A_506 = arith.addi %add3A_55, %add3A_505 : i32
            %add3A_507 = vector.broadcast %add3A_506 : i32 to vector<16xi32>
            %add3A_508 = arith.addi %iota3A_504, %add3A_507 : vector<16xi32>
            %lt3A_509 = vector.broadcast %squeeze3A : i32 to vector<16xi32>
            %lt3A_510 = arith.cmpi slt, %add3A_508, %lt3A_509 : vector<16xi32>
            %ge3A_511 = vector.broadcast %mul3A_8 : i32 to vector<16xi32>
            %ge3A_512 = arith.cmpi sge, %get3A_500, %ge3A_511 : vector<16xi32>
            %and3A_513 = arith.andi %lt3A_510, %ge3A_512 : vector<16xi1>
            %add3A_514 = arith.constant 12544 : i32
            %add3A_515 = arith.addi %mul3A_8, %add3A_514 : i32
            %lt3A_516 = vector.broadcast %add3A_515 : i32 to vector<16xi32>
            %lt3A_517 = arith.cmpi slt, %get3A_500, %lt3A_516 : vector<16xi32>
            %and3A_518 = arith.andi %and3A_513, %lt3A_517 : vector<16xi1>
            %mul3A_519 = arith.constant 14 : i32
            %mul3A_520 = vector.broadcast %mul3A_519 : i32 to vector<16xi32>
            %mul3A_521 = arith.muli %get3A_503, %mul3A_520 : vector<16xi32>
            %add3A_522 = vector.broadcast %scan3A_41 : i32 to vector<16xi32>
            %add3A_523 = arith.addi %mul3A_521, %add3A_522 : vector<16xi32>
            %swap3A_524 = arith.constant 176 : index
            %swap3A_525 = tpu.vector_load %arg10[%swap3A_524] {strides = array<i32>} : memref<192xi32, #tpu.memory_space<vmem>>, vector<16xi32>,
            %swap3A_526 = vector.shape_cast %swap3A_525 : vector<16xi32> to vector<16xi32>
            %swap3A_527 = vector.shape_cast %add3A_523 : vector<16xi32> to vector<16xi32>
            tpu.vector_store %arg10[%swap3A_524], %swap3A_527 {strides = array<i32>} : memref<192xi32, #tpu.memory_space<vmem>>, vector<16xi32>,
            %sub3A_528 = vector.broadcast %mul3A_8 : i32 to vector<16xi32>
            %sub3A_529 = arith.subi %get3A_500, %sub3A_528 : vector<16xi32>
            %jit3A_530 = arith.constant 12544 : i32
            %broadcast_in_dim3A_531 = vector.broadcast %jit3A_530 : i32 to vector<16xi32>
            %select_n3A_532 = arith.select %and3A_518, %sub3A_529, %broadcast_in_dim3A_531 : vector<16xi1>, vector<16xi32>
            %swap3A_533 = arith.constant 176 : index
            %swap3A_534 = tpu.vector_load %arg11[%swap3A_533] {strides = array<i32>} : memref<192xi32, #tpu.memory_space<vmem>>, vector<16xi32>,
            %swap3A_535 = vector.shape_cast %swap3A_534 : vector<16xi32> to vector<16xi32>
            %swap3A_536 = vector.shape_cast %select_n3A_532 : vector<16xi32> to vector<16xi32>
            tpu.vector_store %arg11[%swap3A_533], %swap3A_536 {strides = array<i32>} : memref<192xi32, #tpu.memory_space<vmem>>, vector<16xi32>,
            %dma_start3A_537 = arith.constant 0 : i32
            %dma_start3A_538 = arith.constant 0 : i32
            %dma_start3A_539 = tpu.memref_slice %arg2[%dma_start3A_537, %dma_start3A_538] : memref<1404928x128xf32, #tpu.memory_space<hbm>> -> memref<1404928x128xf32, #tpu.memory_space<hbm>>
            tpu.enqueue_indirect_dma source(%dma_start3A_539 : memref<1404928x128xf32, #tpu.memory_space<hbm>>) target(%arg12 : memref<192x128xf32, #tpu.memory_space<vmem>>) offsets(%arg10 : memref<192xi32, #tpu.memory_space<vmem>>) semaphore(%arg14 : memref<!tpu.dma_semaphore, #tpu.memory_space<semaphore_mem>>)
            %dma_wait3A_540 = arith.constant 0 : i32
            %dma_wait3A_541 = arith.constant 0 : i32
            %dma_wait3A_542 = tpu.memref_slice %arg2[%dma_wait3A_540, %dma_wait3A_541] : memref<1404928x128xf32, #tpu.memory_space<hbm>> -> memref<1404928x128xf32, #tpu.memory_space<hbm>>
            tpu.wait_indirect_dma semaphore(%arg14 : memref<!tpu.dma_semaphore, #tpu.memory_space<semaphore_mem>>) src(%dma_wait3A_542 : memref<1404928x128xf32, #tpu.memory_space<hbm>>) dst(%arg12 : memref<192x128xf32, #tpu.memory_space<vmem>>)
            %dma_start3A_543 = arith.constant 0 : i32
            %dma_start3A_544 = arith.constant 0 : i32
            %dma_start3A_545 = tpu.memref_slice %arg7[%dma_start3A_543, %dma_start3A_544] : memref<12552x128xf32, #tpu.memory_space<vmem_shared>> -> memref<12552x128xf32, #tpu.memory_space<vmem_shared>>
            tpu.enqueue_indirect_dma source(%arg12 : memref<192x128xf32, #tpu.memory_space<vmem>>) target(%dma_start3A_545 : memref<12552x128xf32, #tpu.memory_space<vmem_shared>>) offsets(%arg11 : memref<192xi32, #tpu.memory_space<vmem>>) semaphore(%arg14 : memref<!tpu.dma_semaphore, #tpu.memory_space<semaphore_mem>>) {add = true}
            %dma_wait3A_546 = arith.constant 0 : i32
            %dma_wait3A_547 = arith.constant 0 : i32
            %dma_wait3A_548 = tpu.memref_slice %arg7[%dma_wait3A_546, %dma_wait3A_547] : memref<12552x128xf32, #tpu.memory_space<vmem_shared>> -> memref<12552x128xf32, #tpu.memory_space<vmem_shared>>
            tpu.wait_indirect_dma semaphore(%arg14 : memref<!tpu.dma_semaphore, #tpu.memory_space<semaphore_mem>>) src(%arg12 : memref<192x128xf32, #tpu.memory_space<vmem>>) dst(%dma_wait3A_548 : memref<12552x128xf32, #tpu.memory_space<vmem_shared>>)
          } else {
          }
        }
        %scan3A_51 = arith.constant 66 : i32
      }
      %scan3A_25 = arith.constant 14 : i32
      %barrier3A_26 = arith.constant 0 : index
      tpu.barrier barrier_id(%barrier3A_26)
      %mul3A_27 = arith.constant 784 : i32
      %mul3A_28 = arith.muli %arg1, %mul3A_27 : i32
      %mul3A_29 = arith.constant 784 : i32
      %mul3A_30 = arith.muli %arg1, %mul3A_29 : i32
      %add3A_31 = arith.addi %mul3A_8, %mul3A_30 : i32
      %dma_start3A_32 = arith.constant 0 : i32
      %dma_start3A_33 = tpu.memref_slice %arg6[%add3A_31, %dma_start3A_32] : memref<100352x128xf32, #tpu.memory_space<hbm>> -> memref<784x128xf32, #tpu.memory_space<hbm>>
      %dma_start3A_34 = arith.constant 0 : i32
      %dma_start3A_35 = tpu.memref_slice %arg7[%mul3A_28, %dma_start3A_34] : memref<12552x128xf32, #tpu.memory_space<vmem_shared>> -> memref<784x128xf32, #tpu.memory_space<vmem_shared>>
      tpu.enqueue_dma source(%dma_start3A_35 : memref<784x128xf32, #tpu.memory_space<vmem_shared>>) target(%dma_start3A_33 : memref<784x128xf32, #tpu.memory_space<hbm>>) target_semaphore(%arg14 : memref<!tpu.dma_semaphore, #tpu.memory_space<semaphore_mem>>)
      %dma_wait3A_36 = arith.constant 0 : i32
      %dma_wait3A_37 = tpu.memref_slice %arg6[%add3A_31, %dma_wait3A_36] : memref<100352x128xf32, #tpu.memory_space<hbm>> -> memref<784x128xf32, #tpu.memory_space<hbm>>
      %dma_wait3A_38 = arith.constant 0 : i32
      %dma_wait3A_39 = tpu.memref_slice %arg7[%mul3A_28, %dma_wait3A_38] : memref<12552x128xf32, #tpu.memory_space<vmem_shared>> -> memref<784x128xf32, #tpu.memory_space<vmem_shared>>
      tpu.wait_dma2 semaphore(%arg14 : memref<!tpu.dma_semaphore, #tpu.memory_space<semaphore_mem>>) src(%dma_wait3A_39 : memref<784x128xf32, #tpu.memory_space<vmem_shared>>) dst(%dma_wait3A_37 : memref<784x128xf32, #tpu.memory_space<hbm>>)
      %barrier3A_40 = arith.constant 0 : index
      tpu.barrier barrier_id(%barrier3A_40)
    }
    %scan3A_4 = arith.constant 4 : i32
    return
  }
}

#map = affine_map<(d0, d1) -> (0, 0)>
#map1 = affine_map<(d0, d1) -> (0)>
module attributes {stable_mosaic.version = 14 : i64} {
  func.func @body(%arg0: i32, %arg1: i32, %arg2: memref<1404928x128xf32, #tpu.memory_space<hbm>>, %arg3: memref<100352x128xf32, #tpu.memory_space<hbm>>, %arg4: memref<5677056xi32, #tpu.memory_space<hbm>>, %arg5: memref<32xi32, #tpu.memory_space<hbm>>, %arg6: memref<100352x128xf32, #tpu.memory_space<hbm>>, %arg7: memref<12552x128xf32, #tpu.memory_space<vmem_shared>>, %arg8: memref<192xi32, #tpu.memory_space<vmem>>, %arg9: memref<192xi32, #tpu.memory_space<vmem>>, %arg10: memref<192xi32, #tpu.memory_space<vmem>>, %arg11: memref<192xi32, #tpu.memory_space<vmem>>, %arg12: memref<192x128xf32, #tpu.memory_space<vmem>>, %arg13: memref<32xi32, #tpu.memory_space<vmem>>, %arg14: memref<!tpu.dma_semaphore, #tpu.memory_space<semaphore_mem>>) attributes {dimension_semantics = [#tpu.dimension_semantics<core_parallel>, #tpu.dimension_semantics<subcore_parallel>], iteration_bounds = array<i64: 2, 16>, scalar_prefetch = 0 : i64, scratch_operands = 8 : i64, tpu.core_type = #tpu.core_type<sc_vector_subcore>, window_params = [{transform_indices = #map}, {transform_indices = #map}, {transform_indices = #map1}, {transform_indices = #map1}, {transform_indices = #map}]} {
    tpu.enqueue_dma source(%arg5 : memref<32xi32, #tpu.memory_space<hbm>>) target(%arg13 : memref<32xi32, #tpu.memory_space<vmem>>) target_semaphore(%arg14 : memref<!tpu.dma_semaphore, #tpu.memory_space<semaphore_mem>>)
    tpu.wait_dma2 semaphore(%arg14 : memref<!tpu.dma_semaphore, #tpu.memory_space<semaphore_mem>>) src(%arg5 : memref<32xi32, #tpu.memory_space<hbm>>) dst(%arg13 : memref<32xi32, #tpu.memory_space<vmem>>)
    %scan3A = arith.constant 0 : i32
    %scan3A_0 = arith.constant 0 : i32
    %scan3A_1 = arith.constant 4 : i32
    %scan3A_2 = arith.addi %scan3A_0, %scan3A_1 : i32
    %scan3A_3 = arith.constant 1 : i32
    scf.for %scan3A_5 = %scan3A_0 to %scan3A_2 step %scan3A_3  : i32 {
      %mul3A = arith.constant 2 : i32
      %mul3A_6 = arith.muli %mul3A, %scan3A_5 : i32
      %add3A = arith.addi %mul3A_6, %arg0 : i32
      %mul3A_7 = arith.constant 12544 : i32
      %mul3A_8 = arith.muli %add3A, %mul3A_7 : i32
      %mul3A_9 = arith.constant 784 : i32
      %mul3A_10 = arith.muli %arg1, %mul3A_9 : i32
      %add3A_11 = arith.addi %mul3A_8, %mul3A_10 : i32
      %mul3A_12 = arith.constant 784 : i32
      %mul3A_13 = arith.muli %arg1, %mul3A_12 : i32
      %dma_start3A = arith.constant 0 : i32
      %dma_start3A_14 = tpu.memref_slice %arg7[%mul3A_13, %dma_start3A] : memref<12552x128xf32, #tpu.memory_space<vmem_shared>> -> memref<784x128xf32, #tpu.memory_space<vmem_shared>>
      %dma_start3A_15 = arith.constant 0 : i32
      %dma_start3A_16 = tpu.memref_slice %arg3[%add3A_11, %dma_start3A_15] : memref<100352x128xf32, #tpu.memory_space<hbm>> -> memref<784x128xf32, #tpu.memory_space<hbm>>
      tpu.enqueue_dma source(%dma_start3A_16 : memref<784x128xf32, #tpu.memory_space<hbm>>) target(%dma_start3A_14 : memref<784x128xf32, #tpu.memory_space<vmem_shared>>) target_semaphore(%arg14 : memref<!tpu.dma_semaphore, #tpu.memory_space<semaphore_mem>>)
      %dma_wait3A = arith.constant 0 : i32
      %dma_wait3A_17 = tpu.memref_slice %arg7[%mul3A_13, %dma_wait3A] : memref<12552x128xf32, #tpu.memory_space<vmem_shared>> -> memref<784x128xf32, #tpu.memory_space<vmem_shared>>
      %dma_wait3A_18 = arith.constant 0 : i32
      %dma_wait3A_19 = tpu.memref_slice %arg3[%add3A_11, %dma_wait3A_18] : memref<100352x128xf32, #tpu.memory_space<hbm>> -> memref<784x128xf32, #tpu.memory_space<hbm>>
      tpu.wait_dma2 semaphore(%arg14 : memref<!tpu.dma_semaphore, #tpu.memory_space<semaphore_mem>>) src(%dma_wait3A_19 : memref<784x128xf32, #tpu.memory_space<hbm>>) dst(%dma_wait3A_17 : memref<784x128xf32, #tpu.memory_space<vmem_shared>>)
      %barrier3A = arith.constant 0 : index
      tpu.barrier barrier_id(%barrier3A)
      %scan3A_20 = arith.constant 0 : i32
      %scan3A_21 = arith.constant 0 : i32
      %scan3A_22 = arith.constant 14 : i32
      %scan3A_23 = arith.addi %scan3A_21, %scan3A_22 : i32
      %scan3A_24 = arith.constant 1 : i32
      scf.for %scan3A_41 = %scan3A_21 to %scan3A_23 step %scan3A_24  : i32 {
        %mul3A_42 = arith.constant 12672 : i32
        %mul3A_43 = arith.muli %arg1, %mul3A_42 : i32
        %get3A = arith.index_cast %scan3A_41 : i32 to index
        %get3A_44 = tpu.vector_load %arg13[%get3A] {strides = array<i32>} : memref<32xi32, #tpu.memory_space<vmem>>, vector<16xi32>,
        %get3A_45 = vector.shape_cast %get3A_44 : vector<16xi32> to vector<16xi32>
        %slice3A = vector.extract_strided_slice %get3A_45 {offsets = [0], sizes = [1], strides = [1]} : vector<16xi32> to vector<1xi32>
        %squeeze3A = vector.extract %slice3A[0] : i32 from vector<1xi32>
        %scan3A_46 = arith.constant 0 : i32
        %scan3A_47 = arith.constant 0 : i32
        %scan3A_48 = arith.constant 66 : i32
        %scan3A_49 = arith.addi %scan3A_47, %scan3A_48 : i32
        %scan3A_50 = arith.constant 1 : i32
        scf.for %scan3A_52 = %scan3A_47 to %scan3A_49 step %scan3A_50  : i32 {
          %mul3A_53 = arith.constant 192 : i32
          %mul3A_54 = arith.muli %scan3A_52, %mul3A_53 : i32
          %add3A_55 = arith.addi %mul3A_43, %mul3A_54 : i32
          %lt3A = arith.cmpi slt, %add3A_55, %squeeze3A : i32
          %convert_element_type3A = arith.extui %lt3A : i1 to i32
          %cond3A = arith.constant 0 : i32
          %cond3A_56 = arith.cmpi ne, %convert_element_type3A, %cond3A : i32
          scf.if %cond3A_56 {
            %mul3A_57 = arith.constant 2 : i32
            %mul3A_58 = arith.muli %mul3A_57, %scan3A_41 : i32
            %mul3A_59 = arith.constant 202752 : i32
            %mul3A_60 = arith.muli %mul3A_58, %mul3A_59 : i32
            %add3A_61 = arith.addi %mul3A_60, %add3A_55 : i32
            %dma_start3A_62 = tpu.memref_slice %arg4[%add3A_61] : memref<5677056xi32, #tpu.memory_space<hbm>> -> memref<192xi32, #tpu.memory_space<hbm>>
            %dma_start3A_63 = tpu.memref_slice %arg4[%add3A_61] : memref<5677056xi32, #tpu.memory_space<hbm>> -> memref<192xi32, #tpu.memory_space<hbm>>
            tpu.enqueue_dma source(%dma_start3A_63 : memref<192xi32, #tpu.memory_space<hbm>>) target(%arg8 : memref<192xi32, #tpu.memory_space<vmem>>) target_semaphore(%arg14 : memref<!tpu.dma_semaphore, #tpu.memory_space<semaphore_mem>>)
            %dma_wait3A_64 = tpu.memref_slice %arg4[%add3A_61] : memref<5677056xi32, #tpu.memory_space<hbm>> -> memref<192xi32, #tpu.memory_space<hbm>>
            %dma_wait3A_65 = tpu.memref_slice %arg4[%add3A_61] : memref<5677056xi32, #tpu.memory_space<hbm>> -> memref<192xi32, #tpu.memory_space<hbm>>
            tpu.wait_dma2 semaphore(%arg14 : memref<!tpu.dma_semaphore, #tpu.memory_space<semaphore_mem>>) src(%dma_wait3A_65 : memref<192xi32, #tpu.memory_space<hbm>>) dst(%arg8 : memref<192xi32, #tpu.memory_space<vmem>>)
            %mul3A_66 = arith.constant 2 : i32
            %mul3A_67 = arith.muli %mul3A_66, %scan3A_41 : i32
            %add3A_68 = arith.constant 1 : i32
            %add3A_69 = arith.addi %mul3A_67, %add3A_68 : i32
            %mul3A_70 = arith.constant 202752 : i32
            %mul3A_71 = arith.muli %add3A_69, %mul3A_70 : i32
            %add3A_72 = arith.addi %mul3A_71, %add3A_55 : i32
            %dma_start3A_73 = tpu.memref_slice %arg4[%add3A_72] : memref<5677056xi32, #tpu.memory_space<hbm>> -> memref<192xi32, #tpu.memory_space<hbm>>
            %dma_start3A_74 = tpu.memref_slice %arg4[%add3A_72] : memref<5677056xi32, #tpu.memory_space<hbm>> -> memref<192xi32, #tpu.memory_space<hbm>>
            tpu.enqueue_dma source(%dma_start3A_74 : memref<192xi32, #tpu.memory_space<hbm>>) target(%arg9 : memref<192xi32, #tpu.memory_space<vmem>>) target_semaphore(%arg14 : memref<!tpu.dma_semaphore, #tpu.memory_space<semaphore_mem>>)
            %dma_wait3A_75 = tpu.memref_slice %arg4[%add3A_72] : memref<5677056xi32, #tpu.memory_space<hbm>> -> memref<192xi32, #tpu.memory_space<hbm>>
            %dma_wait3A_76 = tpu.memref_slice %arg4[%add3A_72] : memref<5677056xi32, #tpu.memory_space<hbm>> -> memref<192xi32, #tpu.memory_space<hbm>>
            tpu.wait_dma2 semaphore(%arg14 : memref<!tpu.dma_semaphore, #tpu.memory_space<semaphore_mem>>) src(%dma_wait3A_76 : memref<192xi32, #tpu.memory_space<hbm>>) dst(%arg9 : memref<192xi32, #tpu.memory_space<vmem>>)
            %get3A_77 = arith.constant 0 : index
            %get3A_78 = tpu.vector_load %arg8[%get3A_77] {strides = array<i32>} : memref<192xi32, #tpu.memory_space<vmem>>, vector<16xi32>,
            %get3A_79 = vector.shape_cast %get3A_78 : vector<16xi32> to vector<16xi32>
            %get3A_80 = arith.constant 0 : index
            %get3A_81 = tpu.vector_load %arg9[%get3A_80] {strides = array<i32>} : memref<192xi32, #tpu.memory_space<vmem>>, vector<16xi32>,
            %get3A_82 = vector.shape_cast %get3A_81 : vector<16xi32> to vector<16xi32>
            %iota3A = tpu.iota {dimensions = array<i32: 0>} : vector<16xi32>
            %add3A_83 = arith.constant 0 : i32
            %add3A_84 = arith.addi %add3A_55, %add3A_83 : i32
            %add3A_85 = vector.broadcast %add3A_84 : i32 to vector<16xi32>
            %add3A_86 = arith.addi %iota3A, %add3A_85 : vector<16xi32>
            %lt3A_87 = vector.broadcast %squeeze3A : i32 to vector<16xi32>
            %lt3A_88 = arith.cmpi slt, %add3A_86, %lt3A_87 : vector<16xi32>
            %ge3A = vector.broadcast %mul3A_8 : i32 to vector<16xi32>
            %ge3A_89 = arith.cmpi sge, %get3A_79, %ge3A : vector<16xi32>
            %and3A = arith.andi %lt3A_88, %ge3A_89 : vector<16xi1>
            %add3A_90 = arith.constant 12544 : i32
            %add3A_91 = arith.addi %mul3A_8, %add3A_90 : i32
            %lt3A_92 = vector.broadcast %add3A_91 : i32 to vector<16xi32>
            %lt3A_93 = arith.cmpi slt, %get3A_79, %lt3A_92 : vector<16xi32>
            %and3A_94 = arith.andi %and3A, %lt3A_93 : vector<16xi1>
            %mul3A_95 = arith.constant 14 : i32
            %mul3A_96 = vector.broadcast %mul3A_95 : i32 to vector<16xi32>
            %mul3A_97 = arith.muli %get3A_82, %mul3A_96 : vector<16xi32>
            %add3A_98 = vector.broadcast %scan3A_41 : i32 to vector<16xi32>
            %add3A_99 = arith.addi %mul3A_97, %add3A_98 : vector<16xi32>
            %swap3A = arith.constant 0 : index
            %swap3A_100 = tpu.vector_load %arg10[%swap3A] {strides = array<i32>} : memref<192xi32, #tpu.memory_space<vmem>>, vector<16xi32>,
            %swap3A_101 = vector.shape_cast %swap3A_100 : vector<16xi32> to vector<16xi32>
            %swap3A_102 = vector.shape_cast %add3A_99 : vector<16xi32> to vector<16xi32>
            tpu.vector_store %arg10[%swap3A], %swap3A_102 {strides = array<i32>} : memref<192xi32, #tpu.memory_space<vmem>>, vector<16xi32>,
            %sub3A = vector.broadcast %mul3A_8 : i32 to vector<16xi32>
            %sub3A_103 = arith.subi %get3A_79, %sub3A : vector<16xi32>
            %jit3A = arith.constant 12544 : i32
            %broadcast_in_dim3A = vector.broadcast %jit3A : i32 to vector<16xi32>
            %select_n3A = arith.select %and3A_94, %sub3A_103, %broadcast_in_dim3A : vector<16xi1>, vector<16xi32>
            %swap3A_104 = arith.constant 0 : index
            %swap3A_105 = tpu.vector_load %arg11[%swap3A_104] {strides = array<i32>} : memref<192xi32, #tpu.memory_space<vmem>>, vector<16xi32>,
            %swap3A_106 = vector.shape_cast %swap3A_105 : vector<16xi32> to vector<16xi32>
            %swap3A_107 = vector.shape_cast %select_n3A : vector<16xi32> to vector<16xi32>
            tpu.vector_store %arg11[%swap3A_104], %swap3A_107 {strides = array<i32>} : memref<192xi32, #tpu.memory_space<vmem>>, vector<16xi32>,
            %get3A_108 = arith.constant 16 : index
            %get3A_109 = tpu.vector_load %arg8[%get3A_108] {strides = array<i32>} : memref<192xi32, #tpu.memory_space<vmem>>, vector<16xi32>,
            %get3A_110 = vector.shape_cast %get3A_109 : vector<16xi32> to vector<16xi32>
            %get3A_111 = arith.constant 16 : index
            %get3A_112 = tpu.vector_load %arg9[%get3A_111] {strides = array<i32>} : memref<192xi32, #tpu.memory_space<vmem>>, vector<16xi32>,
            %get3A_113 = vector.shape_cast %get3A_112 : vector<16xi32> to vector<16xi32>
            %iota3A_114 = tpu.iota {dimensions = array<i32: 0>} : vector<16xi32>
            %add3A_115 = arith.constant 16 : i32
            %add3A_116 = arith.addi %add3A_55, %add3A_115 : i32
            %add3A_117 = vector.broadcast %add3A_116 : i32 to vector<16xi32>
            %add3A_118 = arith.addi %iota3A_114, %add3A_117 : vector<16xi32>
            %lt3A_119 = vector.broadcast %squeeze3A : i32 to vector<16xi32>
            %lt3A_120 = arith.cmpi slt, %add3A_118, %lt3A_119 : vector<16xi32>
            %ge3A_121 = vector.broadcast %mul3A_8 : i32 to vector<16xi32>
            %ge3A_122 = arith.cmpi sge, %get3A_110, %ge3A_121 : vector<16xi32>
            %and3A_123 = arith.andi %lt3A_120, %ge3A_122 : vector<16xi1>
            %add3A_124 = arith.constant 12544 : i32
            %add3A_125 = arith.addi %mul3A_8, %add3A_124 : i32
            %lt3A_126 = vector.broadcast %add3A_125 : i32 to vector<16xi32>
            %lt3A_127 = arith.cmpi slt, %get3A_110, %lt3A_126 : vector<16xi32>
            %and3A_128 = arith.andi %and3A_123, %lt3A_127 : vector<16xi1>
            %mul3A_129 = arith.constant 14 : i32
            %mul3A_130 = vector.broadcast %mul3A_129 : i32 to vector<16xi32>
            %mul3A_131 = arith.muli %get3A_113, %mul3A_130 : vector<16xi32>
            %add3A_132 = vector.broadcast %scan3A_41 : i32 to vector<16xi32>
            %add3A_133 = arith.addi %mul3A_131, %add3A_132 : vector<16xi32>
            %swap3A_134 = arith.constant 16 : index
            %swap3A_135 = tpu.vector_load %arg10[%swap3A_134] {strides = array<i32>} : memref<192xi32, #tpu.memory_space<vmem>>, vector<16xi32>,
            %swap3A_136 = vector.shape_cast %swap3A_135 : vector<16xi32> to vector<16xi32>
            %swap3A_137 = vector.shape_cast %add3A_133 : vector<16xi32> to vector<16xi32>
            tpu.vector_store %arg10[%swap3A_134], %swap3A_137 {strides = array<i32>} : memref<192xi32, #tpu.memory_space<vmem>>, vector<16xi32>,
            %sub3A_138 = vector.broadcast %mul3A_8 : i32 to vector<16xi32>
            %sub3A_139 = arith.subi %get3A_110, %sub3A_138 : vector<16xi32>
            %jit3A_140 = arith.constant 12544 : i32
            %broadcast_in_dim3A_141 = vector.broadcast %jit3A_140 : i32 to vector<16xi32>
            %select_n3A_142 = arith.select %and3A_128, %sub3A_139, %broadcast_in_dim3A_141 : vector<16xi1>, vector<16xi32>
            %swap3A_143 = arith.constant 16 : index
            %swap3A_144 = tpu.vector_load %arg11[%swap3A_143] {strides = array<i32>} : memref<192xi32, #tpu.memory_space<vmem>>, vector<16xi32>,
            %swap3A_145 = vector.shape_cast %swap3A_144 : vector<16xi32> to vector<16xi32>
            %swap3A_146 = vector.shape_cast %select_n3A_142 : vector<16xi32> to vector<16xi32>
            tpu.vector_store %arg11[%swap3A_143], %swap3A_146 {strides = array<i32>} : memref<192xi32, #tpu.memory_space<vmem>>, vector<16xi32>,
            %get3A_147 = arith.constant 32 : index
            %get3A_148 = tpu.vector_load %arg8[%get3A_147] {strides = array<i32>} : memref<192xi32, #tpu.memory_space<vmem>>, vector<16xi32>,
            %get3A_149 = vector.shape_cast %get3A_148 : vector<16xi32> to vector<16xi32>
            %get3A_150 = arith.constant 32 : index
            %get3A_151 = tpu.vector_load %arg9[%get3A_150] {strides = array<i32>} : memref<192xi32, #tpu.memory_space<vmem>>, vector<16xi32>,
            %get3A_152 = vector.shape_cast %get3A_151 : vector<16xi32> to vector<16xi32>
            %iota3A_153 = tpu.iota {dimensions = array<i32: 0>} : vector<16xi32>
            %add3A_154 = arith.constant 32 : i32
            %add3A_155 = arith.addi %add3A_55, %add3A_154 : i32
            %add3A_156 = vector.broadcast %add3A_155 : i32 to vector<16xi32>
            %add3A_157 = arith.addi %iota3A_153, %add3A_156 : vector<16xi32>
            %lt3A_158 = vector.broadcast %squeeze3A : i32 to vector<16xi32>
            %lt3A_159 = arith.cmpi slt, %add3A_157, %lt3A_158 : vector<16xi32>
            %ge3A_160 = vector.broadcast %mul3A_8 : i32 to vector<16xi32>
            %ge3A_161 = arith.cmpi sge, %get3A_149, %ge3A_160 : vector<16xi32>
            %and3A_162 = arith.andi %lt3A_159, %ge3A_161 : vector<16xi1>
            %add3A_163 = arith.constant 12544 : i32
            %add3A_164 = arith.addi %mul3A_8, %add3A_163 : i32
            %lt3A_165 = vector.broadcast %add3A_164 : i32 to vector<16xi32>
            %lt3A_166 = arith.cmpi slt, %get3A_149, %lt3A_165 : vector<16xi32>
            %and3A_167 = arith.andi %and3A_162, %lt3A_166 : vector<16xi1>
            %mul3A_168 = arith.constant 14 : i32
            %mul3A_169 = vector.broadcast %mul3A_168 : i32 to vector<16xi32>
            %mul3A_170 = arith.muli %get3A_152, %mul3A_169 : vector<16xi32>
            %add3A_171 = vector.broadcast %scan3A_41 : i32 to vector<16xi32>
            %add3A_172 = arith.addi %mul3A_170, %add3A_171 : vector<16xi32>
            %swap3A_173 = arith.constant 32 : index
            %swap3A_174 = tpu.vector_load %arg10[%swap3A_173] {strides = array<i32>} : memref<192xi32, #tpu.memory_space<vmem>>, vector<16xi32>,
            %swap3A_175 = vector.shape_cast %swap3A_174 : vector<16xi32> to vector<16xi32>
            %swap3A_176 = vector.shape_cast %add3A_172 : vector<16xi32> to vector<16xi32>
            tpu.vector_store %arg10[%swap3A_173], %swap3A_176 {strides = array<i32>} : memref<192xi32, #tpu.memory_space<vmem>>, vector<16xi32>,
            %sub3A_177 = vector.broadcast %mul3A_8 : i32 to vector<16xi32>
            %sub3A_178 = arith.subi %get3A_149, %sub3A_177 : vector<16xi32>
            %jit3A_179 = arith.constant 12544 : i32
            %broadcast_in_dim3A_180 = vector.broadcast %jit3A_179 : i32 to vector<16xi32>
            %select_n3A_181 = arith.select %and3A_167, %sub3A_178, %broadcast_in_dim3A_180 : vector<16xi1>, vector<16xi32>
            %swap3A_182 = arith.constant 32 : index
            %swap3A_183 = tpu.vector_load %arg11[%swap3A_182] {strides = array<i32>} : memref<192xi32, #tpu.memory_space<vmem>>, vector<16xi32>,
            %swap3A_184 = vector.shape_cast %swap3A_183 : vector<16xi32> to vector<16xi32>
            %swap3A_185 = vector.shape_cast %select_n3A_181 : vector<16xi32> to vector<16xi32>
            tpu.vector_store %arg11[%swap3A_182], %swap3A_185 {strides = array<i32>} : memref<192xi32, #tpu.memory_space<vmem>>, vector<16xi32>,
            %get3A_186 = arith.constant 48 : index
            %get3A_187 = tpu.vector_load %arg8[%get3A_186] {strides = array<i32>} : memref<192xi32, #tpu.memory_space<vmem>>, vector<16xi32>,
            %get3A_188 = vector.shape_cast %get3A_187 : vector<16xi32> to vector<16xi32>
            %get3A_189 = arith.constant 48 : index
            %get3A_190 = tpu.vector_load %arg9[%get3A_189] {strides = array<i32>} : memref<192xi32, #tpu.memory_space<vmem>>, vector<16xi32>,
            %get3A_191 = vector.shape_cast %get3A_190 : vector<16xi32> to vector<16xi32>
            %iota3A_192 = tpu.iota {dimensions = array<i32: 0>} : vector<16xi32>
            %add3A_193 = arith.constant 48 : i32
            %add3A_194 = arith.addi %add3A_55, %add3A_193 : i32
            %add3A_195 = vector.broadcast %add3A_194 : i32 to vector<16xi32>
            %add3A_196 = arith.addi %iota3A_192, %add3A_195 : vector<16xi32>
            %lt3A_197 = vector.broadcast %squeeze3A : i32 to vector<16xi32>
            %lt3A_198 = arith.cmpi slt, %add3A_196, %lt3A_197 : vector<16xi32>
            %ge3A_199 = vector.broadcast %mul3A_8 : i32 to vector<16xi32>
            %ge3A_200 = arith.cmpi sge, %get3A_188, %ge3A_199 : vector<16xi32>
            %and3A_201 = arith.andi %lt3A_198, %ge3A_200 : vector<16xi1>
            %add3A_202 = arith.constant 12544 : i32
            %add3A_203 = arith.addi %mul3A_8, %add3A_202 : i32
            %lt3A_204 = vector.broadcast %add3A_203 : i32 to vector<16xi32>
            %lt3A_205 = arith.cmpi slt, %get3A_188, %lt3A_204 : vector<16xi32>
            %and3A_206 = arith.andi %and3A_201, %lt3A_205 : vector<16xi1>
            %mul3A_207 = arith.constant 14 : i32
            %mul3A_208 = vector.broadcast %mul3A_207 : i32 to vector<16xi32>
            %mul3A_209 = arith.muli %get3A_191, %mul3A_208 : vector<16xi32>
            %add3A_210 = vector.broadcast %scan3A_41 : i32 to vector<16xi32>
            %add3A_211 = arith.addi %mul3A_209, %add3A_210 : vector<16xi32>
            %swap3A_212 = arith.constant 48 : index
            %swap3A_213 = tpu.vector_load %arg10[%swap3A_212] {strides = array<i32>} : memref<192xi32, #tpu.memory_space<vmem>>, vector<16xi32>,
            %swap3A_214 = vector.shape_cast %swap3A_213 : vector<16xi32> to vector<16xi32>
            %swap3A_215 = vector.shape_cast %add3A_211 : vector<16xi32> to vector<16xi32>
            tpu.vector_store %arg10[%swap3A_212], %swap3A_215 {strides = array<i32>} : memref<192xi32, #tpu.memory_space<vmem>>, vector<16xi32>,
            %sub3A_216 = vector.broadcast %mul3A_8 : i32 to vector<16xi32>
            %sub3A_217 = arith.subi %get3A_188, %sub3A_216 : vector<16xi32>
            %jit3A_218 = arith.constant 12544 : i32
            %broadcast_in_dim3A_219 = vector.broadcast %jit3A_218 : i32 to vector<16xi32>
            %select_n3A_220 = arith.select %and3A_206, %sub3A_217, %broadcast_in_dim3A_219 : vector<16xi1>, vector<16xi32>
            %swap3A_221 = arith.constant 48 : index
            %swap3A_222 = tpu.vector_load %arg11[%swap3A_221] {strides = array<i32>} : memref<192xi32, #tpu.memory_space<vmem>>, vector<16xi32>,
            %swap3A_223 = vector.shape_cast %swap3A_222 : vector<16xi32> to vector<16xi32>
            %swap3A_224 = vector.shape_cast %select_n3A_220 : vector<16xi32> to vector<16xi32>
            tpu.vector_store %arg11[%swap3A_221], %swap3A_224 {strides = array<i32>} : memref<192xi32, #tpu.memory_space<vmem>>, vector<16xi32>,
            %get3A_225 = arith.constant 64 : index
            %get3A_226 = tpu.vector_load %arg8[%get3A_225] {strides = array<i32>} : memref<192xi32, #tpu.memory_space<vmem>>, vector<16xi32>,
            %get3A_227 = vector.shape_cast %get3A_226 : vector<16xi32> to vector<16xi32>
            %get3A_228 = arith.constant 64 : index
            %get3A_229 = tpu.vector_load %arg9[%get3A_228] {strides = array<i32>} : memref<192xi32, #tpu.memory_space<vmem>>, vector<16xi32>,
            %get3A_230 = vector.shape_cast %get3A_229 : vector<16xi32> to vector<16xi32>
            %iota3A_231 = tpu.iota {dimensions = array<i32: 0>} : vector<16xi32>
            %add3A_232 = arith.constant 64 : i32
            %add3A_233 = arith.addi %add3A_55, %add3A_232 : i32
            %add3A_234 = vector.broadcast %add3A_233 : i32 to vector<16xi32>
            %add3A_235 = arith.addi %iota3A_231, %add3A_234 : vector<16xi32>
            %lt3A_236 = vector.broadcast %squeeze3A : i32 to vector<16xi32>
            %lt3A_237 = arith.cmpi slt, %add3A_235, %lt3A_236 : vector<16xi32>
            %ge3A_238 = vector.broadcast %mul3A_8 : i32 to vector<16xi32>
            %ge3A_239 = arith.cmpi sge, %get3A_227, %ge3A_238 : vector<16xi32>
            %and3A_240 = arith.andi %lt3A_237, %ge3A_239 : vector<16xi1>
            %add3A_241 = arith.constant 12544 : i32
            %add3A_242 = arith.addi %mul3A_8, %add3A_241 : i32
            %lt3A_243 = vector.broadcast %add3A_242 : i32 to vector<16xi32>
            %lt3A_244 = arith.cmpi slt, %get3A_227, %lt3A_243 : vector<16xi32>
            %and3A_245 = arith.andi %and3A_240, %lt3A_244 : vector<16xi1>
            %mul3A_246 = arith.constant 14 : i32
            %mul3A_247 = vector.broadcast %mul3A_246 : i32 to vector<16xi32>
            %mul3A_248 = arith.muli %get3A_230, %mul3A_247 : vector<16xi32>
            %add3A_249 = vector.broadcast %scan3A_41 : i32 to vector<16xi32>
            %add3A_250 = arith.addi %mul3A_248, %add3A_249 : vector<16xi32>
            %swap3A_251 = arith.constant 64 : index
            %swap3A_252 = tpu.vector_load %arg10[%swap3A_251] {strides = array<i32>} : memref<192xi32, #tpu.memory_space<vmem>>, vector<16xi32>,
            %swap3A_253 = vector.shape_cast %swap3A_252 : vector<16xi32> to vector<16xi32>
            %swap3A_254 = vector.shape_cast %add3A_250 : vector<16xi32> to vector<16xi32>
            tpu.vector_store %arg10[%swap3A_251], %swap3A_254 {strides = array<i32>} : memref<192xi32, #tpu.memory_space<vmem>>, vector<16xi32>,
            %sub3A_255 = vector.broadcast %mul3A_8 : i32 to vector<16xi32>
            %sub3A_256 = arith.subi %get3A_227, %sub3A_255 : vector<16xi32>
            %jit3A_257 = arith.constant 12544 : i32
            %broadcast_in_dim3A_258 = vector.broadcast %jit3A_257 : i32 to vector<16xi32>
            %select_n3A_259 = arith.select %and3A_245, %sub3A_256, %broadcast_in_dim3A_258 : vector<16xi1>, vector<16xi32>
            %swap3A_260 = arith.constant 64 : index
            %swap3A_261 = tpu.vector_load %arg11[%swap3A_260] {strides = array<i32>} : memref<192xi32, #tpu.memory_space<vmem>>, vector<16xi32>,
            %swap3A_262 = vector.shape_cast %swap3A_261 : vector<16xi32> to vector<16xi32>
            %swap3A_263 = vector.shape_cast %select_n3A_259 : vector<16xi32> to vector<16xi32>
            tpu.vector_store %arg11[%swap3A_260], %swap3A_263 {strides = array<i32>} : memref<192xi32, #tpu.memory_space<vmem>>, vector<16xi32>,
            %get3A_264 = arith.constant 80 : index
            %get3A_265 = tpu.vector_load %arg8[%get3A_264] {strides = array<i32>} : memref<192xi32, #tpu.memory_space<vmem>>, vector<16xi32>,
            %get3A_266 = vector.shape_cast %get3A_265 : vector<16xi32> to vector<16xi32>
            %get3A_267 = arith.constant 80 : index
            %get3A_268 = tpu.vector_load %arg9[%get3A_267] {strides = array<i32>} : memref<192xi32, #tpu.memory_space<vmem>>, vector<16xi32>,
            %get3A_269 = vector.shape_cast %get3A_268 : vector<16xi32> to vector<16xi32>
            %iota3A_270 = tpu.iota {dimensions = array<i32: 0>} : vector<16xi32>
            %add3A_271 = arith.constant 80 : i32
            %add3A_272 = arith.addi %add3A_55, %add3A_271 : i32
            %add3A_273 = vector.broadcast %add3A_272 : i32 to vector<16xi32>
            %add3A_274 = arith.addi %iota3A_270, %add3A_273 : vector<16xi32>
            %lt3A_275 = vector.broadcast %squeeze3A : i32 to vector<16xi32>
            %lt3A_276 = arith.cmpi slt, %add3A_274, %lt3A_275 : vector<16xi32>
            %ge3A_277 = vector.broadcast %mul3A_8 : i32 to vector<16xi32>
            %ge3A_278 = arith.cmpi sge, %get3A_266, %ge3A_277 : vector<16xi32>
            %and3A_279 = arith.andi %lt3A_276, %ge3A_278 : vector<16xi1>
            %add3A_280 = arith.constant 12544 : i32
            %add3A_281 = arith.addi %mul3A_8, %add3A_280 : i32
            %lt3A_282 = vector.broadcast %add3A_281 : i32 to vector<16xi32>
            %lt3A_283 = arith.cmpi slt, %get3A_266, %lt3A_282 : vector<16xi32>
            %and3A_284 = arith.andi %and3A_279, %lt3A_283 : vector<16xi1>
            %mul3A_285 = arith.constant 14 : i32
            %mul3A_286 = vector.broadcast %mul3A_285 : i32 to vector<16xi32>
            %mul3A_287 = arith.muli %get3A_269, %mul3A_286 : vector<16xi32>
            %add3A_288 = vector.broadcast %scan3A_41 : i32 to vector<16xi32>
            %add3A_289 = arith.addi %mul3A_287, %add3A_288 : vector<16xi32>
            %swap3A_290 = arith.constant 80 : index
            %swap3A_291 = tpu.vector_load %arg10[%swap3A_290] {strides = array<i32>} : memref<192xi32, #tpu.memory_space<vmem>>, vector<16xi32>,
            %swap3A_292 = vector.shape_cast %swap3A_291 : vector<16xi32> to vector<16xi32>
            %swap3A_293 = vector.shape_cast %add3A_289 : vector<16xi32> to vector<16xi32>
            tpu.vector_store %arg10[%swap3A_290], %swap3A_293 {strides = array<i32>} : memref<192xi32, #tpu.memory_space<vmem>>, vector<16xi32>,
            %sub3A_294 = vector.broadcast %mul3A_8 : i32 to vector<16xi32>
            %sub3A_295 = arith.subi %get3A_266, %sub3A_294 : vector<16xi32>
            %jit3A_296 = arith.constant 12544 : i32
            %broadcast_in_dim3A_297 = vector.broadcast %jit3A_296 : i32 to vector<16xi32>
            %select_n3A_298 = arith.select %and3A_284, %sub3A_295, %broadcast_in_dim3A_297 : vector<16xi1>, vector<16xi32>
            %swap3A_299 = arith.constant 80 : index
            %swap3A_300 = tpu.vector_load %arg11[%swap3A_299] {strides = array<i32>} : memref<192xi32, #tpu.memory_space<vmem>>, vector<16xi32>,
            %swap3A_301 = vector.shape_cast %swap3A_300 : vector<16xi32> to vector<16xi32>
            %swap3A_302 = vector.shape_cast %select_n3A_298 : vector<16xi32> to vector<16xi32>
            tpu.vector_store %arg11[%swap3A_299], %swap3A_302 {strides = array<i32>} : memref<192xi32, #tpu.memory_space<vmem>>, vector<16xi32>,
            %get3A_303 = arith.constant 96 : index
            %get3A_304 = tpu.vector_load %arg8[%get3A_303] {strides = array<i32>} : memref<192xi32, #tpu.memory_space<vmem>>, vector<16xi32>,
            %get3A_305 = vector.shape_cast %get3A_304 : vector<16xi32> to vector<16xi32>
            %get3A_306 = arith.constant 96 : index
            %get3A_307 = tpu.vector_load %arg9[%get3A_306] {strides = array<i32>} : memref<192xi32, #tpu.memory_space<vmem>>, vector<16xi32>,
            %get3A_308 = vector.shape_cast %get3A_307 : vector<16xi32> to vector<16xi32>
            %iota3A_309 = tpu.iota {dimensions = array<i32: 0>} : vector<16xi32>
            %add3A_310 = arith.constant 96 : i32
            %add3A_311 = arith.addi %add3A_55, %add3A_310 : i32
            %add3A_312 = vector.broadcast %add3A_311 : i32 to vector<16xi32>
            %add3A_313 = arith.addi %iota3A_309, %add3A_312 : vector<16xi32>
            %lt3A_314 = vector.broadcast %squeeze3A : i32 to vector<16xi32>
            %lt3A_315 = arith.cmpi slt, %add3A_313, %lt3A_314 : vector<16xi32>
            %ge3A_316 = vector.broadcast %mul3A_8 : i32 to vector<16xi32>
            %ge3A_317 = arith.cmpi sge, %get3A_305, %ge3A_316 : vector<16xi32>
            %and3A_318 = arith.andi %lt3A_315, %ge3A_317 : vector<16xi1>
            %add3A_319 = arith.constant 12544 : i32
            %add3A_320 = arith.addi %mul3A_8, %add3A_319 : i32
            %lt3A_321 = vector.broadcast %add3A_320 : i32 to vector<16xi32>
            %lt3A_322 = arith.cmpi slt, %get3A_305, %lt3A_321 : vector<16xi32>
            %and3A_323 = arith.andi %and3A_318, %lt3A_322 : vector<16xi1>
            %mul3A_324 = arith.constant 14 : i32
            %mul3A_325 = vector.broadcast %mul3A_324 : i32 to vector<16xi32>
            %mul3A_326 = arith.muli %get3A_308, %mul3A_325 : vector<16xi32>
            %add3A_327 = vector.broadcast %scan3A_41 : i32 to vector<16xi32>
            %add3A_328 = arith.addi %mul3A_326, %add3A_327 : vector<16xi32>
            %swap3A_329 = arith.constant 96 : index
            %swap3A_330 = tpu.vector_load %arg10[%swap3A_329] {strides = array<i32>} : memref<192xi32, #tpu.memory_space<vmem>>, vector<16xi32>,
            %swap3A_331 = vector.shape_cast %swap3A_330 : vector<16xi32> to vector<16xi32>
            %swap3A_332 = vector.shape_cast %add3A_328 : vector<16xi32> to vector<16xi32>
            tpu.vector_store %arg10[%swap3A_329], %swap3A_332 {strides = array<i32>} : memref<192xi32, #tpu.memory_space<vmem>>, vector<16xi32>,
            %sub3A_333 = vector.broadcast %mul3A_8 : i32 to vector<16xi32>
            %sub3A_334 = arith.subi %get3A_305, %sub3A_333 : vector<16xi32>
            %jit3A_335 = arith.constant 12544 : i32
            %broadcast_in_dim3A_336 = vector.broadcast %jit3A_335 : i32 to vector<16xi32>
            %select_n3A_337 = arith.select %and3A_323, %sub3A_334, %broadcast_in_dim3A_336 : vector<16xi1>, vector<16xi32>
            %swap3A_338 = arith.constant 96 : index
            %swap3A_339 = tpu.vector_load %arg11[%swap3A_338] {strides = array<i32>} : memref<192xi32, #tpu.memory_space<vmem>>, vector<16xi32>,
            %swap3A_340 = vector.shape_cast %swap3A_339 : vector<16xi32> to vector<16xi32>
            %swap3A_341 = vector.shape_cast %select_n3A_337 : vector<16xi32> to vector<16xi32>
            tpu.vector_store %arg11[%swap3A_338], %swap3A_341 {strides = array<i32>} : memref<192xi32, #tpu.memory_space<vmem>>, vector<16xi32>,
            %get3A_342 = arith.constant 112 : index
            %get3A_343 = tpu.vector_load %arg8[%get3A_342] {strides = array<i32>} : memref<192xi32, #tpu.memory_space<vmem>>, vector<16xi32>,
            %get3A_344 = vector.shape_cast %get3A_343 : vector<16xi32> to vector<16xi32>
            %get3A_345 = arith.constant 112 : index
            %get3A_346 = tpu.vector_load %arg9[%get3A_345] {strides = array<i32>} : memref<192xi32, #tpu.memory_space<vmem>>, vector<16xi32>,
            %get3A_347 = vector.shape_cast %get3A_346 : vector<16xi32> to vector<16xi32>
            %iota3A_348 = tpu.iota {dimensions = array<i32: 0>} : vector<16xi32>
            %add3A_349 = arith.constant 112 : i32
            %add3A_350 = arith.addi %add3A_55, %add3A_349 : i32
            %add3A_351 = vector.broadcast %add3A_350 : i32 to vector<16xi32>
            %add3A_352 = arith.addi %iota3A_348, %add3A_351 : vector<16xi32>
            %lt3A_353 = vector.broadcast %squeeze3A : i32 to vector<16xi32>
            %lt3A_354 = arith.cmpi slt, %add3A_352, %lt3A_353 : vector<16xi32>
            %ge3A_355 = vector.broadcast %mul3A_8 : i32 to vector<16xi32>
            %ge3A_356 = arith.cmpi sge, %get3A_344, %ge3A_355 : vector<16xi32>
            %and3A_357 = arith.andi %lt3A_354, %ge3A_356 : vector<16xi1>
            %add3A_358 = arith.constant 12544 : i32
            %add3A_359 = arith.addi %mul3A_8, %add3A_358 : i32
            %lt3A_360 = vector.broadcast %add3A_359 : i32 to vector<16xi32>
            %lt3A_361 = arith.cmpi slt, %get3A_344, %lt3A_360 : vector<16xi32>
            %and3A_362 = arith.andi %and3A_357, %lt3A_361 : vector<16xi1>
            %mul3A_363 = arith.constant 14 : i32
            %mul3A_364 = vector.broadcast %mul3A_363 : i32 to vector<16xi32>
            %mul3A_365 = arith.muli %get3A_347, %mul3A_364 : vector<16xi32>
            %add3A_366 = vector.broadcast %scan3A_41 : i32 to vector<16xi32>
            %add3A_367 = arith.addi %mul3A_365, %add3A_366 : vector<16xi32>
            %swap3A_368 = arith.constant 112 : index
            %swap3A_369 = tpu.vector_load %arg10[%swap3A_368] {strides = array<i32>} : memref<192xi32, #tpu.memory_space<vmem>>, vector<16xi32>,
            %swap3A_370 = vector.shape_cast %swap3A_369 : vector<16xi32> to vector<16xi32>
            %swap3A_371 = vector.shape_cast %add3A_367 : vector<16xi32> to vector<16xi32>
            tpu.vector_store %arg10[%swap3A_368], %swap3A_371 {strides = array<i32>} : memref<192xi32, #tpu.memory_space<vmem>>, vector<16xi32>,
            %sub3A_372 = vector.broadcast %mul3A_8 : i32 to vector<16xi32>
            %sub3A_373 = arith.subi %get3A_344, %sub3A_372 : vector<16xi32>
            %jit3A_374 = arith.constant 12544 : i32
            %broadcast_in_dim3A_375 = vector.broadcast %jit3A_374 : i32 to vector<16xi32>
            %select_n3A_376 = arith.select %and3A_362, %sub3A_373, %broadcast_in_dim3A_375 : vector<16xi1>, vector<16xi32>
            %swap3A_377 = arith.constant 112 : index
            %swap3A_378 = tpu.vector_load %arg11[%swap3A_377] {strides = array<i32>} : memref<192xi32, #tpu.memory_space<vmem>>, vector<16xi32>,
            %swap3A_379 = vector.shape_cast %swap3A_378 : vector<16xi32> to vector<16xi32>
            %swap3A_380 = vector.shape_cast %select_n3A_376 : vector<16xi32> to vector<16xi32>
            tpu.vector_store %arg11[%swap3A_377], %swap3A_380 {strides = array<i32>} : memref<192xi32, #tpu.memory_space<vmem>>, vector<16xi32>,
            %get3A_381 = arith.constant 128 : index
            %get3A_382 = tpu.vector_load %arg8[%get3A_381] {strides = array<i32>} : memref<192xi32, #tpu.memory_space<vmem>>, vector<16xi32>,
            %get3A_383 = vector.shape_cast %get3A_382 : vector<16xi32> to vector<16xi32>
            %get3A_384 = arith.constant 128 : index
            %get3A_385 = tpu.vector_load %arg9[%get3A_384] {strides = array<i32>} : memref<192xi32, #tpu.memory_space<vmem>>, vector<16xi32>,
            %get3A_386 = vector.shape_cast %get3A_385 : vector<16xi32> to vector<16xi32>
            %iota3A_387 = tpu.iota {dimensions = array<i32: 0>} : vector<16xi32>
            %add3A_388 = arith.constant 128 : i32
            %add3A_389 = arith.addi %add3A_55, %add3A_388 : i32
            %add3A_390 = vector.broadcast %add3A_389 : i32 to vector<16xi32>
            %add3A_391 = arith.addi %iota3A_387, %add3A_390 : vector<16xi32>
            %lt3A_392 = vector.broadcast %squeeze3A : i32 to vector<16xi32>
            %lt3A_393 = arith.cmpi slt, %add3A_391, %lt3A_392 : vector<16xi32>
            %ge3A_394 = vector.broadcast %mul3A_8 : i32 to vector<16xi32>
            %ge3A_395 = arith.cmpi sge, %get3A_383, %ge3A_394 : vector<16xi32>
            %and3A_396 = arith.andi %lt3A_393, %ge3A_395 : vector<16xi1>
            %add3A_397 = arith.constant 12544 : i32
            %add3A_398 = arith.addi %mul3A_8, %add3A_397 : i32
            %lt3A_399 = vector.broadcast %add3A_398 : i32 to vector<16xi32>
            %lt3A_400 = arith.cmpi slt, %get3A_383, %lt3A_399 : vector<16xi32>
            %and3A_401 = arith.andi %and3A_396, %lt3A_400 : vector<16xi1>
            %mul3A_402 = arith.constant 14 : i32
            %mul3A_403 = vector.broadcast %mul3A_402 : i32 to vector<16xi32>
            %mul3A_404 = arith.muli %get3A_386, %mul3A_403 : vector<16xi32>
            %add3A_405 = vector.broadcast %scan3A_41 : i32 to vector<16xi32>
            %add3A_406 = arith.addi %mul3A_404, %add3A_405 : vector<16xi32>
            %swap3A_407 = arith.constant 128 : index
            %swap3A_408 = tpu.vector_load %arg10[%swap3A_407] {strides = array<i32>} : memref<192xi32, #tpu.memory_space<vmem>>, vector<16xi32>,
            %swap3A_409 = vector.shape_cast %swap3A_408 : vector<16xi32> to vector<16xi32>
            %swap3A_410 = vector.shape_cast %add3A_406 : vector<16xi32> to vector<16xi32>
            tpu.vector_store %arg10[%swap3A_407], %swap3A_410 {strides = array<i32>} : memref<192xi32, #tpu.memory_space<vmem>>, vector<16xi32>,
            %sub3A_411 = vector.broadcast %mul3A_8 : i32 to vector<16xi32>
            %sub3A_412 = arith.subi %get3A_383, %sub3A_411 : vector<16xi32>
            %jit3A_413 = arith.constant 12544 : i32
            %broadcast_in_dim3A_414 = vector.broadcast %jit3A_413 : i32 to vector<16xi32>
            %select_n3A_415 = arith.select %and3A_401, %sub3A_412, %broadcast_in_dim3A_414 : vector<16xi1>, vector<16xi32>
            %swap3A_416 = arith.constant 128 : index
            %swap3A_417 = tpu.vector_load %arg11[%swap3A_416] {strides = array<i32>} : memref<192xi32, #tpu.memory_space<vmem>>, vector<16xi32>,
            %swap3A_418 = vector.shape_cast %swap3A_417 : vector<16xi32> to vector<16xi32>
            %swap3A_419 = vector.shape_cast %select_n3A_415 : vector<16xi32> to vector<16xi32>
            tpu.vector_store %arg11[%swap3A_416], %swap3A_419 {strides = array<i32>} : memref<192xi32, #tpu.memory_space<vmem>>, vector<16xi32>,
            %get3A_420 = arith.constant 144 : index
            %get3A_421 = tpu.vector_load %arg8[%get3A_420] {strides = array<i32>} : memref<192xi32, #tpu.memory_space<vmem>>, vector<16xi32>,
            %get3A_422 = vector.shape_cast %get3A_421 : vector<16xi32> to vector<16xi32>
            %get3A_423 = arith.constant 144 : index
            %get3A_424 = tpu.vector_load %arg9[%get3A_423] {strides = array<i32>} : memref<192xi32, #tpu.memory_space<vmem>>, vector<16xi32>,
            %get3A_425 = vector.shape_cast %get3A_424 : vector<16xi32> to vector<16xi32>
            %iota3A_426 = tpu.iota {dimensions = array<i32: 0>} : vector<16xi32>
            %add3A_427 = arith.constant 144 : i32
            %add3A_428 = arith.addi %add3A_55, %add3A_427 : i32
            %add3A_429 = vector.broadcast %add3A_428 : i32 to vector<16xi32>
            %add3A_430 = arith.addi %iota3A_426, %add3A_429 : vector<16xi32>
            %lt3A_431 = vector.broadcast %squeeze3A : i32 to vector<16xi32>
            %lt3A_432 = arith.cmpi slt, %add3A_430, %lt3A_431 : vector<16xi32>
            %ge3A_433 = vector.broadcast %mul3A_8 : i32 to vector<16xi32>
            %ge3A_434 = arith.cmpi sge, %get3A_422, %ge3A_433 : vector<16xi32>
            %and3A_435 = arith.andi %lt3A_432, %ge3A_434 : vector<16xi1>
            %add3A_436 = arith.constant 12544 : i32
            %add3A_437 = arith.addi %mul3A_8, %add3A_436 : i32
            %lt3A_438 = vector.broadcast %add3A_437 : i32 to vector<16xi32>
            %lt3A_439 = arith.cmpi slt, %get3A_422, %lt3A_438 : vector<16xi32>
            %and3A_440 = arith.andi %and3A_435, %lt3A_439 : vector<16xi1>
            %mul3A_441 = arith.constant 14 : i32
            %mul3A_442 = vector.broadcast %mul3A_441 : i32 to vector<16xi32>
            %mul3A_443 = arith.muli %get3A_425, %mul3A_442 : vector<16xi32>
            %add3A_444 = vector.broadcast %scan3A_41 : i32 to vector<16xi32>
            %add3A_445 = arith.addi %mul3A_443, %add3A_444 : vector<16xi32>
            %swap3A_446 = arith.constant 144 : index
            %swap3A_447 = tpu.vector_load %arg10[%swap3A_446] {strides = array<i32>} : memref<192xi32, #tpu.memory_space<vmem>>, vector<16xi32>,
            %swap3A_448 = vector.shape_cast %swap3A_447 : vector<16xi32> to vector<16xi32>
            %swap3A_449 = vector.shape_cast %add3A_445 : vector<16xi32> to vector<16xi32>
            tpu.vector_store %arg10[%swap3A_446], %swap3A_449 {strides = array<i32>} : memref<192xi32, #tpu.memory_space<vmem>>, vector<16xi32>,
            %sub3A_450 = vector.broadcast %mul3A_8 : i32 to vector<16xi32>
            %sub3A_451 = arith.subi %get3A_422, %sub3A_450 : vector<16xi32>
            %jit3A_452 = arith.constant 12544 : i32
            %broadcast_in_dim3A_453 = vector.broadcast %jit3A_452 : i32 to vector<16xi32>
            %select_n3A_454 = arith.select %and3A_440, %sub3A_451, %broadcast_in_dim3A_453 : vector<16xi1>, vector<16xi32>
            %swap3A_455 = arith.constant 144 : index
            %swap3A_456 = tpu.vector_load %arg11[%swap3A_455] {strides = array<i32>} : memref<192xi32, #tpu.memory_space<vmem>>, vector<16xi32>,
            %swap3A_457 = vector.shape_cast %swap3A_456 : vector<16xi32> to vector<16xi32>
            %swap3A_458 = vector.shape_cast %select_n3A_454 : vector<16xi32> to vector<16xi32>
            tpu.vector_store %arg11[%swap3A_455], %swap3A_458 {strides = array<i32>} : memref<192xi32, #tpu.memory_space<vmem>>, vector<16xi32>,
            %get3A_459 = arith.constant 160 : index
            %get3A_460 = tpu.vector_load %arg8[%get3A_459] {strides = array<i32>} : memref<192xi32, #tpu.memory_space<vmem>>, vector<16xi32>,
            %get3A_461 = vector.shape_cast %get3A_460 : vector<16xi32> to vector<16xi32>
            %get3A_462 = arith.constant 160 : index
            %get3A_463 = tpu.vector_load %arg9[%get3A_462] {strides = array<i32>} : memref<192xi32, #tpu.memory_space<vmem>>, vector<16xi32>,
            %get3A_464 = vector.shape_cast %get3A_463 : vector<16xi32> to vector<16xi32>
            %iota3A_465 = tpu.iota {dimensions = array<i32: 0>} : vector<16xi32>
            %add3A_466 = arith.constant 160 : i32
            %add3A_467 = arith.addi %add3A_55, %add3A_466 : i32
            %add3A_468 = vector.broadcast %add3A_467 : i32 to vector<16xi32>
            %add3A_469 = arith.addi %iota3A_465, %add3A_468 : vector<16xi32>
            %lt3A_470 = vector.broadcast %squeeze3A : i32 to vector<16xi32>
            %lt3A_471 = arith.cmpi slt, %add3A_469, %lt3A_470 : vector<16xi32>
            %ge3A_472 = vector.broadcast %mul3A_8 : i32 to vector<16xi32>
            %ge3A_473 = arith.cmpi sge, %get3A_461, %ge3A_472 : vector<16xi32>
            %and3A_474 = arith.andi %lt3A_471, %ge3A_473 : vector<16xi1>
            %add3A_475 = arith.constant 12544 : i32
            %add3A_476 = arith.addi %mul3A_8, %add3A_475 : i32
            %lt3A_477 = vector.broadcast %add3A_476 : i32 to vector<16xi32>
            %lt3A_478 = arith.cmpi slt, %get3A_461, %lt3A_477 : vector<16xi32>
            %and3A_479 = arith.andi %and3A_474, %lt3A_478 : vector<16xi1>
            %mul3A_480 = arith.constant 14 : i32
            %mul3A_481 = vector.broadcast %mul3A_480 : i32 to vector<16xi32>
            %mul3A_482 = arith.muli %get3A_464, %mul3A_481 : vector<16xi32>
            %add3A_483 = vector.broadcast %scan3A_41 : i32 to vector<16xi32>
            %add3A_484 = arith.addi %mul3A_482, %add3A_483 : vector<16xi32>
            %swap3A_485 = arith.constant 160 : index
            %swap3A_486 = tpu.vector_load %arg10[%swap3A_485] {strides = array<i32>} : memref<192xi32, #tpu.memory_space<vmem>>, vector<16xi32>,
            %swap3A_487 = vector.shape_cast %swap3A_486 : vector<16xi32> to vector<16xi32>
            %swap3A_488 = vector.shape_cast %add3A_484 : vector<16xi32> to vector<16xi32>
            tpu.vector_store %arg10[%swap3A_485], %swap3A_488 {strides = array<i32>} : memref<192xi32, #tpu.memory_space<vmem>>, vector<16xi32>,
            %sub3A_489 = vector.broadcast %mul3A_8 : i32 to vector<16xi32>
            %sub3A_490 = arith.subi %get3A_461, %sub3A_489 : vector<16xi32>
            %jit3A_491 = arith.constant 12544 : i32
            %broadcast_in_dim3A_492 = vector.broadcast %jit3A_491 : i32 to vector<16xi32>
            %select_n3A_493 = arith.select %and3A_479, %sub3A_490, %broadcast_in_dim3A_492 : vector<16xi1>, vector<16xi32>
            %swap3A_494 = arith.constant 160 : index
            %swap3A_495 = tpu.vector_load %arg11[%swap3A_494] {strides = array<i32>} : memref<192xi32, #tpu.memory_space<vmem>>, vector<16xi32>,
            %swap3A_496 = vector.shape_cast %swap3A_495 : vector<16xi32> to vector<16xi32>
            %swap3A_497 = vector.shape_cast %select_n3A_493 : vector<16xi32> to vector<16xi32>
            tpu.vector_store %arg11[%swap3A_494], %swap3A_497 {strides = array<i32>} : memref<192xi32, #tpu.memory_space<vmem>>, vector<16xi32>,
            %get3A_498 = arith.constant 176 : index
            %get3A_499 = tpu.vector_load %arg8[%get3A_498] {strides = array<i32>} : memref<192xi32, #tpu.memory_space<vmem>>, vector<16xi32>,
            %get3A_500 = vector.shape_cast %get3A_499 : vector<16xi32> to vector<16xi32>
            %get3A_501 = arith.constant 176 : index
            %get3A_502 = tpu.vector_load %arg9[%get3A_501] {strides = array<i32>} : memref<192xi32, #tpu.memory_space<vmem>>, vector<16xi32>,
            %get3A_503 = vector.shape_cast %get3A_502 : vector<16xi32> to vector<16xi32>
            %iota3A_504 = tpu.iota {dimensions = array<i32: 0>} : vector<16xi32>
            %add3A_505 = arith.constant 176 : i32
            %add3A_506 = arith.addi %add3A_55, %add3A_505 : i32
            %add3A_507 = vector.broadcast %add3A_506 : i32 to vector<16xi32>
            %add3A_508 = arith.addi %iota3A_504, %add3A_507 : vector<16xi32>
            %lt3A_509 = vector.broadcast %squeeze3A : i32 to vector<16xi32>
            %lt3A_510 = arith.cmpi slt, %add3A_508, %lt3A_509 : vector<16xi32>
            %ge3A_511 = vector.broadcast %mul3A_8 : i32 to vector<16xi32>
            %ge3A_512 = arith.cmpi sge, %get3A_500, %ge3A_511 : vector<16xi32>
            %and3A_513 = arith.andi %lt3A_510, %ge3A_512 : vector<16xi1>
            %add3A_514 = arith.constant 12544 : i32
            %add3A_515 = arith.addi %mul3A_8, %add3A_514 : i32
            %lt3A_516 = vector.broadcast %add3A_515 : i32 to vector<16xi32>
            %lt3A_517 = arith.cmpi slt, %get3A_500, %lt3A_516 : vector<16xi32>
            %and3A_518 = arith.andi %and3A_513, %lt3A_517 : vector<16xi1>
            %mul3A_519 = arith.constant 14 : i32
            %mul3A_520 = vector.broadcast %mul3A_519 : i32 to vector<16xi32>
            %mul3A_521 = arith.muli %get3A_503, %mul3A_520 : vector<16xi32>
            %add3A_522 = vector.broadcast %scan3A_41 : i32 to vector<16xi32>
            %add3A_523 = arith.addi %mul3A_521, %add3A_522 : vector<16xi32>
            %swap3A_524 = arith.constant 176 : index
            %swap3A_525 = tpu.vector_load %arg10[%swap3A_524] {strides = array<i32>} : memref<192xi32, #tpu.memory_space<vmem>>, vector<16xi32>,
            %swap3A_526 = vector.shape_cast %swap3A_525 : vector<16xi32> to vector<16xi32>
            %swap3A_527 = vector.shape_cast %add3A_523 : vector<16xi32> to vector<16xi32>
            tpu.vector_store %arg10[%swap3A_524], %swap3A_527 {strides = array<i32>} : memref<192xi32, #tpu.memory_space<vmem>>, vector<16xi32>,
            %sub3A_528 = vector.broadcast %mul3A_8 : i32 to vector<16xi32>
            %sub3A_529 = arith.subi %get3A_500, %sub3A_528 : vector<16xi32>
            %jit3A_530 = arith.constant 12544 : i32
            %broadcast_in_dim3A_531 = vector.broadcast %jit3A_530 : i32 to vector<16xi32>
            %select_n3A_532 = arith.select %and3A_518, %sub3A_529, %broadcast_in_dim3A_531 : vector<16xi1>, vector<16xi32>
            %swap3A_533 = arith.constant 176 : index
            %swap3A_534 = tpu.vector_load %arg11[%swap3A_533] {strides = array<i32>} : memref<192xi32, #tpu.memory_space<vmem>>, vector<16xi32>,
            %swap3A_535 = vector.shape_cast %swap3A_534 : vector<16xi32> to vector<16xi32>
            %swap3A_536 = vector.shape_cast %select_n3A_532 : vector<16xi32> to vector<16xi32>
            tpu.vector_store %arg11[%swap3A_533], %swap3A_536 {strides = array<i32>} : memref<192xi32, #tpu.memory_space<vmem>>, vector<16xi32>,
            %dma_start3A_537 = arith.constant 0 : i32
            %dma_start3A_538 = arith.constant 0 : i32
            %dma_start3A_539 = tpu.memref_slice %arg2[%dma_start3A_537, %dma_start3A_538] : memref<1404928x128xf32, #tpu.memory_space<hbm>> -> memref<1404928x128xf32, #tpu.memory_space<hbm>>
            tpu.enqueue_indirect_dma source(%dma_start3A_539 : memref<1404928x128xf32, #tpu.memory_space<hbm>>) target(%arg12 : memref<192x128xf32, #tpu.memory_space<vmem>>) offsets(%arg10 : memref<192xi32, #tpu.memory_space<vmem>>) semaphore(%arg14 : memref<!tpu.dma_semaphore, #tpu.memory_space<semaphore_mem>>)
            %dma_wait3A_540 = arith.constant 0 : i32
            %dma_wait3A_541 = arith.constant 0 : i32
            %dma_wait3A_542 = tpu.memref_slice %arg2[%dma_wait3A_540, %dma_wait3A_541] : memref<1404928x128xf32, #tpu.memory_space<hbm>> -> memref<1404928x128xf32, #tpu.memory_space<hbm>>
            tpu.wait_indirect_dma semaphore(%arg14 : memref<!tpu.dma_semaphore, #tpu.memory_space<semaphore_mem>>) src(%dma_wait3A_542 : memref<1404928x128xf32, #tpu.memory_space<hbm>>) dst(%arg12 : memref<192x128xf32, #tpu.memory_space<vmem>>)
            %dma_start3A_543 = arith.constant 0 : i32
            %dma_start3A_544 = arith.constant 0 : i32
            %dma_start3A_545 = tpu.memref_slice %arg7[%dma_start3A_543, %dma_start3A_544] : memref<12552x128xf32, #tpu.memory_space<vmem_shared>> -> memref<12552x128xf32, #tpu.memory_space<vmem_shared>>
            tpu.enqueue_indirect_dma source(%arg12 : memref<192x128xf32, #tpu.memory_space<vmem>>) target(%dma_start3A_545 : memref<12552x128xf32, #tpu.memory_space<vmem_shared>>) offsets(%arg11 : memref<192xi32, #tpu.memory_space<vmem>>) semaphore(%arg14 : memref<!tpu.dma_semaphore, #tpu.memory_space<semaphore_mem>>) {add = true}
            %dma_wait3A_546 = arith.constant 0 : i32
            %dma_wait3A_547 = arith.constant 0 : i32
            %dma_wait3A_548 = tpu.memref_slice %arg7[%dma_wait3A_546, %dma_wait3A_547] : memref<12552x128xf32, #tpu.memory_space<vmem_shared>> -> memref<12552x128xf32, #tpu.memory_space<vmem_shared>>
            tpu.wait_indirect_dma semaphore(%arg14 : memref<!tpu.dma_semaphore, #tpu.memory_space<semaphore_mem>>) src(%arg12 : memref<192x128xf32, #tpu.memory_space<vmem>>) dst(%dma_wait3A_548 : memref<12552x128xf32, #tpu.memory_space<vmem_shared>>)
          } else {
          }
        }
        %scan3A_51 = arith.constant 66 : i32
      }
      %scan3A_25 = arith.constant 14 : i32
      %barrier3A_26 = arith.constant 0 : index
      tpu.barrier barrier_id(%barrier3A_26)
      %mul3A_27 = arith.constant 784 : i32
      %mul3A_28 = arith.muli %arg1, %mul3A_27 : i32
      %mul3A_29 = arith.constant 784 : i32
      %mul3A_30 = arith.muli %arg1, %mul3A_29 : i32
      %add3A_31 = arith.addi %mul3A_8, %mul3A_30 : i32
      %dma_start3A_32 = arith.constant 0 : i32
      %dma_start3A_33 = tpu.memref_slice %arg6[%add3A_31, %dma_start3A_32] : memref<100352x128xf32, #tpu.memory_space<hbm>> -> memref<784x128xf32, #tpu.memory_space<hbm>>
      %dma_start3A_34 = arith.constant 0 : i32
      %dma_start3A_35 = tpu.memref_slice %arg7[%mul3A_28, %dma_start3A_34] : memref<12552x128xf32, #tpu.memory_space<vmem_shared>> -> memref<784x128xf32, #tpu.memory_space<vmem_shared>>
      tpu.enqueue_dma source(%dma_start3A_35 : memref<784x128xf32, #tpu.memory_space<vmem_shared>>) target(%dma_start3A_33 : memref<784x128xf32, #tpu.memory_space<hbm>>) target_semaphore(%arg14 : memref<!tpu.dma_semaphore, #tpu.memory_space<semaphore_mem>>)
      %dma_wait3A_36 = arith.constant 0 : i32
      %dma_wait3A_37 = tpu.memref_slice %arg6[%add3A_31, %dma_wait3A_36] : memref<100352x128xf32, #tpu.memory_space<hbm>> -> memref<784x128xf32, #tpu.memory_space<hbm>>
      %dma_wait3A_38 = arith.constant 0 : i32
      %dma_wait3A_39 = tpu.memref_slice %arg7[%mul3A_28, %dma_wait3A_38] : memref<12552x128xf32, #tpu.memory_space<vmem_shared>> -> memref<784x128xf32, #tpu.memory_space<vmem_shared>>
      tpu.wait_dma2 semaphore(%arg14 : memref<!tpu.dma_semaphore, #tpu.memory_space<semaphore_mem>>) src(%dma_wait3A_39 : memref<784x128xf32, #tpu.memory_space<vmem_shared>>) dst(%dma_wait3A_37 : memref<784x128xf32, #tpu.memory_space<hbm>>)
      %barrier3A_40 = arith.constant 0 : index
      tpu.barrier barrier_id(%barrier3A_40)
    }
    %scan3A_4 = arith.constant 4 : i32
    return
  }
}

#map = affine_map<(d0, d1) -> (0, 0)>
#map1 = affine_map<(d0, d1) -> (0)>
module attributes {stable_mosaic.version = 14 : i64} {
  func.func @body(%arg0: i32, %arg1: i32, %arg2: memref<1404928x128xf32, #tpu.memory_space<hbm>>, %arg3: memref<100352x128xf32, #tpu.memory_space<hbm>>, %arg4: memref<5677056xi32, #tpu.memory_space<hbm>>, %arg5: memref<32xi32, #tpu.memory_space<hbm>>, %arg6: memref<100352x128xf32, #tpu.memory_space<hbm>>, %arg7: memref<12552x128xf32, #tpu.memory_space<vmem_shared>>, %arg8: memref<192xi32, #tpu.memory_space<vmem>>, %arg9: memref<192xi32, #tpu.memory_space<vmem>>, %arg10: memref<192xi32, #tpu.memory_space<vmem>>, %arg11: memref<192xi32, #tpu.memory_space<vmem>>, %arg12: memref<192x128xf32, #tpu.memory_space<vmem>>, %arg13: memref<32xi32, #tpu.memory_space<vmem>>, %arg14: memref<!tpu.dma_semaphore, #tpu.memory_space<semaphore_mem>>) attributes {dimension_semantics = [#tpu.dimension_semantics<core_parallel>, #tpu.dimension_semantics<subcore_parallel>], iteration_bounds = array<i64: 2, 16>, scalar_prefetch = 0 : i64, scratch_operands = 8 : i64, tpu.core_type = #tpu.core_type<sc_vector_subcore>, window_params = [{transform_indices = #map}, {transform_indices = #map}, {transform_indices = #map1}, {transform_indices = #map1}, {transform_indices = #map}]} {
    tpu.enqueue_dma source(%arg5 : memref<32xi32, #tpu.memory_space<hbm>>) target(%arg13 : memref<32xi32, #tpu.memory_space<vmem>>) target_semaphore(%arg14 : memref<!tpu.dma_semaphore, #tpu.memory_space<semaphore_mem>>)
    tpu.wait_dma2 semaphore(%arg14 : memref<!tpu.dma_semaphore, #tpu.memory_space<semaphore_mem>>) src(%arg5 : memref<32xi32, #tpu.memory_space<hbm>>) dst(%arg13 : memref<32xi32, #tpu.memory_space<vmem>>)
    %scan3A = arith.constant 0 : i32
    %scan3A_0 = arith.constant 0 : i32
    %scan3A_1 = arith.constant 4 : i32
    %scan3A_2 = arith.addi %scan3A_0, %scan3A_1 : i32
    %scan3A_3 = arith.constant 1 : i32
    scf.for %scan3A_5 = %scan3A_0 to %scan3A_2 step %scan3A_3  : i32 {
      %mul3A = arith.constant 2 : i32
      %mul3A_6 = arith.muli %mul3A, %scan3A_5 : i32
      %add3A = arith.addi %mul3A_6, %arg0 : i32
      %mul3A_7 = arith.constant 12544 : i32
      %mul3A_8 = arith.muli %add3A, %mul3A_7 : i32
      %mul3A_9 = arith.constant 784 : i32
      %mul3A_10 = arith.muli %arg1, %mul3A_9 : i32
      %add3A_11 = arith.addi %mul3A_8, %mul3A_10 : i32
      %mul3A_12 = arith.constant 784 : i32
      %mul3A_13 = arith.muli %arg1, %mul3A_12 : i32
      %dma_start3A = arith.constant 0 : i32
      %dma_start3A_14 = tpu.memref_slice %arg7[%mul3A_13, %dma_start3A] : memref<12552x128xf32, #tpu.memory_space<vmem_shared>> -> memref<784x128xf32, #tpu.memory_space<vmem_shared>>
      %dma_start3A_15 = arith.constant 0 : i32
      %dma_start3A_16 = tpu.memref_slice %arg3[%add3A_11, %dma_start3A_15] : memref<100352x128xf32, #tpu.memory_space<hbm>> -> memref<784x128xf32, #tpu.memory_space<hbm>>
      tpu.enqueue_dma source(%dma_start3A_16 : memref<784x128xf32, #tpu.memory_space<hbm>>) target(%dma_start3A_14 : memref<784x128xf32, #tpu.memory_space<vmem_shared>>) target_semaphore(%arg14 : memref<!tpu.dma_semaphore, #tpu.memory_space<semaphore_mem>>)
      %dma_wait3A = arith.constant 0 : i32
      %dma_wait3A_17 = tpu.memref_slice %arg7[%mul3A_13, %dma_wait3A] : memref<12552x128xf32, #tpu.memory_space<vmem_shared>> -> memref<784x128xf32, #tpu.memory_space<vmem_shared>>
      %dma_wait3A_18 = arith.constant 0 : i32
      %dma_wait3A_19 = tpu.memref_slice %arg3[%add3A_11, %dma_wait3A_18] : memref<100352x128xf32, #tpu.memory_space<hbm>> -> memref<784x128xf32, #tpu.memory_space<hbm>>
      tpu.wait_dma2 semaphore(%arg14 : memref<!tpu.dma_semaphore, #tpu.memory_space<semaphore_mem>>) src(%dma_wait3A_19 : memref<784x128xf32, #tpu.memory_space<hbm>>) dst(%dma_wait3A_17 : memref<784x128xf32, #tpu.memory_space<vmem_shared>>)
      %barrier3A = arith.constant 0 : index
      tpu.barrier barrier_id(%barrier3A)
      %scan3A_20 = arith.constant 0 : i32
      %scan3A_21 = arith.constant 0 : i32
      %scan3A_22 = arith.constant 14 : i32
      %scan3A_23 = arith.addi %scan3A_21, %scan3A_22 : i32
      %scan3A_24 = arith.constant 1 : i32
      scf.for %scan3A_41 = %scan3A_21 to %scan3A_23 step %scan3A_24  : i32 {
        %mul3A_42 = arith.constant 12672 : i32
        %mul3A_43 = arith.muli %arg1, %mul3A_42 : i32
        %get3A = arith.index_cast %scan3A_41 : i32 to index
        %get3A_44 = tpu.vector_load %arg13[%get3A] {strides = array<i32>} : memref<32xi32, #tpu.memory_space<vmem>>, vector<16xi32>,
        %get3A_45 = vector.shape_cast %get3A_44 : vector<16xi32> to vector<16xi32>
        %slice3A = vector.extract_strided_slice %get3A_45 {offsets = [0], sizes = [1], strides = [1]} : vector<16xi32> to vector<1xi32>
        %squeeze3A = vector.extract %slice3A[0] : i32 from vector<1xi32>
        %scan3A_46 = arith.constant 0 : i32
        %scan3A_47 = arith.constant 0 : i32
        %scan3A_48 = arith.constant 66 : i32
        %scan3A_49 = arith.addi %scan3A_47, %scan3A_48 : i32
        %scan3A_50 = arith.constant 1 : i32
        scf.for %scan3A_52 = %scan3A_47 to %scan3A_49 step %scan3A_50  : i32 {
          %mul3A_53 = arith.constant 192 : i32
          %mul3A_54 = arith.muli %scan3A_52, %mul3A_53 : i32
          %add3A_55 = arith.addi %mul3A_43, %mul3A_54 : i32
          %lt3A = arith.cmpi slt, %add3A_55, %squeeze3A : i32
          %convert_element_type3A = arith.extui %lt3A : i1 to i32
          %cond3A = arith.constant 0 : i32
          %cond3A_56 = arith.cmpi ne, %convert_element_type3A, %cond3A : i32
          scf.if %cond3A_56 {
            %mul3A_57 = arith.constant 2 : i32
            %mul3A_58 = arith.muli %mul3A_57, %scan3A_41 : i32
            %mul3A_59 = arith.constant 202752 : i32
            %mul3A_60 = arith.muli %mul3A_58, %mul3A_59 : i32
            %add3A_61 = arith.addi %mul3A_60, %add3A_55 : i32
            %dma_start3A_62 = tpu.memref_slice %arg4[%add3A_61] : memref<5677056xi32, #tpu.memory_space<hbm>> -> memref<192xi32, #tpu.memory_space<hbm>>
            %dma_start3A_63 = tpu.memref_slice %arg4[%add3A_61] : memref<5677056xi32, #tpu.memory_space<hbm>> -> memref<192xi32, #tpu.memory_space<hbm>>
            tpu.enqueue_dma source(%dma_start3A_63 : memref<192xi32, #tpu.memory_space<hbm>>) target(%arg8 : memref<192xi32, #tpu.memory_space<vmem>>) target_semaphore(%arg14 : memref<!tpu.dma_semaphore, #tpu.memory_space<semaphore_mem>>)
            %dma_wait3A_64 = tpu.memref_slice %arg4[%add3A_61] : memref<5677056xi32, #tpu.memory_space<hbm>> -> memref<192xi32, #tpu.memory_space<hbm>>
            %dma_wait3A_65 = tpu.memref_slice %arg4[%add3A_61] : memref<5677056xi32, #tpu.memory_space<hbm>> -> memref<192xi32, #tpu.memory_space<hbm>>
            tpu.wait_dma2 semaphore(%arg14 : memref<!tpu.dma_semaphore, #tpu.memory_space<semaphore_mem>>) src(%dma_wait3A_65 : memref<192xi32, #tpu.memory_space<hbm>>) dst(%arg8 : memref<192xi32, #tpu.memory_space<vmem>>)
            %mul3A_66 = arith.constant 2 : i32
            %mul3A_67 = arith.muli %mul3A_66, %scan3A_41 : i32
            %add3A_68 = arith.constant 1 : i32
            %add3A_69 = arith.addi %mul3A_67, %add3A_68 : i32
            %mul3A_70 = arith.constant 202752 : i32
            %mul3A_71 = arith.muli %add3A_69, %mul3A_70 : i32
            %add3A_72 = arith.addi %mul3A_71, %add3A_55 : i32
            %dma_start3A_73 = tpu.memref_slice %arg4[%add3A_72] : memref<5677056xi32, #tpu.memory_space<hbm>> -> memref<192xi32, #tpu.memory_space<hbm>>
            %dma_start3A_74 = tpu.memref_slice %arg4[%add3A_72] : memref<5677056xi32, #tpu.memory_space<hbm>> -> memref<192xi32, #tpu.memory_space<hbm>>
            tpu.enqueue_dma source(%dma_start3A_74 : memref<192xi32, #tpu.memory_space<hbm>>) target(%arg9 : memref<192xi32, #tpu.memory_space<vmem>>) target_semaphore(%arg14 : memref<!tpu.dma_semaphore, #tpu.memory_space<semaphore_mem>>)
            %dma_wait3A_75 = tpu.memref_slice %arg4[%add3A_72] : memref<5677056xi32, #tpu.memory_space<hbm>> -> memref<192xi32, #tpu.memory_space<hbm>>
            %dma_wait3A_76 = tpu.memref_slice %arg4[%add3A_72] : memref<5677056xi32, #tpu.memory_space<hbm>> -> memref<192xi32, #tpu.memory_space<hbm>>
            tpu.wait_dma2 semaphore(%arg14 : memref<!tpu.dma_semaphore, #tpu.memory_space<semaphore_mem>>) src(%dma_wait3A_76 : memref<192xi32, #tpu.memory_space<hbm>>) dst(%arg9 : memref<192xi32, #tpu.memory_space<vmem>>)
            %get3A_77 = arith.constant 0 : index
            %get3A_78 = tpu.vector_load %arg8[%get3A_77] {strides = array<i32>} : memref<192xi32, #tpu.memory_space<vmem>>, vector<16xi32>,
            %get3A_79 = vector.shape_cast %get3A_78 : vector<16xi32> to vector<16xi32>
            %get3A_80 = arith.constant 0 : index
            %get3A_81 = tpu.vector_load %arg9[%get3A_80] {strides = array<i32>} : memref<192xi32, #tpu.memory_space<vmem>>, vector<16xi32>,
            %get3A_82 = vector.shape_cast %get3A_81 : vector<16xi32> to vector<16xi32>
            %iota3A = tpu.iota {dimensions = array<i32: 0>} : vector<16xi32>
            %add3A_83 = arith.constant 0 : i32
            %add3A_84 = arith.addi %add3A_55, %add3A_83 : i32
            %add3A_85 = vector.broadcast %add3A_84 : i32 to vector<16xi32>
            %add3A_86 = arith.addi %iota3A, %add3A_85 : vector<16xi32>
            %lt3A_87 = vector.broadcast %squeeze3A : i32 to vector<16xi32>
            %lt3A_88 = arith.cmpi slt, %add3A_86, %lt3A_87 : vector<16xi32>
            %ge3A = vector.broadcast %mul3A_8 : i32 to vector<16xi32>
            %ge3A_89 = arith.cmpi sge, %get3A_79, %ge3A : vector<16xi32>
            %and3A = arith.andi %lt3A_88, %ge3A_89 : vector<16xi1>
            %add3A_90 = arith.constant 12544 : i32
            %add3A_91 = arith.addi %mul3A_8, %add3A_90 : i32
            %lt3A_92 = vector.broadcast %add3A_91 : i32 to vector<16xi32>
            %lt3A_93 = arith.cmpi slt, %get3A_79, %lt3A_92 : vector<16xi32>
            %and3A_94 = arith.andi %and3A, %lt3A_93 : vector<16xi1>
            %mul3A_95 = arith.constant 14 : i32
            %mul3A_96 = vector.broadcast %mul3A_95 : i32 to vector<16xi32>
            %mul3A_97 = arith.muli %get3A_82, %mul3A_96 : vector<16xi32>
            %add3A_98 = vector.broadcast %scan3A_41 : i32 to vector<16xi32>
            %add3A_99 = arith.addi %mul3A_97, %add3A_98 : vector<16xi32>
            %swap3A = arith.constant 0 : index
            %swap3A_100 = tpu.vector_load %arg10[%swap3A] {strides = array<i32>} : memref<192xi32, #tpu.memory_space<vmem>>, vector<16xi32>,
            %swap3A_101 = vector.shape_cast %swap3A_100 : vector<16xi32> to vector<16xi32>
            %swap3A_102 = vector.shape_cast %add3A_99 : vector<16xi32> to vector<16xi32>
            tpu.vector_store %arg10[%swap3A], %swap3A_102 {strides = array<i32>} : memref<192xi32, #tpu.memory_space<vmem>>, vector<16xi32>,
            %sub3A = vector.broadcast %mul3A_8 : i32 to vector<16xi32>
            %sub3A_103 = arith.subi %get3A_79, %sub3A : vector<16xi32>
            %jit3A = arith.constant 12544 : i32
            %broadcast_in_dim3A = vector.broadcast %jit3A : i32 to vector<16xi32>
            %select_n3A = arith.select %and3A_94, %sub3A_103, %broadcast_in_dim3A : vector<16xi1>, vector<16xi32>
            %swap3A_104 = arith.constant 0 : index
            %swap3A_105 = tpu.vector_load %arg11[%swap3A_104] {strides = array<i32>} : memref<192xi32, #tpu.memory_space<vmem>>, vector<16xi32>,
            %swap3A_106 = vector.shape_cast %swap3A_105 : vector<16xi32> to vector<16xi32>
            %swap3A_107 = vector.shape_cast %select_n3A : vector<16xi32> to vector<16xi32>
            tpu.vector_store %arg11[%swap3A_104], %swap3A_107 {strides = array<i32>} : memref<192xi32, #tpu.memory_space<vmem>>, vector<16xi32>,
            %get3A_108 = arith.constant 16 : index
            %get3A_109 = tpu.vector_load %arg8[%get3A_108] {strides = array<i32>} : memref<192xi32, #tpu.memory_space<vmem>>, vector<16xi32>,
            %get3A_110 = vector.shape_cast %get3A_109 : vector<16xi32> to vector<16xi32>
            %get3A_111 = arith.constant 16 : index
            %get3A_112 = tpu.vector_load %arg9[%get3A_111] {strides = array<i32>} : memref<192xi32, #tpu.memory_space<vmem>>, vector<16xi32>,
            %get3A_113 = vector.shape_cast %get3A_112 : vector<16xi32> to vector<16xi32>
            %iota3A_114 = tpu.iota {dimensions = array<i32: 0>} : vector<16xi32>
            %add3A_115 = arith.constant 16 : i32
            %add3A_116 = arith.addi %add3A_55, %add3A_115 : i32
            %add3A_117 = vector.broadcast %add3A_116 : i32 to vector<16xi32>
            %add3A_118 = arith.addi %iota3A_114, %add3A_117 : vector<16xi32>
            %lt3A_119 = vector.broadcast %squeeze3A : i32 to vector<16xi32>
            %lt3A_120 = arith.cmpi slt, %add3A_118, %lt3A_119 : vector<16xi32>
            %ge3A_121 = vector.broadcast %mul3A_8 : i32 to vector<16xi32>
            %ge3A_122 = arith.cmpi sge, %get3A_110, %ge3A_121 : vector<16xi32>
            %and3A_123 = arith.andi %lt3A_120, %ge3A_122 : vector<16xi1>
            %add3A_124 = arith.constant 12544 : i32
            %add3A_125 = arith.addi %mul3A_8, %add3A_124 : i32
            %lt3A_126 = vector.broadcast %add3A_125 : i32 to vector<16xi32>
            %lt3A_127 = arith.cmpi slt, %get3A_110, %lt3A_126 : vector<16xi32>
            %and3A_128 = arith.andi %and3A_123, %lt3A_127 : vector<16xi1>
            %mul3A_129 = arith.constant 14 : i32
            %mul3A_130 = vector.broadcast %mul3A_129 : i32 to vector<16xi32>
            %mul3A_131 = arith.muli %get3A_113, %mul3A_130 : vector<16xi32>
            %add3A_132 = vector.broadcast %scan3A_41 : i32 to vector<16xi32>
            %add3A_133 = arith.addi %mul3A_131, %add3A_132 : vector<16xi32>
            %swap3A_134 = arith.constant 16 : index
            %swap3A_135 = tpu.vector_load %arg10[%swap3A_134] {strides = array<i32>} : memref<192xi32, #tpu.memory_space<vmem>>, vector<16xi32>,
            %swap3A_136 = vector.shape_cast %swap3A_135 : vector<16xi32> to vector<16xi32>
            %swap3A_137 = vector.shape_cast %add3A_133 : vector<16xi32> to vector<16xi32>
            tpu.vector_store %arg10[%swap3A_134], %swap3A_137 {strides = array<i32>} : memref<192xi32, #tpu.memory_space<vmem>>, vector<16xi32>,
            %sub3A_138 = vector.broadcast %mul3A_8 : i32 to vector<16xi32>
            %sub3A_139 = arith.subi %get3A_110, %sub3A_138 : vector<16xi32>
            %jit3A_140 = arith.constant 12544 : i32
            %broadcast_in_dim3A_141 = vector.broadcast %jit3A_140 : i32 to vector<16xi32>
            %select_n3A_142 = arith.select %and3A_128, %sub3A_139, %broadcast_in_dim3A_141 : vector<16xi1>, vector<16xi32>
            %swap3A_143 = arith.constant 16 : index
            %swap3A_144 = tpu.vector_load %arg11[%swap3A_143] {strides = array<i32>} : memref<192xi32, #tpu.memory_space<vmem>>, vector<16xi32>,
            %swap3A_145 = vector.shape_cast %swap3A_144 : vector<16xi32> to vector<16xi32>
            %swap3A_146 = vector.shape_cast %select_n3A_142 : vector<16xi32> to vector<16xi32>
            tpu.vector_store %arg11[%swap3A_143], %swap3A_146 {strides = array<i32>} : memref<192xi32, #tpu.memory_space<vmem>>, vector<16xi32>,
            %get3A_147 = arith.constant 32 : index
            %get3A_148 = tpu.vector_load %arg8[%get3A_147] {strides = array<i32>} : memref<192xi32, #tpu.memory_space<vmem>>, vector<16xi32>,
            %get3A_149 = vector.shape_cast %get3A_148 : vector<16xi32> to vector<16xi32>
            %get3A_150 = arith.constant 32 : index
            %get3A_151 = tpu.vector_load %arg9[%get3A_150] {strides = array<i32>} : memref<192xi32, #tpu.memory_space<vmem>>, vector<16xi32>,
            %get3A_152 = vector.shape_cast %get3A_151 : vector<16xi32> to vector<16xi32>
            %iota3A_153 = tpu.iota {dimensions = array<i32: 0>} : vector<16xi32>
            %add3A_154 = arith.constant 32 : i32
            %add3A_155 = arith.addi %add3A_55, %add3A_154 : i32
            %add3A_156 = vector.broadcast %add3A_155 : i32 to vector<16xi32>
            %add3A_157 = arith.addi %iota3A_153, %add3A_156 : vector<16xi32>
            %lt3A_158 = vector.broadcast %squeeze3A : i32 to vector<16xi32>
            %lt3A_159 = arith.cmpi slt, %add3A_157, %lt3A_158 : vector<16xi32>
            %ge3A_160 = vector.broadcast %mul3A_8 : i32 to vector<16xi32>
            %ge3A_161 = arith.cmpi sge, %get3A_149, %ge3A_160 : vector<16xi32>
            %and3A_162 = arith.andi %lt3A_159, %ge3A_161 : vector<16xi1>
            %add3A_163 = arith.constant 12544 : i32
            %add3A_164 = arith.addi %mul3A_8, %add3A_163 : i32
            %lt3A_165 = vector.broadcast %add3A_164 : i32 to vector<16xi32>
            %lt3A_166 = arith.cmpi slt, %get3A_149, %lt3A_165 : vector<16xi32>
            %and3A_167 = arith.andi %and3A_162, %lt3A_166 : vector<16xi1>
            %mul3A_168 = arith.constant 14 : i32
            %mul3A_169 = vector.broadcast %mul3A_168 : i32 to vector<16xi32>
            %mul3A_170 = arith.muli %get3A_152, %mul3A_169 : vector<16xi32>
            %add3A_171 = vector.broadcast %scan3A_41 : i32 to vector<16xi32>
            %add3A_172 = arith.addi %mul3A_170, %add3A_171 : vector<16xi32>
            %swap3A_173 = arith.constant 32 : index
            %swap3A_174 = tpu.vector_load %arg10[%swap3A_173] {strides = array<i32>} : memref<192xi32, #tpu.memory_space<vmem>>, vector<16xi32>,
            %swap3A_175 = vector.shape_cast %swap3A_174 : vector<16xi32> to vector<16xi32>
            %swap3A_176 = vector.shape_cast %add3A_172 : vector<16xi32> to vector<16xi32>
            tpu.vector_store %arg10[%swap3A_173], %swap3A_176 {strides = array<i32>} : memref<192xi32, #tpu.memory_space<vmem>>, vector<16xi32>,
            %sub3A_177 = vector.broadcast %mul3A_8 : i32 to vector<16xi32>
            %sub3A_178 = arith.subi %get3A_149, %sub3A_177 : vector<16xi32>
            %jit3A_179 = arith.constant 12544 : i32
            %broadcast_in_dim3A_180 = vector.broadcast %jit3A_179 : i32 to vector<16xi32>
            %select_n3A_181 = arith.select %and3A_167, %sub3A_178, %broadcast_in_dim3A_180 : vector<16xi1>, vector<16xi32>
            %swap3A_182 = arith.constant 32 : index
            %swap3A_183 = tpu.vector_load %arg11[%swap3A_182] {strides = array<i32>} : memref<192xi32, #tpu.memory_space<vmem>>, vector<16xi32>,
            %swap3A_184 = vector.shape_cast %swap3A_183 : vector<16xi32> to vector<16xi32>
            %swap3A_185 = vector.shape_cast %select_n3A_181 : vector<16xi32> to vector<16xi32>
            tpu.vector_store %arg11[%swap3A_182], %swap3A_185 {strides = array<i32>} : memref<192xi32, #tpu.memory_space<vmem>>, vector<16xi32>,
            %get3A_186 = arith.constant 48 : index
            %get3A_187 = tpu.vector_load %arg8[%get3A_186] {strides = array<i32>} : memref<192xi32, #tpu.memory_space<vmem>>, vector<16xi32>,
            %get3A_188 = vector.shape_cast %get3A_187 : vector<16xi32> to vector<16xi32>
            %get3A_189 = arith.constant 48 : index
            %get3A_190 = tpu.vector_load %arg9[%get3A_189] {strides = array<i32>} : memref<192xi32, #tpu.memory_space<vmem>>, vector<16xi32>,
            %get3A_191 = vector.shape_cast %get3A_190 : vector<16xi32> to vector<16xi32>
            %iota3A_192 = tpu.iota {dimensions = array<i32: 0>} : vector<16xi32>
            %add3A_193 = arith.constant 48 : i32
            %add3A_194 = arith.addi %add3A_55, %add3A_193 : i32
            %add3A_195 = vector.broadcast %add3A_194 : i32 to vector<16xi32>
            %add3A_196 = arith.addi %iota3A_192, %add3A_195 : vector<16xi32>
            %lt3A_197 = vector.broadcast %squeeze3A : i32 to vector<16xi32>
            %lt3A_198 = arith.cmpi slt, %add3A_196, %lt3A_197 : vector<16xi32>
            %ge3A_199 = vector.broadcast %mul3A_8 : i32 to vector<16xi32>
            %ge3A_200 = arith.cmpi sge, %get3A_188, %ge3A_199 : vector<16xi32>
            %and3A_201 = arith.andi %lt3A_198, %ge3A_200 : vector<16xi1>
            %add3A_202 = arith.constant 12544 : i32
            %add3A_203 = arith.addi %mul3A_8, %add3A_202 : i32
            %lt3A_204 = vector.broadcast %add3A_203 : i32 to vector<16xi32>
            %lt3A_205 = arith.cmpi slt, %get3A_188, %lt3A_204 : vector<16xi32>
            %and3A_206 = arith.andi %and3A_201, %lt3A_205 : vector<16xi1>
            %mul3A_207 = arith.constant 14 : i32
            %mul3A_208 = vector.broadcast %mul3A_207 : i32 to vector<16xi32>
            %mul3A_209 = arith.muli %get3A_191, %mul3A_208 : vector<16xi32>
            %add3A_210 = vector.broadcast %scan3A_41 : i32 to vector<16xi32>
            %add3A_211 = arith.addi %mul3A_209, %add3A_210 : vector<16xi32>
            %swap3A_212 = arith.constant 48 : index
            %swap3A_213 = tpu.vector_load %arg10[%swap3A_212] {strides = array<i32>} : memref<192xi32, #tpu.memory_space<vmem>>, vector<16xi32>,
            %swap3A_214 = vector.shape_cast %swap3A_213 : vector<16xi32> to vector<16xi32>
            %swap3A_215 = vector.shape_cast %add3A_211 : vector<16xi32> to vector<16xi32>
            tpu.vector_store %arg10[%swap3A_212], %swap3A_215 {strides = array<i32>} : memref<192xi32, #tpu.memory_space<vmem>>, vector<16xi32>,
            %sub3A_216 = vector.broadcast %mul3A_8 : i32 to vector<16xi32>
            %sub3A_217 = arith.subi %get3A_188, %sub3A_216 : vector<16xi32>
            %jit3A_218 = arith.constant 12544 : i32
            %broadcast_in_dim3A_219 = vector.broadcast %jit3A_218 : i32 to vector<16xi32>
            %select_n3A_220 = arith.select %and3A_206, %sub3A_217, %broadcast_in_dim3A_219 : vector<16xi1>, vector<16xi32>
            %swap3A_221 = arith.constant 48 : index
            %swap3A_222 = tpu.vector_load %arg11[%swap3A_221] {strides = array<i32>} : memref<192xi32, #tpu.memory_space<vmem>>, vector<16xi32>,
            %swap3A_223 = vector.shape_cast %swap3A_222 : vector<16xi32> to vector<16xi32>
            %swap3A_224 = vector.shape_cast %select_n3A_220 : vector<16xi32> to vector<16xi32>
            tpu.vector_store %arg11[%swap3A_221], %swap3A_224 {strides = array<i32>} : memref<192xi32, #tpu.memory_space<vmem>>, vector<16xi32>,
            %get3A_225 = arith.constant 64 : index
            %get3A_226 = tpu.vector_load %arg8[%get3A_225] {strides = array<i32>} : memref<192xi32, #tpu.memory_space<vmem>>, vector<16xi32>,
            %get3A_227 = vector.shape_cast %get3A_226 : vector<16xi32> to vector<16xi32>
            %get3A_228 = arith.constant 64 : index
            %get3A_229 = tpu.vector_load %arg9[%get3A_228] {strides = array<i32>} : memref<192xi32, #tpu.memory_space<vmem>>, vector<16xi32>,
            %get3A_230 = vector.shape_cast %get3A_229 : vector<16xi32> to vector<16xi32>
            %iota3A_231 = tpu.iota {dimensions = array<i32: 0>} : vector<16xi32>
            %add3A_232 = arith.constant 64 : i32
            %add3A_233 = arith.addi %add3A_55, %add3A_232 : i32
            %add3A_234 = vector.broadcast %add3A_233 : i32 to vector<16xi32>
            %add3A_235 = arith.addi %iota3A_231, %add3A_234 : vector<16xi32>
            %lt3A_236 = vector.broadcast %squeeze3A : i32 to vector<16xi32>
            %lt3A_237 = arith.cmpi slt, %add3A_235, %lt3A_236 : vector<16xi32>
            %ge3A_238 = vector.broadcast %mul3A_8 : i32 to vector<16xi32>
            %ge3A_239 = arith.cmpi sge, %get3A_227, %ge3A_238 : vector<16xi32>
            %and3A_240 = arith.andi %lt3A_237, %ge3A_239 : vector<16xi1>
            %add3A_241 = arith.constant 12544 : i32
            %add3A_242 = arith.addi %mul3A_8, %add3A_241 : i32
            %lt3A_243 = vector.broadcast %add3A_242 : i32 to vector<16xi32>
            %lt3A_244 = arith.cmpi slt, %get3A_227, %lt3A_243 : vector<16xi32>
            %and3A_245 = arith.andi %and3A_240, %lt3A_244 : vector<16xi1>
            %mul3A_246 = arith.constant 14 : i32
            %mul3A_247 = vector.broadcast %mul3A_246 : i32 to vector<16xi32>
            %mul3A_248 = arith.muli %get3A_230, %mul3A_247 : vector<16xi32>
            %add3A_249 = vector.broadcast %scan3A_41 : i32 to vector<16xi32>
            %add3A_250 = arith.addi %mul3A_248, %add3A_249 : vector<16xi32>
            %swap3A_251 = arith.constant 64 : index
            %swap3A_252 = tpu.vector_load %arg10[%swap3A_251] {strides = array<i32>} : memref<192xi32, #tpu.memory_space<vmem>>, vector<16xi32>,
            %swap3A_253 = vector.shape_cast %swap3A_252 : vector<16xi32> to vector<16xi32>
            %swap3A_254 = vector.shape_cast %add3A_250 : vector<16xi32> to vector<16xi32>
            tpu.vector_store %arg10[%swap3A_251], %swap3A_254 {strides = array<i32>} : memref<192xi32, #tpu.memory_space<vmem>>, vector<16xi32>,
            %sub3A_255 = vector.broadcast %mul3A_8 : i32 to vector<16xi32>
            %sub3A_256 = arith.subi %get3A_227, %sub3A_255 : vector<16xi32>
            %jit3A_257 = arith.constant 12544 : i32
            %broadcast_in_dim3A_258 = vector.broadcast %jit3A_257 : i32 to vector<16xi32>
            %select_n3A_259 = arith.select %and3A_245, %sub3A_256, %broadcast_in_dim3A_258 : vector<16xi1>, vector<16xi32>
            %swap3A_260 = arith.constant 64 : index
            %swap3A_261 = tpu.vector_load %arg11[%swap3A_260] {strides = array<i32>} : memref<192xi32, #tpu.memory_space<vmem>>, vector<16xi32>,
            %swap3A_262 = vector.shape_cast %swap3A_261 : vector<16xi32> to vector<16xi32>
            %swap3A_263 = vector.shape_cast %select_n3A_259 : vector<16xi32> to vector<16xi32>
            tpu.vector_store %arg11[%swap3A_260], %swap3A_263 {strides = array<i32>} : memref<192xi32, #tpu.memory_space<vmem>>, vector<16xi32>,
            %get3A_264 = arith.constant 80 : index
            %get3A_265 = tpu.vector_load %arg8[%get3A_264] {strides = array<i32>} : memref<192xi32, #tpu.memory_space<vmem>>, vector<16xi32>,
            %get3A_266 = vector.shape_cast %get3A_265 : vector<16xi32> to vector<16xi32>
            %get3A_267 = arith.constant 80 : index
            %get3A_268 = tpu.vector_load %arg9[%get3A_267] {strides = array<i32>} : memref<192xi32, #tpu.memory_space<vmem>>, vector<16xi32>,
            %get3A_269 = vector.shape_cast %get3A_268 : vector<16xi32> to vector<16xi32>
            %iota3A_270 = tpu.iota {dimensions = array<i32: 0>} : vector<16xi32>
            %add3A_271 = arith.constant 80 : i32
            %add3A_272 = arith.addi %add3A_55, %add3A_271 : i32
            %add3A_273 = vector.broadcast %add3A_272 : i32 to vector<16xi32>
            %add3A_274 = arith.addi %iota3A_270, %add3A_273 : vector<16xi32>
            %lt3A_275 = vector.broadcast %squeeze3A : i32 to vector<16xi32>
            %lt3A_276 = arith.cmpi slt, %add3A_274, %lt3A_275 : vector<16xi32>
            %ge3A_277 = vector.broadcast %mul3A_8 : i32 to vector<16xi32>
            %ge3A_278 = arith.cmpi sge, %get3A_266, %ge3A_277 : vector<16xi32>
            %and3A_279 = arith.andi %lt3A_276, %ge3A_278 : vector<16xi1>
            %add3A_280 = arith.constant 12544 : i32
            %add3A_281 = arith.addi %mul3A_8, %add3A_280 : i32
            %lt3A_282 = vector.broadcast %add3A_281 : i32 to vector<16xi32>
            %lt3A_283 = arith.cmpi slt, %get3A_266, %lt3A_282 : vector<16xi32>
            %and3A_284 = arith.andi %and3A_279, %lt3A_283 : vector<16xi1>
            %mul3A_285 = arith.constant 14 : i32
            %mul3A_286 = vector.broadcast %mul3A_285 : i32 to vector<16xi32>
            %mul3A_287 = arith.muli %get3A_269, %mul3A_286 : vector<16xi32>
            %add3A_288 = vector.broadcast %scan3A_41 : i32 to vector<16xi32>
            %add3A_289 = arith.addi %mul3A_287, %add3A_288 : vector<16xi32>
            %swap3A_290 = arith.constant 80 : index
            %swap3A_291 = tpu.vector_load %arg10[%swap3A_290] {strides = array<i32>} : memref<192xi32, #tpu.memory_space<vmem>>, vector<16xi32>,
            %swap3A_292 = vector.shape_cast %swap3A_291 : vector<16xi32> to vector<16xi32>
            %swap3A_293 = vector.shape_cast %add3A_289 : vector<16xi32> to vector<16xi32>
            tpu.vector_store %arg10[%swap3A_290], %swap3A_293 {strides = array<i32>} : memref<192xi32, #tpu.memory_space<vmem>>, vector<16xi32>,
            %sub3A_294 = vector.broadcast %mul3A_8 : i32 to vector<16xi32>
            %sub3A_295 = arith.subi %get3A_266, %sub3A_294 : vector<16xi32>
            %jit3A_296 = arith.constant 12544 : i32
            %broadcast_in_dim3A_297 = vector.broadcast %jit3A_296 : i32 to vector<16xi32>
            %select_n3A_298 = arith.select %and3A_284, %sub3A_295, %broadcast_in_dim3A_297 : vector<16xi1>, vector<16xi32>
            %swap3A_299 = arith.constant 80 : index
            %swap3A_300 = tpu.vector_load %arg11[%swap3A_299] {strides = array<i32>} : memref<192xi32, #tpu.memory_space<vmem>>, vector<16xi32>,
            %swap3A_301 = vector.shape_cast %swap3A_300 : vector<16xi32> to vector<16xi32>
            %swap3A_302 = vector.shape_cast %select_n3A_298 : vector<16xi32> to vector<16xi32>
            tpu.vector_store %arg11[%swap3A_299], %swap3A_302 {strides = array<i32>} : memref<192xi32, #tpu.memory_space<vmem>>, vector<16xi32>,
            %get3A_303 = arith.constant 96 : index
            %get3A_304 = tpu.vector_load %arg8[%get3A_303] {strides = array<i32>} : memref<192xi32, #tpu.memory_space<vmem>>, vector<16xi32>,
            %get3A_305 = vector.shape_cast %get3A_304 : vector<16xi32> to vector<16xi32>
            %get3A_306 = arith.constant 96 : index
            %get3A_307 = tpu.vector_load %arg9[%get3A_306] {strides = array<i32>} : memref<192xi32, #tpu.memory_space<vmem>>, vector<16xi32>,
            %get3A_308 = vector.shape_cast %get3A_307 : vector<16xi32> to vector<16xi32>
            %iota3A_309 = tpu.iota {dimensions = array<i32: 0>} : vector<16xi32>
            %add3A_310 = arith.constant 96 : i32
            %add3A_311 = arith.addi %add3A_55, %add3A_310 : i32
            %add3A_312 = vector.broadcast %add3A_311 : i32 to vector<16xi32>
            %add3A_313 = arith.addi %iota3A_309, %add3A_312 : vector<16xi32>
            %lt3A_314 = vector.broadcast %squeeze3A : i32 to vector<16xi32>
            %lt3A_315 = arith.cmpi slt, %add3A_313, %lt3A_314 : vector<16xi32>
            %ge3A_316 = vector.broadcast %mul3A_8 : i32 to vector<16xi32>
            %ge3A_317 = arith.cmpi sge, %get3A_305, %ge3A_316 : vector<16xi32>
            %and3A_318 = arith.andi %lt3A_315, %ge3A_317 : vector<16xi1>
            %add3A_319 = arith.constant 12544 : i32
            %add3A_320 = arith.addi %mul3A_8, %add3A_319 : i32
            %lt3A_321 = vector.broadcast %add3A_320 : i32 to vector<16xi32>
            %lt3A_322 = arith.cmpi slt, %get3A_305, %lt3A_321 : vector<16xi32>
            %and3A_323 = arith.andi %and3A_318, %lt3A_322 : vector<16xi1>
            %mul3A_324 = arith.constant 14 : i32
            %mul3A_325 = vector.broadcast %mul3A_324 : i32 to vector<16xi32>
            %mul3A_326 = arith.muli %get3A_308, %mul3A_325 : vector<16xi32>
            %add3A_327 = vector.broadcast %scan3A_41 : i32 to vector<16xi32>
            %add3A_328 = arith.addi %mul3A_326, %add3A_327 : vector<16xi32>
            %swap3A_329 = arith.constant 96 : index
            %swap3A_330 = tpu.vector_load %arg10[%swap3A_329] {strides = array<i32>} : memref<192xi32, #tpu.memory_space<vmem>>, vector<16xi32>,
            %swap3A_331 = vector.shape_cast %swap3A_330 : vector<16xi32> to vector<16xi32>
            %swap3A_332 = vector.shape_cast %add3A_328 : vector<16xi32> to vector<16xi32>
            tpu.vector_store %arg10[%swap3A_329], %swap3A_332 {strides = array<i32>} : memref<192xi32, #tpu.memory_space<vmem>>, vector<16xi32>,
            %sub3A_333 = vector.broadcast %mul3A_8 : i32 to vector<16xi32>
            %sub3A_334 = arith.subi %get3A_305, %sub3A_333 : vector<16xi32>
            %jit3A_335 = arith.constant 12544 : i32
            %broadcast_in_dim3A_336 = vector.broadcast %jit3A_335 : i32 to vector<16xi32>
            %select_n3A_337 = arith.select %and3A_323, %sub3A_334, %broadcast_in_dim3A_336 : vector<16xi1>, vector<16xi32>
            %swap3A_338 = arith.constant 96 : index
            %swap3A_339 = tpu.vector_load %arg11[%swap3A_338] {strides = array<i32>} : memref<192xi32, #tpu.memory_space<vmem>>, vector<16xi32>,
            %swap3A_340 = vector.shape_cast %swap3A_339 : vector<16xi32> to vector<16xi32>
            %swap3A_341 = vector.shape_cast %select_n3A_337 : vector<16xi32> to vector<16xi32>
            tpu.vector_store %arg11[%swap3A_338], %swap3A_341 {strides = array<i32>} : memref<192xi32, #tpu.memory_space<vmem>>, vector<16xi32>,
            %get3A_342 = arith.constant 112 : index
            %get3A_343 = tpu.vector_load %arg8[%get3A_342] {strides = array<i32>} : memref<192xi32, #tpu.memory_space<vmem>>, vector<16xi32>,
            %get3A_344 = vector.shape_cast %get3A_343 : vector<16xi32> to vector<16xi32>
            %get3A_345 = arith.constant 112 : index
            %get3A_346 = tpu.vector_load %arg9[%get3A_345] {strides = array<i32>} : memref<192xi32, #tpu.memory_space<vmem>>, vector<16xi32>,
            %get3A_347 = vector.shape_cast %get3A_346 : vector<16xi32> to vector<16xi32>
            %iota3A_348 = tpu.iota {dimensions = array<i32: 0>} : vector<16xi32>
            %add3A_349 = arith.constant 112 : i32
            %add3A_350 = arith.addi %add3A_55, %add3A_349 : i32
            %add3A_351 = vector.broadcast %add3A_350 : i32 to vector<16xi32>
            %add3A_352 = arith.addi %iota3A_348, %add3A_351 : vector<16xi32>
            %lt3A_353 = vector.broadcast %squeeze3A : i32 to vector<16xi32>
            %lt3A_354 = arith.cmpi slt, %add3A_352, %lt3A_353 : vector<16xi32>
            %ge3A_355 = vector.broadcast %mul3A_8 : i32 to vector<16xi32>
            %ge3A_356 = arith.cmpi sge, %get3A_344, %ge3A_355 : vector<16xi32>
            %and3A_357 = arith.andi %lt3A_354, %ge3A_356 : vector<16xi1>
            %add3A_358 = arith.constant 12544 : i32
            %add3A_359 = arith.addi %mul3A_8, %add3A_358 : i32
            %lt3A_360 = vector.broadcast %add3A_359 : i32 to vector<16xi32>
            %lt3A_361 = arith.cmpi slt, %get3A_344, %lt3A_360 : vector<16xi32>
            %and3A_362 = arith.andi %and3A_357, %lt3A_361 : vector<16xi1>
            %mul3A_363 = arith.constant 14 : i32
            %mul3A_364 = vector.broadcast %mul3A_363 : i32 to vector<16xi32>
            %mul3A_365 = arith.muli %get3A_347, %mul3A_364 : vector<16xi32>
            %add3A_366 = vector.broadcast %scan3A_41 : i32 to vector<16xi32>
            %add3A_367 = arith.addi %mul3A_365, %add3A_366 : vector<16xi32>
            %swap3A_368 = arith.constant 112 : index
            %swap3A_369 = tpu.vector_load %arg10[%swap3A_368] {strides = array<i32>} : memref<192xi32, #tpu.memory_space<vmem>>, vector<16xi32>,
            %swap3A_370 = vector.shape_cast %swap3A_369 : vector<16xi32> to vector<16xi32>
            %swap3A_371 = vector.shape_cast %add3A_367 : vector<16xi32> to vector<16xi32>
            tpu.vector_store %arg10[%swap3A_368], %swap3A_371 {strides = array<i32>} : memref<192xi32, #tpu.memory_space<vmem>>, vector<16xi32>,
            %sub3A_372 = vector.broadcast %mul3A_8 : i32 to vector<16xi32>
            %sub3A_373 = arith.subi %get3A_344, %sub3A_372 : vector<16xi32>
            %jit3A_374 = arith.constant 12544 : i32
            %broadcast_in_dim3A_375 = vector.broadcast %jit3A_374 : i32 to vector<16xi32>
            %select_n3A_376 = arith.select %and3A_362, %sub3A_373, %broadcast_in_dim3A_375 : vector<16xi1>, vector<16xi32>
            %swap3A_377 = arith.constant 112 : index
            %swap3A_378 = tpu.vector_load %arg11[%swap3A_377] {strides = array<i32>} : memref<192xi32, #tpu.memory_space<vmem>>, vector<16xi32>,
            %swap3A_379 = vector.shape_cast %swap3A_378 : vector<16xi32> to vector<16xi32>
            %swap3A_380 = vector.shape_cast %select_n3A_376 : vector<16xi32> to vector<16xi32>
            tpu.vector_store %arg11[%swap3A_377], %swap3A_380 {strides = array<i32>} : memref<192xi32, #tpu.memory_space<vmem>>, vector<16xi32>,
            %get3A_381 = arith.constant 128 : index
            %get3A_382 = tpu.vector_load %arg8[%get3A_381] {strides = array<i32>} : memref<192xi32, #tpu.memory_space<vmem>>, vector<16xi32>,
            %get3A_383 = vector.shape_cast %get3A_382 : vector<16xi32> to vector<16xi32>
            %get3A_384 = arith.constant 128 : index
            %get3A_385 = tpu.vector_load %arg9[%get3A_384] {strides = array<i32>} : memref<192xi32, #tpu.memory_space<vmem>>, vector<16xi32>,
            %get3A_386 = vector.shape_cast %get3A_385 : vector<16xi32> to vector<16xi32>
            %iota3A_387 = tpu.iota {dimensions = array<i32: 0>} : vector<16xi32>
            %add3A_388 = arith.constant 128 : i32
            %add3A_389 = arith.addi %add3A_55, %add3A_388 : i32
            %add3A_390 = vector.broadcast %add3A_389 : i32 to vector<16xi32>
            %add3A_391 = arith.addi %iota3A_387, %add3A_390 : vector<16xi32>
            %lt3A_392 = vector.broadcast %squeeze3A : i32 to vector<16xi32>
            %lt3A_393 = arith.cmpi slt, %add3A_391, %lt3A_392 : vector<16xi32>
            %ge3A_394 = vector.broadcast %mul3A_8 : i32 to vector<16xi32>
            %ge3A_395 = arith.cmpi sge, %get3A_383, %ge3A_394 : vector<16xi32>
            %and3A_396 = arith.andi %lt3A_393, %ge3A_395 : vector<16xi1>
            %add3A_397 = arith.constant 12544 : i32
            %add3A_398 = arith.addi %mul3A_8, %add3A_397 : i32
            %lt3A_399 = vector.broadcast %add3A_398 : i32 to vector<16xi32>
            %lt3A_400 = arith.cmpi slt, %get3A_383, %lt3A_399 : vector<16xi32>
            %and3A_401 = arith.andi %and3A_396, %lt3A_400 : vector<16xi1>
            %mul3A_402 = arith.constant 14 : i32
            %mul3A_403 = vector.broadcast %mul3A_402 : i32 to vector<16xi32>
            %mul3A_404 = arith.muli %get3A_386, %mul3A_403 : vector<16xi32>
            %add3A_405 = vector.broadcast %scan3A_41 : i32 to vector<16xi32>
            %add3A_406 = arith.addi %mul3A_404, %add3A_405 : vector<16xi32>
            %swap3A_407 = arith.constant 128 : index
            %swap3A_408 = tpu.vector_load %arg10[%swap3A_407] {strides = array<i32>} : memref<192xi32, #tpu.memory_space<vmem>>, vector<16xi32>,
            %swap3A_409 = vector.shape_cast %swap3A_408 : vector<16xi32> to vector<16xi32>
            %swap3A_410 = vector.shape_cast %add3A_406 : vector<16xi32> to vector<16xi32>
            tpu.vector_store %arg10[%swap3A_407], %swap3A_410 {strides = array<i32>} : memref<192xi32, #tpu.memory_space<vmem>>, vector<16xi32>,
            %sub3A_411 = vector.broadcast %mul3A_8 : i32 to vector<16xi32>
            %sub3A_412 = arith.subi %get3A_383, %sub3A_411 : vector<16xi32>
            %jit3A_413 = arith.constant 12544 : i32
            %broadcast_in_dim3A_414 = vector.broadcast %jit3A_413 : i32 to vector<16xi32>
            %select_n3A_415 = arith.select %and3A_401, %sub3A_412, %broadcast_in_dim3A_414 : vector<16xi1>, vector<16xi32>
            %swap3A_416 = arith.constant 128 : index
            %swap3A_417 = tpu.vector_load %arg11[%swap3A_416] {strides = array<i32>} : memref<192xi32, #tpu.memory_space<vmem>>, vector<16xi32>,
            %swap3A_418 = vector.shape_cast %swap3A_417 : vector<16xi32> to vector<16xi32>
            %swap3A_419 = vector.shape_cast %select_n3A_415 : vector<16xi32> to vector<16xi32>
            tpu.vector_store %arg11[%swap3A_416], %swap3A_419 {strides = array<i32>} : memref<192xi32, #tpu.memory_space<vmem>>, vector<16xi32>,
            %get3A_420 = arith.constant 144 : index
            %get3A_421 = tpu.vector_load %arg8[%get3A_420] {strides = array<i32>} : memref<192xi32, #tpu.memory_space<vmem>>, vector<16xi32>,
            %get3A_422 = vector.shape_cast %get3A_421 : vector<16xi32> to vector<16xi32>
            %get3A_423 = arith.constant 144 : index
            %get3A_424 = tpu.vector_load %arg9[%get3A_423] {strides = array<i32>} : memref<192xi32, #tpu.memory_space<vmem>>, vector<16xi32>,
            %get3A_425 = vector.shape_cast %get3A_424 : vector<16xi32> to vector<16xi32>
            %iota3A_426 = tpu.iota {dimensions = array<i32: 0>} : vector<16xi32>
            %add3A_427 = arith.constant 144 : i32
            %add3A_428 = arith.addi %add3A_55, %add3A_427 : i32
            %add3A_429 = vector.broadcast %add3A_428 : i32 to vector<16xi32>
            %add3A_430 = arith.addi %iota3A_426, %add3A_429 : vector<16xi32>
            %lt3A_431 = vector.broadcast %squeeze3A : i32 to vector<16xi32>
            %lt3A_432 = arith.cmpi slt, %add3A_430, %lt3A_431 : vector<16xi32>
            %ge3A_433 = vector.broadcast %mul3A_8 : i32 to vector<16xi32>
            %ge3A_434 = arith.cmpi sge, %get3A_422, %ge3A_433 : vector<16xi32>
            %and3A_435 = arith.andi %lt3A_432, %ge3A_434 : vector<16xi1>
            %add3A_436 = arith.constant 12544 : i32
            %add3A_437 = arith.addi %mul3A_8, %add3A_436 : i32
            %lt3A_438 = vector.broadcast %add3A_437 : i32 to vector<16xi32>
            %lt3A_439 = arith.cmpi slt, %get3A_422, %lt3A_438 : vector<16xi32>
            %and3A_440 = arith.andi %and3A_435, %lt3A_439 : vector<16xi1>
            %mul3A_441 = arith.constant 14 : i32
            %mul3A_442 = vector.broadcast %mul3A_441 : i32 to vector<16xi32>
            %mul3A_443 = arith.muli %get3A_425, %mul3A_442 : vector<16xi32>
            %add3A_444 = vector.broadcast %scan3A_41 : i32 to vector<16xi32>
            %add3A_445 = arith.addi %mul3A_443, %add3A_444 : vector<16xi32>
            %swap3A_446 = arith.constant 144 : index
            %swap3A_447 = tpu.vector_load %arg10[%swap3A_446] {strides = array<i32>} : memref<192xi32, #tpu.memory_space<vmem>>, vector<16xi32>,
            %swap3A_448 = vector.shape_cast %swap3A_447 : vector<16xi32> to vector<16xi32>
            %swap3A_449 = vector.shape_cast %add3A_445 : vector<16xi32> to vector<16xi32>
            tpu.vector_store %arg10[%swap3A_446], %swap3A_449 {strides = array<i32>} : memref<192xi32, #tpu.memory_space<vmem>>, vector<16xi32>,
            %sub3A_450 = vector.broadcast %mul3A_8 : i32 to vector<16xi32>
            %sub3A_451 = arith.subi %get3A_422, %sub3A_450 : vector<16xi32>
            %jit3A_452 = arith.constant 12544 : i32
            %broadcast_in_dim3A_453 = vector.broadcast %jit3A_452 : i32 to vector<16xi32>
            %select_n3A_454 = arith.select %and3A_440, %sub3A_451, %broadcast_in_dim3A_453 : vector<16xi1>, vector<16xi32>
            %swap3A_455 = arith.constant 144 : index
            %swap3A_456 = tpu.vector_load %arg11[%swap3A_455] {strides = array<i32>} : memref<192xi32, #tpu.memory_space<vmem>>, vector<16xi32>,
            %swap3A_457 = vector.shape_cast %swap3A_456 : vector<16xi32> to vector<16xi32>
            %swap3A_458 = vector.shape_cast %select_n3A_454 : vector<16xi32> to vector<16xi32>
            tpu.vector_store %arg11[%swap3A_455], %swap3A_458 {strides = array<i32>} : memref<192xi32, #tpu.memory_space<vmem>>, vector<16xi32>,
            %get3A_459 = arith.constant 160 : index
            %get3A_460 = tpu.vector_load %arg8[%get3A_459] {strides = array<i32>} : memref<192xi32, #tpu.memory_space<vmem>>, vector<16xi32>,
            %get3A_461 = vector.shape_cast %get3A_460 : vector<16xi32> to vector<16xi32>
            %get3A_462 = arith.constant 160 : index
            %get3A_463 = tpu.vector_load %arg9[%get3A_462] {strides = array<i32>} : memref<192xi32, #tpu.memory_space<vmem>>, vector<16xi32>,
            %get3A_464 = vector.shape_cast %get3A_463 : vector<16xi32> to vector<16xi32>
            %iota3A_465 = tpu.iota {dimensions = array<i32: 0>} : vector<16xi32>
            %add3A_466 = arith.constant 160 : i32
            %add3A_467 = arith.addi %add3A_55, %add3A_466 : i32
            %add3A_468 = vector.broadcast %add3A_467 : i32 to vector<16xi32>
            %add3A_469 = arith.addi %iota3A_465, %add3A_468 : vector<16xi32>
            %lt3A_470 = vector.broadcast %squeeze3A : i32 to vector<16xi32>
            %lt3A_471 = arith.cmpi slt, %add3A_469, %lt3A_470 : vector<16xi32>
            %ge3A_472 = vector.broadcast %mul3A_8 : i32 to vector<16xi32>
            %ge3A_473 = arith.cmpi sge, %get3A_461, %ge3A_472 : vector<16xi32>
            %and3A_474 = arith.andi %lt3A_471, %ge3A_473 : vector<16xi1>
            %add3A_475 = arith.constant 12544 : i32
            %add3A_476 = arith.addi %mul3A_8, %add3A_475 : i32
            %lt3A_477 = vector.broadcast %add3A_476 : i32 to vector<16xi32>
            %lt3A_478 = arith.cmpi slt, %get3A_461, %lt3A_477 : vector<16xi32>
            %and3A_479 = arith.andi %and3A_474, %lt3A_478 : vector<16xi1>
            %mul3A_480 = arith.constant 14 : i32
            %mul3A_481 = vector.broadcast %mul3A_480 : i32 to vector<16xi32>
            %mul3A_482 = arith.muli %get3A_464, %mul3A_481 : vector<16xi32>
            %add3A_483 = vector.broadcast %scan3A_41 : i32 to vector<16xi32>
            %add3A_484 = arith.addi %mul3A_482, %add3A_483 : vector<16xi32>
            %swap3A_485 = arith.constant 160 : index
            %swap3A_486 = tpu.vector_load %arg10[%swap3A_485] {strides = array<i32>} : memref<192xi32, #tpu.memory_space<vmem>>, vector<16xi32>,
            %swap3A_487 = vector.shape_cast %swap3A_486 : vector<16xi32> to vector<16xi32>
            %swap3A_488 = vector.shape_cast %add3A_484 : vector<16xi32> to vector<16xi32>
            tpu.vector_store %arg10[%swap3A_485], %swap3A_488 {strides = array<i32>} : memref<192xi32, #tpu.memory_space<vmem>>, vector<16xi32>,
            %sub3A_489 = vector.broadcast %mul3A_8 : i32 to vector<16xi32>
            %sub3A_490 = arith.subi %get3A_461, %sub3A_489 : vector<16xi32>
            %jit3A_491 = arith.constant 12544 : i32
            %broadcast_in_dim3A_492 = vector.broadcast %jit3A_491 : i32 to vector<16xi32>
            %select_n3A_493 = arith.select %and3A_479, %sub3A_490, %broadcast_in_dim3A_492 : vector<16xi1>, vector<16xi32>
            %swap3A_494 = arith.constant 160 : index
            %swap3A_495 = tpu.vector_load %arg11[%swap3A_494] {strides = array<i32>} : memref<192xi32, #tpu.memory_space<vmem>>, vector<16xi32>,
            %swap3A_496 = vector.shape_cast %swap3A_495 : vector<16xi32> to vector<16xi32>
            %swap3A_497 = vector.shape_cast %select_n3A_493 : vector<16xi32> to vector<16xi32>
            tpu.vector_store %arg11[%swap3A_494], %swap3A_497 {strides = array<i32>} : memref<192xi32, #tpu.memory_space<vmem>>, vector<16xi32>,
            %get3A_498 = arith.constant 176 : index
            %get3A_499 = tpu.vector_load %arg8[%get3A_498] {strides = array<i32>} : memref<192xi32, #tpu.memory_space<vmem>>, vector<16xi32>,
            %get3A_500 = vector.shape_cast %get3A_499 : vector<16xi32> to vector<16xi32>
            %get3A_501 = arith.constant 176 : index
            %get3A_502 = tpu.vector_load %arg9[%get3A_501] {strides = array<i32>} : memref<192xi32, #tpu.memory_space<vmem>>, vector<16xi32>,
            %get3A_503 = vector.shape_cast %get3A_502 : vector<16xi32> to vector<16xi32>
            %iota3A_504 = tpu.iota {dimensions = array<i32: 0>} : vector<16xi32>
            %add3A_505 = arith.constant 176 : i32
            %add3A_506 = arith.addi %add3A_55, %add3A_505 : i32
            %add3A_507 = vector.broadcast %add3A_506 : i32 to vector<16xi32>
            %add3A_508 = arith.addi %iota3A_504, %add3A_507 : vector<16xi32>
            %lt3A_509 = vector.broadcast %squeeze3A : i32 to vector<16xi32>
            %lt3A_510 = arith.cmpi slt, %add3A_508, %lt3A_509 : vector<16xi32>
            %ge3A_511 = vector.broadcast %mul3A_8 : i32 to vector<16xi32>
            %ge3A_512 = arith.cmpi sge, %get3A_500, %ge3A_511 : vector<16xi32>
            %and3A_513 = arith.andi %lt3A_510, %ge3A_512 : vector<16xi1>
            %add3A_514 = arith.constant 12544 : i32
            %add3A_515 = arith.addi %mul3A_8, %add3A_514 : i32
            %lt3A_516 = vector.broadcast %add3A_515 : i32 to vector<16xi32>
            %lt3A_517 = arith.cmpi slt, %get3A_500, %lt3A_516 : vector<16xi32>
            %and3A_518 = arith.andi %and3A_513, %lt3A_517 : vector<16xi1>
            %mul3A_519 = arith.constant 14 : i32
            %mul3A_520 = vector.broadcast %mul3A_519 : i32 to vector<16xi32>
            %mul3A_521 = arith.muli %get3A_503, %mul3A_520 : vector<16xi32>
            %add3A_522 = vector.broadcast %scan3A_41 : i32 to vector<16xi32>
            %add3A_523 = arith.addi %mul3A_521, %add3A_522 : vector<16xi32>
            %swap3A_524 = arith.constant 176 : index
            %swap3A_525 = tpu.vector_load %arg10[%swap3A_524] {strides = array<i32>} : memref<192xi32, #tpu.memory_space<vmem>>, vector<16xi32>,
            %swap3A_526 = vector.shape_cast %swap3A_525 : vector<16xi32> to vector<16xi32>
            %swap3A_527 = vector.shape_cast %add3A_523 : vector<16xi32> to vector<16xi32>
            tpu.vector_store %arg10[%swap3A_524], %swap3A_527 {strides = array<i32>} : memref<192xi32, #tpu.memory_space<vmem>>, vector<16xi32>,
            %sub3A_528 = vector.broadcast %mul3A_8 : i32 to vector<16xi32>
            %sub3A_529 = arith.subi %get3A_500, %sub3A_528 : vector<16xi32>
            %jit3A_530 = arith.constant 12544 : i32
            %broadcast_in_dim3A_531 = vector.broadcast %jit3A_530 : i32 to vector<16xi32>
            %select_n3A_532 = arith.select %and3A_518, %sub3A_529, %broadcast_in_dim3A_531 : vector<16xi1>, vector<16xi32>
            %swap3A_533 = arith.constant 176 : index
            %swap3A_534 = tpu.vector_load %arg11[%swap3A_533] {strides = array<i32>} : memref<192xi32, #tpu.memory_space<vmem>>, vector<16xi32>,
            %swap3A_535 = vector.shape_cast %swap3A_534 : vector<16xi32> to vector<16xi32>
            %swap3A_536 = vector.shape_cast %select_n3A_532 : vector<16xi32> to vector<16xi32>
            tpu.vector_store %arg11[%swap3A_533], %swap3A_536 {strides = array<i32>} : memref<192xi32, #tpu.memory_space<vmem>>, vector<16xi32>,
            %dma_start3A_537 = arith.constant 0 : i32
            %dma_start3A_538 = arith.constant 0 : i32
            %dma_start3A_539 = tpu.memref_slice %arg2[%dma_start3A_537, %dma_start3A_538] : memref<1404928x128xf32, #tpu.memory_space<hbm>> -> memref<1404928x128xf32, #tpu.memory_space<hbm>>
            tpu.enqueue_indirect_dma source(%dma_start3A_539 : memref<1404928x128xf32, #tpu.memory_space<hbm>>) target(%arg12 : memref<192x128xf32, #tpu.memory_space<vmem>>) offsets(%arg10 : memref<192xi32, #tpu.memory_space<vmem>>) semaphore(%arg14 : memref<!tpu.dma_semaphore, #tpu.memory_space<semaphore_mem>>)
            %dma_wait3A_540 = arith.constant 0 : i32
            %dma_wait3A_541 = arith.constant 0 : i32
            %dma_wait3A_542 = tpu.memref_slice %arg2[%dma_wait3A_540, %dma_wait3A_541] : memref<1404928x128xf32, #tpu.memory_space<hbm>> -> memref<1404928x128xf32, #tpu.memory_space<hbm>>
            tpu.wait_indirect_dma semaphore(%arg14 : memref<!tpu.dma_semaphore, #tpu.memory_space<semaphore_mem>>) src(%dma_wait3A_542 : memref<1404928x128xf32, #tpu.memory_space<hbm>>) dst(%arg12 : memref<192x128xf32, #tpu.memory_space<vmem>>)
            %dma_start3A_543 = arith.constant 0 : i32
            %dma_start3A_544 = arith.constant 0 : i32
            %dma_start3A_545 = tpu.memref_slice %arg7[%dma_start3A_543, %dma_start3A_544] : memref<12552x128xf32, #tpu.memory_space<vmem_shared>> -> memref<12552x128xf32, #tpu.memory_space<vmem_shared>>
            tpu.enqueue_indirect_dma source(%arg12 : memref<192x128xf32, #tpu.memory_space<vmem>>) target(%dma_start3A_545 : memref<12552x128xf32, #tpu.memory_space<vmem_shared>>) offsets(%arg11 : memref<192xi32, #tpu.memory_space<vmem>>) semaphore(%arg14 : memref<!tpu.dma_semaphore, #tpu.memory_space<semaphore_mem>>) {add = true}
            %dma_wait3A_546 = arith.constant 0 : i32
            %dma_wait3A_547 = arith.constant 0 : i32
            %dma_wait3A_548 = tpu.memref_slice %arg7[%dma_wait3A_546, %dma_wait3A_547] : memref<12552x128xf32, #tpu.memory_space<vmem_shared>> -> memref<12552x128xf32, #tpu.memory_space<vmem_shared>>
            tpu.wait_indirect_dma semaphore(%arg14 : memref<!tpu.dma_semaphore, #tpu.memory_space<semaphore_mem>>) src(%arg12 : memref<192x128xf32, #tpu.memory_space<vmem>>) dst(%dma_wait3A_548 : memref<12552x128xf32, #tpu.memory_space<vmem_shared>>)
          } else {
          }
        }
        %scan3A_51 = arith.constant 66 : i32
      }
      %scan3A_25 = arith.constant 14 : i32
      %barrier3A_26 = arith.constant 0 : index
      tpu.barrier barrier_id(%barrier3A_26)
      %mul3A_27 = arith.constant 784 : i32
      %mul3A_28 = arith.muli %arg1, %mul3A_27 : i32
      %mul3A_29 = arith.constant 784 : i32
      %mul3A_30 = arith.muli %arg1, %mul3A_29 : i32
      %add3A_31 = arith.addi %mul3A_8, %mul3A_30 : i32
      %dma_start3A_32 = arith.constant 0 : i32
      %dma_start3A_33 = tpu.memref_slice %arg6[%add3A_31, %dma_start3A_32] : memref<100352x128xf32, #tpu.memory_space<hbm>> -> memref<784x128xf32, #tpu.memory_space<hbm>>
      %dma_start3A_34 = arith.constant 0 : i32
      %dma_start3A_35 = tpu.memref_slice %arg7[%mul3A_28, %dma_start3A_34] : memref<12552x128xf32, #tpu.memory_space<vmem_shared>> -> memref<784x128xf32, #tpu.memory_space<vmem_shared>>
      tpu.enqueue_dma source(%dma_start3A_35 : memref<784x128xf32, #tpu.memory_space<vmem_shared>>) target(%dma_start3A_33 : memref<784x128xf32, #tpu.memory_space<hbm>>) target_semaphore(%arg14 : memref<!tpu.dma_semaphore, #tpu.memory_space<semaphore_mem>>)
      %dma_wait3A_36 = arith.constant 0 : i32
      %dma_wait3A_37 = tpu.memref_slice %arg6[%add3A_31, %dma_wait3A_36] : memref<100352x128xf32, #tpu.memory_space<hbm>> -> memref<784x128xf32, #tpu.memory_space<hbm>>
      %dma_wait3A_38 = arith.constant 0 : i32
      %dma_wait3A_39 = tpu.memref_slice %arg7[%mul3A_28, %dma_wait3A_38] : memref<12552x128xf32, #tpu.memory_space<vmem_shared>> -> memref<784x128xf32, #tpu.memory_space<vmem_shared>>
      tpu.wait_dma2 semaphore(%arg14 : memref<!tpu.dma_semaphore, #tpu.memory_space<semaphore_mem>>) src(%dma_wait3A_39 : memref<784x128xf32, #tpu.memory_space<vmem_shared>>) dst(%dma_wait3A_37 : memref<784x128xf32, #tpu.memory_space<hbm>>)
      %barrier3A_40 = arith.constant 0 : index
      tpu.barrier barrier_id(%barrier3A_40)
    }
    %scan3A_4 = arith.constant 4 : i32
    return
  }
}

module attributes {stable_mosaic.version = 14 : i64} {
  func.func @_enc_body(%arg0: i32, %arg1: memref<512x8xf32, #tpu.memory_space<vmem>>, %arg2: memref<2x128xf32, #tpu.memory_space<vmem>>, %arg3: memref<1x128xf32, #tpu.memory_space<vmem>>, %arg4: memref<128x128xf32, #tpu.memory_space<vmem>>, %arg5: memref<1x128xf32, #tpu.memory_space<vmem>>, %arg6: memref<1x128xf32, #tpu.memory_space<vmem>>, %arg7: memref<2x128xf32, #tpu.memory_space<vmem>>, %arg8: memref<1x128xf32, #tpu.memory_space<vmem>>, %arg9: memref<128x128xf32, #tpu.memory_space<vmem>>, %arg10: memref<1x128xf32, #tpu.memory_space<vmem>>, %arg11: memref<1x128xf32, #tpu.memory_space<vmem>>, %arg12: memref<132x128xf32, #tpu.memory_space<vmem>>, %arg13: memref<1x128xf32, #tpu.memory_space<vmem>>, %arg14: memref<1x128xf32, #tpu.memory_space<vmem>>, %arg15: memref<512x128xf32, #tpu.memory_space<vmem>>) attributes {dimension_semantics = [#tpu.dimension_semantics<arbitrary>], iteration_bounds = array<i64: 196>, scalar_prefetch = 0 : i64, scratch_operands = 0 : i64, tpu.core_type = #tpu.core_type<tc>, window_params = [{transform_indices = @transform_0, window_bounds = array<i64: 512, 8>}, {pipeline_mode = #tpu.pipeline_mode<synchronous>, transform_indices = @transform_1, window_bounds = array<i64: 2, 128>}, {pipeline_mode = #tpu.pipeline_mode<synchronous>, transform_indices = @transform_2, window_bounds = array<i64: 1, 128>}, {pipeline_mode = #tpu.pipeline_mode<synchronous>, transform_indices = @transform_3, window_bounds = array<i64: 128, 128>}, {pipeline_mode = #tpu.pipeline_mode<synchronous>, transform_indices = @transform_4, window_bounds = array<i64: 1, 128>}, {pipeline_mode = #tpu.pipeline_mode<synchronous>, transform_indices = @transform_5, window_bounds = array<i64: 1, 128>}, {pipeline_mode = #tpu.pipeline_mode<synchronous>, transform_indices = @transform_6, window_bounds = array<i64: 2, 128>}, {pipeline_mode = #tpu.pipeline_mode<synchronous>, transform_indices = @transform_7, window_bounds = array<i64: 1, 128>}, {pipeline_mode = #tpu.pipeline_mode<synchronous>, transform_indices = @transform_8, window_bounds = array<i64: 128, 128>}, {pipeline_mode = #tpu.pipeline_mode<synchronous>, transform_indices = @transform_9, window_bounds = array<i64: 1, 128>}, {pipeline_mode = #tpu.pipeline_mode<synchronous>, transform_indices = @transform_10, window_bounds = array<i64: 1, 128>}, {pipeline_mode = #tpu.pipeline_mode<synchronous>, transform_indices = @transform_11, window_bounds = array<i64: 132, 128>}, {pipeline_mode = #tpu.pipeline_mode<synchronous>, transform_indices = @transform_12, window_bounds = array<i64: 1, 128>}, {pipeline_mode = #tpu.pipeline_mode<synchronous>, transform_indices = @transform_13, window_bounds = array<i64: 1, 128>}, {transform_indices = @transform_14, window_bounds = array<i64: 512, 128>}]} {
    %get3A = arith.constant 0 : index
    %get3A_0 = arith.constant 0 : index
    %get3A_1 = vector.load %arg1[%get3A, %get3A_0] : memref<512x8xf32, #tpu.memory_space<vmem>>, vector<512x8xf32>
    %slice3A = vector.extract_strided_slice %get3A_1 {offsets = [0, 0], sizes = [512, 1], strides = [1, 1]} : vector<512x8xf32> to vector<512x1xf32>
    %slice3A_2 = vector.extract_strided_slice %get3A_1 {offsets = [0, 1], sizes = [512, 1], strides = [1, 1]} : vector<512x8xf32> to vector<512x1xf32>
    %get3A_3 = arith.constant 0 : index
    %get3A_4 = arith.constant 0 : index
    %get3A_5 = vector.load %arg2[%get3A_3, %get3A_4] : memref<2x128xf32, #tpu.memory_space<vmem>>, vector<2x128xf32>
    %get3A_6 = arith.constant 0 : index
    %get3A_7 = arith.constant 0 : index
    %get3A_8 = vector.load %arg3[%get3A_6, %get3A_7] : memref<1x128xf32, #tpu.memory_space<vmem>>, vector<1x128xf32>
    %get3A_9 = arith.constant 0 : index
    %get3A_10 = arith.constant 0 : index
    %get3A_11 = vector.load %arg4[%get3A_9, %get3A_10] : memref<128x128xf32, #tpu.memory_space<vmem>>, vector<128x128xf32>
    %get3A_12 = arith.constant 0 : index
    %get3A_13 = arith.constant 0 : index
    %get3A_14 = vector.load %arg5[%get3A_12, %get3A_13] : memref<1x128xf32, #tpu.memory_space<vmem>>, vector<1x128xf32>
    %get3A_15 = arith.constant 0 : index
    %get3A_16 = arith.constant 0 : index
    %get3A_17 = vector.load %arg6[%get3A_15, %get3A_16] : memref<1x128xf32, #tpu.memory_space<vmem>>, vector<1x128xf32>
    %slice3A_18 = vector.extract_strided_slice %get3A_5 {offsets = [0, 0], sizes = [1, 128], strides = [1, 1]} : vector<2x128xf32> to vector<1x128xf32>
    %mul3A = vector.broadcast %slice3A : vector<512x1xf32> to vector<512x128xf32>
    %mul3A_19 = vector.broadcast %slice3A_18 : vector<1x128xf32> to vector<512x128xf32>
    %mul3A_20 = arith.mulf %mul3A, %mul3A_19 : vector<512x128xf32>
    %slice3A_21 = vector.extract_strided_slice %get3A_5 {offsets = [1, 0], sizes = [1, 128], strides = [1, 1]} : vector<2x128xf32> to vector<1x128xf32>
    %mul3A_22 = vector.broadcast %slice3A_2 : vector<512x1xf32> to vector<512x128xf32>
    %mul3A_23 = vector.broadcast %slice3A_21 : vector<1x128xf32> to vector<512x128xf32>
    %mul3A_24 = arith.mulf %mul3A_22, %mul3A_23 : vector<512x128xf32>
    %add3A = arith.addf %mul3A_20, %mul3A_24 : vector<512x128xf32>
    %add3A_25 = vector.broadcast %get3A_8 : vector<1x128xf32> to vector<512x128xf32>
    %add3A_26 = arith.addf %add3A, %add3A_25 : vector<512x128xf32>
    %max3A = arith.constant 0.000000e+00 : f32
    %max3A_27 = vector.broadcast %max3A : f32 to vector<512x128xf32>
    %max3A_28 = arith.maximumf %add3A_26, %max3A_27 : vector<512x128xf32>
    %dot_general3A = arith.constant dense<0.000000e+00> : vector<512x128xf32>
    %dot_general3A_29 = tpu.matmul %max3A_28, %get3A_11, %dot_general3A {dimension_numbers = #tpu.dot_dimension_numbers<[1], [0], [0], [1], [0, 0, 1, 1], [], []>, transpose_lhs_hint = false} : vector<512x128xf32>, vector<128x128xf32>, vector<512x128xf32> -> vector<512x128xf32>
    %reduce_sum3A = arith.constant dense<0.000000e+00> : vector<512xf32>
    %reduce_sum3A_30 = vector.multi_reduction <add>, %dot_general3A_29, %reduce_sum3A [1] : vector<512x128xf32> to vector<512xf32>
    %broadcast_in_dim3A = vector.shape_cast %reduce_sum3A_30 : vector<512xf32> to vector<512x1xf32>
    %div3A = arith.constant 1.280000e+02 : f32
    %div3A_31 = vector.broadcast %div3A : f32 to vector<512x1xf32>
    %div3A_32 = arith.divf %broadcast_in_dim3A, %div3A_31 : vector<512x1xf32>
    %jit3A = arith.constant 0 : i32
    %reduce_sum3A_33 = arith.constant dense<0.000000e+00> : vector<512xf32>
    %reduce_sum3A_34 = vector.multi_reduction <add>, %dot_general3A_29, %reduce_sum3A_33 [1] : vector<512x128xf32> to vector<512xf32>
    %broadcast_in_dim3A_35 = vector.shape_cast %reduce_sum3A_34 : vector<512xf32> to vector<512x1xf32>
    %div3A_36 = arith.constant 1.280000e+02 : f32
    %div3A_37 = vector.broadcast %div3A_36 : f32 to vector<512x1xf32>
    %div3A_38 = arith.divf %broadcast_in_dim3A_35, %div3A_37 : vector<512x1xf32>
    %sub3A = vector.broadcast %div3A_38 : vector<512x1xf32> to vector<512x128xf32>
    %sub3A_39 = arith.subf %dot_general3A_29, %sub3A : vector<512x128xf32>
    %square3A = arith.mulf %sub3A_39, %sub3A_39 : vector<512x128xf32>
    %convert_element_type3A = arith.sitofp %jit3A : i32 to f32
    %sub3A_40 = arith.constant 1.280000e+02 : f32
    %sub3A_41 = arith.subf %sub3A_40, %convert_element_type3A : f32
    %reduce_sum3A_42 = arith.constant dense<0.000000e+00> : vector<512xf32>
    %reduce_sum3A_43 = vector.multi_reduction <add>, %square3A, %reduce_sum3A_42 [1] : vector<512x128xf32> to vector<512xf32>
    %broadcast_in_dim3A_44 = vector.shape_cast %reduce_sum3A_43 : vector<512xf32> to vector<512x1xf32>
    %div3A_45 = vector.broadcast %sub3A_41 : f32 to vector<512x1xf32>
    %div3A_46 = arith.divf %broadcast_in_dim3A_44, %div3A_45 : vector<512x1xf32>
    %gt3A = arith.constant 0.000000e+00 : f32
    %gt3A_47 = arith.cmpf ogt, %sub3A_41, %gt3A : f32
    %jit3A_48 = arith.constant 0x7FC00000 : f32
    %broadcast_in_dim3A_49 = vector.broadcast %jit3A_48 : f32 to vector<512x1xf32>
    %select_n3A = arith.select %gt3A_47, %div3A_46, %broadcast_in_dim3A_49 : vector<512x1xf32>
    %sub3A_50 = vector.broadcast %div3A_32 : vector<512x1xf32> to vector<512x128xf32>
    %sub3A_51 = arith.subf %dot_general3A_29, %sub3A_50 : vector<512x128xf32>
    %add3A_52 = arith.constant 9.99999974E-6 : f32
    %add3A_53 = vector.broadcast %add3A_52 : f32 to vector<512x1xf32>
    %add3A_54 = arith.addf %select_n3A, %add3A_53 : vector<512x1xf32>
    %sqrt3A = math.sqrt %add3A_54 : vector<512x1xf32>
    %div3A_55 = vector.broadcast %sqrt3A : vector<512x1xf32> to vector<512x128xf32>
    %div3A_56 = arith.divf %sub3A_51, %div3A_55 : vector<512x128xf32>
    %mul3A_57 = vector.broadcast %get3A_14 : vector<1x128xf32> to vector<512x128xf32>
    %mul3A_58 = arith.mulf %div3A_56, %mul3A_57 : vector<512x128xf32>
    %add3A_59 = vector.broadcast %get3A_17 : vector<1x128xf32> to vector<512x128xf32>
    %add3A_60 = arith.addf %mul3A_58, %add3A_59 : vector<512x128xf32>
    %slice3A_61 = vector.extract_strided_slice %get3A_1 {offsets = [0, 2], sizes = [512, 1], strides = [1, 1]} : vector<512x8xf32> to vector<512x1xf32>
    %slice3A_62 = vector.extract_strided_slice %get3A_1 {offsets = [0, 3], sizes = [512, 1], strides = [1, 1]} : vector<512x8xf32> to vector<512x1xf32>
    %get3A_63 = arith.constant 0 : index
    %get3A_64 = arith.constant 0 : index
    %get3A_65 = vector.load %arg7[%get3A_63, %get3A_64] : memref<2x128xf32, #tpu.memory_space<vmem>>, vector<2x128xf32>
    %get3A_66 = arith.constant 0 : index
    %get3A_67 = arith.constant 0 : index
    %get3A_68 = vector.load %arg8[%get3A_66, %get3A_67] : memref<1x128xf32, #tpu.memory_space<vmem>>, vector<1x128xf32>
    %get3A_69 = arith.constant 0 : index
    %get3A_70 = arith.constant 0 : index
    %get3A_71 = vector.load %arg9[%get3A_69, %get3A_70] : memref<128x128xf32, #tpu.memory_space<vmem>>, vector<128x128xf32>
    %get3A_72 = arith.constant 0 : index
    %get3A_73 = arith.constant 0 : index
    %get3A_74 = vector.load %arg10[%get3A_72, %get3A_73] : memref<1x128xf32, #tpu.memory_space<vmem>>, vector<1x128xf32>
    %get3A_75 = arith.constant 0 : index
    %get3A_76 = arith.constant 0 : index
    %get3A_77 = vector.load %arg11[%get3A_75, %get3A_76] : memref<1x128xf32, #tpu.memory_space<vmem>>, vector<1x128xf32>
    %slice3A_78 = vector.extract_strided_slice %get3A_65 {offsets = [0, 0], sizes = [1, 128], strides = [1, 1]} : vector<2x128xf32> to vector<1x128xf32>
    %mul3A_79 = vector.broadcast %slice3A_61 : vector<512x1xf32> to vector<512x128xf32>
    %mul3A_80 = vector.broadcast %slice3A_78 : vector<1x128xf32> to vector<512x128xf32>
    %mul3A_81 = arith.mulf %mul3A_79, %mul3A_80 : vector<512x128xf32>
    %slice3A_82 = vector.extract_strided_slice %get3A_65 {offsets = [1, 0], sizes = [1, 128], strides = [1, 1]} : vector<2x128xf32> to vector<1x128xf32>
    %mul3A_83 = vector.broadcast %slice3A_62 : vector<512x1xf32> to vector<512x128xf32>
    %mul3A_84 = vector.broadcast %slice3A_82 : vector<1x128xf32> to vector<512x128xf32>
    %mul3A_85 = arith.mulf %mul3A_83, %mul3A_84 : vector<512x128xf32>
    %add3A_86 = arith.addf %mul3A_81, %mul3A_85 : vector<512x128xf32>
    %add3A_87 = vector.broadcast %get3A_68 : vector<1x128xf32> to vector<512x128xf32>
    %add3A_88 = arith.addf %add3A_86, %add3A_87 : vector<512x128xf32>
    %max3A_89 = arith.constant 0.000000e+00 : f32
    %max3A_90 = vector.broadcast %max3A_89 : f32 to vector<512x128xf32>
    %max3A_91 = arith.maximumf %add3A_88, %max3A_90 : vector<512x128xf32>
    %dot_general3A_92 = arith.constant dense<0.000000e+00> : vector<512x128xf32>
    %dot_general3A_93 = tpu.matmul %max3A_91, %get3A_71, %dot_general3A_92 {dimension_numbers = #tpu.dot_dimension_numbers<[1], [0], [0], [1], [0, 0, 1, 1], [], []>, transpose_lhs_hint = false} : vector<512x128xf32>, vector<128x128xf32>, vector<512x128xf32> -> vector<512x128xf32>
    %reduce_sum3A_94 = arith.constant dense<0.000000e+00> : vector<512xf32>
    %reduce_sum3A_95 = vector.multi_reduction <add>, %dot_general3A_93, %reduce_sum3A_94 [1] : vector<512x128xf32> to vector<512xf32>
    %broadcast_in_dim3A_96 = vector.shape_cast %reduce_sum3A_95 : vector<512xf32> to vector<512x1xf32>
    %div3A_97 = arith.constant 1.280000e+02 : f32
    %div3A_98 = vector.broadcast %div3A_97 : f32 to vector<512x1xf32>
    %div3A_99 = arith.divf %broadcast_in_dim3A_96, %div3A_98 : vector<512x1xf32>
    %jit3A_100 = arith.constant 0 : i32
    %reduce_sum3A_101 = arith.constant dense<0.000000e+00> : vector<512xf32>
    %reduce_sum3A_102 = vector.multi_reduction <add>, %dot_general3A_93, %reduce_sum3A_101 [1] : vector<512x128xf32> to vector<512xf32>
    %broadcast_in_dim3A_103 = vector.shape_cast %reduce_sum3A_102 : vector<512xf32> to vector<512x1xf32>
    %div3A_104 = arith.constant 1.280000e+02 : f32
    %div3A_105 = vector.broadcast %div3A_104 : f32 to vector<512x1xf32>
    %div3A_106 = arith.divf %broadcast_in_dim3A_103, %div3A_105 : vector<512x1xf32>
    %sub3A_107 = vector.broadcast %div3A_106 : vector<512x1xf32> to vector<512x128xf32>
    %sub3A_108 = arith.subf %dot_general3A_93, %sub3A_107 : vector<512x128xf32>
    %square3A_109 = arith.mulf %sub3A_108, %sub3A_108 : vector<512x128xf32>
    %convert_element_type3A_110 = arith.sitofp %jit3A_100 : i32 to f32
    %sub3A_111 = arith.constant 1.280000e+02 : f32
    %sub3A_112 = arith.subf %sub3A_111, %convert_element_type3A_110 : f32
    %reduce_sum3A_113 = arith.constant dense<0.000000e+00> : vector<512xf32>
    %reduce_sum3A_114 = vector.multi_reduction <add>, %square3A_109, %reduce_sum3A_113 [1] : vector<512x128xf32> to vector<512xf32>
    %broadcast_in_dim3A_115 = vector.shape_cast %reduce_sum3A_114 : vector<512xf32> to vector<512x1xf32>
    %div3A_116 = vector.broadcast %sub3A_112 : f32 to vector<512x1xf32>
    %div3A_117 = arith.divf %broadcast_in_dim3A_115, %div3A_116 : vector<512x1xf32>
    %gt3A_118 = arith.constant 0.000000e+00 : f32
    %gt3A_119 = arith.cmpf ogt, %sub3A_112, %gt3A_118 : f32
    %jit3A_120 = arith.constant 0x7FC00000 : f32
    %broadcast_in_dim3A_121 = vector.broadcast %jit3A_120 : f32 to vector<512x1xf32>
    %select_n3A_122 = arith.select %gt3A_119, %div3A_117, %broadcast_in_dim3A_121 : vector<512x1xf32>
    %sub3A_123 = vector.broadcast %div3A_99 : vector<512x1xf32> to vector<512x128xf32>
    %sub3A_124 = arith.subf %dot_general3A_93, %sub3A_123 : vector<512x128xf32>
    %add3A_125 = arith.constant 9.99999974E-6 : f32
    %add3A_126 = vector.broadcast %add3A_125 : f32 to vector<512x1xf32>
    %add3A_127 = arith.addf %select_n3A_122, %add3A_126 : vector<512x1xf32>
    %sqrt3A_128 = math.sqrt %add3A_127 : vector<512x1xf32>
    %div3A_129 = vector.broadcast %sqrt3A_128 : vector<512x1xf32> to vector<512x128xf32>
    %div3A_130 = arith.divf %sub3A_124, %div3A_129 : vector<512x128xf32>
    %mul3A_131 = vector.broadcast %get3A_74 : vector<1x128xf32> to vector<512x128xf32>
    %mul3A_132 = arith.mulf %div3A_130, %mul3A_131 : vector<512x128xf32>
    %add3A_133 = vector.broadcast %get3A_77 : vector<1x128xf32> to vector<512x128xf32>
    %add3A_134 = arith.addf %mul3A_132, %add3A_133 : vector<512x128xf32>
    %add3A_135 = arith.addf %add3A_60, %add3A_134 : vector<512x128xf32>
    %max3A_136 = arith.constant 0.000000e+00 : f32
    %max3A_137 = vector.broadcast %max3A_136 : f32 to vector<512x128xf32>
    %max3A_138 = arith.maximumf %add3A_135, %max3A_137 : vector<512x128xf32>
    %get3A_139 = arith.constant 0 : index
    %get3A_140 = arith.constant 0 : index
    %get3A_141 = vector.load %arg12[%get3A_139, %get3A_140] : memref<132x128xf32, #tpu.memory_space<vmem>>, vector<132x128xf32>
    %slice3A_142 = vector.extract_strided_slice %get3A_141 {offsets = [0, 0], sizes = [128, 128], strides = [1, 1]} : vector<132x128xf32> to vector<128x128xf32>
    %dot_general3A_143 = arith.constant dense<0.000000e+00> : vector<512x128xf32>
    %dot_general3A_144 = tpu.matmul %max3A_138, %slice3A_142, %dot_general3A_143 {dimension_numbers = #tpu.dot_dimension_numbers<[1], [0], [0], [1], [0, 0, 1, 1], [], []>, transpose_lhs_hint = false} : vector<512x128xf32>, vector<128x128xf32>, vector<512x128xf32> -> vector<512x128xf32>
    %slice3A_145 = vector.extract_strided_slice %get3A_1 {offsets = [0, 4], sizes = [512, 1], strides = [1, 1]} : vector<512x8xf32> to vector<512x1xf32>
    %slice3A_146 = vector.extract_strided_slice %get3A_141 {offsets = [128, 0], sizes = [1, 128], strides = [1, 1]} : vector<132x128xf32> to vector<1x128xf32>
    %mul3A_147 = vector.broadcast %slice3A_145 : vector<512x1xf32> to vector<512x128xf32>
    %mul3A_148 = vector.broadcast %slice3A_146 : vector<1x128xf32> to vector<512x128xf32>
    %mul3A_149 = arith.mulf %mul3A_147, %mul3A_148 : vector<512x128xf32>
    %add3A_150 = arith.addf %dot_general3A_144, %mul3A_149 : vector<512x128xf32>
    %slice3A_151 = vector.extract_strided_slice %get3A_1 {offsets = [0, 5], sizes = [512, 1], strides = [1, 1]} : vector<512x8xf32> to vector<512x1xf32>
    %slice3A_152 = vector.extract_strided_slice %get3A_141 {offsets = [129, 0], sizes = [1, 128], strides = [1, 1]} : vector<132x128xf32> to vector<1x128xf32>
    %mul3A_153 = vector.broadcast %slice3A_151 : vector<512x1xf32> to vector<512x128xf32>
    %mul3A_154 = vector.broadcast %slice3A_152 : vector<1x128xf32> to vector<512x128xf32>
    %mul3A_155 = arith.mulf %mul3A_153, %mul3A_154 : vector<512x128xf32>
    %add3A_156 = arith.addf %add3A_150, %mul3A_155 : vector<512x128xf32>
    %slice3A_157 = vector.extract_strided_slice %get3A_1 {offsets = [0, 6], sizes = [512, 1], strides = [1, 1]} : vector<512x8xf32> to vector<512x1xf32>
    %slice3A_158 = vector.extract_strided_slice %get3A_141 {offsets = [130, 0], sizes = [1, 128], strides = [1, 1]} : vector<132x128xf32> to vector<1x128xf32>
    %mul3A_159 = vector.broadcast %slice3A_157 : vector<512x1xf32> to vector<512x128xf32>
    %mul3A_160 = vector.broadcast %slice3A_158 : vector<1x128xf32> to vector<512x128xf32>
    %mul3A_161 = arith.mulf %mul3A_159, %mul3A_160 : vector<512x128xf32>
    %add3A_162 = arith.addf %add3A_156, %mul3A_161 : vector<512x128xf32>
    %slice3A_163 = vector.extract_strided_slice %get3A_1 {offsets = [0, 7], sizes = [512, 1], strides = [1, 1]} : vector<512x8xf32> to vector<512x1xf32>
    %slice3A_164 = vector.extract_strided_slice %get3A_141 {offsets = [131, 0], sizes = [1, 128], strides = [1, 1]} : vector<132x128xf32> to vector<1x128xf32>
    %mul3A_165 = vector.broadcast %slice3A_163 : vector<512x1xf32> to vector<512x128xf32>
    %mul3A_166 = vector.broadcast %slice3A_164 : vector<1x128xf32> to vector<512x128xf32>
    %mul3A_167 = arith.mulf %mul3A_165, %mul3A_166 : vector<512x128xf32>
    %add3A_168 = arith.addf %add3A_162, %mul3A_167 : vector<512x128xf32>
    %get3A_169 = arith.constant 0 : index
    %get3A_170 = arith.constant 0 : index
    %get3A_171 = vector.load %arg13[%get3A_169, %get3A_170] : memref<1x128xf32, #tpu.memory_space<vmem>>, vector<1x128xf32>
    %get3A_172 = arith.constant 0 : index
    %get3A_173 = arith.constant 0 : index
    %get3A_174 = vector.load %arg14[%get3A_172, %get3A_173] : memref<1x128xf32, #tpu.memory_space<vmem>>, vector<1x128xf32>
    %reduce_sum3A_175 = arith.constant dense<0.000000e+00> : vector<512xf32>
    %reduce_sum3A_176 = vector.multi_reduction <add>, %add3A_168, %reduce_sum3A_175 [1] : vector<512x128xf32> to vector<512xf32>
    %broadcast_in_dim3A_177 = vector.shape_cast %reduce_sum3A_176 : vector<512xf32> to vector<512x1xf32>
    %div3A_178 = arith.constant 1.280000e+02 : f32
    %div3A_179 = vector.broadcast %div3A_178 : f32 to vector<512x1xf32>
    %div3A_180 = arith.divf %broadcast_in_dim3A_177, %div3A_179 : vector<512x1xf32>
    %jit3A_181 = arith.constant 0 : i32
    %reduce_sum3A_182 = arith.constant dense<0.000000e+00> : vector<512xf32>
    %reduce_sum3A_183 = vector.multi_reduction <add>, %add3A_168, %reduce_sum3A_182 [1] : vector<512x128xf32> to vector<512xf32>
    %broadcast_in_dim3A_184 = vector.shape_cast %reduce_sum3A_183 : vector<512xf32> to vector<512x1xf32>
    %div3A_185 = arith.constant 1.280000e+02 : f32
    %div3A_186 = vector.broadcast %div3A_185 : f32 to vector<512x1xf32>
    %div3A_187 = arith.divf %broadcast_in_dim3A_184, %div3A_186 : vector<512x1xf32>
    %sub3A_188 = vector.broadcast %div3A_187 : vector<512x1xf32> to vector<512x128xf32>
    %sub3A_189 = arith.subf %add3A_168, %sub3A_188 : vector<512x128xf32>
    %square3A_190 = arith.mulf %sub3A_189, %sub3A_189 : vector<512x128xf32>
    %convert_element_type3A_191 = arith.sitofp %jit3A_181 : i32 to f32
    %sub3A_192 = arith.constant 1.280000e+02 : f32
    %sub3A_193 = arith.subf %sub3A_192, %convert_element_type3A_191 : f32
    %reduce_sum3A_194 = arith.constant dense<0.000000e+00> : vector<512xf32>
    %reduce_sum3A_195 = vector.multi_reduction <add>, %square3A_190, %reduce_sum3A_194 [1] : vector<512x128xf32> to vector<512xf32>
    %broadcast_in_dim3A_196 = vector.shape_cast %reduce_sum3A_195 : vector<512xf32> to vector<512x1xf32>
    %div3A_197 = vector.broadcast %sub3A_193 : f32 to vector<512x1xf32>
    %div3A_198 = arith.divf %broadcast_in_dim3A_196, %div3A_197 : vector<512x1xf32>
    %gt3A_199 = arith.constant 0.000000e+00 : f32
    %gt3A_200 = arith.cmpf ogt, %sub3A_193, %gt3A_199 : f32
    %jit3A_201 = arith.constant 0x7FC00000 : f32
    %broadcast_in_dim3A_202 = vector.broadcast %jit3A_201 : f32 to vector<512x1xf32>
    %select_n3A_203 = arith.select %gt3A_200, %div3A_198, %broadcast_in_dim3A_202 : vector<512x1xf32>
    %sub3A_204 = vector.broadcast %div3A_180 : vector<512x1xf32> to vector<512x128xf32>
    %sub3A_205 = arith.subf %add3A_168, %sub3A_204 : vector<512x128xf32>
    %add3A_206 = arith.constant 9.99999974E-6 : f32
    %add3A_207 = vector.broadcast %add3A_206 : f32 to vector<512x1xf32>
    %add3A_208 = arith.addf %select_n3A_203, %add3A_207 : vector<512x1xf32>
    %sqrt3A_209 = math.sqrt %add3A_208 : vector<512x1xf32>
    %div3A_210 = vector.broadcast %sqrt3A_209 : vector<512x1xf32> to vector<512x128xf32>
    %div3A_211 = arith.divf %sub3A_205, %div3A_210 : vector<512x128xf32>
    %mul3A_212 = vector.broadcast %get3A_171 : vector<1x128xf32> to vector<512x128xf32>
    %mul3A_213 = arith.mulf %div3A_211, %mul3A_212 : vector<512x128xf32>
    %add3A_214 = vector.broadcast %get3A_174 : vector<1x128xf32> to vector<512x128xf32>
    %add3A_215 = arith.addf %mul3A_213, %add3A_214 : vector<512x128xf32>
    %max3A_216 = arith.constant 0.000000e+00 : f32
    %max3A_217 = vector.broadcast %max3A_216 : f32 to vector<512x128xf32>
    %max3A_218 = arith.maximumf %add3A_215, %max3A_217 : vector<512x128xf32>
    %swap3A = arith.constant 0 : index
    %swap3A_219 = arith.constant 0 : index
    %swap3A_220 = vector.load %arg15[%swap3A, %swap3A_219] : memref<512x128xf32, #tpu.memory_space<vmem>>, vector<512x128xf32>
    tpu.vector_store %arg15[%swap3A, %swap3A_219], %max3A_218 {strides = array<i32>} : memref<512x128xf32, #tpu.memory_space<vmem>>, vector<512x128xf32>,
    return
  }
  func.func @transform_0(%arg0: i32) -> (i32, i32) {
    %c0_i32 = arith.constant 0 : i32
    %c0_i32_0 = arith.constant 0 : i32
    return %arg0, %c0_i32 : i32, i32
  }
  func.func @transform_1(%arg0: i32) -> (i32, i32) {
    %c0_i32 = arith.constant 0 : i32
    %c0_i32_0 = arith.constant 0 : i32
    %c0_i32_1 = arith.constant 0 : i32
    return %c0_i32, %c0_i32_0 : i32, i32
  }
  func.func @transform_2(%arg0: i32) -> (i32, i32) {
    %c0_i32 = arith.constant 0 : i32
    %c0_i32_0 = arith.constant 0 : i32
    %c0_i32_1 = arith.constant 0 : i32
    return %c0_i32, %c0_i32_0 : i32, i32
  }
  func.func @transform_3(%arg0: i32) -> (i32, i32) {
    %c0_i32 = arith.constant 0 : i32
    %c0_i32_0 = arith.constant 0 : i32
    %c0_i32_1 = arith.constant 0 : i32
    return %c0_i32, %c0_i32_0 : i32, i32
  }
  func.func @transform_4(%arg0: i32) -> (i32, i32) {
    %c0_i32 = arith.constant 0 : i32
    %c0_i32_0 = arith.constant 0 : i32
    %c0_i32_1 = arith.constant 0 : i32
    return %c0_i32, %c0_i32_0 : i32, i32
  }
  func.func @transform_5(%arg0: i32) -> (i32, i32) {
    %c0_i32 = arith.constant 0 : i32
    %c0_i32_0 = arith.constant 0 : i32
    %c0_i32_1 = arith.constant 0 : i32
    return %c0_i32, %c0_i32_0 : i32, i32
  }
  func.func @transform_6(%arg0: i32) -> (i32, i32) {
    %c0_i32 = arith.constant 0 : i32
    %c0_i32_0 = arith.constant 0 : i32
    %c0_i32_1 = arith.constant 0 : i32
    return %c0_i32, %c0_i32_0 : i32, i32
  }
  func.func @transform_7(%arg0: i32) -> (i32, i32) {
    %c0_i32 = arith.constant 0 : i32
    %c0_i32_0 = arith.constant 0 : i32
    %c0_i32_1 = arith.constant 0 : i32
    return %c0_i32, %c0_i32_0 : i32, i32
  }
  func.func @transform_8(%arg0: i32) -> (i32, i32) {
    %c0_i32 = arith.constant 0 : i32
    %c0_i32_0 = arith.constant 0 : i32
    %c0_i32_1 = arith.constant 0 : i32
    return %c0_i32, %c0_i32_0 : i32, i32
  }
  func.func @transform_9(%arg0: i32) -> (i32, i32) {
    %c0_i32 = arith.constant 0 : i32
    %c0_i32_0 = arith.constant 0 : i32
    %c0_i32_1 = arith.constant 0 : i32
    return %c0_i32, %c0_i32_0 : i32, i32
  }
  func.func @transform_10(%arg0: i32) -> (i32, i32) {
    %c0_i32 = arith.constant 0 : i32
    %c0_i32_0 = arith.constant 0 : i32
    %c0_i32_1 = arith.constant 0 : i32
    return %c0_i32, %c0_i32_0 : i32, i32
  }
  func.func @transform_11(%arg0: i32) -> (i32, i32) {
    %c0_i32 = arith.constant 0 : i32
    %c0_i32_0 = arith.constant 0 : i32
    %c0_i32_1 = arith.constant 0 : i32
    return %c0_i32, %c0_i32_0 : i32, i32
  }
  func.func @transform_12(%arg0: i32) -> (i32, i32) {
    %c0_i32 = arith.constant 0 : i32
    %c0_i32_0 = arith.constant 0 : i32
    %c0_i32_1 = arith.constant 0 : i32
    return %c0_i32, %c0_i32_0 : i32, i32
  }
  func.func @transform_13(%arg0: i32) -> (i32, i32) {
    %c0_i32 = arith.constant 0 : i32
    %c0_i32_0 = arith.constant 0 : i32
    %c0_i32_1 = arith.constant 0 : i32
    return %c0_i32, %c0_i32_0 : i32, i32
  }
  func.func @transform_14(%arg0: i32) -> (i32, i32) {
    %c0_i32 = arith.constant 0 : i32
    %c0_i32_0 = arith.constant 0 : i32
    return %arg0, %c0_i32 : i32, i32
  }
}

module attributes {stable_mosaic.version = 14 : i64} {
  func.func @_layA_body(%arg0: i32, %arg1: memref<512x128xf32, #tpu.memory_space<vmem>>, %arg2: memref<128x128xf32, #tpu.memory_space<vmem>>, %arg3: memref<128x1792xf32, #tpu.memory_space<vmem>>, %arg4: memref<512x128xf32, #tpu.memory_space<vmem>>, %arg5: memref<512x1792xf32, #tpu.memory_space<vmem>>) attributes {dimension_semantics = [#tpu.dimension_semantics<arbitrary>], iteration_bounds = array<i64: 196>, scalar_prefetch = 0 : i64, scratch_operands = 0 : i64, tpu.core_type = #tpu.core_type<tc>, window_params = [{transform_indices = @transform_0, window_bounds = array<i64: 512, 128>}, {pipeline_mode = #tpu.pipeline_mode<synchronous>, transform_indices = @transform_1, window_bounds = array<i64: 128, 128>}, {pipeline_mode = #tpu.pipeline_mode<synchronous>, transform_indices = @transform_2, window_bounds = array<i64: 128, 1792>}, {transform_indices = @transform_3, window_bounds = array<i64: 512, 128>}, {transform_indices = @transform_4, window_bounds = array<i64: 512, 1792>}]} {
    %get3A = arith.constant 0 : index
    %get3A_0 = arith.constant 0 : index
    %get3A_1 = vector.load %arg1[%get3A, %get3A_0] : memref<512x128xf32, #tpu.memory_space<vmem>>, vector<512x128xf32>
    %get3A_2 = arith.constant 0 : index
    %get3A_3 = arith.constant 0 : index
    %get3A_4 = vector.load %arg2[%get3A_2, %get3A_3] : memref<128x128xf32, #tpu.memory_space<vmem>>, vector<128x128xf32>
    %dot_general3A = arith.constant dense<0.000000e+00> : vector<512x128xf32>
    %dot_general3A_5 = tpu.matmul %get3A_1, %get3A_4, %dot_general3A {dimension_numbers = #tpu.dot_dimension_numbers<[1], [0], [0], [1], [0, 0, 1, 1], [], []>, transpose_lhs_hint = false} : vector<512x128xf32>, vector<128x128xf32>, vector<512x128xf32> -> vector<512x128xf32>
    %swap3A = arith.constant 0 : index
    %swap3A_6 = arith.constant 0 : index
    %swap3A_7 = vector.load %arg4[%swap3A, %swap3A_6] : memref<512x128xf32, #tpu.memory_space<vmem>>, vector<512x128xf32>
    tpu.vector_store %arg4[%swap3A, %swap3A_6], %dot_general3A_5 {strides = array<i32>} : memref<512x128xf32, #tpu.memory_space<vmem>>, vector<512x128xf32>,
    %get3A_8 = arith.constant 0 : index
    %get3A_9 = arith.constant 0 : index
    %get3A_10 = vector.load %arg3[%get3A_8, %get3A_9] : memref<128x1792xf32, #tpu.memory_space<vmem>>, vector<128x1792xf32>
    %dot_general3A_11 = arith.constant dense<0.000000e+00> : vector<512x1792xf32>
    %dot_general3A_12 = tpu.matmul %get3A_1, %get3A_10, %dot_general3A_11 {dimension_numbers = #tpu.dot_dimension_numbers<[1], [0], [0], [1], [0, 0, 1, 1], [], []>, transpose_lhs_hint = false} : vector<512x128xf32>, vector<128x1792xf32>, vector<512x1792xf32> -> vector<512x1792xf32>
    %swap3A_13 = arith.constant 0 : index
    %swap3A_14 = arith.constant 0 : index
    %swap3A_15 = vector.load %arg5[%swap3A_13, %swap3A_14] : memref<512x1792xf32, #tpu.memory_space<vmem>>, vector<512x1792xf32>
    tpu.vector_store %arg5[%swap3A_13, %swap3A_14], %dot_general3A_12 {strides = array<i32>} : memref<512x1792xf32, #tpu.memory_space<vmem>>, vector<512x1792xf32>,
    return
  }
  func.func @transform_0(%arg0: i32) -> (i32, i32) {
    %c0_i32 = arith.constant 0 : i32
    %c0_i32_0 = arith.constant 0 : i32
    return %arg0, %c0_i32 : i32, i32
  }
  func.func @transform_1(%arg0: i32) -> (i32, i32) {
    %c0_i32 = arith.constant 0 : i32
    %c0_i32_0 = arith.constant 0 : i32
    %c0_i32_1 = arith.constant 0 : i32
    return %c0_i32, %c0_i32_0 : i32, i32
  }
  func.func @transform_2(%arg0: i32) -> (i32, i32) {
    %c0_i32 = arith.constant 0 : i32
    %c0_i32_0 = arith.constant 0 : i32
    %c0_i32_1 = arith.constant 0 : i32
    return %c0_i32, %c0_i32_0 : i32, i32
  }
  func.func @transform_3(%arg0: i32) -> (i32, i32) {
    %c0_i32 = arith.constant 0 : i32
    %c0_i32_0 = arith.constant 0 : i32
    return %arg0, %c0_i32 : i32, i32
  }
  func.func @transform_4(%arg0: i32) -> (i32, i32) {
    %c0_i32 = arith.constant 0 : i32
    %c0_i32_0 = arith.constant 0 : i32
    return %arg0, %c0_i32 : i32, i32
  }
}

module attributes {stable_mosaic.version = 14 : i64} {
  func.func @_layB_body(%arg0: i32, %arg1: memref<512x128xf32, #tpu.memory_space<vmem>>, %arg2: memref<512x128xf32, #tpu.memory_space<vmem>>, %arg3: memref<128x128xf32, #tpu.memory_space<vmem>>, %arg4: memref<1x128xf32, #tpu.memory_space<vmem>>, %arg5: memref<1x128xf32, #tpu.memory_space<vmem>>, %arg6: memref<1x128xf32, #tpu.memory_space<vmem>>, %arg7: memref<1x128xf32, #tpu.memory_space<vmem>>, %arg8: memref<512x128xf32, #tpu.memory_space<vmem>>) attributes {dimension_semantics = [#tpu.dimension_semantics<arbitrary>], iteration_bounds = array<i64: 196>, scalar_prefetch = 0 : i64, scratch_operands = 0 : i64, tpu.core_type = #tpu.core_type<tc>, window_params = [{transform_indices = @transform_0, window_bounds = array<i64: 512, 128>}, {transform_indices = @transform_1, window_bounds = array<i64: 512, 128>}, {pipeline_mode = #tpu.pipeline_mode<synchronous>, transform_indices = @transform_2, window_bounds = array<i64: 128, 128>}, {pipeline_mode = #tpu.pipeline_mode<synchronous>, transform_indices = @transform_3, window_bounds = array<i64: 1, 128>}, {pipeline_mode = #tpu.pipeline_mode<synchronous>, transform_indices = @transform_4, window_bounds = array<i64: 1, 128>}, {pipeline_mode = #tpu.pipeline_mode<synchronous>, transform_indices = @transform_5, window_bounds = array<i64: 1, 128>}, {pipeline_mode = #tpu.pipeline_mode<synchronous>, transform_indices = @transform_6, window_bounds = array<i64: 1, 128>}, {transform_indices = @transform_7, window_bounds = array<i64: 512, 128>}]} {
    %get3A = arith.constant 0 : index
    %get3A_0 = arith.constant 0 : index
    %get3A_1 = vector.load %arg1[%get3A, %get3A_0] : memref<512x128xf32, #tpu.memory_space<vmem>>, vector<512x128xf32>
    %get3A_2 = arith.constant 0 : index
    %get3A_3 = arith.constant 0 : index
    %get3A_4 = vector.load %arg4[%get3A_2, %get3A_3] : memref<1x128xf32, #tpu.memory_space<vmem>>, vector<1x128xf32>
    %get3A_5 = arith.constant 0 : index
    %get3A_6 = arith.constant 0 : index
    %get3A_7 = vector.load %arg5[%get3A_5, %get3A_6] : memref<1x128xf32, #tpu.memory_space<vmem>>, vector<1x128xf32>
    %reduce_sum3A = arith.constant dense<0.000000e+00> : vector<512xf32>
    %reduce_sum3A_8 = vector.multi_reduction <add>, %get3A_1, %reduce_sum3A [1] : vector<512x128xf32> to vector<512xf32>
    %broadcast_in_dim3A = vector.shape_cast %reduce_sum3A_8 : vector<512xf32> to vector<512x1xf32>
    %div3A = arith.constant 1.280000e+02 : f32
    %div3A_9 = vector.broadcast %div3A : f32 to vector<512x1xf32>
    %div3A_10 = arith.divf %broadcast_in_dim3A, %div3A_9 : vector<512x1xf32>
    %jit3A = arith.constant 0 : i32
    %reduce_sum3A_11 = arith.constant dense<0.000000e+00> : vector<512xf32>
    %reduce_sum3A_12 = vector.multi_reduction <add>, %get3A_1, %reduce_sum3A_11 [1] : vector<512x128xf32> to vector<512xf32>
    %broadcast_in_dim3A_13 = vector.shape_cast %reduce_sum3A_12 : vector<512xf32> to vector<512x1xf32>
    %div3A_14 = arith.constant 1.280000e+02 : f32
    %div3A_15 = vector.broadcast %div3A_14 : f32 to vector<512x1xf32>
    %div3A_16 = arith.divf %broadcast_in_dim3A_13, %div3A_15 : vector<512x1xf32>
    %sub3A = vector.broadcast %div3A_16 : vector<512x1xf32> to vector<512x128xf32>
    %sub3A_17 = arith.subf %get3A_1, %sub3A : vector<512x128xf32>
    %square3A = arith.mulf %sub3A_17, %sub3A_17 : vector<512x128xf32>
    %convert_element_type3A = arith.sitofp %jit3A : i32 to f32
    %sub3A_18 = arith.constant 1.280000e+02 : f32
    %sub3A_19 = arith.subf %sub3A_18, %convert_element_type3A : f32
    %reduce_sum3A_20 = arith.constant dense<0.000000e+00> : vector<512xf32>
    %reduce_sum3A_21 = vector.multi_reduction <add>, %square3A, %reduce_sum3A_20 [1] : vector<512x128xf32> to vector<512xf32>
    %broadcast_in_dim3A_22 = vector.shape_cast %reduce_sum3A_21 : vector<512xf32> to vector<512x1xf32>
    %div3A_23 = vector.broadcast %sub3A_19 : f32 to vector<512x1xf32>
    %div3A_24 = arith.divf %broadcast_in_dim3A_22, %div3A_23 : vector<512x1xf32>
    %gt3A = arith.constant 0.000000e+00 : f32
    %gt3A_25 = arith.cmpf ogt, %sub3A_19, %gt3A : f32
    %jit3A_26 = arith.constant 0x7FC00000 : f32
    %broadcast_in_dim3A_27 = vector.broadcast %jit3A_26 : f32 to vector<512x1xf32>
    %select_n3A = arith.select %gt3A_25, %div3A_24, %broadcast_in_dim3A_27 : vector<512x1xf32>
    %sub3A_28 = vector.broadcast %div3A_10 : vector<512x1xf32> to vector<512x128xf32>
    %sub3A_29 = arith.subf %get3A_1, %sub3A_28 : vector<512x128xf32>
    %add3A = arith.constant 9.99999974E-6 : f32
    %add3A_30 = vector.broadcast %add3A : f32 to vector<512x1xf32>
    %add3A_31 = arith.addf %select_n3A, %add3A_30 : vector<512x1xf32>
    %sqrt3A = math.sqrt %add3A_31 : vector<512x1xf32>
    %div3A_32 = vector.broadcast %sqrt3A : vector<512x1xf32> to vector<512x128xf32>
    %div3A_33 = arith.divf %sub3A_29, %div3A_32 : vector<512x128xf32>
    %mul3A = vector.broadcast %get3A_4 : vector<1x128xf32> to vector<512x128xf32>
    %mul3A_34 = arith.mulf %div3A_33, %mul3A : vector<512x128xf32>
    %add3A_35 = vector.broadcast %get3A_7 : vector<1x128xf32> to vector<512x128xf32>
    %add3A_36 = arith.addf %mul3A_34, %add3A_35 : vector<512x128xf32>
    %max3A = arith.constant 0.000000e+00 : f32
    %max3A_37 = vector.broadcast %max3A : f32 to vector<512x128xf32>
    %max3A_38 = arith.maximumf %add3A_36, %max3A_37 : vector<512x128xf32>
    %get3A_39 = arith.constant 0 : index
    %get3A_40 = arith.constant 0 : index
    %get3A_41 = vector.load %arg3[%get3A_39, %get3A_40] : memref<128x128xf32, #tpu.memory_space<vmem>>, vector<128x128xf32>
    %dot_general3A = arith.constant dense<0.000000e+00> : vector<512x128xf32>
    %dot_general3A_42 = tpu.matmul %max3A_38, %get3A_41, %dot_general3A {dimension_numbers = #tpu.dot_dimension_numbers<[1], [0], [0], [1], [0, 0, 1, 1], [], []>, transpose_lhs_hint = false} : vector<512x128xf32>, vector<128x128xf32>, vector<512x128xf32> -> vector<512x128xf32>
    %get3A_43 = arith.constant 0 : index
    %get3A_44 = arith.constant 0 : index
    %get3A_45 = vector.load %arg6[%get3A_43, %get3A_44] : memref<1x128xf32, #tpu.memory_space<vmem>>, vector<1x128xf32>
    %get3A_46 = arith.constant 0 : index
    %get3A_47 = arith.constant 0 : index
    %get3A_48 = vector.load %arg7[%get3A_46, %get3A_47] : memref<1x128xf32, #tpu.memory_space<vmem>>, vector<1x128xf32>
    %reduce_sum3A_49 = arith.constant dense<0.000000e+00> : vector<512xf32>
    %reduce_sum3A_50 = vector.multi_reduction <add>, %dot_general3A_42, %reduce_sum3A_49 [1] : vector<512x128xf32> to vector<512xf32>
    %broadcast_in_dim3A_51 = vector.shape_cast %reduce_sum3A_50 : vector<512xf32> to vector<512x1xf32>
    %div3A_52 = arith.constant 1.280000e+02 : f32
    %div3A_53 = vector.broadcast %div3A_52 : f32 to vector<512x1xf32>
    %div3A_54 = arith.divf %broadcast_in_dim3A_51, %div3A_53 : vector<512x1xf32>
    %jit3A_55 = arith.constant 0 : i32
    %reduce_sum3A_56 = arith.constant dense<0.000000e+00> : vector<512xf32>
    %reduce_sum3A_57 = vector.multi_reduction <add>, %dot_general3A_42, %reduce_sum3A_56 [1] : vector<512x128xf32> to vector<512xf32>
    %broadcast_in_dim3A_58 = vector.shape_cast %reduce_sum3A_57 : vector<512xf32> to vector<512x1xf32>
    %div3A_59 = arith.constant 1.280000e+02 : f32
    %div3A_60 = vector.broadcast %div3A_59 : f32 to vector<512x1xf32>
    %div3A_61 = arith.divf %broadcast_in_dim3A_58, %div3A_60 : vector<512x1xf32>
    %sub3A_62 = vector.broadcast %div3A_61 : vector<512x1xf32> to vector<512x128xf32>
    %sub3A_63 = arith.subf %dot_general3A_42, %sub3A_62 : vector<512x128xf32>
    %square3A_64 = arith.mulf %sub3A_63, %sub3A_63 : vector<512x128xf32>
    %convert_element_type3A_65 = arith.sitofp %jit3A_55 : i32 to f32
    %sub3A_66 = arith.constant 1.280000e+02 : f32
    %sub3A_67 = arith.subf %sub3A_66, %convert_element_type3A_65 : f32
    %reduce_sum3A_68 = arith.constant dense<0.000000e+00> : vector<512xf32>
    %reduce_sum3A_69 = vector.multi_reduction <add>, %square3A_64, %reduce_sum3A_68 [1] : vector<512x128xf32> to vector<512xf32>
    %broadcast_in_dim3A_70 = vector.shape_cast %reduce_sum3A_69 : vector<512xf32> to vector<512x1xf32>
    %div3A_71 = vector.broadcast %sub3A_67 : f32 to vector<512x1xf32>
    %div3A_72 = arith.divf %broadcast_in_dim3A_70, %div3A_71 : vector<512x1xf32>
    %gt3A_73 = arith.constant 0.000000e+00 : f32
    %gt3A_74 = arith.cmpf ogt, %sub3A_67, %gt3A_73 : f32
    %jit3A_75 = arith.constant 0x7FC00000 : f32
    %broadcast_in_dim3A_76 = vector.broadcast %jit3A_75 : f32 to vector<512x1xf32>
    %select_n3A_77 = arith.select %gt3A_74, %div3A_72, %broadcast_in_dim3A_76 : vector<512x1xf32>
    %sub3A_78 = vector.broadcast %div3A_54 : vector<512x1xf32> to vector<512x128xf32>
    %sub3A_79 = arith.subf %dot_general3A_42, %sub3A_78 : vector<512x128xf32>
    %add3A_80 = arith.constant 9.99999974E-6 : f32
    %add3A_81 = vector.broadcast %add3A_80 : f32 to vector<512x1xf32>
    %add3A_82 = arith.addf %select_n3A_77, %add3A_81 : vector<512x1xf32>
    %sqrt3A_83 = math.sqrt %add3A_82 : vector<512x1xf32>
    %div3A_84 = vector.broadcast %sqrt3A_83 : vector<512x1xf32> to vector<512x128xf32>
    %div3A_85 = arith.divf %sub3A_79, %div3A_84 : vector<512x128xf32>
    %mul3A_86 = vector.broadcast %get3A_45 : vector<1x128xf32> to vector<512x128xf32>
    %mul3A_87 = arith.mulf %div3A_85, %mul3A_86 : vector<512x128xf32>
    %add3A_88 = vector.broadcast %get3A_48 : vector<1x128xf32> to vector<512x128xf32>
    %add3A_89 = arith.addf %mul3A_87, %add3A_88 : vector<512x128xf32>
    %get3A_90 = arith.constant 0 : index
    %get3A_91 = arith.constant 0 : index
    %get3A_92 = vector.load %arg2[%get3A_90, %get3A_91] : memref<512x128xf32, #tpu.memory_space<vmem>>, vector<512x128xf32>
    %add3A_93 = arith.addf %add3A_89, %get3A_92 : vector<512x128xf32>
    %max3A_94 = arith.constant 0.000000e+00 : f32
    %max3A_95 = vector.broadcast %max3A_94 : f32 to vector<512x128xf32>
    %max3A_96 = arith.maximumf %add3A_93, %max3A_95 : vector<512x128xf32>
    %swap3A = arith.constant 0 : index
    %swap3A_97 = arith.constant 0 : index
    %swap3A_98 = vector.load %arg8[%swap3A, %swap3A_97] : memref<512x128xf32, #tpu.memory_space<vmem>>, vector<512x128xf32>
    tpu.vector_store %arg8[%swap3A, %swap3A_97], %max3A_96 {strides = array<i32>} : memref<512x128xf32, #tpu.memory_space<vmem>>, vector<512x128xf32>,
    return
  }
  func.func @transform_0(%arg0: i32) -> (i32, i32) {
    %c0_i32 = arith.constant 0 : i32
    %c0_i32_0 = arith.constant 0 : i32
    return %arg0, %c0_i32 : i32, i32
  }
  func.func @transform_1(%arg0: i32) -> (i32, i32) {
    %c0_i32 = arith.constant 0 : i32
    %c0_i32_0 = arith.constant 0 : i32
    return %arg0, %c0_i32 : i32, i32
  }
  func.func @transform_2(%arg0: i32) -> (i32, i32) {
    %c0_i32 = arith.constant 0 : i32
    %c0_i32_0 = arith.constant 0 : i32
    %c0_i32_1 = arith.constant 0 : i32
    return %c0_i32, %c0_i32_0 : i32, i32
  }
  func.func @transform_3(%arg0: i32) -> (i32, i32) {
    %c0_i32 = arith.constant 0 : i32
    %c0_i32_0 = arith.constant 0 : i32
    %c0_i32_1 = arith.constant 0 : i32
    return %c0_i32, %c0_i32_0 : i32, i32
  }
  func.func @transform_4(%arg0: i32) -> (i32, i32) {
    %c0_i32 = arith.constant 0 : i32
    %c0_i32_0 = arith.constant 0 : i32
    %c0_i32_1 = arith.constant 0 : i32
    return %c0_i32, %c0_i32_0 : i32, i32
  }
  func.func @transform_5(%arg0: i32) -> (i32, i32) {
    %c0_i32 = arith.constant 0 : i32
    %c0_i32_0 = arith.constant 0 : i32
    %c0_i32_1 = arith.constant 0 : i32
    return %c0_i32, %c0_i32_0 : i32, i32
  }
  func.func @transform_6(%arg0: i32) -> (i32, i32) {
    %c0_i32 = arith.constant 0 : i32
    %c0_i32_0 = arith.constant 0 : i32
    %c0_i32_1 = arith.constant 0 : i32
    return %c0_i32, %c0_i32_0 : i32, i32
  }
  func.func @transform_7(%arg0: i32) -> (i32, i32) {
    %c0_i32 = arith.constant 0 : i32
    %c0_i32_0 = arith.constant 0 : i32
    return %arg0, %c0_i32 : i32, i32
  }
}

</mosaic_0001>

<sc_bundles>
// kernel: kernel.15.cloned.1.call-start
scs
__scs_entry_jumppad:
0x0: {  	(pc) =	sbr.rel $0x88, $3  }
0x1: {  	(tag) =	ssettag $0x0;
	lr =	simm.s32 $0x1  }
0x2: {  	[smem:$0x3F8A] =	sst lr;
	_ =	strace $0xD0000000  }
0x3: {  	_ = 	snop  }
0x4: {  	_ = 	snop  }
0x5: {  	_ = 	snop  }
0x6: {  	_ = 	snop  }
0x7: {  	_ = 	snop  }
__scs_overlays_trampoline_lowered:
0x8: {  	[smem:$0x3F99] =	sst s0  }
0x9: {  	[smem:$0x3F9A] =	sst s1  }
0xa: {  	[smem:$0x3F9B] =	sst s2  }
0xb: {  	[smem:$0x3F9C] =	sst s3  }
0xc: {  	[smem:$0x3F9D] =	sst s4  }
0xd: {  	[smem:$0x3F9E] =	sst s5  }
0xe: {  	[smem:$0x3F9F] =	sst s6  }
0xf: {  	[smem:$0x3FA0] =	sst s7  }
0x10: {  	[smem:$0x3FA1] =	sst s8  }
0x11: {  	[smem:$0x3FA2] =	sst s9;
	s0 =	simm.s32 @!p0 $0x0  }
0x12: {  	s1 =	sld [smem:$0x3F88];
	s0 =	simm.s32 @p0 $0x1  }
0x13: {  	[smem:$0x3FA3] =	sst s0;
	s0 =	simm.s32 @!p1 $0x0  }
0x14: {  	s2 =	sld [smem:$0x3F87];
	s0 =	simm.s32 @p1 $0x1  }
0x15: {  	[smem:$0x3FA4] =	sst s0;
	s0 =	simm.s32 @!p2 $0x0  }
0x16: {  	s3 =	sld [smem:$0x3FDB];
	s0 =	simm.s32 @p2 $0x1  }
0x17: {  	s4 =	simm.s32 $0x1BF5;
	[smem:$0x3FA6] =	sst s0  }
0x18: {  	s0 =	sld [smem:$0x3F89];
	_ =	swait.ge [sflag:s4], $0x0  }
0x19: {  	s7 =	sld [smem:$0x3F8A]  }
0x1a: {  	s8 =	sadd.s32 $0xFFFFE003, lr  }
0x1b: {  	s9 =	sadd.s32 $0xFFFFFEF7, lr;
	s5 =	simm.s32 $0xFFFFFFFF;
	p2 =	slt.u32 s8, $0xFFFFF086  }
0x1c: {  	p1 =	slt.u32 s9, $0xF7A;
	s5 =	simm.s32 @!p2 $0x0  }
0x1d: {  	s5 =	simm.s32 @p1 $0x1;
	p0 =	seq.s32 s7, s2  }
0x1e: {  	s7 =	smul.u32 @!p0 $0xF7A, s2;
	p2 =	seq.s32 @!p0 s5, $0x0  }
0x1f: {  	s9 =	smul.u32 $0xF7A, s1;
	s8 =	simm.s32 @!p0 $0x1BF5;
	p2 =	por !p2, p0  }
0x20: {  	[sflag:s8] =	ssyncset.s32 @!p0 $0xFFFFF086;
	s6 =	sadd.s32 @!p0 s3, s7;
	s7 =	simm.s32 @!p0 $0x108  }
0x21: {  	s3 =	sadd.s32 s3, s9;
	s6 =	sadd.s32 @!p0 $0x88, s6;
	s7 =	simm.s32 @p2 $0x1082  }
0x22: {  	[simem:s7], [sflag:s8] =	dma.local @!p0 [hbm:s6], $0xF7A  }
0x23: {  	s9 =	sor.u32 $0xD0000000, s2;
	s6 =	simm.s32 $0x108;
	_ =	swait.ge @!p0 [sflag:s8], $0x0  }
0x24: {  	s3 =	sadd.s32 $0x88, s3;
	s6 =	simm.s32 @!p1 $0x1082;
	[sflag:s4] =	ssyncset.s32 $0xFFFFF086  }
0x25: {  	[simem:s6], [sflag:s4] =	dma.local [hbm:s3], $0xF7A  }
0x26: {  	[smem:$0x3F8A] =	sst s1;
	(tag) =	ssettag s2;
	_ =	strace s9  }
0x27: {  	s1 =	sld [smem:$0x3F9A]  }
0x28: {  	s2 =	sld [smem:$0x3F9B]  }
0x29: {  	s4 =	sld [smem:$0x3F9D]  }
0x2a: {  	p0 =	seq.s32 s5, $0x0;
	s5 =	sld [smem:$0x3F9E]  }
0x2b: {  	s6 =	sld [smem:$0x3F9F]  }
0x2c: {  	s7 =	sld [smem:$0x3FA0]  }
0x2d: {  	s3 =	simm.s32 $0x108;
	s8 =	sld [smem:$0x3FA1]  }
0x2e: {  	s3 =	simm.s32 @!p0 $0x1082;
	s9 =	sld [smem:$0x3FA2]  }
0x2f: {  	lr =	sadd.s32 s0, s3;
	s0 =	sld [smem:$0x3F99]  }
0x30: {  	s3 =	sld [smem:$0x3F9C]  }
0x31: {  	[smem:$0x3FA5] =	sst s10  }
0x32: {  	s10 =	sld [smem:$0x3FA3];
	_ =	sdelay $0x3  }
0x33: {  	p0 =	seq.s32 s10, $0x1;
	s10 =	sld [smem:$0x3FA5];
	_ =	sdelay $0x3  }
0x34: {  	[smem:$0x3FA5] =	sst s10  }
0x35: {  	s10 =	sld [smem:$0x3FA4];
	_ =	sdelay $0x3  }
0x36: {  	p1 =	seq.s32 s10, $0x1;
	s10 =	sld [smem:$0x3FA5];
	_ =	sdelay $0x3  }
0x37: {  	[smem:$0x3FA5] =	sst s10  }
0x38: {  	s10 =	sld [smem:$0x3FA6]  }
0x39: {  	_ = 	snop;
	(pc) =	sbr.ind lr, $3  }
0x3a: {  	_ = 	snop  }
0x3b: {  	_ = 	snop  }
0x3c: {  	p2 =	seq.s32 s10, $0x1;
	s10 =	sld [smem:$0x3FA5]  }
0x3d: {  	_ =	shalt  }
0x3e: {  	_ =	shalt  }
0x3f: {  	_ =	shalt  }
0x40: {  	_ =	shalt  }
0x41: {  	_ =	shalt  }
0x42: {  	_ =	shalt  }
0x43: {  	_ =	shalt  }
0x44: {  	_ =	shalt  }
0x45: {  	_ =	shalt  }
0x46: {  	_ =	shalt  }
0x47: {  	_ =	shalt  }
0x48: {  	_ =	shalt  }
0x49: {  	_ =	shalt  }
0x4a: {  	_ =	shalt  }
0x4b: {  	_ =	shalt  }
0x4c: {  	_ =	shalt  }
0x4d: {  	_ =	shalt  }
0x4e: {  	_ =	shalt  }
0x4f: {  	_ =	shalt  }
0x50: {  	_ =	shalt  }
0x51: {  	_ =	shalt  }
0x52: {  	_ =	shalt  }
0x53: {  	_ =	shalt  }
0x54: {  	_ =	shalt  }
0x55: {  	_ =	shalt  }
0x56: {  	_ =	shalt  }
0x57: {  	_ =	shalt  }
0x58: {  	_ =	shalt  }
0x59: {  	_ =	shalt  }
0x5a: {  	_ =	shalt  }
0x5b: {  	_ =	shalt  }
0x5c: {  	_ =	shalt  }
0x5d: {  	_ =	shalt  }
0x5e: {  	_ =	shalt  }
0x5f: {  	_ =	shalt  }
0x60: {  	_ =	shalt  }
0x61: {  	_ =	shalt  }
0x62: {  	_ =	shalt  }
0x63: {  	_ =	shalt  }
0x64: {  	_ =	shalt  }
0x65: {  	_ =	shalt  }
0x66: {  	_ =	shalt  }
0x67: {  	_ =	shalt  }
0x68: {  	_ =	shalt  }
0x69: {  	_ =	shalt  }
0x6a: {  	_ =	shalt  }
0x6b: {  	_ =	shalt  }
0x6c: {  	_ =	shalt  }
0x6d: {  	_ =	shalt  }
0x6e: {  	_ =	shalt  }
0x6f: {  	_ =	shalt  }
0x70: {  	_ =	shalt  }
0x71: {  	_ =	shalt  }
0x72: {  	_ =	shalt  }
0x73: {  	_ =	shalt  }
0x74: {  	_ =	shalt  }
0x75: {  	_ =	shalt  }
0x76: {  	_ =	shalt  }
0x77: {  	_ =	shalt  }
0x78: {  	_ =	shalt  }
0x79: {  	_ =	shalt  }
0x7a: {  	_ =	shalt  }
0x7b: {  	_ =	shalt  }
0x7c: {  	_ =	shalt  }
0x7d: {  	_ =	shalt  }
0x7e: {  	_ =	shalt  }
0x7f: {  	_ =	shalt  }
0x80: {  	_ =	shalt  }
0x81: {  	_ =	shalt  }
0x82: {  	_ =	shalt  }
0x83: {  	_ =	shalt  }
0x84: {  	_ =	shalt  }
0x85: {  	_ =	shalt  }
0x86: {  	_ =	shalt  }
0x87: {  	_ =	shalt  }
.Lfunc_end0:
.L_simem_size_0:
called_computation_lowered:
.L_overlay_start_0:
0x88: {  	s2 =	sld [smem:$0x3FD9]  }
0x89: {  	s3 =	sld [smem:$0x3FFE];
	_ =	sdelay $0x1  }
0x8a: {  	s1 =	srdreg.scid  }
0x8b: {  	s0 =	sand.u32 $0x1, s1  }
0x8c: {  	s14 =	sshll.u32 s0, $0xA;
	s2 =	sadd.s32 s3, s2  }
0x8d: {  	s2 =	sadd.s32 s2, s14  }
0x8e: {  	[smem:$0x3FB1] =	sst s2  }
0x8f: {  	_ = 	snop  }
0x90: {  	s2 =	sld [smem:$0x3FD0];
	_ =	sdelay $0x2  }
0x91: {  	s15 =	simm.s32 $0xA;
	s4 =	simm.s32 $0x10  }
0x92: {  	[smem:s4], [sflag:s15] =	dma.local [hbm:s2], $0x1  }
0x93: {  	_ =	swait.eq [sflag:s15], $0x1  }
0x94: {  	[sflag:s15] =	ssyncset.done $0x0  }
0x95: {  	[sflag:s15] =	ssyncadd.s32 $0xFFFFFFFF  }
0x96: {  	s16 =	sld [smem:$0x10];
	(tm) =	ssettm $0x1  }
0x97: {  	s17 =	sld [smem:$0x3FFB];
	_ =	sdelay $0x3  }
0x98: {  	_ =	strace s17  }
0x99: {  	s3 =	sld [smem:$0x3FFC];
	_ =	sdelay $0x3  }
0x9a: {  	_ =	strace s3  }
0x9b: {  	s3 =	sld [smem:$0x3FFD];
	_ =	sdelay $0x3  }
0x9c: {  	_ =	strace s3  }
0x9d: {  	_ =	strace $0x8FFFFFFF  }
0x9e: {  	s18 =	sld [smem:$0x3FDB];
	_ =	sdelay $0x1  }
0x9f: {  	s19 =	simm.s32 $_scs_section_size  }
0xa0: {  	s5 =	simm.s32 $_size__tile_overlayer_lowered;
	s6 =	simm.s32 $_tile_overlayer_lowered  }
0xa1: {  	s22 =	simm.s32 $0x1BFF;
	s21 =	sshll.u32 s6, $0x1;
	s3 =	sadd.s32 s19, s18  }
0xa2: {  	s7 =	simm.s32 $0x0;
	s20 =	sshll.u32 s5, $0x1;
	s5 =	sadd.s32 s21, s3  }
0xa3: {  	[timem:s7], [sflag:s22] =	dma.local [hbm:s5], s20  }
0xa4: {  	_ =	swait.ge [sflag:s22], s20  }
0xa5: {  	s4 =	ssub.s32 $0x0, s20;
	[sflag:s22] =	ssyncset.done $0x0  }
0xa6: {  	[sflag:s22] =	ssyncadd.s32 s4;
	_ =	sdelay $0x1  }
0xa7: {  	s23 =	simm.s32 $0x1B8B  }
0xa8: {  	_ =	swait.ge [sflag:s23], $0x1  }
0xa9: {  	[sflag:s23] =	ssyncset.done $0x0  }
0xaa: {  	s25 =	simm.s32 $0x1B8E;
	s24 =	sld [smem:$0x3FFE];
	[sflag:s23] =	ssyncadd.s32 $0xFFFFFFFF  }
0xab: {  	s26 =	simm.s32 $execute0_lowered;
	[smem:$0x3FD2] =	sst s25  }
0xac: {  	s5 =	sshll.u32 s26, $0x1;
	_ =	strace $0x80000046;
	[dreg:$0x1] =	wrdreg $0xFFFFFFFF  }
0xad: {  	s28 =	simm.s32 $_size_execute0_lowered;
	s3 =	sadd.s32 s3, s5;
	[dreg:$0x0] =	wrdreg $0x0  }
0xae: {  	s5 =	sshll.u32 s28, $0x1;
	[dreg:$0x2] =	wrdreg s3  }
0xaf: {  	[dreg:$0x3] =	wrdreg s5  }
0xb0: {  	[dreg:$0x4] =	wrdreg $0xC0  }
0xb1: {  	_ =	task [dreg:s7], $0x5FFFF  }
0xb2: {  	[dreg:$0x1] =	wrdreg $0xFFFFFFFF  }
0xb3: {  	[dreg:$0x0] =	wrdreg $0x60  }
0xb4: {  	[dreg:$0x2] =	wrdreg s24  }
0xb5: {  	[dreg:$0x3] =	wrdreg s16  }
0xb6: {  	[dreg:$0x4] =	wrdreg $0x0  }
0xb7: {  	[dreg:$0x5] =	wrdreg $0x9  }
0xb8: {  	_ =	task.clear_ibuf [dreg:s7], $0x6FFFF;
	_ =	strace $0x90000046  }
0xb9: {  	s29 =	simm.s32 $0x9;
	_ =	strace $0x80000048  }
0xba: {  	_ =	swait.ge [sflag:s29], $0x1  }
0xbb: {  	[sflag:s29] =	ssyncadd.s32 $0xFFFFFFFF  }
0xbc: {  	_ =	strace $0x90000048  }
0xbd: {  	_ =	sfence  }
0xbe: {  	s30 =	sld [smem:$0x0];
	_ =	sdelay $0x2  }
0xbf: {  	s31 =	sshll.u32 s1, $0xD;
	s1 =	sshrl.u32 s1, $0x2  }
0xc0: {  	s3 =	sand.u32 $0x4000, s31;
	s1 =	sadd.s32 s1, s30  }
0xc1: {  	s0 =	sor.u32 s3, s0;
	s1 =	sshll.u32 s1, $0x11  }
0xc2: {  	s0 =	sor.u32 s1, s0  }
0xc3: {  	s0 =	sadd.s32 $0x8F2B, s0  }
0xc4: {  	[sflag:s0] =	ssyncadd.remote.s32 $0x1  }
0xc5: {  	_ =	sfence.sel $0xFFFF  }
0xc6: {  	[dreg:$0x0] =	wrdreg $0xFFFFFFFF;
	(pc) =	sbr.abs _section_cstart, $3  }
0xc7: {  	[dreg:$0x1] =	wrdreg $0xFFFFFFFF  }
0xc8: {  	_ =	task.clear_ibuf [dreg:s7], $0x2FFFF;
	_ =	strace $0x9FFFFFFF  }
0xc9: {  	(tm) =	ssettm $0x7FFFFFFF  }
tec
execute0_lowered:
.L_overlay_start_1:
0x0: {  	(tag) =	ssettag $0x1  }
0x1: {  	s0 =	rddreg [dreg:$0x0]  }
0x2: {  	s12 =	rddreg [dreg:$0x1]  }
0x3: {  	s1 =	rddreg [dreg:$0x2];
	s2 =	simm.s32 $0x0  }
0x4: {  	s6 =	srdreg.scid;
	s3 =	stileid.u32;
	s14 =	simm.s32 $0x1  }
0x5: {  	s17 =	simm.s32 $0x18840;
	s18 =	simm.s32 $0x18940;
	s19 =	simm.s32 $0xC0  }
0x6: {  	s20 =	simm.s32 $0x18A40;
	s21 =	simm.s32 $0x18C40;
	s22 =	simm.s32 $0x18B40  }
0x7: {  	s23 =	simm.s32 $0x0;
	[smem:$0x7FF] =	sst s2;
	s4 =	sadd.s32 $0x189D200, s0  }
0x8: {  	s5 =	sadd.s32 $0x1D200, s0;
	s9 =	smul.u32 $0x62000, s3;
	s7 =	sadd.s32 $0x32D200, s0  }
0x9: {  	s6 =	sand.u32 $0x1, s6;
	s8 =	sadd.s32 $0x32D400, s0;
	s13 =	smul.u32 $0x630, s3  }
.Ltmp0:
0xa: {  	s31 =	sshll.u32 s3, $0x6;
	s30 =	ssub.s32 $0x2, s6;
	(pc) =	sbr.rel .LBB2_1-.Ltmp0, $4  }
0xb: {  	_ =	strace $0x80000047;
	s15 =	sor.u32 $0x1C01, s31;
	s10 =	sshrl.u32 s30, $0x1  }
0xc: {  	s9 =	sshrl.u32 s9, $0x2;
	s12 =	sadd.s32 s13, s12;
	s13 =	simm.s32 $0x1EC40  }
0xd: {  	s0 =	ssub.s32 s30, s10;
	s16 =	sadd.s32 s9, s1;
	s9 =	smul.u32 $0x310, s3  }
0xe: {  	v0 =	vlaneseq.u32;
	s10 =	smul.u32 $0x3180, s3;
	s11 =	smax.u32 s0, $0x1;
	s16 =	sshrl.u32 s16, $0x3  }
.LBB2_9:
0xf: {  	s23 =	sadd.s32 $0x1, s23  }
0x10: {  	p0 =	sne.s32 s23, s11  }
.Ltmp1:
0x11: {  	_ = 	snop;
	(pc) =	sbr.rel @!p0 .LBB2_10-.Ltmp1, $1  }
0x12: {  	_ =	sdelay $0x3  }
.LBB2_1:
.Ltmp2:
0x13: {  	(pc) =	sbr.rel .LBB2_2-.Ltmp2, $4  }
0x14: {  	[tilespmem:s13], [sflag:$0x1] =	stream.linear.gather [hbm4b:s7+s2], $0x80, $0x38;
	[tilespmem:$0x1ECC0] =	vst v63  }
0x15: {  	_ =	swait.ge [sflag:s14], $0x80  }
0x16: {  	[sflag:s14] =	ssyncset.done $0x0  }
0x17: {  	s24 =	simm.s32 $0x0;
	[sflag:s14] =	ssyncadd.s32 $0xFFFFFF80  }
.LBB2_8:
0x18: {  	[bflag:$0x0] =	sbarrier.arrive $0xFFFF;
	s0 =	sadd.s32 s8, s25;
	s24 =	sadd.s32 $0x1, s24  }
0x19: {  	[hbm:s0], [sflag:s15] =	dma.local [spmem:s16], $0x3100  }
0x1a: {  	p0 =	sne.s32 s24, $0x4  }
.Ltmp3:
0x1b: {  	_ =	swait.ge [sflag:s14], $0x3100;
	(pc) =	sbr.rel @!p0 .LBB2_9-.Ltmp3, $3  }
0x1c: {  	[sflag:s14] =	ssyncset.done $0x0  }
0x1d: {  	[sflag:s14] =	ssyncadd.s32 $0xFFFFCF00  }
0x1e: {  	[bflag:$0x0] =	sbarrier.arrive $0xFFFF;
	_ =	sdelay $0x1  }
.LBB2_2:
0x1f: {  	s0 =	sshll.u32 s24, $0x1  }
0x20: {  	s0 =	sor.u32 s6, s0  }
0x21: {  	s0 =	smul.u32 $0x3100, s0;
	_ =	sdelay $0x1  }
0x22: {  	s25 =	sadd.s32 s9, s0  }
0x23: {  	s25 =	sshll.u32 s25, $0x4  }
0x24: {  	s26 =	sadd.s32 s5, s25  }
0x25: {  	[spmem:s16], [sflag:s15] =	dma.local [hbm:s26], $0x3100  }
.Ltmp4:
0x26: {  	_ =	swait.ge [sflag:s14], $0x3100;
	(pc) =	sbr.rel .LBB2_3-.Ltmp4, $4  }
0x27: {  	[sflag:s14] =	ssyncset.done $0x0  }
0x28: {  	[sflag:s14] =	ssyncadd.s32 $0xFFFFCF00  }
0x29: {  	s31 =	sadd.s32 $0x3100, s0;
	[bflag:$0x0] =	sbarrier.arrive $0xFFFF  }
0x2a: {  	s28 =	smov.u32 s12;
	v1 =	vmov s0;
	v2 =	vmov s31;
	s26 =	simm.s32 $0x0  }
.LBB2_7:
0x2b: {  	s26 =	sadd.s32 $0x1, s26  }
0x2c: {  	p0 =	sne.s32 s26, $0xE  }
.Ltmp5:
0x2d: {  	_ = 	snop;
	(pc) =	sbr.rel @!p0 .LBB2_8-.Ltmp5, $2  }
0x2e: {  	_ =	sdelay $0x2  }
0x2f: {  	s28 =	sadd.s32 $0xC600, s28  }
.LBB2_3:
0x30: {  	v3 =	vld [tilespmem:s26+$0x1EC40];
	_ =	sdelay $0x4  }
0x31: {  	(v2sf) =	vpush v3, $0x0;
	_ =	sdelay $0xa  }
.Ltmp6:
0x32: {  	_ = 	snop;
	(pc) =	sbr.rel .LBB2_4-.Ltmp6, $2  }
0x33: {  	_ =	sdelay $0x2  }
0x34: {  	v4 =	vmov s26;
	s30 =	smov.u32 s28;
	s31 =	simm.s32 $0x0;
	v3 =	vbroadcast v3, $0x0;
	s29 =	spop (v2sf)  }
.LBB2_6:
0x35: {  	s31 =	sadd.s32 $0xC0, s31  }
0x36: {  	p0 =	sne.s32 s31, $0x3180  }
.Ltmp7:
0x37: {  	_ = 	snop;
	(pc) =	sbr.rel @!p0 .LBB2_7-.Ltmp7, $2  }
0x38: {  	_ =	sdelay $0x2  }
0x39: {  	s30 =	sadd.s32 $0x18, s30  }
.LBB2_4:
0x3a: {  	s0 =	sadd.s32 s31, s10  }
0x3b: {  	p0 =	sge.s32 s0, s29  }
.Ltmp8:
0x3c: {  	_ = 	snop;
	(pc) =	sbr.rel @p0 .LBB2_6-.Ltmp8, $1  }
0x3d: {  	_ =	sdelay $0x3  }
0x3e: {  	[tilespmem:s17], [sflag:$0x1] =	stream.linear.gather [hbm4b:s30+s2], $0xC0, $0x38;
	[tilespmem:$0x1ECC0] =	vst v63  }
0x3f: {  	_ =	swait.ge [sflag:s14], $0xC0  }
0x40: {  	[sflag:s14] =	ssyncset.done $0x0  }
0x41: {  	s3 =	sadd.s32 $0x6300, s30;
	[sflag:s14] =	ssyncadd.s32 $0xFFFFFF40  }
0x42: {  	[tilespmem:s18], [sflag:$0x1] =	stream.linear.gather [hbm4b:s3+s2], $0xC0, $0x38;
	[tilespmem:$0x1ECC0] =	vst v63  }
0x43: {  	_ =	swait.ge [sflag:s14], $0xC0  }
0x44: {  	[sflag:s14] =	ssyncset.done $0x0  }
0x45: {  	[sflag:s14] =	ssyncadd.s32 $0xFFFFFF40  }
0x46: {  	v5 =	vld [tilespmem:$0x18840]  }
0x47: {  	v6 =	vld [tilespmem:$0x18940]  }
0x48: {  	v7 =	vld [tilespmem:$0x18850]  }
0x49: {  	v9 =	vld [tilespmem:$0x18950]  }
0x4a: {  	s3 =	sadd.s32 $0x10, s0;
	v35 =	vld [tilespmem:$0x18860]  }
0x4b: {  	v10 =	vor.u32 s3, v0;
	s3 =	sadd.s32 $0x20, s0;
	v11 =	vld [tilespmem:$0x18960]  }
0x4c: {  	v12 =	vor.u32 s3, v0;
	s3 =	sadd.s32 $0x30, s0;
	v36 =	vld [tilespmem:$0x18870]  }
0x4d: {  	v14 =	vor.u32 s3, v0;
	s3 =	sadd.s32 $0x40, s0;
	v13 =	vld [tilespmem:$0x18970]  }
0x4e: {  	v37 =	vld [tilespmem:$0x18880];
	v16 =	vor.u32 s3, v0;
	s3 =	sadd.s32 $0x50, s0  }
0x4f: {  	v8 =	vor.u32 s0, v0;
	v38 =	vld [tilespmem:$0x18980];
	v17 =	vor.u32 s3, v0;
	s3 =	sadd.s32 $0x60, s0  }
0x50: {  	vm0 =	vlt.s32 v8, v3;
	v18 =	vld [tilespmem:$0x188A0];
	v41 =	vor.u32 s3, v0;
	s3 =	sadd.s32 $0x70, s0  }
0x51: {  	vm12 =	vlt.s32 v10, v3;
	vm4 =	vlt.s32 v12, v3;
	v19 =	vld [tilespmem:$0x188B0];
	v45 =	vor.u32 s3, v0;
	s3 =	sadd.s32 $0x80, s0  }
0x52: {  	vm7 =	vlt.s32 v14, v3;
	v42 =	vld [tilespmem:$0x189B0];
	vm11 =	vlt.s32 v16, v3;
	v53 =	vor.u32 s3, v0  }
0x53: {  	v46 =	vld [tilespmem:$0x188C0];
	vm1 =	vlt.s32 v5, v2;
	vm2 =	vge.s32 v5, v1;
	v6 =	vmul.u32 $0xE, v6  }
0x54: {  	v49 =	vld [tilespmem:$0x188D0];
	v5 =	vsub.s32 v5, v1;
	vm13 =	vlt.s32 v7, v2;
	vm14 =	vge.s32 v7, v1  }
0x55: {  	v54 =	vld [tilespmem:$0x189D0];
	v9 =	vmul.u32 $0xE, v9;
	v7 =	vsub.s32 v7, v1;
	vm5 =	vlt.s32 v35, v2  }
0x56: {  	v11 =	vmul.u32 $0xE, v11;
	vm6 =	vge.s32 v35, v1;
	v8 =	vsub.s32 v35, v1  }
0x57: {  	vm8 =	vlt.s32 v36, v2;
	vm9 =	vge.s32 v36, v1;
	v13 =	vmul.u32 $0xE, v13  }
0x58: {  	v10 =	vsub.s32 v36, v1;
	v14 =	vmul.u32 $0xE, v38;
	v12 =	vsub.s32 v37, v1  }
0x59: {  	v15 =	vld [tilespmem:$0x18890];
	v47 =	vsub.s32 v18, v1;
	v48 =	vmul.u32 $0xE, v42;
	v52 =	vsub.s32 v19, v1  }
0x5a: {  	v56 =	vsub.s32 v46, v1;
	v57 =	vmul.u32 $0xE, v54;
	v62 =	vsub.s32 v49, v1  }
0x5b: {  	vm0 =	vmand vm0, vm1;
	vm1 =	vmand vm12, vm13;
	vm12 =	vlt.s32 v37, v2  }
0x5c: {  	vm13 =	vge.s32 v37, v1;
	vm0 =	vmand vm0, vm2;
	v6 =	vadd.s32 v4, v6  }
0x5d: {  	vm15 =	vmand vm1, vm14;
	v9 =	vadd.s32 v4, v9;
	vm1 =	vmand vm4, vm5  }
0x5e: {  	v39 =	vld [tilespmem:$0x18990];
	v11 =	vadd.s32 v4, v11;
	v13 =	vadd.s32 v4, v13;
	vm4 =	vlt.s32 v15, v2  }
0x5f: {  	v40 =	vld [tilespmem:$0x189A0];
	vm5 =	vge.s32 v15, v1;
	v15 =	vsub.s32 v15, v1;
	v43 =	vadd.s32 v4, v14  }
0x60: {  	v51 =	vadd.s32 v4, v48;
	v5 =	vnsel vm0, $0x3100, v5;
	v7 =	vnsel vm15, $0x3100, v7;
	[tilespmem:$0x18A40] =	vst v6  }
0x61: {  	vm0 =	vmand vm1, vm6;
	vm1 =	vmand vm7, vm8;
	vm15 =	vlt.s32 v17, v3;
	[tilespmem:$0x18A50] =	vst v9  }
0x62: {  	vm7 =	vlt.s32 v41, v3;
	vm8 =	vlt.s32 v18, v2;
	[tilespmem:$0x18A60] =	vst v11;
	v8 =	vnsel vm0, $0x3100, v8  }
0x63: {  	vm10 =	vmand vm1, vm9;
	vm1 =	vmand vm11, vm12;
	[tilespmem:$0x18B40] =	vst v5;
	v5 =	vmul.u32 $0xE, v39  }
0x64: {  	[tilespmem:$0x18B50] =	vst v7;
	vm0 =	vmand vm7, vm8;
	vm9 =	vge.s32 v18, v1;
	v7 =	vmul.u32 $0xE, v40  }
0x65: {  	v55 =	vld [tilespmem:$0x188E0];
	[tilespmem:$0x18A70] =	vst v13;
	vm11 =	vlt.s32 v19, v2;
	vm12 =	vge.s32 v19, v1;
	vm7 =	vge.s32 v49, v1  }
0x66: {  	[tilespmem:$0x18A80] =	vst v43;
	v10 =	vnsel vm10, $0x3100, v10;
	vm14 =	vmand vm1, vm13;
	vm1 =	vmand vm15, vm4  }
0x67: {  	[tilespmem:$0x18AB0] =	vst v51;
	vm0 =	vmand vm0, vm9;
	vm10 =	vlt.s32 v45, v3;
	vm15 =	vlt.s32 v46, v2  }
0x68: {  	v50 =	vld [tilespmem:$0x189C0];
	[tilespmem:$0x18B60] =	vst v8;
	vm4 =	vge.s32 v46, v1;
	v6 =	vnsel vm14, $0x3100, v12;
	vm6 =	vmand vm1, vm5  }
0x69: {  	v59 =	vld [tilespmem:$0x188F0];
	v5 =	vadd.s32 v4, v5;
	vm1 =	vmand vm10, vm11;
	[tilespmem:$0x18B70] =	vst v10;
	v7 =	vadd.s32 v4, v7  }
0x6a: {  	s3 =	sadd.s32 $0x90, s0;
	v8 =	vnsel vm0, $0x3100, v47;
	vm14 =	vlt.s32 v53, v3;
	vm10 =	vlt.s32 v55, v2;
	[tilespmem:$0x18B80] =	vst v6  }
0x6b: {  	vm11 =	vge.s32 v55, v1;
	v44 =	vnsel vm6, $0x3100, v15;
	[tilespmem:$0x18A90] =	vst v5;
	v5 =	vor.u32 s3, v0  }
0x6c: {  	vm13 =	vmand vm1, vm12;
	vm0 =	vmand vm14, vm15;
	[tilespmem:$0x18AA0] =	vst v7;
	vm5 =	vlt.s32 v5, v3;
	v5 =	vld [tilespmem:$0x189E0]  }
0x6d: {  	v61 =	vld [tilespmem:$0x189F0];
	vm6 =	vlt.s32 v49, v2;
	v7 =	vmul.u32 $0xE, v50;
	s3 =	sadd.s32 $0xA0, s0;
	[tilespmem:$0x18BA0] =	vst v8;
	v6 =	vnsel vm13, $0x3100, v52  }
0x6e: {  	[tilespmem:$0x18B90] =	vst v44;
	vm0 =	vmand vm0, vm4;
	v58 =	vor.u32 s3, v0;
	vm13 =	vlt.s32 v59, v2  }
0x6f: {  	s3 =	sadd.s32 $0xB0, s0;
	vm1 =	vmand vm5, vm6;
	v60 =	vnsel vm0, $0x3100, v56;
	[tilespmem:$0x18BB0] =	vst v6;
	v6 =	vadd.s32 v4, v7  }
0x70: {  	vm9 =	vlt.s32 v58, v3;
	v7 =	vadd.s32 v4, v57;
	v63 =	vor.u32 s3, v0;
	[tilespmem:$0x18AC0] =	vst v6  }
0x71: {  	vm8 =	vmand vm1, vm7;
	[tilespmem:$0x18BC0] =	vst v60;
	vm0 =	vmand vm9, vm10;
	v5 =	vmul.u32 $0xE, v5  }
0x72: {  	[tilespmem:$0x18AD0] =	vst v7;
	vm12 =	vlt.s32 v63, v3;
	v7 =	vmul.u32 $0xE, v61;
	v6 =	vnsel vm8, $0x3100, v62  }
0x73: {  	vm0 =	vmand vm0, vm11;
	[tilespmem:$0x18BD0] =	vst v6;
	v6 =	vsub.s32 v55, v1;
	v5 =	vadd.s32 v4, v5  }
0x74: {  	vm15 =	vge.s32 v59, v1;
	vm14 =	vmand vm12, vm13;
	[tilespmem:$0x18AE0] =	vst v5;
	v5 =	vnsel vm0, $0x3100, v6  }
0x75: {  	vm0 =	vmand vm14, vm15;
	v6 =	vsub.s32 v59, v1;
	[tilespmem:$0x18BE0] =	vst v5;
	v5 =	vadd.s32 v4, v7  }
0x76: {  	[tilespmem:$0x18AF0] =	vst v5;
	v5 =	vnsel vm0, $0x3100, v6  }
0x77: {  	[tilespmem:$0x18BF0] =	vst v5  }
0x78: {  	[tilespmem:s21], [sflag:$0x1] =	stream.indirect.gather [hbm4b:s4+s19], $0x80, s20, s19, $0xb8;
	[tilespmem:$0x1ECC0] =	vst v63  }
0x79: {  	_ =	swait.ge [sflag:s14], $0x6000  }
0x7a: {  	[sflag:s14] =	ssyncset.done $0x0  }
.Ltmp9:
0x7b: {  	[sflag:s14] =	ssyncadd.s32 $0xFFFFA000;
	(pc) =	sbr.rel .LBB2_6-.Ltmp9, $4  }
0x7c: {  	[spmem:s1] =	stream.indirect.scatter.add.f32 [tilespmem:s21], [sflag:$0x1], $0x80, s22, s19, $0xb8;
	[tilespmem:$0x1ECC0] =	vst v63  }
0x7d: {  	_ =	swait.ge [sflag:s14], $0x6000  }
0x7e: {  	[sflag:s14] =	ssyncset.done $0x0  }
0x7f: {  	[sflag:s14] =	ssyncadd.s32 $0xFFFFA000  }
.LBB2_10:
0x80: {  	_ =	sfence.sel $0x180000  }
0x81: {  	[bflag:$0x0] =	sbarrier.arrive $0xFFFF  }
0x82: {  	_ =	strace $0x90000047  }
0x83: {  	s0 =	stileid.u32;
	[bflag:$0x2] =	sbarrier.arrive $0xFFFF  }
0x84: {  	p0 =	sne.s32 s0, $0x0;
	s0 =	rddreg [dreg:$0x3]  }
0x85: {  	s0 =	sadd.s32 @!p0 $0x100000, s0  }
0x86: {  	[sflag:s0] =	ssyncadd.tile.s32 @!p0 $0x1;
	_ =	shalt  }
.Lfunc_end2:
_tile_overlayer_lowered:
.L_overlay_start_2:
0x87: {  	(tag) =	ssettag $0x2  }
0x88: {  	s0 =	rddreg [dreg:$0x0];
	s2 =	stileid.u32  }
0x89: {  	s1 =	rddreg [dreg:$0x1];
	p0 =	sne.s32 s2, $0x0  }
0x8a: {  	s3 =	rddreg [dreg:$0x2];
	[bflag:$0x3] =	sbarrier.arrive $0xFFFF;
	s2 =	simm.s32 @!p0 $0x1C02  }
0x8b: {  	[timem:s3], [sflag:s2] =	dma.local @!p0 [hbm:s0], s1  }
0x8c: {  	s0 =	simm.s32 @!p0 $0x2  }
0x8d: {  	_ =	swait.ge @!p0 [sflag:s0], s1  }
0x8e: {  	s1 =	ssub.s32 @!p0 $0x0, s1;
	[sflag:s0] =	ssyncset.done @!p0 $0x0  }
0x8f: {  	[sflag:s0] =	ssyncadd.s32 @!p0 s1  }
0x90: {  	[bflag:$0x3] =	sbarrier.arrive $0xFFFF  }
0x91: {  	_ =	shalt  }

// kernel: kernel.18.cloned.1.call-start
scs
__scs_entry_jumppad:
0x0: {  	(pc) =	sbr.rel $0x88, $3  }
0x1: {  	(tag) =	ssettag $0x0;
	lr =	simm.s32 $0x1  }
0x2: {  	[smem:$0x3F8A] =	sst lr;
	_ =	strace $0xD0000000  }
0x3: {  	_ = 	snop  }
0x4: {  	_ = 	snop  }
0x5: {  	_ = 	snop  }
0x6: {  	_ = 	snop  }
0x7: {  	_ = 	snop  }
__scs_overlays_trampoline_lowered:
0x8: {  	[smem:$0x3F99] =	sst s0  }
0x9: {  	[smem:$0x3F9A] =	sst s1  }
0xa: {  	[smem:$0x3F9B] =	sst s2  }
0xb: {  	[smem:$0x3F9C] =	sst s3  }
0xc: {  	[smem:$0x3F9D] =	sst s4  }
0xd: {  	[smem:$0x3F9E] =	sst s5  }
0xe: {  	[smem:$0x3F9F] =	sst s6  }
0xf: {  	[smem:$0x3FA0] =	sst s7  }
0x10: {  	[smem:$0x3FA1] =	sst s8  }
0x11: {  	[smem:$0x3FA2] =	sst s9;
	s0 =	simm.s32 @!p0 $0x0  }
0x12: {  	s1 =	sld [smem:$0x3F88];
	s0 =	simm.s32 @p0 $0x1  }
0x13: {  	[smem:$0x3FA3] =	sst s0;
	s0 =	simm.s32 @!p1 $0x0  }
0x14: {  	s2 =	sld [smem:$0x3F87];
	s0 =	simm.s32 @p1 $0x1  }
0x15: {  	[smem:$0x3FA4] =	sst s0;
	s0 =	simm.s32 @!p2 $0x0  }
0x16: {  	s3 =	sld [smem:$0x3FDB];
	s0 =	simm.s32 @p2 $0x1  }
0x17: {  	s4 =	simm.s32 $0x1BF5;
	[smem:$0x3FA6] =	sst s0  }
0x18: {  	s0 =	sld [smem:$0x3F89];
	_ =	swait.ge [sflag:s4], $0x0  }
0x19: {  	s7 =	sld [smem:$0x3F8A]  }
0x1a: {  	s8 =	sadd.s32 $0xFFFFE003, lr  }
0x1b: {  	s9 =	sadd.s32 $0xFFFFFEF7, lr;
	s5 =	simm.s32 $0xFFFFFFFF;
	p2 =	slt.u32 s8, $0xFFFFF086  }
0x1c: {  	p1 =	slt.u32 s9, $0xF7A;
	s5 =	simm.s32 @!p2 $0x0  }
0x1d: {  	s5 =	simm.s32 @p1 $0x1;
	p0 =	seq.s32 s7, s2  }
0x1e: {  	s7 =	smul.u32 @!p0 $0xF7A, s2;
	p2 =	seq.s32 @!p0 s5, $0x0  }
0x1f: {  	s9 =	smul.u32 $0xF7A, s1;
	s8 =	simm.s32 @!p0 $0x1BF5;
	p2 =	por !p2, p0  }
0x20: {  	[sflag:s8] =	ssyncset.s32 @!p0 $0xFFFFF086;
	s6 =	sadd.s32 @!p0 s3, s7;
	s7 =	simm.s32 @!p0 $0x108  }
0x21: {  	s3 =	sadd.s32 s3, s9;
	s6 =	sadd.s32 @!p0 $0x88, s6;
	s7 =	simm.s32 @p2 $0x1082  }
0x22: {  	[simem:s7], [sflag:s8] =	dma.local @!p0 [hbm:s6], $0xF7A  }
0x23: {  	s9 =	sor.u32 $0xD0000000, s2;
	s6 =	simm.s32 $0x108;
	_ =	swait.ge @!p0 [sflag:s8], $0x0  }
0x24: {  	s3 =	sadd.s32 $0x88, s3;
	s6 =	simm.s32 @!p1 $0x1082;
	[sflag:s4] =	ssyncset.s32 $0xFFFFF086  }
0x25: {  	[simem:s6], [sflag:s4] =	dma.local [hbm:s3], $0xF7A  }
0x26: {  	[smem:$0x3F8A] =	sst s1;
	(tag) =	ssettag s2;
	_ =	strace s9  }
0x27: {  	s1 =	sld [smem:$0x3F9A]  }
0x28: {  	s2 =	sld [smem:$0x3F9B]  }
0x29: {  	s4 =	sld [smem:$0x3F9D]  }
0x2a: {  	p0 =	seq.s32 s5, $0x0;
	s5 =	sld [smem:$0x3F9E]  }
0x2b: {  	s6 =	sld [smem:$0x3F9F]  }
0x2c: {  	s7 =	sld [smem:$0x3FA0]  }
0x2d: {  	s3 =	simm.s32 $0x108;
	s8 =	sld [smem:$0x3FA1]  }
0x2e: {  	s3 =	simm.s32 @!p0 $0x1082;
	s9 =	sld [smem:$0x3FA2]  }
0x2f: {  	lr =	sadd.s32 s0, s3;
	s0 =	sld [smem:$0x3F99]  }
0x30: {  	s3 =	sld [smem:$0x3F9C]  }
0x31: {  	[smem:$0x3FA5] =	sst s10  }
0x32: {  	s10 =	sld [smem:$0x3FA3];
	_ =	sdelay $0x3  }
0x33: {  	p0 =	seq.s32 s10, $0x1;
	s10 =	sld [smem:$0x3FA5];
	_ =	sdelay $0x3  }
0x34: {  	[smem:$0x3FA5] =	sst s10  }
0x35: {  	s10 =	sld [smem:$0x3FA4];
	_ =	sdelay $0x3  }
0x36: {  	p1 =	seq.s32 s10, $0x1;
	s10 =	sld [smem:$0x3FA5];
	_ =	sdelay $0x3  }
0x37: {  	[smem:$0x3FA5] =	sst s10  }
0x38: {  	s10 =	sld [smem:$0x3FA6]  }
0x39: {  	_ = 	snop;
	(pc) =	sbr.ind lr, $3  }
0x3a: {  	_ = 	snop  }
0x3b: {  	_ = 	snop  }
0x3c: {  	p2 =	seq.s32 s10, $0x1;
	s10 =	sld [smem:$0x3FA5]  }
0x3d: {  	_ =	shalt  }
0x3e: {  	_ =	shalt  }
0x3f: {  	_ =	shalt  }
0x40: {  	_ =	shalt  }
0x41: {  	_ =	shalt  }
0x42: {  	_ =	shalt  }
0x43: {  	_ =	shalt  }
0x44: {  	_ =	shalt  }
0x45: {  	_ =	shalt  }
0x46: {  	_ =	shalt  }
0x47: {  	_ =	shalt  }
0x48: {  	_ =	shalt  }
0x49: {  	_ =	shalt  }
0x4a: {  	_ =	shalt  }
0x4b: {  	_ =	shalt  }
0x4c: {  	_ =	shalt  }
0x4d: {  	_ =	shalt  }
0x4e: {  	_ =	shalt  }
0x4f: {  	_ =	shalt  }
0x50: {  	_ =	shalt  }
0x51: {  	_ =	shalt  }
0x52: {  	_ =	shalt  }
0x53: {  	_ =	shalt  }
0x54: {  	_ =	shalt  }
0x55: {  	_ =	shalt  }
0x56: {  	_ =	shalt  }
0x57: {  	_ =	shalt  }
0x58: {  	_ =	shalt  }
0x59: {  	_ =	shalt  }
0x5a: {  	_ =	shalt  }
0x5b: {  	_ =	shalt  }
0x5c: {  	_ =	shalt  }
0x5d: {  	_ =	shalt  }
0x5e: {  	_ =	shalt  }
0x5f: {  	_ =	shalt  }
0x60: {  	_ =	shalt  }
0x61: {  	_ =	shalt  }
0x62: {  	_ =	shalt  }
0x63: {  	_ =	shalt  }
0x64: {  	_ =	shalt  }
0x65: {  	_ =	shalt  }
0x66: {  	_ =	shalt  }
0x67: {  	_ =	shalt  }
0x68: {  	_ =	shalt  }
0x69: {  	_ =	shalt  }
0x6a: {  	_ =	shalt  }
0x6b: {  	_ =	shalt  }
0x6c: {  	_ =	shalt  }
0x6d: {  	_ =	shalt  }
0x6e: {  	_ =	shalt  }
0x6f: {  	_ =	shalt  }
0x70: {  	_ =	shalt  }
0x71: {  	_ =	shalt  }
0x72: {  	_ =	shalt  }
0x73: {  	_ =	shalt  }
0x74: {  	_ =	shalt  }
0x75: {  	_ =	shalt  }
0x76: {  	_ =	shalt  }
0x77: {  	_ =	shalt  }
0x78: {  	_ =	shalt  }
0x79: {  	_ =	shalt  }
0x7a: {  	_ =	shalt  }
0x7b: {  	_ =	shalt  }
0x7c: {  	_ =	shalt  }
0x7d: {  	_ =	shalt  }
0x7e: {  	_ =	shalt  }
0x7f: {  	_ =	shalt  }
0x80: {  	_ =	shalt  }
0x81: {  	_ =	shalt  }
0x82: {  	_ =	shalt  }
0x83: {  	_ =	shalt  }
0x84: {  	_ =	shalt  }
0x85: {  	_ =	shalt  }
0x86: {  	_ =	shalt  }
0x87: {  	_ =	shalt  }
.Lfunc_end0:
.L_simem_size_0:
called_computation.1_lowered:
.L_overlay_start_0:
0x88: {  	s2 =	sld [smem:$0x3FD9]  }
0x89: {  	s3 =	sld [smem:$0x3FFE];
	_ =	sdelay $0x1  }
0x8a: {  	s1 =	srdreg.scid  }
0x8b: {  	s0 =	sand.u32 $0x1, s1  }
0x8c: {  	s14 =	sshll.u32 s0, $0xA;
	s2 =	sadd.s32 s3, s2  }
0x8d: {  	s2 =	sadd.s32 s2, s14  }
0x8e: {  	[smem:$0x3FB1] =	sst s2  }
0x8f: {  	_ = 	snop  }
0x90: {  	s2 =	sld [smem:$0x3FD0];
	_ =	sdelay $0x2  }
0x91: {  	s15 =	simm.s32 $0xA;
	s4 =	simm.s32 $0x10  }
0x92: {  	[smem:s4], [sflag:s15] =	dma.local [hbm:s2], $0x1  }
0x93: {  	_ =	swait.eq [sflag:s15], $0x1  }
0x94: {  	[sflag:s15] =	ssyncset.done $0x0  }
0x95: {  	[sflag:s15] =	ssyncadd.s32 $0xFFFFFFFF  }
0x96: {  	s16 =	sld [smem:$0x10];
	(tm) =	ssettm $0x1  }
0x97: {  	s17 =	sld [smem:$0x3FFB];
	_ =	sdelay $0x3  }
0x98: {  	_ =	strace s17  }
0x99: {  	s3 =	sld [smem:$0x3FFC];
	_ =	sdelay $0x3  }
0x9a: {  	_ =	strace s3  }
0x9b: {  	s3 =	sld [smem:$0x3FFD];
	_ =	sdelay $0x3  }
0x9c: {  	_ =	strace s3  }
0x9d: {  	_ =	strace $0x8FFFFFFF  }
0x9e: {  	s18 =	sld [smem:$0x3FDB];
	_ =	sdelay $0x1  }
0x9f: {  	s19 =	simm.s32 $_scs_section_size  }
0xa0: {  	s5 =	simm.s32 $_size__tile_overlayer_lowered;
	s6 =	simm.s32 $_tile_overlayer_lowered  }
0xa1: {  	s22 =	simm.s32 $0x1BFF;
	s21 =	sshll.u32 s6, $0x1;
	s3 =	sadd.s32 s19, s18  }
0xa2: {  	s7 =	simm.s32 $0x0;
	s20 =	sshll.u32 s5, $0x1;
	s5 =	sadd.s32 s21, s3  }
0xa3: {  	[timem:s7], [sflag:s22] =	dma.local [hbm:s5], s20  }
0xa4: {  	_ =	swait.ge [sflag:s22], s20  }
0xa5: {  	s4 =	ssub.s32 $0x0, s20;
	[sflag:s22] =	ssyncset.done $0x0  }
0xa6: {  	[sflag:s22] =	ssyncadd.s32 s4;
	_ =	sdelay $0x1  }
0xa7: {  	s23 =	simm.s32 $0x1B8B  }
0xa8: {  	_ =	swait.ge [sflag:s23], $0x1  }
0xa9: {  	[sflag:s23] =	ssyncset.done $0x0  }
0xaa: {  	s25 =	simm.s32 $0x1B8E;
	s24 =	sld [smem:$0x3FFE];
	[sflag:s23] =	ssyncadd.s32 $0xFFFFFFFF  }
0xab: {  	s26 =	simm.s32 $execute0_lowered;
	[smem:$0x3FD2] =	sst s25  }
0xac: {  	s5 =	sshll.u32 s26, $0x1;
	_ =	strace $0x80000049;
	[dreg:$0x1] =	wrdreg $0xFFFFFFFF  }
0xad: {  	s28 =	simm.s32 $_size_execute0_lowered;
	s3 =	sadd.s32 s3, s5;
	[dreg:$0x0] =	wrdreg $0x0  }
0xae: {  	s5 =	sshll.u32 s28, $0x1;
	[dreg:$0x2] =	wrdreg s3  }
0xaf: {  	[dreg:$0x3] =	wrdreg s5  }
0xb0: {  	[dreg:$0x4] =	wrdreg $0xC0  }
0xb1: {  	_ =	task [dreg:s7], $0x5FFFF  }
0xb2: {  	[dreg:$0x1] =	wrdreg $0xFFFFFFFF  }
0xb3: {  	[dreg:$0x0] =	wrdreg $0x60  }
0xb4: {  	[dreg:$0x2] =	wrdreg s24  }
0xb5: {  	[dreg:$0x3] =	wrdreg s16  }
0xb6: {  	[dreg:$0x4] =	wrdreg $0x0  }
0xb7: {  	[dreg:$0x5] =	wrdreg $0x9  }
0xb8: {  	_ =	task.clear_ibuf [dreg:s7], $0x6FFFF;
	_ =	strace $0x90000049  }
0xb9: {  	s29 =	simm.s32 $0x9;
	_ =	strace $0x8000004B  }
0xba: {  	_ =	swait.ge [sflag:s29], $0x1  }
0xbb: {  	[sflag:s29] =	ssyncadd.s32 $0xFFFFFFFF  }
0xbc: {  	_ =	strace $0x9000004B  }
0xbd: {  	_ =	sfence  }
0xbe: {  	s30 =	sld [smem:$0x0];
	_ =	sdelay $0x2  }
0xbf: {  	s31 =	sshll.u32 s1, $0xD;
	s1 =	sshrl.u32 s1, $0x2  }
0xc0: {  	s3 =	sand.u32 $0x4000, s31;
	s1 =	sadd.s32 s1, s30  }
0xc1: {  	s0 =	sor.u32 s3, s0;
	s1 =	sshll.u32 s1, $0x11  }
0xc2: {  	s0 =	sor.u32 s1, s0  }
0xc3: {  	s0 =	sadd.s32 $0x8F2B, s0  }
0xc4: {  	[sflag:s0] =	ssyncadd.remote.s32 $0x1  }
0xc5: {  	_ =	sfence.sel $0xFFFF  }
0xc6: {  	[dreg:$0x0] =	wrdreg $0xFFFFFFFF;
	(pc) =	sbr.abs _section_cstart, $3  }
0xc7: {  	[dreg:$0x1] =	wrdreg $0xFFFFFFFF  }
0xc8: {  	_ =	task.clear_ibuf [dreg:s7], $0x2FFFF;
	_ =	strace $0x9FFFFFFF  }
0xc9: {  	(tm) =	ssettm $0x7FFFFFFF  }
tec
execute0_lowered:
.L_overlay_start_1:
0x0: {  	(tag) =	ssettag $0x1  }
0x1: {  	s0 =	rddreg [dreg:$0x0]  }
0x2: {  	s12 =	rddreg [dreg:$0x1]  }
0x3: {  	s1 =	rddreg [dreg:$0x2];
	s2 =	simm.s32 $0x0  }
0x4: {  	s6 =	srdreg.scid;
	s3 =	stileid.u32;
	s14 =	simm.s32 $0x1  }
0x5: {  	s17 =	simm.s32 $0x18840;
	s18 =	simm.s32 $0x18940;
	s19 =	simm.s32 $0xC0  }
0x6: {  	s20 =	simm.s32 $0x18A40;
	s21 =	simm.s32 $0x18C40;
	s22 =	simm.s32 $0x18B40  }
0x7: {  	s23 =	simm.s32 $0x0;
	s4 =	sadd.s32 $0x189D400, s0;
	s5 =	sadd.s32 $0x1A5200, s0  }
0x8: {  	[smem:$0x7FF] =	sst s2;
	s9 =	smul.u32 $0x62000, s3;
	s7 =	sadd.s32 $0x32D200, s0  }
0x9: {  	s6 =	sand.u32 $0x1, s6;
	s8 =	sadd.s32 $0x32D400, s0;
	s13 =	smul.u32 $0x630, s3  }
.Ltmp0:
0xa: {  	s31 =	sshll.u32 s3, $0x6;
	s30 =	ssub.s32 $0x2, s6;
	(pc) =	sbr.rel .LBB2_1-.Ltmp0, $4  }
0xb: {  	_ =	strace $0x8000004A;
	s15 =	sor.u32 $0x1C01, s31;
	s10 =	sshrl.u32 s30, $0x1  }
0xc: {  	s9 =	sshrl.u32 s9, $0x2;
	s12 =	sadd.s32 s13, s12;
	s13 =	simm.s32 $0x1EC40  }
0xd: {  	s0 =	ssub.s32 s30, s10;
	s16 =	sadd.s32 s9, s1;
	s9 =	smul.u32 $0x310, s3  }
0xe: {  	v0 =	vlaneseq.u32;
	s10 =	smul.u32 $0x3180, s3;
	s11 =	smax.u32 s0, $0x1;
	s16 =	sshrl.u32 s16, $0x3  }
.LBB2_9:
0xf: {  	s23 =	sadd.s32 $0x1, s23  }
0x10: {  	p0 =	sne.s32 s23, s11  }
.Ltmp1:
0x11: {  	_ = 	snop;
	(pc) =	sbr.rel @!p0 .LBB2_10-.Ltmp1, $1  }
0x12: {  	_ =	sdelay $0x3  }
.LBB2_1:
.Ltmp2:
0x13: {  	(pc) =	sbr.rel .LBB2_2-.Ltmp2, $4  }
0x14: {  	[tilespmem:s13], [sflag:$0x1] =	stream.linear.gather [hbm4b:s7+s2], $0x80, $0x38;
	[tilespmem:$0x1ECC0] =	vst v63  }
0x15: {  	_ =	swait.ge [sflag:s14], $0x80  }
0x16: {  	[sflag:s14] =	ssyncset.done $0x0  }
0x17: {  	s24 =	simm.s32 $0x0;
	[sflag:s14] =	ssyncadd.s32 $0xFFFFFF80  }
.LBB2_8:
0x18: {  	[bflag:$0x0] =	sbarrier.arrive $0xFFFF;
	s0 =	sadd.s32 s8, s25;
	s24 =	sadd.s32 $0x1, s24  }
0x19: {  	[hbm:s0], [sflag:s15] =	dma.local [spmem:s16], $0x3100  }
0x1a: {  	p0 =	sne.s32 s24, $0x4  }
.Ltmp3:
0x1b: {  	_ =	swait.ge [sflag:s14], $0x3100;
	(pc) =	sbr.rel @!p0 .LBB2_9-.Ltmp3, $3  }
0x1c: {  	[sflag:s14] =	ssyncset.done $0x0  }
0x1d: {  	[sflag:s14] =	ssyncadd.s32 $0xFFFFCF00  }
0x1e: {  	[bflag:$0x0] =	sbarrier.arrive $0xFFFF;
	_ =	sdelay $0x1  }
.LBB2_2:
0x1f: {  	s0 =	sshll.u32 s24, $0x1  }
0x20: {  	s0 =	sor.u32 s6, s0  }
0x21: {  	s0 =	smul.u32 $0x3100, s0;
	_ =	sdelay $0x1  }
0x22: {  	s25 =	sadd.s32 s9, s0  }
0x23: {  	s25 =	sshll.u32 s25, $0x4  }
0x24: {  	s26 =	sadd.s32 s5, s25  }
0x25: {  	[spmem:s16], [sflag:s15] =	dma.local [hbm:s26], $0x3100  }
.Ltmp4:
0x26: {  	_ =	swait.ge [sflag:s14], $0x3100;
	(pc) =	sbr.rel .LBB2_3-.Ltmp4, $4  }
0x27: {  	[sflag:s14] =	ssyncset.done $0x0  }
0x28: {  	[sflag:s14] =	ssyncadd.s32 $0xFFFFCF00  }
0x29: {  	s31 =	sadd.s32 $0x3100, s0;
	[bflag:$0x0] =	sbarrier.arrive $0xFFFF  }
0x2a: {  	s28 =	smov.u32 s12;
	v1 =	vmov s0;
	v2 =	vmov s31;
	s26 =	simm.s32 $0x0  }
.LBB2_7:
0x2b: {  	s26 =	sadd.s32 $0x1, s26  }
0x2c: {  	p0 =	sne.s32 s26, $0xE  }
.Ltmp5:
0x2d: {  	_ = 	snop;
	(pc) =	sbr.rel @!p0 .LBB2_8-.Ltmp5, $2  }
0x2e: {  	_ =	sdelay $0x2  }
0x2f: {  	s28 =	sadd.s32 $0xC600, s28  }
.LBB2_3:
0x30: {  	v3 =	vld [tilespmem:s26+$0x1EC40];
	_ =	sdelay $0x4  }
0x31: {  	(v2sf) =	vpush v3, $0x0;
	_ =	sdelay $0xa  }
.Ltmp6:
0x32: {  	_ = 	snop;
	(pc) =	sbr.rel .LBB2_4-.Ltmp6, $2  }
0x33: {  	_ =	sdelay $0x2  }
0x34: {  	v4 =	vmov s26;
	s30 =	smov.u32 s28;
	s31 =	simm.s32 $0x0;
	v3 =	vbroadcast v3, $0x0;
	s29 =	spop (v2sf)  }
.LBB2_6:
0x35: {  	s31 =	sadd.s32 $0xC0, s31  }
0x36: {  	p0 =	sne.s32 s31, $0x3180  }
.Ltmp7:
0x37: {  	_ = 	snop;
	(pc) =	sbr.rel @!p0 .LBB2_7-.Ltmp7, $2  }
0x38: {  	_ =	sdelay $0x2  }
0x39: {  	s30 =	sadd.s32 $0x18, s30  }
.LBB2_4:
0x3a: {  	s0 =	sadd.s32 s31, s10  }
0x3b: {  	p0 =	sge.s32 s0, s29  }
.Ltmp8:
0x3c: {  	_ = 	snop;
	(pc) =	sbr.rel @p0 .LBB2_6-.Ltmp8, $1  }
0x3d: {  	_ =	sdelay $0x3  }
0x3e: {  	[tilespmem:s17], [sflag:$0x1] =	stream.linear.gather [hbm4b:s30+s2], $0xC0, $0x38;
	[tilespmem:$0x1ECC0] =	vst v63  }
0x3f: {  	_ =	swait.ge [sflag:s14], $0xC0  }
0x40: {  	[sflag:s14] =	ssyncset.done $0x0  }
0x41: {  	s3 =	sadd.s32 $0x6300, s30;
	[sflag:s14] =	ssyncadd.s32 $0xFFFFFF40  }
0x42: {  	[tilespmem:s18], [sflag:$0x1] =	stream.linear.gather [hbm4b:s3+s2], $0xC0, $0x38;
	[tilespmem:$0x1ECC0] =	vst v63  }
0x43: {  	_ =	swait.ge [sflag:s14], $0xC0  }
0x44: {  	[sflag:s14] =	ssyncset.done $0x0  }
0x45: {  	[sflag:s14] =	ssyncadd.s32 $0xFFFFFF40  }
0x46: {  	v5 =	vld [tilespmem:$0x18840]  }
0x47: {  	v6 =	vld [tilespmem:$0x18940]  }
0x48: {  	v7 =	vld [tilespmem:$0x18850]  }
0x49: {  	v9 =	vld [tilespmem:$0x18950]  }
0x4a: {  	s3 =	sadd.s32 $0x10, s0;
	v35 =	vld [tilespmem:$0x18860]  }
0x4b: {  	v10 =	vor.u32 s3, v0;
	s3 =	sadd.s32 $0x20, s0;
	v11 =	vld [tilespmem:$0x18960]  }
0x4c: {  	v12 =	vor.u32 s3, v0;
	s3 =	sadd.s32 $0x30, s0;
	v36 =	vld [tilespmem:$0x18870]  }
0x4d: {  	v14 =	vor.u32 s3, v0;
	s3 =	sadd.s32 $0x40, s0;
	v13 =	vld [tilespmem:$0x18970]  }
0x4e: {  	v37 =	vld [tilespmem:$0x18880];
	v16 =	vor.u32 s3, v0;
	s3 =	sadd.s32 $0x50, s0  }
0x4f: {  	v8 =	vor.u32 s0, v0;
	v38 =	vld [tilespmem:$0x18980];
	v17 =	vor.u32 s3, v0;
	s3 =	sadd.s32 $0x60, s0  }
0x50: {  	vm0 =	vlt.s32 v8, v3;
	v18 =	vld [tilespmem:$0x188A0];
	v41 =	vor.u32 s3, v0;
	s3 =	sadd.s32 $0x70, s0  }
0x51: {  	vm12 =	vlt.s32 v10, v3;
	vm4 =	vlt.s32 v12, v3;
	v19 =	vld [tilespmem:$0x188B0];
	v45 =	vor.u32 s3, v0;
	s3 =	sadd.s32 $0x80, s0  }
0x52: {  	vm7 =	vlt.s32 v14, v3;
	v42 =	vld [tilespmem:$0x189B0];
	vm11 =	vlt.s32 v16, v3;
	v53 =	vor.u32 s3, v0  }
0x53: {  	v46 =	vld [tilespmem:$0x188C0];
	vm1 =	vlt.s32 v5, v2;
	vm2 =	vge.s32 v5, v1;
	v6 =	vmul.u32 $0xE, v6  }
0x54: {  	v49 =	vld [tilespmem:$0x188D0];
	v5 =	vsub.s32 v5, v1;
	vm13 =	vlt.s32 v7, v2;
	vm14 =	vge.s32 v7, v1  }
0x55: {  	v54 =	vld [tilespmem:$0x189D0];
	v9 =	vmul.u32 $0xE, v9;
	v7 =	vsub.s32 v7, v1;
	vm5 =	vlt.s32 v35, v2  }
0x56: {  	v11 =	vmul.u32 $0xE, v11;
	vm6 =	vge.s32 v35, v1;
	v8 =	vsub.s32 v35, v1  }
0x57: {  	vm8 =	vlt.s32 v36, v2;
	vm9 =	vge.s32 v36, v1;
	v13 =	vmul.u32 $0xE, v13  }
0x58: {  	v10 =	vsub.s32 v36, v1;
	v14 =	vmul.u32 $0xE, v38;
	v12 =	vsub.s32 v37, v1  }
0x59: {  	v15 =	vld [tilespmem:$0x18890];
	v47 =	vsub.s32 v18, v1;
	v48 =	vmul.u32 $0xE, v42;
	v52 =	vsub.s32 v19, v1  }
0x5a: {  	v56 =	vsub.s32 v46, v1;
	v57 =	vmul.u32 $0xE, v54;
	v62 =	vsub.s32 v49, v1  }
0x5b: {  	vm0 =	vmand vm0, vm1;
	vm1 =	vmand vm12, vm13;
	vm12 =	vlt.s32 v37, v2  }
0x5c: {  	vm13 =	vge.s32 v37, v1;
	vm0 =	vmand vm0, vm2;
	v6 =	vadd.s32 v4, v6  }
0x5d: {  	vm15 =	vmand vm1, vm14;
	v9 =	vadd.s32 v4, v9;
	vm1 =	vmand vm4, vm5  }
0x5e: {  	v39 =	vld [tilespmem:$0x18990];
	v11 =	vadd.s32 v4, v11;
	v13 =	vadd.s32 v4, v13;
	vm4 =	vlt.s32 v15, v2  }
0x5f: {  	v40 =	vld [tilespmem:$0x189A0];
	vm5 =	vge.s32 v15, v1;
	v15 =	vsub.s32 v15, v1;
	v43 =	vadd.s32 v4, v14  }
0x60: {  	v51 =	vadd.s32 v4, v48;
	v5 =	vnsel vm0, $0x3100, v5;
	v7 =	vnsel vm15, $0x3100, v7;
	[tilespmem:$0x18A40] =	vst v6  }
0x61: {  	vm0 =	vmand vm1, vm6;
	vm1 =	vmand vm7, vm8;
	vm15 =	vlt.s32 v17, v3;
	[tilespmem:$0x18A50] =	vst v9  }
0x62: {  	vm7 =	vlt.s32 v41, v3;
	vm8 =	vlt.s32 v18, v2;
	[tilespmem:$0x18A60] =	vst v11;
	v8 =	vnsel vm0, $0x3100, v8  }
0x63: {  	vm10 =	vmand vm1, vm9;
	vm1 =	vmand vm11, vm12;
	[tilespmem:$0x18B40] =	vst v5;
	v5 =	vmul.u32 $0xE, v39  }
0x64: {  	[tilespmem:$0x18B50] =	vst v7;
	vm0 =	vmand vm7, vm8;
	vm9 =	vge.s32 v18, v1;
	v7 =	vmul.u32 $0xE, v40  }
0x65: {  	v55 =	vld [tilespmem:$0x188E0];
	[tilespmem:$0x18A70] =	vst v13;
	vm11 =	vlt.s32 v19, v2;
	vm12 =	vge.s32 v19, v1;
	vm7 =	vge.s32 v49, v1  }
0x66: {  	[tilespmem:$0x18A80] =	vst v43;
	v10 =	vnsel vm10, $0x3100, v10;
	vm14 =	vmand vm1, vm13;
	vm1 =	vmand vm15, vm4  }
0x67: {  	[tilespmem:$0x18AB0] =	vst v51;
	vm0 =	vmand vm0, vm9;
	vm10 =	vlt.s32 v45, v3;
	vm15 =	vlt.s32 v46, v2  }
0x68: {  	v50 =	vld [tilespmem:$0x189C0];
	[tilespmem:$0x18B60] =	vst v8;
	vm4 =	vge.s32 v46, v1;
	v6 =	vnsel vm14, $0x3100, v12;
	vm6 =	vmand vm1, vm5  }
0x69: {  	v59 =	vld [tilespmem:$0x188F0];
	v5 =	vadd.s32 v4, v5;
	vm1 =	vmand vm10, vm11;
	[tilespmem:$0x18B70] =	vst v10;
	v7 =	vadd.s32 v4, v7  }
0x6a: {  	s3 =	sadd.s32 $0x90, s0;
	v8 =	vnsel vm0, $0x3100, v47;
	vm14 =	vlt.s32 v53, v3;
	vm10 =	vlt.s32 v55, v2;
	[tilespmem:$0x18B80] =	vst v6  }
0x6b: {  	vm11 =	vge.s32 v55, v1;
	v44 =	vnsel vm6, $0x3100, v15;
	[tilespmem:$0x18A90] =	vst v5;
	v5 =	vor.u32 s3, v0  }
0x6c: {  	vm13 =	vmand vm1, vm12;
	vm0 =	vmand vm14, vm15;
	[tilespmem:$0x18AA0] =	vst v7;
	vm5 =	vlt.s32 v5, v3;
	v5 =	vld [tilespmem:$0x189E0]  }
0x6d: {  	v61 =	vld [tilespmem:$0x189F0];
	vm6 =	vlt.s32 v49, v2;
	v7 =	vmul.u32 $0xE, v50;
	s3 =	sadd.s32 $0xA0, s0;
	[tilespmem:$0x18BA0] =	vst v8;
	v6 =	vnsel vm13, $0x3100, v52  }
0x6e: {  	[tilespmem:$0x18B90] =	vst v44;
	vm0 =	vmand vm0, vm4;
	v58 =	vor.u32 s3, v0;
	vm13 =	vlt.s32 v59, v2  }
0x6f: {  	s3 =	sadd.s32 $0xB0, s0;
	vm1 =	vmand vm5, vm6;
	v60 =	vnsel vm0, $0x3100, v56;
	[tilespmem:$0x18BB0] =	vst v6;
	v6 =	vadd.s32 v4, v7  }
0x70: {  	vm9 =	vlt.s32 v58, v3;
	v7 =	vadd.s32 v4, v57;
	v63 =	vor.u32 s3, v0;
	[tilespmem:$0x18AC0] =	vst v6  }
0x71: {  	vm8 =	vmand vm1, vm7;
	[tilespmem:$0x18BC0] =	vst v60;
	vm0 =	vmand vm9, vm10;
	v5 =	vmul.u32 $0xE, v5  }
0x72: {  	[tilespmem:$0x18AD0] =	vst v7;
	vm12 =	vlt.s32 v63, v3;
	v7 =	vmul.u32 $0xE, v61;
	v6 =	vnsel vm8, $0x3100, v62  }
0x73: {  	vm0 =	vmand vm0, vm11;
	[tilespmem:$0x18BD0] =	vst v6;
	v6 =	vsub.s32 v55, v1;
	v5 =	vadd.s32 v4, v5  }
0x74: {  	vm15 =	vge.s32 v59, v1;
	vm14 =	vmand vm12, vm13;
	[tilespmem:$0x18AE0] =	vst v5;
	v5 =	vnsel vm0, $0x3100, v6  }
0x75: {  	vm0 =	vmand vm14, vm15;
	v6 =	vsub.s32 v59, v1;
	[tilespmem:$0x18BE0] =	vst v5;
	v5 =	vadd.s32 v4, v7  }
0x76: {  	[tilespmem:$0x18AF0] =	vst v5;
	v5 =	vnsel vm0, $0x3100, v6  }
0x77: {  	[tilespmem:$0x18BF0] =	vst v5  }
0x78: {  	[tilespmem:s21], [sflag:$0x1] =	stream.indirect.gather [hbm4b:s4+s19], $0x80, s20, s19, $0xb8;
	[tilespmem:$0x1ECC0] =	vst v63  }
0x79: {  	_ =	swait.ge [sflag:s14], $0x6000  }
0x7a: {  	[sflag:s14] =	ssyncset.done $0x0  }
.Ltmp9:
0x7b: {  	[sflag:s14] =	ssyncadd.s32 $0xFFFFA000;
	(pc) =	sbr.rel .LBB2_6-.Ltmp9, $4  }
0x7c: {  	[spmem:s1] =	stream.indirect.scatter.add.f32 [tilespmem:s21], [sflag:$0x1], $0x80, s22, s19, $0xb8;
	[tilespmem:$0x1ECC0] =	vst v63  }
0x7d: {  	_ =	swait.ge [sflag:s14], $0x6000  }
0x7e: {  	[sflag:s14] =	ssyncset.done $0x0  }
0x7f: {  	[sflag:s14] =	ssyncadd.s32 $0xFFFFA000  }
.LBB2_10:
0x80: {  	_ =	sfence.sel $0x180000  }
0x81: {  	[bflag:$0x0] =	sbarrier.arrive $0xFFFF  }
0x82: {  	_ =	strace $0x9000004A  }
0x83: {  	s0 =	stileid.u32;
	[bflag:$0x2] =	sbarrier.arrive $0xFFFF  }
0x84: {  	p0 =	sne.s32 s0, $0x0;
	s0 =	rddreg [dreg:$0x3]  }
0x85: {  	s0 =	sadd.s32 @!p0 $0x100000, s0  }
0x86: {  	[sflag:s0] =	ssyncadd.tile.s32 @!p0 $0x1;
	_ =	shalt  }
.Lfunc_end2:
_tile_overlayer_lowered:
.L_overlay_start_2:
0x87: {  	(tag) =	ssettag $0x2  }
0x88: {  	s0 =	rddreg [dreg:$0x0];
	s2 =	stileid.u32  }
0x89: {  	s1 =	rddreg [dreg:$0x1];
	p0 =	sne.s32 s2, $0x0  }
0x8a: {  	s3 =	rddreg [dreg:$0x2];
	[bflag:$0x3] =	sbarrier.arrive $0xFFFF;
	s2 =	simm.s32 @!p0 $0x1C02  }
0x8b: {  	[timem:s3], [sflag:s2] =	dma.local @!p0 [hbm:s0], s1  }
0x8c: {  	s0 =	simm.s32 @!p0 $0x2  }
0x8d: {  	_ =	swait.ge @!p0 [sflag:s0], s1  }
0x8e: {  	s1 =	ssub.s32 @!p0 $0x0, s1;
	[sflag:s0] =	ssyncset.done @!p0 $0x0  }
0x8f: {  	[sflag:s0] =	ssyncadd.s32 @!p0 s1  }
0x90: {  	[bflag:$0x3] =	sbarrier.arrive $0xFFFF  }
0x91: {  	_ =	shalt  }

// kernel: kernel.21.cloned.1.call-start
scs
__scs_entry_jumppad:
0x0: {  	(pc) =	sbr.rel $0x88, $3  }
0x1: {  	(tag) =	ssettag $0x0;
	lr =	simm.s32 $0x1  }
0x2: {  	[smem:$0x3F8A] =	sst lr;
	_ =	strace $0xD0000000  }
0x3: {  	_ = 	snop  }
0x4: {  	_ = 	snop  }
0x5: {  	_ = 	snop  }
0x6: {  	_ = 	snop  }
0x7: {  	_ = 	snop  }
__scs_overlays_trampoline_lowered:
0x8: {  	[smem:$0x3F99] =	sst s0  }
0x9: {  	[smem:$0x3F9A] =	sst s1  }
0xa: {  	[smem:$0x3F9B] =	sst s2  }
0xb: {  	[smem:$0x3F9C] =	sst s3  }
0xc: {  	[smem:$0x3F9D] =	sst s4  }
0xd: {  	[smem:$0x3F9E] =	sst s5  }
0xe: {  	[smem:$0x3F9F] =	sst s6  }
0xf: {  	[smem:$0x3FA0] =	sst s7  }
0x10: {  	[smem:$0x3FA1] =	sst s8  }
0x11: {  	[smem:$0x3FA2] =	sst s9;
	s0 =	simm.s32 @!p0 $0x0  }
0x12: {  	s1 =	sld [smem:$0x3F88];
	s0 =	simm.s32 @p0 $0x1  }
0x13: {  	[smem:$0x3FA3] =	sst s0;
	s0 =	simm.s32 @!p1 $0x0  }
0x14: {  	s2 =	sld [smem:$0x3F87];
	s0 =	simm.s32 @p1 $0x1  }
0x15: {  	[smem:$0x3FA4] =	sst s0;
	s0 =	simm.s32 @!p2 $0x0  }
0x16: {  	s3 =	sld [smem:$0x3FDB];
	s0 =	simm.s32 @p2 $0x1  }
0x17: {  	s4 =	simm.s32 $0x1BF5;
	[smem:$0x3FA6] =	sst s0  }
0x18: {  	s0 =	sld [smem:$0x3F89];
	_ =	swait.ge [sflag:s4], $0x0  }
0x19: {  	s7 =	sld [smem:$0x3F8A]  }
0x1a: {  	s8 =	sadd.s32 $0xFFFFE003, lr  }
0x1b: {  	s9 =	sadd.s32 $0xFFFFFEF7, lr;
	s5 =	simm.s32 $0xFFFFFFFF;
	p2 =	slt.u32 s8, $0xFFFFF086  }
0x1c: {  	p1 =	slt.u32 s9, $0xF7A;
	s5 =	simm.s32 @!p2 $0x0  }
0x1d: {  	s5 =	simm.s32 @p1 $0x1;
	p0 =	seq.s32 s7, s2  }
0x1e: {  	s7 =	smul.u32 @!p0 $0xF7A, s2;
	p2 =	seq.s32 @!p0 s5, $0x0  }
0x1f: {  	s9 =	smul.u32 $0xF7A, s1;
	s8 =	simm.s32 @!p0 $0x1BF5;
	p2 =	por !p2, p0  }
0x20: {  	[sflag:s8] =	ssyncset.s32 @!p0 $0xFFFFF086;
	s6 =	sadd.s32 @!p0 s3, s7;
	s7 =	simm.s32 @!p0 $0x108  }
0x21: {  	s3 =	sadd.s32 s3, s9;
	s6 =	sadd.s32 @!p0 $0x88, s6;
	s7 =	simm.s32 @p2 $0x1082  }
0x22: {  	[simem:s7], [sflag:s8] =	dma.local @!p0 [hbm:s6], $0xF7A  }
0x23: {  	s9 =	sor.u32 $0xD0000000, s2;
	s6 =	simm.s32 $0x108;
	_ =	swait.ge @!p0 [sflag:s8], $0x0  }
0x24: {  	s3 =	sadd.s32 $0x88, s3;
	s6 =	simm.s32 @!p1 $0x1082;
	[sflag:s4] =	ssyncset.s32 $0xFFFFF086  }
0x25: {  	[simem:s6], [sflag:s4] =	dma.local [hbm:s3], $0xF7A  }
0x26: {  	[smem:$0x3F8A] =	sst s1;
	(tag) =	ssettag s2;
	_ =	strace s9  }
0x27: {  	s1 =	sld [smem:$0x3F9A]  }
0x28: {  	s2 =	sld [smem:$0x3F9B]  }
0x29: {  	s4 =	sld [smem:$0x3F9D]  }
0x2a: {  	p0 =	seq.s32 s5, $0x0;
	s5 =	sld [smem:$0x3F9E]  }
0x2b: {  	s6 =	sld [smem:$0x3F9F]  }
0x2c: {  	s7 =	sld [smem:$0x3FA0]  }
0x2d: {  	s3 =	simm.s32 $0x108;
	s8 =	sld [smem:$0x3FA1]  }
0x2e: {  	s3 =	simm.s32 @!p0 $0x1082;
	s9 =	sld [smem:$0x3FA2]  }
0x2f: {  	lr =	sadd.s32 s0, s3;
	s0 =	sld [smem:$0x3F99]  }
0x30: {  	s3 =	sld [smem:$0x3F9C]  }
0x31: {  	[smem:$0x3FA5] =	sst s10  }
0x32: {  	s10 =	sld [smem:$0x3FA3];
	_ =	sdelay $0x3  }
0x33: {  	p0 =	seq.s32 s10, $0x1;
	s10 =	sld [smem:$0x3FA5];
	_ =	sdelay $0x3  }
0x34: {  	[smem:$0x3FA5] =	sst s10  }
0x35: {  	s10 =	sld [smem:$0x3FA4];
	_ =	sdelay $0x3  }
0x36: {  	p1 =	seq.s32 s10, $0x1;
	s10 =	sld [smem:$0x3FA5];
	_ =	sdelay $0x3  }
0x37: {  	[smem:$0x3FA5] =	sst s10  }
0x38: {  	s10 =	sld [smem:$0x3FA6]  }
0x39: {  	_ = 	snop;
	(pc) =	sbr.ind lr, $3  }
0x3a: {  	_ = 	snop  }
0x3b: {  	_ = 	snop  }
0x3c: {  	p2 =	seq.s32 s10, $0x1;
	s10 =	sld [smem:$0x3FA5]  }
0x3d: {  	_ =	shalt  }
0x3e: {  	_ =	shalt  }
0x3f: {  	_ =	shalt  }
0x40: {  	_ =	shalt  }
0x41: {  	_ =	shalt  }
0x42: {  	_ =	shalt  }
0x43: {  	_ =	shalt  }
0x44: {  	_ =	shalt  }
0x45: {  	_ =	shalt  }
0x46: {  	_ =	shalt  }
0x47: {  	_ =	shalt  }
0x48: {  	_ =	shalt  }
0x49: {  	_ =	shalt  }
0x4a: {  	_ =	shalt  }
0x4b: {  	_ =	shalt  }
0x4c: {  	_ =	shalt  }
0x4d: {  	_ =	shalt  }
0x4e: {  	_ =	shalt  }
0x4f: {  	_ =	shalt  }
0x50: {  	_ =	shalt  }
0x51: {  	_ =	shalt  }
0x52: {  	_ =	shalt  }
0x53: {  	_ =	shalt  }
0x54: {  	_ =	shalt  }
0x55: {  	_ =	shalt  }
0x56: {  	_ =	shalt  }
0x57: {  	_ =	shalt  }
0x58: {  	_ =	shalt  }
0x59: {  	_ =	shalt  }
0x5a: {  	_ =	shalt  }
0x5b: {  	_ =	shalt  }
0x5c: {  	_ =	shalt  }
0x5d: {  	_ =	shalt  }
0x5e: {  	_ =	shalt  }
0x5f: {  	_ =	shalt  }
0x60: {  	_ =	shalt  }
0x61: {  	_ =	shalt  }
0x62: {  	_ =	shalt  }
0x63: {  	_ =	shalt  }
0x64: {  	_ =	shalt  }
0x65: {  	_ =	shalt  }
0x66: {  	_ =	shalt  }
0x67: {  	_ =	shalt  }
0x68: {  	_ =	shalt  }
0x69: {  	_ =	shalt  }
0x6a: {  	_ =	shalt  }
0x6b: {  	_ =	shalt  }
0x6c: {  	_ =	shalt  }
0x6d: {  	_ =	shalt  }
0x6e: {  	_ =	shalt  }
0x6f: {  	_ =	shalt  }
0x70: {  	_ =	shalt  }
0x71: {  	_ =	shalt  }
0x72: {  	_ =	shalt  }
0x73: {  	_ =	shalt  }
0x74: {  	_ =	shalt  }
0x75: {  	_ =	shalt  }
0x76: {  	_ =	shalt  }
0x77: {  	_ =	shalt  }
0x78: {  	_ =	shalt  }
0x79: {  	_ =	shalt  }
0x7a: {  	_ =	shalt  }
0x7b: {  	_ =	shalt  }
0x7c: {  	_ =	shalt  }
0x7d: {  	_ =	shalt  }
0x7e: {  	_ =	shalt  }
0x7f: {  	_ =	shalt  }
0x80: {  	_ =	shalt  }
0x81: {  	_ =	shalt  }
0x82: {  	_ =	shalt  }
0x83: {  	_ =	shalt  }
0x84: {  	_ =	shalt  }
0x85: {  	_ =	shalt  }
0x86: {  	_ =	shalt  }
0x87: {  	_ =	shalt  }
.Lfunc_end0:
.L_simem_size_0:
called_computation.2_lowered:
.L_overlay_start_0:
0x88: {  	s2 =	sld [smem:$0x3FD9]  }
0x89: {  	s3 =	sld [smem:$0x3FFE];
	_ =	sdelay $0x1  }
0x8a: {  	s1 =	srdreg.scid  }
0x8b: {  	s0 =	sand.u32 $0x1, s1  }
0x8c: {  	s14 =	sshll.u32 s0, $0xA;
	s2 =	sadd.s32 s3, s2  }
0x8d: {  	s2 =	sadd.s32 s2, s14  }
0x8e: {  	[smem:$0x3FB1] =	sst s2  }
0x8f: {  	_ = 	snop  }
0x90: {  	s2 =	sld [smem:$0x3FD0];
	_ =	sdelay $0x2  }
0x91: {  	s15 =	simm.s32 $0xA;
	s4 =	simm.s32 $0x10  }
0x92: {  	[smem:s4], [sflag:s15] =	dma.local [hbm:s2], $0x1  }
0x93: {  	_ =	swait.eq [sflag:s15], $0x1  }
0x94: {  	[sflag:s15] =	ssyncset.done $0x0  }
0x95: {  	[sflag:s15] =	ssyncadd.s32 $0xFFFFFFFF  }
0x96: {  	s16 =	sld [smem:$0x10];
	(tm) =	ssettm $0x1  }
0x97: {  	s17 =	sld [smem:$0x3FFB];
	_ =	sdelay $0x3  }
0x98: {  	_ =	strace s17  }
0x99: {  	s3 =	sld [smem:$0x3FFC];
	_ =	sdelay $0x3  }
0x9a: {  	_ =	strace s3  }
0x9b: {  	s3 =	sld [smem:$0x3FFD];
	_ =	sdelay $0x3  }
0x9c: {  	_ =	strace s3  }
0x9d: {  	_ =	strace $0x8FFFFFFF  }
0x9e: {  	s18 =	sld [smem:$0x3FDB];
	_ =	sdelay $0x1  }
0x9f: {  	s19 =	simm.s32 $_scs_section_size  }
0xa0: {  	s5 =	simm.s32 $_size__tile_overlayer_lowered;
	s6 =	simm.s32 $_tile_overlayer_lowered  }
0xa1: {  	s22 =	simm.s32 $0x1BFF;
	s21 =	sshll.u32 s6, $0x1;
	s3 =	sadd.s32 s19, s18  }
0xa2: {  	s7 =	simm.s32 $0x0;
	s20 =	sshll.u32 s5, $0x1;
	s5 =	sadd.s32 s21, s3  }
0xa3: {  	[timem:s7], [sflag:s22] =	dma.local [hbm:s5], s20  }
0xa4: {  	_ =	swait.ge [sflag:s22], s20  }
0xa5: {  	s4 =	ssub.s32 $0x0, s20;
	[sflag:s22] =	ssyncset.done $0x0  }
0xa6: {  	[sflag:s22] =	ssyncadd.s32 s4;
	_ =	sdelay $0x1  }
0xa7: {  	s23 =	simm.s32 $0x1B8B  }
0xa8: {  	_ =	swait.ge [sflag:s23], $0x1  }
0xa9: {  	[sflag:s23] =	ssyncset.done $0x0  }
0xaa: {  	s25 =	simm.s32 $0x1B8E;
	s24 =	sld [smem:$0x3FFE];
	[sflag:s23] =	ssyncadd.s32 $0xFFFFFFFF  }
0xab: {  	s26 =	simm.s32 $execute0_lowered;
	[smem:$0x3FD2] =	sst s25  }
0xac: {  	s5 =	sshll.u32 s26, $0x1;
	_ =	strace $0x8000004C;
	[dreg:$0x1] =	wrdreg $0xFFFFFFFF  }
0xad: {  	s28 =	simm.s32 $_size_execute0_lowered;
	s3 =	sadd.s32 s3, s5;
	[dreg:$0x0] =	wrdreg $0x0  }
0xae: {  	s5 =	sshll.u32 s28, $0x1;
	[dreg:$0x2] =	wrdreg s3  }
0xaf: {  	[dreg:$0x3] =	wrdreg s5  }
0xb0: {  	[dreg:$0x4] =	wrdreg $0xC0  }
0xb1: {  	_ =	task [dreg:s7], $0x5FFFF  }
0xb2: {  	[dreg:$0x1] =	wrdreg $0xFFFFFFFF  }
0xb3: {  	[dreg:$0x0] =	wrdreg $0x60  }
0xb4: {  	[dreg:$0x2] =	wrdreg s24  }
0xb5: {  	[dreg:$0x3] =	wrdreg s16  }
0xb6: {  	[dreg:$0x4] =	wrdreg $0x0  }
0xb7: {  	[dreg:$0x5] =	wrdreg $0x9  }
0xb8: {  	_ =	task.clear_ibuf [dreg:s7], $0x6FFFF;
	_ =	strace $0x9000004C  }
0xb9: {  	s29 =	simm.s32 $0x9;
	_ =	strace $0x8000004E  }
0xba: {  	_ =	swait.ge [sflag:s29], $0x1  }
0xbb: {  	[sflag:s29] =	ssyncadd.s32 $0xFFFFFFFF  }
0xbc: {  	_ =	strace $0x9000004E  }
0xbd: {  	_ =	sfence  }
0xbe: {  	s30 =	sld [smem:$0x0];
	_ =	sdelay $0x2  }
0xbf: {  	s31 =	sshll.u32 s1, $0xD;
	s1 =	sshrl.u32 s1, $0x2  }
0xc0: {  	s3 =	sand.u32 $0x4000, s31;
	s1 =	sadd.s32 s1, s30  }
0xc1: {  	s0 =	sor.u32 s3, s0;
	s1 =	sshll.u32 s1, $0x11  }
0xc2: {  	s0 =	sor.u32 s1, s0  }
0xc3: {  	s0 =	sadd.s32 $0x8F2B, s0  }
0xc4: {  	[sflag:s0] =	ssyncadd.remote.s32 $0x1  }
0xc5: {  	_ =	sfence.sel $0xFFFF  }
0xc6: {  	[dreg:$0x0] =	wrdreg $0xFFFFFFFF;
	(pc) =	sbr.abs _section_cstart, $3  }
0xc7: {  	[dreg:$0x1] =	wrdreg $0xFFFFFFFF  }
0xc8: {  	_ =	task.clear_ibuf [dreg:s7], $0x2FFFF;
	_ =	strace $0x9FFFFFFF  }
0xc9: {  	(tm) =	ssettm $0x7FFFFFFF  }
tec
execute0_lowered:
.L_overlay_start_1:
0x0: {  	(tag) =	ssettag $0x1  }
0x1: {  	s0 =	rddreg [dreg:$0x0]  }
0x2: {  	s12 =	rddreg [dreg:$0x1]  }
0x3: {  	s1 =	rddreg [dreg:$0x2];
	s2 =	simm.s32 $0x0  }
0x4: {  	s6 =	srdreg.scid;
	s3 =	stileid.u32;
	s14 =	simm.s32 $0x1  }
0x5: {  	s17 =	simm.s32 $0x18840;
	s18 =	simm.s32 $0x18940;
	s19 =	simm.s32 $0xC0  }
0x6: {  	s20 =	simm.s32 $0x18A40;
	s21 =	simm.s32 $0x18C40;
	s22 =	simm.s32 $0x18B40  }
0x7: {  	s23 =	simm.s32 $0x0;
	[smem:$0x7FF] =	sst s2;
	s4 =	sadd.s32 $0x189D400, s0  }
0x8: {  	s5 =	sadd.s32 $0x1C200, s0;
	s9 =	smul.u32 $0x62000, s3;
	s7 =	sadd.s32 $0x32D200, s0  }
0x9: {  	s6 =	sand.u32 $0x1, s6;
	s8 =	sadd.s32 $0x32D400, s0;
	s13 =	smul.u32 $0x630, s3  }
.Ltmp0:
0xa: {  	s31 =	sshll.u32 s3, $0x6;
	s30 =	ssub.s32 $0x2, s6;
	(pc) =	sbr.rel .LBB2_1-.Ltmp0, $4  }
0xb: {  	_ =	strace $0x8000004D;
	s15 =	sor.u32 $0x1C01, s31;
	s10 =	sshrl.u32 s30, $0x1  }
0xc: {  	s9 =	sshrl.u32 s9, $0x2;
	s12 =	sadd.s32 s13, s12;
	s13 =	simm.s32 $0x1EC40  }
0xd: {  	s0 =	ssub.s32 s30, s10;
	s16 =	sadd.s32 s9, s1;
	s9 =	smul.u32 $0x310, s3  }
0xe: {  	v0 =	vlaneseq.u32;
	s10 =	smul.u32 $0x3180, s3;
	s11 =	smax.u32 s0, $0x1;
	s16 =	sshrl.u32 s16, $0x3  }
.LBB2_9:
0xf: {  	s23 =	sadd.s32 $0x1, s23  }
0x10: {  	p0 =	sne.s32 s23, s11  }
.Ltmp1:
0x11: {  	_ = 	snop;
	(pc) =	sbr.rel @!p0 .LBB2_10-.Ltmp1, $1  }
0x12: {  	_ =	sdelay $0x3  }
.LBB2_1:
.Ltmp2:
0x13: {  	(pc) =	sbr.rel .LBB2_2-.Ltmp2, $4  }
0x14: {  	[tilespmem:s13], [sflag:$0x1] =	stream.linear.gather [hbm4b:s7+s2], $0x80, $0x38;
	[tilespmem:$0x1ECC0] =	vst v63  }
0x15: {  	_ =	swait.ge [sflag:s14], $0x80  }
0x16: {  	[sflag:s14] =	ssyncset.done $0x0  }
0x17: {  	s24 =	simm.s32 $0x0;
	[sflag:s14] =	ssyncadd.s32 $0xFFFFFF80  }
.LBB2_8:
0x18: {  	[bflag:$0x0] =	sbarrier.arrive $0xFFFF;
	s0 =	sadd.s32 s8, s25;
	s24 =	sadd.s32 $0x1, s24  }
0x19: {  	[hbm:s0], [sflag:s15] =	dma.local [spmem:s16], $0x3100  }
0x1a: {  	p0 =	sne.s32 s24, $0x4  }
.Ltmp3:
0x1b: {  	_ =	swait.ge [sflag:s14], $0x3100;
	(pc) =	sbr.rel @!p0 .LBB2_9-.Ltmp3, $3  }
0x1c: {  	[sflag:s14] =	ssyncset.done $0x0  }
0x1d: {  	[sflag:s14] =	ssyncadd.s32 $0xFFFFCF00  }
0x1e: {  	[bflag:$0x0] =	sbarrier.arrive $0xFFFF;
	_ =	sdelay $0x1  }
.LBB2_2:
0x1f: {  	s0 =	sshll.u32 s24, $0x1  }
0x20: {  	s0 =	sor.u32 s6, s0  }
0x21: {  	s0 =	smul.u32 $0x3100, s0;
	_ =	sdelay $0x1  }
0x22: {  	s25 =	sadd.s32 s9, s0  }
0x23: {  	s25 =	sshll.u32 s25, $0x4  }
0x24: {  	s26 =	sadd.s32 s5, s25  }
0x25: {  	[spmem:s16], [sflag:s15] =	dma.local [hbm:s26], $0x3100  }
.Ltmp4:
0x26: {  	_ =	swait.ge [sflag:s14], $0x3100;
	(pc) =	sbr.rel .LBB2_3-.Ltmp4, $4  }
0x27: {  	[sflag:s14] =	ssyncset.done $0x0  }
0x28: {  	[sflag:s14] =	ssyncadd.s32 $0xFFFFCF00  }
0x29: {  	s31 =	sadd.s32 $0x3100, s0;
	[bflag:$0x0] =	sbarrier.arrive $0xFFFF  }
0x2a: {  	s28 =	smov.u32 s12;
	v1 =	vmov s0;
	v2 =	vmov s31;
	s26 =	simm.s32 $0x0  }
.LBB2_7:
0x2b: {  	s26 =	sadd.s32 $0x1, s26  }
0x2c: {  	p0 =	sne.s32 s26, $0xE  }
.Ltmp5:
0x2d: {  	_ = 	snop;
	(pc) =	sbr.rel @!p0 .LBB2_8-.Ltmp5, $2  }
0x2e: {  	_ =	sdelay $0x2  }
0x2f: {  	s28 =	sadd.s32 $0xC600, s28  }
.LBB2_3:
0x30: {  	v3 =	vld [tilespmem:s26+$0x1EC40];
	_ =	sdelay $0x4  }
0x31: {  	(v2sf) =	vpush v3, $0x0;
	_ =	sdelay $0xa  }
.Ltmp6:
0x32: {  	_ = 	snop;
	(pc) =	sbr.rel .LBB2_4-.Ltmp6, $2  }
0x33: {  	_ =	sdelay $0x2  }
0x34: {  	v4 =	vmov s26;
	s30 =	smov.u32 s28;
	s31 =	simm.s32 $0x0;
	v3 =	vbroadcast v3, $0x0;
	s29 =	spop (v2sf)  }
.LBB2_6:
0x35: {  	s31 =	sadd.s32 $0xC0, s31  }
0x36: {  	p0 =	sne.s32 s31, $0x3180  }
.Ltmp7:
0x37: {  	_ = 	snop;
	(pc) =	sbr.rel @!p0 .LBB2_7-.Ltmp7, $2  }
0x38: {  	_ =	sdelay $0x2  }
0x39: {  	s30 =	sadd.s32 $0x18, s30  }
.LBB2_4:
0x3a: {  	s0 =	sadd.s32 s31, s10  }
0x3b: {  	p0 =	sge.s32 s0, s29  }
.Ltmp8:
0x3c: {  	_ = 	snop;
	(pc) =	sbr.rel @p0 .LBB2_6-.Ltmp8, $1  }
0x3d: {  	_ =	sdelay $0x3  }
0x3e: {  	[tilespmem:s17], [sflag:$0x1] =	stream.linear.gather [hbm4b:s30+s2], $0xC0, $0x38;
	[tilespmem:$0x1ECC0] =	vst v63  }
0x3f: {  	_ =	swait.ge [sflag:s14], $0xC0  }
0x40: {  	[sflag:s14] =	ssyncset.done $0x0  }
0x41: {  	s3 =	sadd.s32 $0x6300, s30;
	[sflag:s14] =	ssyncadd.s32 $0xFFFFFF40  }
0x42: {  	[tilespmem:s18], [sflag:$0x1] =	stream.linear.gather [hbm4b:s3+s2], $0xC0, $0x38;
	[tilespmem:$0x1ECC0] =	vst v63  }
0x43: {  	_ =	swait.ge [sflag:s14], $0xC0  }
0x44: {  	[sflag:s14] =	ssyncset.done $0x0  }
0x45: {  	[sflag:s14] =	ssyncadd.s32 $0xFFFFFF40  }
0x46: {  	v5 =	vld [tilespmem:$0x18840]  }
0x47: {  	v6 =	vld [tilespmem:$0x18940]  }
0x48: {  	v7 =	vld [tilespmem:$0x18850]  }
0x49: {  	v9 =	vld [tilespmem:$0x18950]  }
0x4a: {  	s3 =	sadd.s32 $0x10, s0;
	v35 =	vld [tilespmem:$0x18860]  }
0x4b: {  	v10 =	vor.u32 s3, v0;
	s3 =	sadd.s32 $0x20, s0;
	v11 =	vld [tilespmem:$0x18960]  }
0x4c: {  	v12 =	vor.u32 s3, v0;
	s3 =	sadd.s32 $0x30, s0;
	v36 =	vld [tilespmem:$0x18870]  }
0x4d: {  	v14 =	vor.u32 s3, v0;
	s3 =	sadd.s32 $0x40, s0;
	v13 =	vld [tilespmem:$0x18970]  }
0x4e: {  	v37 =	vld [tilespmem:$0x18880];
	v16 =	vor.u32 s3, v0;
	s3 =	sadd.s32 $0x50, s0  }
0x4f: {  	v8 =	vor.u32 s0, v0;
	v38 =	vld [tilespmem:$0x18980];
	v17 =	vor.u32 s3, v0;
	s3 =	sadd.s32 $0x60, s0  }
0x50: {  	vm0 =	vlt.s32 v8, v3;
	v18 =	vld [tilespmem:$0x188A0];
	v41 =	vor.u32 s3, v0;
	s3 =	sadd.s32 $0x70, s0  }
0x51: {  	vm12 =	vlt.s32 v10, v3;
	vm4 =	vlt.s32 v12, v3;
	v19 =	vld [tilespmem:$0x188B0];
	v45 =	vor.u32 s3, v0;
	s3 =	sadd.s32 $0x80, s0  }
0x52: {  	vm7 =	vlt.s32 v14, v3;
	v42 =	vld [tilespmem:$0x189B0];
	vm11 =	vlt.s32 v16, v3;
	v53 =	vor.u32 s3, v0  }
0x53: {  	v46 =	vld [tilespmem:$0x188C0];
	vm1 =	vlt.s32 v5, v2;
	vm2 =	vge.s32 v5, v1;
	v6 =	vmul.u32 $0xE, v6  }
0x54: {  	v49 =	vld [tilespmem:$0x188D0];
	v5 =	vsub.s32 v5, v1;
	vm13 =	vlt.s32 v7, v2;
	vm14 =	vge.s32 v7, v1  }
0x55: {  	v54 =	vld [tilespmem:$0x189D0];
	v9 =	vmul.u32 $0xE, v9;
	v7 =	vsub.s32 v7, v1;
	vm5 =	vlt.s32 v35, v2  }
0x56: {  	v11 =	vmul.u32 $0xE, v11;
	vm6 =	vge.s32 v35, v1;
	v8 =	vsub.s32 v35, v1  }
0x57: {  	vm8 =	vlt.s32 v36, v2;
	vm9 =	vge.s32 v36, v1;
	v13 =	vmul.u32 $0xE, v13  }
0x58: {  	v10 =	vsub.s32 v36, v1;
	v14 =	vmul.u32 $0xE, v38;
	v12 =	vsub.s32 v37, v1  }
0x59: {  	v15 =	vld [tilespmem:$0x18890];
	v47 =	vsub.s32 v18, v1;
	v48 =	vmul.u32 $0xE, v42;
	v52 =	vsub.s32 v19, v1  }
0x5a: {  	v56 =	vsub.s32 v46, v1;
	v57 =	vmul.u32 $0xE, v54;
	v62 =	vsub.s32 v49, v1  }
0x5b: {  	vm0 =	vmand vm0, vm1;
	vm1 =	vmand vm12, vm13;
	vm12 =	vlt.s32 v37, v2  }
0x5c: {  	vm13 =	vge.s32 v37, v1;
	vm0 =	vmand vm0, vm2;
	v6 =	vadd.s32 v4, v6  }
0x5d: {  	vm15 =	vmand vm1, vm14;
	v9 =	vadd.s32 v4, v9;
	vm1 =	vmand vm4, vm5  }
0x5e: {  	v39 =	vld [tilespmem:$0x18990];
	v11 =	vadd.s32 v4, v11;
	v13 =	vadd.s32 v4, v13;
	vm4 =	vlt.s32 v15, v2  }
0x5f: {  	v40 =	vld [tilespmem:$0x189A0];
	vm5 =	vge.s32 v15, v1;
	v15 =	vsub.s32 v15, v1;
	v43 =	vadd.s32 v4, v14  }
0x60: {  	v51 =	vadd.s32 v4, v48;
	v5 =	vnsel vm0, $0x3100, v5;
	v7 =	vnsel vm15, $0x3100, v7;
	[tilespmem:$0x18A40] =	vst v6  }
0x61: {  	vm0 =	vmand vm1, vm6;
	vm1 =	vmand vm7, vm8;
	vm15 =	vlt.s32 v17, v3;
	[tilespmem:$0x18A50] =	vst v9  }
0x62: {  	vm7 =	vlt.s32 v41, v3;
	vm8 =	vlt.s32 v18, v2;
	[tilespmem:$0x18A60] =	vst v11;
	v8 =	vnsel vm0, $0x3100, v8  }
0x63: {  	vm10 =	vmand vm1, vm9;
	vm1 =	vmand vm11, vm12;
	[tilespmem:$0x18B40] =	vst v5;
	v5 =	vmul.u32 $0xE, v39  }
0x64: {  	[tilespmem:$0x18B50] =	vst v7;
	vm0 =	vmand vm7, vm8;
	vm9 =	vge.s32 v18, v1;
	v7 =	vmul.u32 $0xE, v40  }
0x65: {  	v55 =	vld [tilespmem:$0x188E0];
	[tilespmem:$0x18A70] =	vst v13;
	vm11 =	vlt.s32 v19, v2;
	vm12 =	vge.s32 v19, v1;
	vm7 =	vge.s32 v49, v1  }
0x66: {  	[tilespmem:$0x18A80] =	vst v43;
	v10 =	vnsel vm10, $0x3100, v10;
	vm14 =	vmand vm1, vm13;
	vm1 =	vmand vm15, vm4  }
0x67: {  	[tilespmem:$0x18AB0] =	vst v51;
	vm0 =	vmand vm0, vm9;
	vm10 =	vlt.s32 v45, v3;
	vm15 =	vlt.s32 v46, v2  }
0x68: {  	v50 =	vld [tilespmem:$0x189C0];
	[tilespmem:$0x18B60] =	vst v8;
	vm4 =	vge.s32 v46, v1;
	v6 =	vnsel vm14, $0x3100, v12;
	vm6 =	vmand vm1, vm5  }
0x69: {  	v59 =	vld [tilespmem:$0x188F0];
	v5 =	vadd.s32 v4, v5;
	vm1 =	vmand vm10, vm11;
	[tilespmem:$0x18B70] =	vst v10;
	v7 =	vadd.s32 v4, v7  }
0x6a: {  	s3 =	sadd.s32 $0x90, s0;
	v8 =	vnsel vm0, $0x3100, v47;
	vm14 =	vlt.s32 v53, v3;
	vm10 =	vlt.s32 v55, v2;
	[tilespmem:$0x18B80] =	vst v6  }
0x6b: {  	vm11 =	vge.s32 v55, v1;
	v44 =	vnsel vm6, $0x3100, v15;
	[tilespmem:$0x18A90] =	vst v5;
	v5 =	vor.u32 s3, v0  }
0x6c: {  	vm13 =	vmand vm1, vm12;
	vm0 =	vmand vm14, vm15;
	[tilespmem:$0x18AA0] =	vst v7;
	vm5 =	vlt.s32 v5, v3;
	v5 =	vld [tilespmem:$0x189E0]  }
0x6d: {  	v61 =	vld [tilespmem:$0x189F0];
	vm6 =	vlt.s32 v49, v2;
	v7 =	vmul.u32 $0xE, v50;
	s3 =	sadd.s32 $0xA0, s0;
	[tilespmem:$0x18BA0] =	vst v8;
	v6 =	vnsel vm13, $0x3100, v52  }
0x6e: {  	[tilespmem:$0x18B90] =	vst v44;
	vm0 =	vmand vm0, vm4;
	v58 =	vor.u32 s3, v0;
	vm13 =	vlt.s32 v59, v2  }
0x6f: {  	s3 =	sadd.s32 $0xB0, s0;
	vm1 =	vmand vm5, vm6;
	v60 =	vnsel vm0, $0x3100, v56;
	[tilespmem:$0x18BB0] =	vst v6;
	v6 =	vadd.s32 v4, v7  }
0x70: {  	vm9 =	vlt.s32 v58, v3;
	v7 =	vadd.s32 v4, v57;
	v63 =	vor.u32 s3, v0;
	[tilespmem:$0x18AC0] =	vst v6  }
0x71: {  	vm8 =	vmand vm1, vm7;
	[tilespmem:$0x18BC0] =	vst v60;
	vm0 =	vmand vm9, vm10;
	v5 =	vmul.u32 $0xE, v5  }
0x72: {  	[tilespmem:$0x18AD0] =	vst v7;
	vm12 =	vlt.s32 v63, v3;
	v7 =	vmul.u32 $0xE, v61;
	v6 =	vnsel vm8, $0x3100, v62  }
0x73: {  	vm0 =	vmand vm0, vm11;
	[tilespmem:$0x18BD0] =	vst v6;
	v6 =	vsub.s32 v55, v1;
	v5 =	vadd.s32 v4, v5  }
0x74: {  	vm15 =	vge.s32 v59, v1;
	vm14 =	vmand vm12, vm13;
	[tilespmem:$0x18AE0] =	vst v5;
	v5 =	vnsel vm0, $0x3100, v6  }
0x75: {  	vm0 =	vmand vm14, vm15;
	v6 =	vsub.s32 v59, v1;
	[tilespmem:$0x18BE0] =	vst v5;
	v5 =	vadd.s32 v4, v7  }
0x76: {  	[tilespmem:$0x18AF0] =	vst v5;
	v5 =	vnsel vm0, $0x3100, v6  }
0x77: {  	[tilespmem:$0x18BF0] =	vst v5  }
0x78: {  	[tilespmem:s21], [sflag:$0x1] =	stream.indirect.gather [hbm4b:s4+s19], $0x80, s20, s19, $0xb8;
	[tilespmem:$0x1ECC0] =	vst v63  }
0x79: {  	_ =	swait.ge [sflag:s14], $0x6000  }
0x7a: {  	[sflag:s14] =	ssyncset.done $0x0  }
.Ltmp9:
0x7b: {  	[sflag:s14] =	ssyncadd.s32 $0xFFFFA000;
	(pc) =	sbr.rel .LBB2_6-.Ltmp9, $4  }
0x7c: {  	[spmem:s1] =	stream.indirect.scatter.add.f32 [tilespmem:s21], [sflag:$0x1], $0x80, s22, s19, $0xb8;
	[tilespmem:$0x1ECC0] =	vst v63  }
0x7d: {  	_ =	swait.ge [sflag:s14], $0x6000  }
0x7e: {  	[sflag:s14] =	ssyncset.done $0x0  }
0x7f: {  	[sflag:s14] =	ssyncadd.s32 $0xFFFFA000  }
.LBB2_10:
0x80: {  	_ =	sfence.sel $0x180000  }
0x81: {  	[bflag:$0x0] =	sbarrier.arrive $0xFFFF  }
0x82: {  	_ =	strace $0x9000004D  }
0x83: {  	s0 =	stileid.u32;
	[bflag:$0x2] =	sbarrier.arrive $0xFFFF  }
0x84: {  	p0 =	sne.s32 s0, $0x0;
	s0 =	rddreg [dreg:$0x3]  }
0x85: {  	s0 =	sadd.s32 @!p0 $0x100000, s0  }
0x86: {  	[sflag:s0] =	ssyncadd.tile.s32 @!p0 $0x1;
	_ =	shalt  }
.Lfunc_end2:
_tile_overlayer_lowered:
.L_overlay_start_2:
0x87: {  	(tag) =	ssettag $0x2  }
0x88: {  	s0 =	rddreg [dreg:$0x0];
	s2 =	stileid.u32  }
0x89: {  	s1 =	rddreg [dreg:$0x1];
	p0 =	sne.s32 s2, $0x0  }
0x8a: {  	s3 =	rddreg [dreg:$0x2];
	[bflag:$0x3] =	sbarrier.arrive $0xFFFF;
	s2 =	simm.s32 @!p0 $0x1C02  }
0x8b: {  	[timem:s3], [sflag:s2] =	dma.local @!p0 [hbm:s0], s1  }
0x8c: {  	s0 =	simm.s32 @!p0 $0x2  }
0x8d: {  	_ =	swait.ge @!p0 [sflag:s0], s1  }
0x8e: {  	s1 =	ssub.s32 @!p0 $0x0, s1;
	[sflag:s0] =	ssyncset.done @!p0 $0x0  }
0x8f: {  	[sflag:s0] =	ssyncadd.s32 @!p0 s1  }
0x90: {  	[bflag:$0x3] =	sbarrier.arrive $0xFFFF  }
0x91: {  	_ =	shalt  }

// kernel: kernel.24.cloned.1.call-start
scs
__scs_entry_jumppad:
0x0: {  	(pc) =	sbr.rel $0x88, $3  }
0x1: {  	(tag) =	ssettag $0x0;
	lr =	simm.s32 $0x1  }
0x2: {  	[smem:$0x3F8A] =	sst lr;
	_ =	strace $0xD0000000  }
0x3: {  	_ = 	snop  }
0x4: {  	_ = 	snop  }
0x5: {  	_ = 	snop  }
0x6: {  	_ = 	snop  }
0x7: {  	_ = 	snop  }
__scs_overlays_trampoline_lowered:
0x8: {  	[smem:$0x3F99] =	sst s0  }
0x9: {  	[smem:$0x3F9A] =	sst s1  }
0xa: {  	[smem:$0x3F9B] =	sst s2  }
0xb: {  	[smem:$0x3F9C] =	sst s3  }
0xc: {  	[smem:$0x3F9D] =	sst s4  }
0xd: {  	[smem:$0x3F9E] =	sst s5  }
0xe: {  	[smem:$0x3F9F] =	sst s6  }
0xf: {  	[smem:$0x3FA0] =	sst s7  }
0x10: {  	[smem:$0x3FA1] =	sst s8  }
0x11: {  	[smem:$0x3FA2] =	sst s9;
	s0 =	simm.s32 @!p0 $0x0  }
0x12: {  	s1 =	sld [smem:$0x3F88];
	s0 =	simm.s32 @p0 $0x1  }
0x13: {  	[smem:$0x3FA3] =	sst s0;
	s0 =	simm.s32 @!p1 $0x0  }
0x14: {  	s2 =	sld [smem:$0x3F87];
	s0 =	simm.s32 @p1 $0x1  }
0x15: {  	[smem:$0x3FA4] =	sst s0;
	s0 =	simm.s32 @!p2 $0x0  }
0x16: {  	s3 =	sld [smem:$0x3FDB];
	s0 =	simm.s32 @p2 $0x1  }
0x17: {  	s4 =	simm.s32 $0x1BF5;
	[smem:$0x3FA6] =	sst s0  }
0x18: {  	s0 =	sld [smem:$0x3F89];
	_ =	swait.ge [sflag:s4], $0x0  }
0x19: {  	s7 =	sld [smem:$0x3F8A]  }
0x1a: {  	s8 =	sadd.s32 $0xFFFFE003, lr  }
0x1b: {  	s9 =	sadd.s32 $0xFFFFFEF7, lr;
	s5 =	simm.s32 $0xFFFFFFFF;
	p2 =	slt.u32 s8, $0xFFFFF086  }
0x1c: {  	p1 =	slt.u32 s9, $0xF7A;
	s5 =	simm.s32 @!p2 $0x0  }
0x1d: {  	s5 =	simm.s32 @p1 $0x1;
	p0 =	seq.s32 s7, s2  }
0x1e: {  	s7 =	smul.u32 @!p0 $0xF7A, s2;
	p2 =	seq.s32 @!p0 s5, $0x0  }
0x1f: {  	s9 =	smul.u32 $0xF7A, s1;
	s8 =	simm.s32 @!p0 $0x1BF5;
	p2 =	por !p2, p0  }
0x20: {  	[sflag:s8] =	ssyncset.s32 @!p0 $0xFFFFF086;
	s6 =	sadd.s32 @!p0 s3, s7;
	s7 =	simm.s32 @!p0 $0x108  }
0x21: {  	s3 =	sadd.s32 s3, s9;
	s6 =	sadd.s32 @!p0 $0x88, s6;
	s7 =	simm.s32 @p2 $0x1082  }
0x22: {  	[simem:s7], [sflag:s8] =	dma.local @!p0 [hbm:s6], $0xF7A  }
0x23: {  	s9 =	sor.u32 $0xD0000000, s2;
	s6 =	simm.s32 $0x108;
	_ =	swait.ge @!p0 [sflag:s8], $0x0  }
0x24: {  	s3 =	sadd.s32 $0x88, s3;
	s6 =	simm.s32 @!p1 $0x1082;
	[sflag:s4] =	ssyncset.s32 $0xFFFFF086  }
0x25: {  	[simem:s6], [sflag:s4] =	dma.local [hbm:s3], $0xF7A  }
0x26: {  	[smem:$0x3F8A] =	sst s1;
	(tag) =	ssettag s2;
	_ =	strace s9  }
0x27: {  	s1 =	sld [smem:$0x3F9A]  }
0x28: {  	s2 =	sld [smem:$0x3F9B]  }
0x29: {  	s4 =	sld [smem:$0x3F9D]  }
0x2a: {  	p0 =	seq.s32 s5, $0x0;
	s5 =	sld [smem:$0x3F9E]  }
0x2b: {  	s6 =	sld [smem:$0x3F9F]  }
0x2c: {  	s7 =	sld [smem:$0x3FA0]  }
0x2d: {  	s3 =	simm.s32 $0x108;
	s8 =	sld [smem:$0x3FA1]  }
0x2e: {  	s3 =	simm.s32 @!p0 $0x1082;
	s9 =	sld [smem:$0x3FA2]  }
0x2f: {  	lr =	sadd.s32 s0, s3;
	s0 =	sld [smem:$0x3F99]  }
0x30: {  	s3 =	sld [smem:$0x3F9C]  }
0x31: {  	[smem:$0x3FA5] =	sst s10  }
0x32: {  	s10 =	sld [smem:$0x3FA3];
	_ =	sdelay $0x3  }
0x33: {  	p0 =	seq.s32 s10, $0x1;
	s10 =	sld [smem:$0x3FA5];
	_ =	sdelay $0x3  }
0x34: {  	[smem:$0x3FA5] =	sst s10  }
0x35: {  	s10 =	sld [smem:$0x3FA4];
	_ =	sdelay $0x3  }
0x36: {  	p1 =	seq.s32 s10, $0x1;
	s10 =	sld [smem:$0x3FA5];
	_ =	sdelay $0x3  }
0x37: {  	[smem:$0x3FA5] =	sst s10  }
0x38: {  	s10 =	sld [smem:$0x3FA6]  }
0x39: {  	_ = 	snop;
	(pc) =	sbr.ind lr, $3  }
0x3a: {  	_ = 	snop  }
0x3b: {  	_ = 	snop  }
0x3c: {  	p2 =	seq.s32 s10, $0x1;
	s10 =	sld [smem:$0x3FA5]  }
0x3d: {  	_ =	shalt  }
0x3e: {  	_ =	shalt  }
0x3f: {  	_ =	shalt  }
0x40: {  	_ =	shalt  }
0x41: {  	_ =	shalt  }
0x42: {  	_ =	shalt  }
0x43: {  	_ =	shalt  }
0x44: {  	_ =	shalt  }
0x45: {  	_ =	shalt  }
0x46: {  	_ =	shalt  }
0x47: {  	_ =	shalt  }
0x48: {  	_ =	shalt  }
0x49: {  	_ =	shalt  }
0x4a: {  	_ =	shalt  }
0x4b: {  	_ =	shalt  }
0x4c: {  	_ =	shalt  }
0x4d: {  	_ =	shalt  }
0x4e: {  	_ =	shalt  }
0x4f: {  	_ =	shalt  }
0x50: {  	_ =	shalt  }
0x51: {  	_ =	shalt  }
0x52: {  	_ =	shalt  }
0x53: {  	_ =	shalt  }
0x54: {  	_ =	shalt  }
0x55: {  	_ =	shalt  }
0x56: {  	_ =	shalt  }
0x57: {  	_ =	shalt  }
0x58: {  	_ =	shalt  }
0x59: {  	_ =	shalt  }
0x5a: {  	_ =	shalt  }
0x5b: {  	_ =	shalt  }
0x5c: {  	_ =	shalt  }
0x5d: {  	_ =	shalt  }
0x5e: {  	_ =	shalt  }
0x5f: {  	_ =	shalt  }
0x60: {  	_ =	shalt  }
0x61: {  	_ =	shalt  }
0x62: {  	_ =	shalt  }
0x63: {  	_ =	shalt  }
0x64: {  	_ =	shalt  }
0x65: {  	_ =	shalt  }
0x66: {  	_ =	shalt  }
0x67: {  	_ =	shalt  }
0x68: {  	_ =	shalt  }
0x69: {  	_ =	shalt  }
0x6a: {  	_ =	shalt  }
0x6b: {  	_ =	shalt  }
0x6c: {  	_ =	shalt  }
0x6d: {  	_ =	shalt  }
0x6e: {  	_ =	shalt  }
0x6f: {  	_ =	shalt  }
0x70: {  	_ =	shalt  }
0x71: {  	_ =	shalt  }
0x72: {  	_ =	shalt  }
0x73: {  	_ =	shalt  }
0x74: {  	_ =	shalt  }
0x75: {  	_ =	shalt  }
0x76: {  	_ =	shalt  }
0x77: {  	_ =	shalt  }
0x78: {  	_ =	shalt  }
0x79: {  	_ =	shalt  }
0x7a: {  	_ =	shalt  }
0x7b: {  	_ =	shalt  }
0x7c: {  	_ =	shalt  }
0x7d: {  	_ =	shalt  }
0x7e: {  	_ =	shalt  }
0x7f: {  	_ =	shalt  }
0x80: {  	_ =	shalt  }
0x81: {  	_ =	shalt  }
0x82: {  	_ =	shalt  }
0x83: {  	_ =	shalt  }
0x84: {  	_ =	shalt  }
0x85: {  	_ =	shalt  }
0x86: {  	_ =	shalt  }
0x87: {  	_ =	shalt  }
.Lfunc_end0:
.L_simem_size_0:
called_computation.3_lowered:
.L_overlay_start_0:
0x88: {  	s2 =	sld [smem:$0x3FD9]  }
0x89: {  	s3 =	sld [smem:$0x3FFE];
	_ =	sdelay $0x1  }
0x8a: {  	s1 =	srdreg.scid  }
0x8b: {  	s0 =	sand.u32 $0x1, s1  }
0x8c: {  	s14 =	sshll.u32 s0, $0xA;
	s2 =	sadd.s32 s3, s2  }
0x8d: {  	s2 =	sadd.s32 s2, s14  }
0x8e: {  	[smem:$0x3FB1] =	sst s2  }
0x8f: {  	_ = 	snop  }
0x90: {  	s2 =	sld [smem:$0x3FD0];
	_ =	sdelay $0x2  }
0x91: {  	s15 =	simm.s32 $0xA;
	s4 =	simm.s32 $0x10  }
0x92: {  	[smem:s4], [sflag:s15] =	dma.local [hbm:s2], $0x1  }
0x93: {  	_ =	swait.eq [sflag:s15], $0x1  }
0x94: {  	[sflag:s15] =	ssyncset.done $0x0  }
0x95: {  	[sflag:s15] =	ssyncadd.s32 $0xFFFFFFFF  }
0x96: {  	s16 =	sld [smem:$0x10];
	(tm) =	ssettm $0x1  }
0x97: {  	s17 =	sld [smem:$0x3FFB];
	_ =	sdelay $0x3  }
0x98: {  	_ =	strace s17  }
0x99: {  	s3 =	sld [smem:$0x3FFC];
	_ =	sdelay $0x3  }
0x9a: {  	_ =	strace s3  }
0x9b: {  	s3 =	sld [smem:$0x3FFD];
	_ =	sdelay $0x3  }
0x9c: {  	_ =	strace s3  }
0x9d: {  	_ =	strace $0x8FFFFFFF  }
0x9e: {  	s18 =	sld [smem:$0x3FDB];
	_ =	sdelay $0x1  }
0x9f: {  	s19 =	simm.s32 $_scs_section_size  }
0xa0: {  	s5 =	simm.s32 $_size__tile_overlayer_lowered;
	s6 =	simm.s32 $_tile_overlayer_lowered  }
0xa1: {  	s22 =	simm.s32 $0x1BFF;
	s21 =	sshll.u32 s6, $0x1;
	s3 =	sadd.s32 s19, s18  }
0xa2: {  	s7 =	simm.s32 $0x0;
	s20 =	sshll.u32 s5, $0x1;
	s5 =	sadd.s32 s21, s3  }
0xa3: {  	[timem:s7], [sflag:s22] =	dma.local [hbm:s5], s20  }
0xa4: {  	_ =	swait.ge [sflag:s22], s20  }
0xa5: {  	s4 =	ssub.s32 $0x0, s20;
	[sflag:s22] =	ssyncset.done $0x0  }
0xa6: {  	[sflag:s22] =	ssyncadd.s32 s4;
	_ =	sdelay $0x1  }
0xa7: {  	s23 =	simm.s32 $0x1B8B  }
0xa8: {  	_ =	swait.ge [sflag:s23], $0x1  }
0xa9: {  	[sflag:s23] =	ssyncset.done $0x0  }
0xaa: {  	s25 =	simm.s32 $0x1B8E;
	s24 =	sld [smem:$0x3FFE];
	[sflag:s23] =	ssyncadd.s32 $0xFFFFFFFF  }
0xab: {  	s26 =	simm.s32 $execute0_lowered;
	[smem:$0x3FD2] =	sst s25  }
0xac: {  	s5 =	sshll.u32 s26, $0x1;
	_ =	strace $0x8000004F;
	[dreg:$0x1] =	wrdreg $0xFFFFFFFF  }
0xad: {  	s28 =	simm.s32 $_size_execute0_lowered;
	s3 =	sadd.s32 s3, s5;
	[dreg:$0x0] =	wrdreg $0x0  }
0xae: {  	s5 =	sshll.u32 s28, $0x1;
	[dreg:$0x2] =	wrdreg s3  }
0xaf: {  	[dreg:$0x3] =	wrdreg s5  }
0xb0: {  	[dreg:$0x4] =	wrdreg $0xC0  }
0xb1: {  	_ =	task [dreg:s7], $0x5FFFF  }
0xb2: {  	[dreg:$0x1] =	wrdreg $0xFFFFFFFF  }
0xb3: {  	[dreg:$0x0] =	wrdreg $0x60  }
0xb4: {  	[dreg:$0x2] =	wrdreg s24  }
0xb5: {  	[dreg:$0x3] =	wrdreg s16  }
0xb6: {  	[dreg:$0x4] =	wrdreg $0x0  }
0xb7: {  	[dreg:$0x5] =	wrdreg $0x9  }
0xb8: {  	_ =	task.clear_ibuf [dreg:s7], $0x6FFFF;
	_ =	strace $0x9000004F  }
0xb9: {  	s29 =	simm.s32 $0x9;
	_ =	strace $0x80000051  }
0xba: {  	_ =	swait.ge [sflag:s29], $0x1  }
0xbb: {  	[sflag:s29] =	ssyncadd.s32 $0xFFFFFFFF  }
0xbc: {  	_ =	strace $0x90000051  }
0xbd: {  	_ =	sfence  }
0xbe: {  	s30 =	sld [smem:$0x0];
	_ =	sdelay $0x2  }
0xbf: {  	s31 =	sshll.u32 s1, $0xD;
	s1 =	sshrl.u32 s1, $0x2  }
0xc0: {  	s3 =	sand.u32 $0x4000, s31;
	s1 =	sadd.s32 s1, s30  }
0xc1: {  	s0 =	sor.u32 s3, s0;
	s1 =	sshll.u32 s1, $0x11  }
0xc2: {  	s0 =	sor.u32 s1, s0  }
0xc3: {  	s0 =	sadd.s32 $0x8F2B, s0  }
0xc4: {  	[sflag:s0] =	ssyncadd.remote.s32 $0x1  }
0xc5: {  	_ =	sfence.sel $0xFFFF  }
0xc6: {  	[dreg:$0x0] =	wrdreg $0xFFFFFFFF;
	(pc) =	sbr.abs _section_cstart, $3  }
0xc7: {  	[dreg:$0x1] =	wrdreg $0xFFFFFFFF  }
0xc8: {  	_ =	task.clear_ibuf [dreg:s7], $0x2FFFF;
	_ =	strace $0x9FFFFFFF  }
0xc9: {  	(tm) =	ssettm $0x7FFFFFFF  }
tec
execute0_lowered:
.L_overlay_start_1:
0x0: {  	(tag) =	ssettag $0x1  }
0x1: {  	s0 =	rddreg [dreg:$0x0]  }
0x2: {  	s12 =	rddreg [dreg:$0x1]  }
0x3: {  	s1 =	rddreg [dreg:$0x2];
	s2 =	simm.s32 $0x0  }
0x4: {  	s6 =	srdreg.scid;
	s3 =	stileid.u32;
	s14 =	simm.s32 $0x1  }
0x5: {  	s17 =	simm.s32 $0x18840;
	s18 =	simm.s32 $0x18940;
	s19 =	simm.s32 $0xC0  }
0x6: {  	s20 =	simm.s32 $0x18A40;
	s21 =	simm.s32 $0x18C40;
	s22 =	simm.s32 $0x18B40  }
0x7: {  	s23 =	simm.s32 $0x0;
	s4 =	sadd.s32 $0x189D400, s0;
	s5 =	sadd.s32 $0x192200, s0  }
0x8: {  	[smem:$0x7FF] =	sst s2;
	s9 =	smul.u32 $0x62000, s3;
	s7 =	sadd.s32 $0x32D200, s0  }
0x9: {  	s6 =	sand.u32 $0x1, s6;
	s8 =	sadd.s32 $0x32D400, s0;
	s13 =	smul.u32 $0x630, s3  }
.Ltmp0:
0xa: {  	s31 =	sshll.u32 s3, $0x6;
	s30 =	ssub.s32 $0x2, s6;
	(pc) =	sbr.rel .LBB2_1-.Ltmp0, $4  }
0xb: {  	_ =	strace $0x80000050;
	s15 =	sor.u32 $0x1C01, s31;
	s10 =	sshrl.u32 s30, $0x1  }
0xc: {  	s9 =	sshrl.u32 s9, $0x2;
	s12 =	sadd.s32 s13, s12;
	s13 =	simm.s32 $0x1EC40  }
0xd: {  	s0 =	ssub.s32 s30, s10;
	s16 =	sadd.s32 s9, s1;
	s9 =	smul.u32 $0x310, s3  }
0xe: {  	v0 =	vlaneseq.u32;
	s10 =	smul.u32 $0x3180, s3;
	s11 =	smax.u32 s0, $0x1;
	s16 =	sshrl.u32 s16, $0x3  }
.LBB2_9:
0xf: {  	s23 =	sadd.s32 $0x1, s23  }
0x10: {  	p0 =	sne.s32 s23, s11  }
.Ltmp1:
0x11: {  	_ = 	snop;
	(pc) =	sbr.rel @!p0 .LBB2_10-.Ltmp1, $1  }
0x12: {  	_ =	sdelay $0x3  }
.LBB2_1:
.Ltmp2:
0x13: {  	(pc) =	sbr.rel .LBB2_2-.Ltmp2, $4  }
0x14: {  	[tilespmem:s13], [sflag:$0x1] =	stream.linear.gather [hbm4b:s7+s2], $0x80, $0x38;
	[tilespmem:$0x1ECC0] =	vst v63  }
0x15: {  	_ =	swait.ge [sflag:s14], $0x80  }
0x16: {  	[sflag:s14] =	ssyncset.done $0x0  }
0x17: {  	s24 =	simm.s32 $0x0;
	[sflag:s14] =	ssyncadd.s32 $0xFFFFFF80  }
.LBB2_8:
0x18: {  	[bflag:$0x0] =	sbarrier.arrive $0xFFFF;
	s0 =	sadd.s32 s8, s25;
	s24 =	sadd.s32 $0x1, s24  }
0x19: {  	[hbm:s0], [sflag:s15] =	dma.local [spmem:s16], $0x3100  }
0x1a: {  	p0 =	sne.s32 s24, $0x4  }
.Ltmp3:
0x1b: {  	_ =	swait.ge [sflag:s14], $0x3100;
	(pc) =	sbr.rel @!p0 .LBB2_9-.Ltmp3, $3  }
0x1c: {  	[sflag:s14] =	ssyncset.done $0x0  }
0x1d: {  	[sflag:s14] =	ssyncadd.s32 $0xFFFFCF00  }
0x1e: {  	[bflag:$0x0] =	sbarrier.arrive $0xFFFF;
	_ =	sdelay $0x1  }
.LBB2_2:
0x1f: {  	s0 =	sshll.u32 s24, $0x1  }
0x20: {  	s0 =	sor.u32 s6, s0  }
0x21: {  	s0 =	smul.u32 $0x3100, s0;
	_ =	sdelay $0x1  }
0x22: {  	s25 =	sadd.s32 s9, s0  }
0x23: {  	s25 =	sshll.u32 s25, $0x4  }
0x24: {  	s26 =	sadd.s32 s5, s25  }
0x25: {  	[spmem:s16], [sflag:s15] =	dma.local [hbm:s26], $0x3100  }
.Ltmp4:
0x26: {  	_ =	swait.ge [sflag:s14], $0x3100;
	(pc) =	sbr.rel .LBB2_3-.Ltmp4, $4  }
0x27: {  	[sflag:s14] =	ssyncset.done $0x0  }
0x28: {  	[sflag:s14] =	ssyncadd.s32 $0xFFFFCF00  }
0x29: {  	s31 =	sadd.s32 $0x3100, s0;
	[bflag:$0x0] =	sbarrier.arrive $0xFFFF  }
0x2a: {  	s28 =	smov.u32 s12;
	v1 =	vmov s0;
	v2 =	vmov s31;
	s26 =	simm.s32 $0x0  }
.LBB2_7:
0x2b: {  	s26 =	sadd.s32 $0x1, s26  }
0x2c: {  	p0 =	sne.s32 s26, $0xE  }
.Ltmp5:
0x2d: {  	_ = 	snop;
	(pc) =	sbr.rel @!p0 .LBB2_8-.Ltmp5, $2  }
0x2e: {  	_ =	sdelay $0x2  }
0x2f: {  	s28 =	sadd.s32 $0xC600, s28  }
.LBB2_3:
0x30: {  	v3 =	vld [tilespmem:s26+$0x1EC40];
	_ =	sdelay $0x4  }
0x31: {  	(v2sf) =	vpush v3, $0x0;
	_ =	sdelay $0xa  }
.Ltmp6:
0x32: {  	_ = 	snop;
	(pc) =	sbr.rel .LBB2_4-.Ltmp6, $2  }
0x33: {  	_ =	sdelay $0x2  }
0x34: {  	v4 =	vmov s26;
	s30 =	smov.u32 s28;
	s31 =	simm.s32 $0x0;
	v3 =	vbroadcast v3, $0x0;
	s29 =	spop (v2sf)  }
.LBB2_6:
0x35: {  	s31 =	sadd.s32 $0xC0, s31  }
0x36: {  	p0 =	sne.s32 s31, $0x3180  }
.Ltmp7:
0x37: {  	_ = 	snop;
	(pc) =	sbr.rel @!p0 .LBB2_7-.Ltmp7, $2  }
0x38: {  	_ =	sdelay $0x2  }
0x39: {  	s30 =	sadd.s32 $0x18, s30  }
.LBB2_4:
0x3a: {  	s0 =	sadd.s32 s31, s10  }
0x3b: {  	p0 =	sge.s32 s0, s29  }
.Ltmp8:
0x3c: {  	_ = 	snop;
	(pc) =	sbr.rel @p0 .LBB2_6-.Ltmp8, $1  }
0x3d: {  	_ =	sdelay $0x3  }
0x3e: {  	[tilespmem:s17], [sflag:$0x1] =	stream.linear.gather [hbm4b:s30+s2], $0xC0, $0x38;
	[tilespmem:$0x1ECC0] =	vst v63  }
0x3f: {  	_ =	swait.ge [sflag:s14], $0xC0  }
0x40: {  	[sflag:s14] =	ssyncset.done $0x0  }
0x41: {  	s3 =	sadd.s32 $0x6300, s30;
	[sflag:s14] =	ssyncadd.s32 $0xFFFFFF40  }
0x42: {  	[tilespmem:s18], [sflag:$0x1] =	stream.linear.gather [hbm4b:s3+s2], $0xC0, $0x38;
	[tilespmem:$0x1ECC0] =	vst v63  }
0x43: {  	_ =	swait.ge [sflag:s14], $0xC0  }
0x44: {  	[sflag:s14] =	ssyncset.done $0x0  }
0x45: {  	[sflag:s14] =	ssyncadd.s32 $0xFFFFFF40  }
0x46: {  	v5 =	vld [tilespmem:$0x18840]  }
0x47: {  	v6 =	vld [tilespmem:$0x18940]  }
0x48: {  	v7 =	vld [tilespmem:$0x18850]  }
0x49: {  	v9 =	vld [tilespmem:$0x18950]  }
0x4a: {  	s3 =	sadd.s32 $0x10, s0;
	v35 =	vld [tilespmem:$0x18860]  }
0x4b: {  	v10 =	vor.u32 s3, v0;
	s3 =	sadd.s32 $0x20, s0;
	v11 =	vld [tilespmem:$0x18960]  }
0x4c: {  	v12 =	vor.u32 s3, v0;
	s3 =	sadd.s32 $0x30, s0;
	v36 =	vld [tilespmem:$0x18870]  }
0x4d: {  	v14 =	vor.u32 s3, v0;
	s3 =	sadd.s32 $0x40, s0;
	v13 =	vld [tilespmem:$0x18970]  }
0x4e: {  	v37 =	vld [tilespmem:$0x18880];
	v16 =	vor.u32 s3, v0;
	s3 =	sadd.s32 $0x50, s0  }
0x4f: {  	v8 =	vor.u32 s0, v0;
	v38 =	vld [tilespmem:$0x18980];
	v17 =	vor.u32 s3, v0;
	s3 =	sadd.s32 $0x60, s0  }
0x50: {  	vm0 =	vlt.s32 v8, v3;
	v18 =	vld [tilespmem:$0x188A0];
	v41 =	vor.u32 s3, v0;
	s3 =	sadd.s32 $0x70, s0  }
0x51: {  	vm12 =	vlt.s32 v10, v3;
	vm4 =	vlt.s32 v12, v3;
	v19 =	vld [tilespmem:$0x188B0];
	v45 =	vor.u32 s3, v0;
	s3 =	sadd.s32 $0x80, s0  }
0x52: {  	vm7 =	vlt.s32 v14, v3;
	v42 =	vld [tilespmem:$0x189B0];
	vm11 =	vlt.s32 v16, v3;
	v53 =	vor.u32 s3, v0  }
0x53: {  	v46 =	vld [tilespmem:$0x188C0];
	vm1 =	vlt.s32 v5, v2;
	vm2 =	vge.s32 v5, v1;
	v6 =	vmul.u32 $0xE, v6  }
0x54: {  	v49 =	vld [tilespmem:$0x188D0];
	v5 =	vsub.s32 v5, v1;
	vm13 =	vlt.s32 v7, v2;
	vm14 =	vge.s32 v7, v1  }
0x55: {  	v54 =	vld [tilespmem:$0x189D0];
	v9 =	vmul.u32 $0xE, v9;
	v7 =	vsub.s32 v7, v1;
	vm5 =	vlt.s32 v35, v2  }
0x56: {  	v11 =	vmul.u32 $0xE, v11;
	vm6 =	vge.s32 v35, v1;
	v8 =	vsub.s32 v35, v1  }
0x57: {  	vm8 =	vlt.s32 v36, v2;
	vm9 =	vge.s32 v36, v1;
	v13 =	vmul.u32 $0xE, v13  }
0x58: {  	v10 =	vsub.s32 v36, v1;
	v14 =	vmul.u32 $0xE, v38;
	v12 =	vsub.s32 v37, v1  }
0x59: {  	v15 =	vld [tilespmem:$0x18890];
	v47 =	vsub.s32 v18, v1;
	v48 =	vmul.u32 $0xE, v42;
	v52 =	vsub.s32 v19, v1  }
0x5a: {  	v56 =	vsub.s32 v46, v1;
	v57 =	vmul.u32 $0xE, v54;
	v62 =	vsub.s32 v49, v1  }
0x5b: {  	vm0 =	vmand vm0, vm1;
	vm1 =	vmand vm12, vm13;
	vm12 =	vlt.s32 v37, v2  }
0x5c: {  	vm13 =	vge.s32 v37, v1;
	vm0 =	vmand vm0, vm2;
	v6 =	vadd.s32 v4, v6  }
0x5d: {  	vm15 =	vmand vm1, vm14;
	v9 =	vadd.s32 v4, v9;
	vm1 =	vmand vm4, vm5  }
0x5e: {  	v39 =	vld [tilespmem:$0x18990];
	v11 =	vadd.s32 v4, v11;
	v13 =	vadd.s32 v4, v13;
	vm4 =	vlt.s32 v15, v2  }
0x5f: {  	v40 =	vld [tilespmem:$0x189A0];
	vm5 =	vge.s32 v15, v1;
	v15 =	vsub.s32 v15, v1;
	v43 =	vadd.s32 v4, v14  }
0x60: {  	v51 =	vadd.s32 v4, v48;
	v5 =	vnsel vm0, $0x3100, v5;
	v7 =	vnsel vm15, $0x3100, v7;
	[tilespmem:$0x18A40] =	vst v6  }
0x61: {  	vm0 =	vmand vm1, vm6;
	vm1 =	vmand vm7, vm8;
	vm15 =	vlt.s32 v17, v3;
	[tilespmem:$0x18A50] =	vst v9  }
0x62: {  	vm7 =	vlt.s32 v41, v3;
	vm8 =	vlt.s32 v18, v2;
	[tilespmem:$0x18A60] =	vst v11;
	v8 =	vnsel vm0, $0x3100, v8  }
0x63: {  	vm10 =	vmand vm1, vm9;
	vm1 =	vmand vm11, vm12;
	[tilespmem:$0x18B40] =	vst v5;
	v5 =	vmul.u32 $0xE, v39  }
0x64: {  	[tilespmem:$0x18B50] =	vst v7;
	vm0 =	vmand vm7, vm8;
	vm9 =	vge.s32 v18, v1;
	v7 =	vmul.u32 $0xE, v40  }
0x65: {  	v55 =	vld [tilespmem:$0x188E0];
	[tilespmem:$0x18A70] =	vst v13;
	vm11 =	vlt.s32 v19, v2;
	vm12 =	vge.s32 v19, v1;
	vm7 =	vge.s32 v49, v1  }
0x66: {  	[tilespmem:$0x18A80] =	vst v43;
	v10 =	vnsel vm10, $0x3100, v10;
	vm14 =	vmand vm1, vm13;
	vm1 =	vmand vm15, vm4  }
0x67: {  	[tilespmem:$0x18AB0] =	vst v51;
	vm0 =	vmand vm0, vm9;
	vm10 =	vlt.s32 v45, v3;
	vm15 =	vlt.s32 v46, v2  }
0x68: {  	v50 =	vld [tilespmem:$0x189C0];
	[tilespmem:$0x18B60] =	vst v8;
	vm4 =	vge.s32 v46, v1;
	v6 =	vnsel vm14, $0x3100, v12;
	vm6 =	vmand vm1, vm5  }
0x69: {  	v59 =	vld [tilespmem:$0x188F0];
	v5 =	vadd.s32 v4, v5;
	vm1 =	vmand vm10, vm11;
	[tilespmem:$0x18B70] =	vst v10;
	v7 =	vadd.s32 v4, v7  }
0x6a: {  	s3 =	sadd.s32 $0x90, s0;
	v8 =	vnsel vm0, $0x3100, v47;
	vm14 =	vlt.s32 v53, v3;
	vm10 =	vlt.s32 v55, v2;
	[tilespmem:$0x18B80] =	vst v6  }
0x6b: {  	vm11 =	vge.s32 v55, v1;
	v44 =	vnsel vm6, $0x3100, v15;
	[tilespmem:$0x18A90] =	vst v5;
	v5 =	vor.u32 s3, v0  }
0x6c: {  	vm13 =	vmand vm1, vm12;
	vm0 =	vmand vm14, vm15;
	[tilespmem:$0x18AA0] =	vst v7;
	vm5 =	vlt.s32 v5, v3;
	v5 =	vld [tilespmem:$0x189E0]  }
0x6d: {  	v61 =	vld [tilespmem:$0x189F0];
	vm6 =	vlt.s32 v49, v2;
	v7 =	vmul.u32 $0xE, v50;
	s3 =	sadd.s32 $0xA0, s0;
	[tilespmem:$0x18BA0] =	vst v8;
	v6 =	vnsel vm13, $0x3100, v52  }
0x6e: {  	[tilespmem:$0x18B90] =	vst v44;
	vm0 =	vmand vm0, vm4;
	v58 =	vor.u32 s3, v0;
	vm13 =	vlt.s32 v59, v2  }
0x6f: {  	s3 =	sadd.s32 $0xB0, s0;
	vm1 =	vmand vm5, vm6;
	v60 =	vnsel vm0, $0x3100, v56;
	[tilespmem:$0x18BB0] =	vst v6;
	v6 =	vadd.s32 v4, v7  }
0x70: {  	vm9 =	vlt.s32 v58, v3;
	v7 =	vadd.s32 v4, v57;
	v63 =	vor.u32 s3, v0;
	[tilespmem:$0x18AC0] =	vst v6  }
0x71: {  	vm8 =	vmand vm1, vm7;
	[tilespmem:$0x18BC0] =	vst v60;
	vm0 =	vmand vm9, vm10;
	v5 =	vmul.u32 $0xE, v5  }
0x72: {  	[tilespmem:$0x18AD0] =	vst v7;
	vm12 =	vlt.s32 v63, v3;
	v7 =	vmul.u32 $0xE, v61;
	v6 =	vnsel vm8, $0x3100, v62  }
0x73: {  	vm0 =	vmand vm0, vm11;
	[tilespmem:$0x18BD0] =	vst v6;
	v6 =	vsub.s32 v55, v1;
	v5 =	vadd.s32 v4, v5  }
0x74: {  	vm15 =	vge.s32 v59, v1;
	vm14 =	vmand vm12, vm13;
	[tilespmem:$0x18AE0] =	vst v5;
	v5 =	vnsel vm0, $0x3100, v6  }
0x75: {  	vm0 =	vmand vm14, vm15;
	v6 =	vsub.s32 v59, v1;
	[tilespmem:$0x18BE0] =	vst v5;
	v5 =	vadd.s32 v4, v7  }
0x76: {  	[tilespmem:$0x18AF0] =	vst v5;
	v5 =	vnsel vm0, $0x3100, v6  }
0x77: {  	[tilespmem:$0x18BF0] =	vst v5  }
0x78: {  	[tilespmem:s21], [sflag:$0x1] =	stream.indirect.gather [hbm4b:s4+s19], $0x80, s20, s19, $0xb8;
	[tilespmem:$0x1ECC0] =	vst v63  }
0x79: {  	_ =	swait.ge [sflag:s14], $0x6000  }
0x7a: {  	[sflag:s14] =	ssyncset.done $0x0  }
.Ltmp9:
0x7b: {  	[sflag:s14] =	ssyncadd.s32 $0xFFFFA000;
	(pc) =	sbr.rel .LBB2_6-.Ltmp9, $4  }
0x7c: {  	[spmem:s1] =	stream.indirect.scatter.add.f32 [tilespmem:s21], [sflag:$0x1], $0x80, s22, s19, $0xb8;
	[tilespmem:$0x1ECC0] =	vst v63  }
0x7d: {  	_ =	swait.ge [sflag:s14], $0x6000  }
0x7e: {  	[sflag:s14] =	ssyncset.done $0x0  }
0x7f: {  	[sflag:s14] =	ssyncadd.s32 $0xFFFFA000  }
.LBB2_10:
0x80: {  	_ =	sfence.sel $0x180000  }
0x81: {  	[bflag:$0x0] =	sbarrier.arrive $0xFFFF  }
0x82: {  	_ =	strace $0x90000050  }
0x83: {  	s0 =	stileid.u32;
	[bflag:$0x2] =	sbarrier.arrive $0xFFFF  }
0x84: {  	p0 =	sne.s32 s0, $0x0;
	s0 =	rddreg [dreg:$0x3]  }
0x85: {  	s0 =	sadd.s32 @!p0 $0x100000, s0  }
0x86: {  	[sflag:s0] =	ssyncadd.tile.s32 @!p0 $0x1;
	_ =	shalt  }
.Lfunc_end2:
_tile_overlayer_lowered:
.L_overlay_start_2:
0x87: {  	(tag) =	ssettag $0x2  }
0x88: {  	s0 =	rddreg [dreg:$0x0];
	s2 =	stileid.u32  }
0x89: {  	s1 =	rddreg [dreg:$0x1];
	p0 =	sne.s32 s2, $0x0  }
0x8a: {  	s3 =	rddreg [dreg:$0x2];
	[bflag:$0x3] =	sbarrier.arrive $0xFFFF;
	s2 =	simm.s32 @!p0 $0x1C02  }
0x8b: {  	[timem:s3], [sflag:s2] =	dma.local @!p0 [hbm:s0], s1  }
0x8c: {  	s0 =	simm.s32 @!p0 $0x2  }
0x8d: {  	_ =	swait.ge @!p0 [sflag:s0], s1  }
0x8e: {  	s1 =	ssub.s32 @!p0 $0x0, s1;
	[sflag:s0] =	ssyncset.done @!p0 $0x0  }
0x8f: {  	[sflag:s0] =	ssyncadd.s32 @!p0 s1  }
0x90: {  	[bflag:$0x3] =	sbarrier.arrive $0xFFFF  }
0x91: {  	_ =	shalt  }

</sc_bundles>
